<compile_context>
chip_gen: v7x
topology: tpu7x:2x2x1
jax: 0.10.2.dev20260603
libtpu: 0.0.44.dev20260713+nightly
codegen_flags: <defaults>
</compile_context>

<pallas_src>
import jax
import jax.numpy as jnp
from jax import lax
from jax.experimental import pallas as pl
from jax.experimental.pallas import tpu as pltpu
from jax.experimental.pallas import tpu_sc as plsc

VOCAB = 1000000
B = 16384
D = 64
NNEG = 20
NC = 2
NS = 16
NW = NC * NS
BPW = B // NW
CH = 32
NCH = BPW // CH
NV = CH * (NNEG + 1)
UNROLL_D = 4

VB = 8192
NTB = -(-VOCAB // VB)
VOCAB_PAD = NTB * VB


def _tp_body(u_ref, v_ref, uo_ref, vo_ref):
    for src, dst in ((u_ref, uo_ref), (v_ref, vo_ref)):
        x = src[...]
        dst[:, 0:D] = jnp.transpose(x[:, 0:VB // 2])
        dst[:, D:2 * D] = jnp.transpose(x[:, VB // 2:VB])


def _to_linear(u_t, v_t):
    out = jax.ShapeDtypeStruct((NTB * VB // 2, 2 * D), jnp.float32)
    return pl.pallas_call(
        _tp_body,
        grid=(NTB,),
        in_specs=[pl.BlockSpec((D, VB), lambda j: (0, j)),
                  pl.BlockSpec((D, VB), lambda j: (0, j))],
        out_specs=[pl.BlockSpec((VB // 2, 2 * D), lambda j: (j, 0)),
                   pl.BlockSpec((VB // 2, 2 * D), lambda j: (j, 0))],
        out_shape=[out, out],
    )(u_t, v_t)


def _remap_idx(v):
    return (v & jnp.int32(-VB)) + ((v & (VB // 2 - 1)) << 1) + (
        (v >> 12) & 1)


def _tree_sum(xs):
    while len(xs) > 1:
        xs = [a + b for a, b in zip(xs[::2], xs[1::2])] + (
            [xs[-1]] if len(xs) % 2 else [])
    return xs[0]


def _sc_body(uidx_h, vidx_h, U_h, V_h, op_h, on_h,
             uidx, vidx,
             ubuf0, vbuf0, ubuf1, vbuf1,
             opb, onb, us0, vs0, us1, vs1):
    wid = lax.axis_index("c") * NS + lax.axis_index("s")
    pltpu.sync_copy(uidx_h.at[wid], uidx)
    pltpu.sync_copy(vidx_h.at[wid], vidx)
    iota = lax.iota(jnp.int32, 16)
    zero = jnp.zeros((16,), jnp.float32)
    slots = ((ubuf0, vbuf0, us0, vs0), (ubuf1, vbuf1, us1, vs1))

    def issue(c, slot):
        ub, vb, us, vs = slot
        pltpu.async_copy(U_h.at[uidx.at[c]], ub, us)
        pltpu.async_copy(V_h.at[vidx.at[pl.ds(c * NV, NV)]], vb, vs)

    def drain(slot):
        ub, vb, us, vs = slot
        pltpu.make_async_copy(U_h.at[pl.ds(0, CH)], ub, us).wait()
        pltpu.make_async_copy(V_h.at[pl.ds(0, NV)], vb, vs).wait()

    def compute(c, slot):
        ub, vb = slot[0], slot[1]
        for g in range(CH // 16):
            rows16 = g * 16 + iota
            nrows = CH + rows16 * NNEG

            def dim_body(i, acc):
                ap, an = acc
                d0 = i * UNROLL_D
                cps, cns = [], []
                for dd in range(UNROLL_D):
                    dcol = (d0 + dd + iota) & (D - 1)
                    ug = plsc.load_gather(ub, [rows16, dcol])
                    vg = plsc.load_gather(vb, [rows16, dcol])
                    ns = _tree_sum([plsc.load_gather(vb, [nrows + k, dcol])
                                    for k in range(NNEG)])
                    cps.append(ug * vg)
                    cns.append(ug * ns)
                return (ap + _tree_sum(cps), an + _tree_sum(cns))

            ap, an = lax.fori_loop(0, D // UNROLL_D, dim_body, (zero, zero))
            opb[pl.ds(c * CH + g * 16, 16)] = ap
            onb[pl.ds(c * CH + g * 16, 16)] = an

    issue(0, slots[0])

    def pair(p, carry):
        for par in range(2):
            c = 2 * p + par

            @pl.when(c + 1 < NCH)
            def _():
                issue(c + 1, slots[1 - par])

            drain(slots[par])
            compute(c, slots[par])
        return carry

    lax.fori_loop(0, NCH // 2, pair, 0)
    pltpu.sync_copy(opb, op_h.at[pl.ds(wid * BPW, BPW)])
    pltpu.sync_copy(onb, on_h.at[pl.ds(wid * BPW, BPW)])


def _tc_loss_body(sp_ref, sn_ref, o_ref):
    x = sp_ref[...]
    y = sn_ref[...]

    def ls(t):
        return jnp.minimum(t, 0.0) - jnp.log1p(jnp.exp(-jnp.abs(t)))

    o_ref[0, 0] = -jnp.sum(ls(x) + ls(-y)) * (1.0 / B)


@jax.jit
def _w2v_loss(u_idx, v_idx, U_emb, V_emb):
    U_lin, V_lin = _to_linear(U_emb.T, V_emb.T)
    U_lin = U_lin.reshape(VOCAB_PAD, D)
    V_lin = V_lin.reshape(VOCAB_PAD, D)
    u_idx = _remap_idx(u_idx)
    v_idx = _remap_idx(v_idx)
    mesh = plsc.VectorSubcoreMesh(core_axis_name="c", subcore_axis_name="s")
    sc = pl.kernel(
        _sc_body,
        out_type=[
            jax.ShapeDtypeStruct((B,), jnp.float32),
            jax.ShapeDtypeStruct((B,), jnp.float32),
        ],
        mesh=mesh,
        compiler_params=pltpu.CompilerParams(
            needs_layout_passes=False, use_tc_tiling_on_sc=False
        ),
        scratch_types=[
            pltpu.VMEM((NCH, CH), jnp.int32),
            pltpu.VMEM((NCH * NV,), jnp.int32),
            pltpu.VMEM((CH, D), jnp.float32),
            pltpu.VMEM((NV, D), jnp.float32),
            pltpu.VMEM((CH, D), jnp.float32),
            pltpu.VMEM((NV, D), jnp.float32),
            pltpu.VMEM((BPW,), jnp.float32),
            pltpu.VMEM((BPW,), jnp.float32),
            pltpu.SemaphoreType.DMA,
            pltpu.SemaphoreType.DMA,
            pltpu.SemaphoreType.DMA,
            pltpu.SemaphoreType.DMA,
        ],
    )
    s_pos, s_neg = sc(u_idx, v_idx, U_lin, V_lin)
    out = pl.pallas_call(
        _tc_loss_body,
        out_shape=jax.ShapeDtypeStruct((1, 1), jnp.float32),
        out_specs=pl.BlockSpec(memory_space=pltpu.SMEM),
    )(s_pos.reshape(128, 128), s_neg.reshape(128, 128))
    return out[0, 0]


def kernel(u_pos, v_pos, v_neg, batch_size, U_emb, V_emb):
    u_idx = u_pos.reshape(NW, NCH, CH)
    vp = v_pos.reshape(NW, NCH, CH)
    vn = v_neg.reshape(NW, NCH, CH * NNEG)
    v_idx = jnp.concatenate([vp, vn], axis=2).reshape(NW, NCH * NV)
    return _w2v_loss(u_idx, v_idx, U_emb, V_emb)

# --- scband reference (transcript-rebuilt; emitter-appended) ---
"""Pipeline reference for scband-word2-vec-31327491457274 (READ-ONLY COPY).

The authoritative reference and input builder live on the scoring server;
editing this copy changes nothing except your own understanding.
"""

import jax, jax.numpy as jnp
import numpy as np

VOCAB = 1000000
DIM = 64
B = 16384
N_NEG = 20

def setup_inputs(seed: int = 0) -> dict:
    key = jax.random.key(seed)
    k1, k2, k3, k4, k5 = jax.random.split(key, 5)
    u_pos = jax.random.randint(k1, (B, 1), 0, VOCAB, dtype=jnp.int64 if jax.config.jax_enable_x64 else jnp.int32).astype(jnp.int32)
    v_pos = jax.random.randint(k2, (B, 1), 0, VOCAB).astype(jnp.int32)
    v_neg = jax.random.randint(k3, (B, N_NEG), 0, VOCAB).astype(jnp.int32)
    # init_emb: both tables uniform(-1, 1)
    U_emb = jax.random.uniform(k4, (VOCAB, DIM), dtype=jnp.float32, minval=-1.0, maxval=1.0)
    V_emb = jax.random.uniform(k5, (VOCAB, DIM), dtype=jnp.float32, minval=-1.0, maxval=1.0)
    return {"u_pos": u_pos, "v_pos": v_pos, "v_neg": v_neg, "batch_size": B, "U_emb": U_emb, "V_emb": V_emb}

def reference(u_pos, v_pos, v_neg, batch_size, U_emb, V_emb):
    # embed_u = u_embeddings(u_pos).permute(0, 2, 1) -> [B, D, Lu]
    embed_u = jnp.take(U_emb, u_pos, axis=0)              # [B, Lu, D]
    embed_u = jnp.transpose(embed_u, (0, 2, 1))           # [B, D, Lu]
    embed_v = jnp.take(V_emb, v_pos, axis=0)              # [B, Lv, D]
    score = jnp.matmul(embed_v, embed_u)                  # [B, Lv, Lu]
    score = jnp.sum(score, axis=1)                        # [B, Lu]
    log_target = jnp.squeeze(jax.nn.log_sigmoid(score))   # [B]
    neg_embed_v = jnp.take(V_emb, v_neg, axis=0)          # [B, Nneg, D]
    neg_score = jnp.matmul(neg_embed_v, embed_u)          # [B, Nneg, Lu]
    neg_score = jnp.sum(neg_score, axis=1)                # [B, Lu]
    sum_log_sampled = jnp.squeeze(jax.nn.log_sigmoid(-1.0 * neg_score))  # [B]
    loss = log_target + sum_log_sampled
    return -1.0 * jnp.mean(loss)

if __name__ == "__main__":
    import jax
    _d = setup_inputs()
    print(jax.jit(kernel)(*tuple(_d.values())))

</pallas_src>

<mosaic_0001>
#map = affine_map<(d0, d1) -> (0, 0, 0)>
#map1 = affine_map<(d0, d1) -> (0, 0)>
#map2 = affine_map<(d0, d1) -> (0)>
module attributes {stable_mosaic.version = 14 : i64} {
  func.func @_sc_body(%arg0: i32, %arg1: i32, %arg2: memref<32x16x32xi32, #tpu.memory_space<hbm>>, %arg3: memref<32x10752xi32, #tpu.memory_space<hbm>>, %arg4: memref<1007616x64xf32, #tpu.memory_space<hbm>>, %arg5: memref<1007616x64xf32, #tpu.memory_space<hbm>>, %arg6: memref<16384xf32, #tpu.memory_space<hbm>>, %arg7: memref<16384xf32, #tpu.memory_space<hbm>>, %arg8: memref<16x32xi32, #tpu.memory_space<vmem>>, %arg9: memref<10752xi32, #tpu.memory_space<vmem>>, %arg10: memref<32x64xf32, #tpu.memory_space<vmem>>, %arg11: memref<672x64xf32, #tpu.memory_space<vmem>>, %arg12: memref<32x64xf32, #tpu.memory_space<vmem>>, %arg13: memref<672x64xf32, #tpu.memory_space<vmem>>, %arg14: memref<512xf32, #tpu.memory_space<vmem>>, %arg15: memref<512xf32, #tpu.memory_space<vmem>>, %arg16: memref<!tpu.dma_semaphore, #tpu.memory_space<semaphore_mem>>, %arg17: memref<!tpu.dma_semaphore, #tpu.memory_space<semaphore_mem>>, %arg18: memref<!tpu.dma_semaphore, #tpu.memory_space<semaphore_mem>>, %arg19: memref<!tpu.dma_semaphore, #tpu.memory_space<semaphore_mem>>) attributes {dimension_semantics = [#tpu.dimension_semantics<core_parallel>, #tpu.dimension_semantics<subcore_parallel>], iteration_bounds = array<i64: 2, 16>, scalar_prefetch = 0 : i64, scratch_operands = 12 : i64, tpu.core_type = #tpu.core_type<sc_vector_subcore>, window_params = [{transform_indices = #map}, {transform_indices = #map1}, {transform_indices = #map1}, {transform_indices = #map1}, {transform_indices = #map2}, {transform_indices = #map2}]} {
    %mul3A = arith.constant 16 : i32
    %mul3A_0 = arith.muli %arg0, %mul3A : i32
    %add3A = arith.addi %mul3A_0, %arg1 : i32
    "tpu.region"() ({
      %run_scoped3A = tpu.sem_alloc : memref<!tpu.dma_semaphore, #tpu.memory_space<semaphore_mem>>
      %dma_start3A_22 = arith.constant 0 : i32
      %dma_start3A_23 = arith.constant 0 : i32
      %dma_start3A_24 = tpu.memref_slice %arg2[%add3A, %dma_start3A_22, %dma_start3A_23] : memref<32x16x32xi32, #tpu.memory_space<hbm>> -> memref<1x16x32xi32, #tpu.memory_space<hbm>>
      %dma_start3A_25 = tpu.memref_squeeze %dma_start3A_24 : memref<1x16x32xi32, #tpu.memory_space<hbm>> -> memref<16x32xi32, #tpu.memory_space<hbm>>
      %dma_start3A_26 = arith.constant 0 : i32
      %dma_start3A_27 = arith.constant 0 : i32
      %dma_start3A_28 = tpu.memref_slice %arg2[%add3A, %dma_start3A_26, %dma_start3A_27] : memref<32x16x32xi32, #tpu.memory_space<hbm>> -> memref<1x16x32xi32, #tpu.memory_space<hbm>>
      %dma_start3A_29 = tpu.memref_squeeze %dma_start3A_28 : memref<1x16x32xi32, #tpu.memory_space<hbm>> -> memref<16x32xi32, #tpu.memory_space<hbm>>
      tpu.enqueue_dma source(%dma_start3A_29 : memref<16x32xi32, #tpu.memory_space<hbm>>) target(%arg8 : memref<16x32xi32, #tpu.memory_space<vmem>>) target_semaphore(%run_scoped3A : memref<!tpu.dma_semaphore, #tpu.memory_space<semaphore_mem>>)
      %dma_wait3A = arith.constant 0 : i32
      %dma_wait3A_30 = arith.constant 0 : i32
      %dma_wait3A_31 = tpu.memref_slice %arg2[%add3A, %dma_wait3A, %dma_wait3A_30] : memref<32x16x32xi32, #tpu.memory_space<hbm>> -> memref<1x16x32xi32, #tpu.memory_space<hbm>>
      %dma_wait3A_32 = tpu.memref_squeeze %dma_wait3A_31 : memref<1x16x32xi32, #tpu.memory_space<hbm>> -> memref<16x32xi32, #tpu.memory_space<hbm>>
      %dma_wait3A_33 = arith.constant 0 : i32
      %dma_wait3A_34 = arith.constant 0 : i32
      %dma_wait3A_35 = tpu.memref_slice %arg2[%add3A, %dma_wait3A_33, %dma_wait3A_34] : memref<32x16x32xi32, #tpu.memory_space<hbm>> -> memref<1x16x32xi32, #tpu.memory_space<hbm>>
      %dma_wait3A_36 = tpu.memref_squeeze %dma_wait3A_35 : memref<1x16x32xi32, #tpu.memory_space<hbm>> -> memref<16x32xi32, #tpu.memory_space<hbm>>
      tpu.wait_dma2 semaphore(%run_scoped3A : memref<!tpu.dma_semaphore, #tpu.memory_space<semaphore_mem>>) src(%dma_wait3A_36 : memref<16x32xi32, #tpu.memory_space<hbm>>) dst(%arg8 : memref<16x32xi32, #tpu.memory_space<vmem>>)
      tpu.yield
    }) : () -> ()
    "tpu.region"() ({
      %run_scoped3A = tpu.sem_alloc : memref<!tpu.dma_semaphore, #tpu.memory_space<semaphore_mem>>
      %dma_start3A_22 = arith.constant 0 : i32
      %dma_start3A_23 = tpu.memref_slice %arg3[%add3A, %dma_start3A_22] : memref<32x10752xi32, #tpu.memory_space<hbm>> -> memref<1x10752xi32, #tpu.memory_space<hbm>>
      %dma_start3A_24 = tpu.memref_squeeze %dma_start3A_23 : memref<1x10752xi32, #tpu.memory_space<hbm>> -> memref<10752xi32, #tpu.memory_space<hbm>>
      %dma_start3A_25 = arith.constant 0 : i32
      %dma_start3A_26 = tpu.memref_slice %arg3[%add3A, %dma_start3A_25] : memref<32x10752xi32, #tpu.memory_space<hbm>> -> memref<1x10752xi32, #tpu.memory_space<hbm>>
      %dma_start3A_27 = tpu.memref_squeeze %dma_start3A_26 : memref<1x10752xi32, #tpu.memory_space<hbm>> -> memref<10752xi32, #tpu.memory_space<hbm>>
      tpu.enqueue_dma source(%dma_start3A_27 : memref<10752xi32, #tpu.memory_space<hbm>>) target(%arg9 : memref<10752xi32, #tpu.memory_space<vmem>>) target_semaphore(%run_scoped3A : memref<!tpu.dma_semaphore, #tpu.memory_space<semaphore_mem>>)
      %dma_wait3A = arith.constant 0 : i32
      %dma_wait3A_28 = tpu.memref_slice %arg3[%add3A, %dma_wait3A] : memref<32x10752xi32, #tpu.memory_space<hbm>> -> memref<1x10752xi32, #tpu.memory_space<hbm>>
      %dma_wait3A_29 = tpu.memref_squeeze %dma_wait3A_28 : memref<1x10752xi32, #tpu.memory_space<hbm>> -> memref<10752xi32, #tpu.memory_space<hbm>>
      %dma_wait3A_30 = arith.constant 0 : i32
      %dma_wait3A_31 = tpu.memref_slice %arg3[%add3A, %dma_wait3A_30] : memref<32x10752xi32, #tpu.memory_space<hbm>> -> memref<1x10752xi32, #tpu.memory_space<hbm>>
      %dma_wait3A_32 = tpu.memref_squeeze %dma_wait3A_31 : memref<1x10752xi32, #tpu.memory_space<hbm>> -> memref<10752xi32, #tpu.memory_space<hbm>>
      tpu.wait_dma2 semaphore(%run_scoped3A : memref<!tpu.dma_semaphore, #tpu.memory_space<semaphore_mem>>) src(%dma_wait3A_32 : memref<10752xi32, #tpu.memory_space<hbm>>) dst(%arg9 : memref<10752xi32, #tpu.memory_space<vmem>>)
      tpu.yield
    }) : () -> ()
    %iota3A = tpu.iota {dimensions = array<i32: 0>} : vector<16xi32>
    %broadcast_in_dim3A = arith.constant 0.000000e+00 : f32
    %broadcast_in_dim3A_1 = vector.broadcast %broadcast_in_dim3A : f32 to vector<16xf32>
    %dma_start3A = arith.constant 0 : i32
    %dma_start3A_2 = arith.constant 0 : i32
    %dma_start3A_3 = tpu.memref_slice %arg8[%dma_start3A, %dma_start3A_2] : memref<16x32xi32, #tpu.memory_space<vmem>> -> memref<1x32xi32, #tpu.memory_space<vmem>>
    %dma_start3A_4 = tpu.memref_squeeze %dma_start3A_3 : memref<1x32xi32, #tpu.memory_space<vmem>> -> memref<32xi32, #tpu.memory_space<vmem>>
    %dma_start3A_5 = arith.constant 0 : i32
    %dma_start3A_6 = arith.constant 0 : i32
    %dma_start3A_7 = tpu.memref_slice %arg4[%dma_start3A_5, %dma_start3A_6] : memref<1007616x64xf32, #tpu.memory_space<hbm>> -> memref<1007616x64xf32, #tpu.memory_space<hbm>>
    tpu.enqueue_indirect_dma source(%dma_start3A_7 : memref<1007616x64xf32, #tpu.memory_space<hbm>>) target(%arg10 : memref<32x64xf32, #tpu.memory_space<vmem>>) offsets(%dma_start3A_4 : memref<32xi32, #tpu.memory_space<vmem>>) semaphore(%arg16 : memref<!tpu.dma_semaphore, #tpu.memory_space<semaphore_mem>>)
    %dma_start3A_8 = arith.constant 0 : i32
    %dma_start3A_9 = tpu.memref_slice %arg9[%dma_start3A_8] : memref<10752xi32, #tpu.memory_space<vmem>> -> memref<672xi32, #tpu.memory_space<vmem>>
    %dma_start3A_10 = arith.constant 0 : i32
    %dma_start3A_11 = arith.constant 0 : i32
    %dma_start3A_12 = tpu.memref_slice %arg5[%dma_start3A_10, %dma_start3A_11] : memref<1007616x64xf32, #tpu.memory_space<hbm>> -> memref<1007616x64xf32, #tpu.memory_space<hbm>>
    tpu.enqueue_indirect_dma source(%dma_start3A_12 : memref<1007616x64xf32, #tpu.memory_space<hbm>>) target(%arg11 : memref<672x64xf32, #tpu.memory_space<vmem>>) offsets(%dma_start3A_9 : memref<672xi32, #tpu.memory_space<vmem>>) semaphore(%arg17 : memref<!tpu.dma_semaphore, #tpu.memory_space<semaphore_mem>>)
    %scan3A = arith.constant 0 : i32
    %scan3A_13 = arith.constant 0 : i32
    %scan3A_14 = arith.constant 8 : i32
    %scan3A_15 = arith.addi %scan3A_13, %scan3A_14 : i32
    %scan3A_16 = arith.constant 1 : i32
    scf.for %scan3A_22 = %scan3A_13 to %scan3A_15 step %scan3A_16  : i32 {
      %mul3A_23 = arith.constant 2 : i32
      %mul3A_24 = arith.muli %mul3A_23, %scan3A_22 : i32
      %add3A_25 = arith.constant 0 : i32
      %add3A_26 = arith.addi %mul3A_24, %add3A_25 : i32
      %add3A_27 = arith.constant 1 : i32
      %add3A_28 = arith.addi %add3A_26, %add3A_27 : i32
      %lt3A = arith.constant 16 : i32
      %lt3A_29 = arith.cmpi slt, %add3A_28, %lt3A : i32
      %convert_element_type3A = arith.extui %lt3A_29 : i1 to i32
      %cond3A = arith.constant 0 : i32
      %cond3A_30 = arith.cmpi ne, %convert_element_type3A, %cond3A : i32
      scf.if %cond3A_30 {
        %add3A_172 = arith.constant 1 : i32
        %add3A_173 = arith.addi %add3A_26, %add3A_172 : i32
        %dma_start3A_174 = arith.constant 0 : i32
        %dma_start3A_175 = tpu.memref_slice %arg8[%add3A_173, %dma_start3A_174] : memref<16x32xi32, #tpu.memory_space<vmem>> -> memref<1x32xi32, #tpu.memory_space<vmem>>
        %dma_start3A_176 = tpu.memref_squeeze %dma_start3A_175 : memref<1x32xi32, #tpu.memory_space<vmem>> -> memref<32xi32, #tpu.memory_space<vmem>>
        %dma_start3A_177 = arith.constant 0 : i32
        %dma_start3A_178 = arith.constant 0 : i32
        %dma_start3A_179 = tpu.memref_slice %arg4[%dma_start3A_177, %dma_start3A_178] : memref<1007616x64xf32, #tpu.memory_space<hbm>> -> memref<1007616x64xf32, #tpu.memory_space<hbm>>
        tpu.enqueue_indirect_dma source(%dma_start3A_179 : memref<1007616x64xf32, #tpu.memory_space<hbm>>) target(%arg12 : memref<32x64xf32, #tpu.memory_space<vmem>>) offsets(%dma_start3A_176 : memref<32xi32, #tpu.memory_space<vmem>>) semaphore(%arg18 : memref<!tpu.dma_semaphore, #tpu.memory_space<semaphore_mem>>)
        %mul3A_180 = arith.constant 672 : i32
        %mul3A_181 = arith.muli %add3A_173, %mul3A_180 : i32
        %dma_start3A_182 = tpu.memref_slice %arg9[%mul3A_181] : memref<10752xi32, #tpu.memory_space<vmem>> -> memref<672xi32, #tpu.memory_space<vmem>>
        %dma_start3A_183 = arith.constant 0 : i32
        %dma_start3A_184 = arith.constant 0 : i32
        %dma_start3A_185 = tpu.memref_slice %arg5[%dma_start3A_183, %dma_start3A_184] : memref<1007616x64xf32, #tpu.memory_space<hbm>> -> memref<1007616x64xf32, #tpu.memory_space<hbm>>
        tpu.enqueue_indirect_dma source(%dma_start3A_185 : memref<1007616x64xf32, #tpu.memory_space<hbm>>) target(%arg13 : memref<672x64xf32, #tpu.memory_space<vmem>>) offsets(%dma_start3A_182 : memref<672xi32, #tpu.memory_space<vmem>>) semaphore(%arg19 : memref<!tpu.dma_semaphore, #tpu.memory_space<semaphore_mem>>)
      } else {
      }
      %dma_wait3A = arith.constant 0 : i32
      %dma_wait3A_31 = arith.constant 0 : i32
      %dma_wait3A_32 = tpu.memref_slice %arg4[%dma_wait3A, %dma_wait3A_31] : memref<1007616x64xf32, #tpu.memory_space<hbm>> -> memref<32x64xf32, #tpu.memory_space<hbm>>
      %dma_wait3A_33 = arith.constant 0 : i32
      %dma_wait3A_34 = arith.constant 0 : i32
      %dma_wait3A_35 = tpu.memref_slice %arg4[%dma_wait3A_33, %dma_wait3A_34] : memref<1007616x64xf32, #tpu.memory_space<hbm>> -> memref<32x64xf32, #tpu.memory_space<hbm>>
      tpu.wait_dma2 semaphore(%arg16 : memref<!tpu.dma_semaphore, #tpu.memory_space<semaphore_mem>>) src(%dma_wait3A_35 : memref<32x64xf32, #tpu.memory_space<hbm>>) dst(%arg10 : memref<32x64xf32, #tpu.memory_space<vmem>>)
      %dma_wait3A_36 = arith.constant 0 : i32
      %dma_wait3A_37 = arith.constant 0 : i32
      %dma_wait3A_38 = tpu.memref_slice %arg5[%dma_wait3A_36, %dma_wait3A_37] : memref<1007616x64xf32, #tpu.memory_space<hbm>> -> memref<672x64xf32, #tpu.memory_space<hbm>>
      %dma_wait3A_39 = arith.constant 0 : i32
      %dma_wait3A_40 = arith.constant 0 : i32
      %dma_wait3A_41 = tpu.memref_slice %arg5[%dma_wait3A_39, %dma_wait3A_40] : memref<1007616x64xf32, #tpu.memory_space<hbm>> -> memref<672x64xf32, #tpu.memory_space<hbm>>
      tpu.wait_dma2 semaphore(%arg17 : memref<!tpu.dma_semaphore, #tpu.memory_space<semaphore_mem>>) src(%dma_wait3A_41 : memref<672x64xf32, #tpu.memory_space<hbm>>) dst(%arg11 : memref<672x64xf32, #tpu.memory_space<vmem>>)
      %add3A_42 = arith.constant 0 : i32
      %add3A_43 = vector.broadcast %add3A_42 : i32 to vector<16xi32>
      %add3A_44 = arith.addi %add3A_43, %iota3A : vector<16xi32>
      %mul3A_45 = arith.constant 20 : i32
      %mul3A_46 = vector.broadcast %mul3A_45 : i32 to vector<16xi32>
      %mul3A_47 = arith.muli %add3A_44, %mul3A_46 : vector<16xi32>
      %add3A_48 = arith.constant 32 : i32
      %add3A_49 = vector.broadcast %add3A_48 : i32 to vector<16xi32>
      %add3A_50 = arith.addi %add3A_49, %mul3A_47 : vector<16xi32>
      %scan3A_51 = arith.constant 0 : i32
      %scan3A_52 = arith.constant 16 : i32
      %scan3A_53 = arith.addi %scan3A_51, %scan3A_52 : i32
      %scan3A_54 = arith.constant 1 : i32
      %scan3A_55:2 = scf.for %scan3A_172 = %scan3A_51 to %scan3A_53 step %scan3A_54 iter_args(%scan3A_173 = %broadcast_in_dim3A_1, %scan3A_174 = %broadcast_in_dim3A_1) -> (vector<16xf32>, vector<16xf32>)  : i32 {
        %mul3A_175 = arith.constant 4 : i32
        %mul3A_176 = arith.muli %scan3A_172, %mul3A_175 : i32
        %add3A_177 = arith.constant 0 : i32
        %add3A_178 = arith.addi %mul3A_176, %add3A_177 : i32
        %add3A_179 = vector.broadcast %add3A_178 : i32 to vector<16xi32>
        %add3A_180 = arith.addi %add3A_179, %iota3A : vector<16xi32>
        %and3A = arith.constant 63 : i32
        %and3A_181 = vector.broadcast %and3A : i32 to vector<16xi32>
        %and3A_182 = arith.andi %add3A_180, %and3A_181 : vector<16xi32>
        %gather3A = tpu.vector_load_idx %arg10[%add3A_44, %and3A_182] : memref<32x64xf32, #tpu.memory_space<vmem>>[vector<16xi32>, vector<16xi32>], vector<16xf32>,
        %gather3A_183 = tpu.vector_load_idx %arg11[%add3A_44, %and3A_182] : memref<672x64xf32, #tpu.memory_space<vmem>>[vector<16xi32>, vector<16xi32>], vector<16xf32>,
        %add3A_184 = arith.constant 0 : i32
        %add3A_185 = vector.broadcast %add3A_184 : i32 to vector<16xi32>
        %add3A_186 = arith.addi %add3A_50, %add3A_185 : vector<16xi32>
        %gather3A_187 = tpu.vector_load_idx %arg11[%add3A_186, %and3A_182] : memref<672x64xf32, #tpu.memory_space<vmem>>[vector<16xi32>, vector<16xi32>], vector<16xf32>,
        %add3A_188 = arith.constant 1 : i32
        %add3A_189 = vector.broadcast %add3A_188 : i32 to vector<16xi32>
        %add3A_190 = arith.addi %add3A_50, %add3A_189 : vector<16xi32>
        %gather3A_191 = tpu.vector_load_idx %arg11[%add3A_190, %and3A_182] : memref<672x64xf32, #tpu.memory_space<vmem>>[vector<16xi32>, vector<16xi32>], vector<16xf32>,
        %add3A_192 = arith.constant 2 : i32
        %add3A_193 = vector.broadcast %add3A_192 : i32 to vector<16xi32>
        %add3A_194 = arith.addi %add3A_50, %add3A_193 : vector<16xi32>
        %gather3A_195 = tpu.vector_load_idx %arg11[%add3A_194, %and3A_182] : memref<672x64xf32, #tpu.memory_space<vmem>>[vector<16xi32>, vector<16xi32>], vector<16xf32>,
        %add3A_196 = arith.constant 3 : i32
        %add3A_197 = vector.broadcast %add3A_196 : i32 to vector<16xi32>
        %add3A_198 = arith.addi %add3A_50, %add3A_197 : vector<16xi32>
        %gather3A_199 = tpu.vector_load_idx %arg11[%add3A_198, %and3A_182] : memref<672x64xf32, #tpu.memory_space<vmem>>[vector<16xi32>, vector<16xi32>], vector<16xf32>,
        %add3A_200 = arith.constant 4 : i32
        %add3A_201 = vector.broadcast %add3A_200 : i32 to vector<16xi32>
        %add3A_202 = arith.addi %add3A_50, %add3A_201 : vector<16xi32>
        %gather3A_203 = tpu.vector_load_idx %arg11[%add3A_202, %and3A_182] : memref<672x64xf32, #tpu.memory_space<vmem>>[vector<16xi32>, vector<16xi32>], vector<16xf32>,
        %add3A_204 = arith.constant 5 : i32
        %add3A_205 = vector.broadcast %add3A_204 : i32 to vector<16xi32>
        %add3A_206 = arith.addi %add3A_50, %add3A_205 : vector<16xi32>
        %gather3A_207 = tpu.vector_load_idx %arg11[%add3A_206, %and3A_182] : memref<672x64xf32, #tpu.memory_space<vmem>>[vector<16xi32>, vector<16xi32>], vector<16xf32>,
        %add3A_208 = arith.constant 6 : i32
        %add3A_209 = vector.broadcast %add3A_208 : i32 to vector<16xi32>
        %add3A_210 = arith.addi %add3A_50, %add3A_209 : vector<16xi32>
        %gather3A_211 = tpu.vector_load_idx %arg11[%add3A_210, %and3A_182] : memref<672x64xf32, #tpu.memory_space<vmem>>[vector<16xi32>, vector<16xi32>], vector<16xf32>,
        %add3A_212 = arith.constant 7 : i32
        %add3A_213 = vector.broadcast %add3A_212 : i32 to vector<16xi32>
        %add3A_214 = arith.addi %add3A_50, %add3A_213 : vector<16xi32>
        %gather3A_215 = tpu.vector_load_idx %arg11[%add3A_214, %and3A_182] : memref<672x64xf32, #tpu.memory_space<vmem>>[vector<16xi32>, vector<16xi32>], vector<16xf32>,
        %add3A_216 = arith.constant 8 : i32
        %add3A_217 = vector.broadcast %add3A_216 : i32 to vector<16xi32>
        %add3A_218 = arith.addi %add3A_50, %add3A_217 : vector<16xi32>
        %gather3A_219 = tpu.vector_load_idx %arg11[%add3A_218, %and3A_182] : memref<672x64xf32, #tpu.memory_space<vmem>>[vector<16xi32>, vector<16xi32>], vector<16xf32>,
        %add3A_220 = arith.constant 9 : i32
        %add3A_221 = vector.broadcast %add3A_220 : i32 to vector<16xi32>
        %add3A_222 = arith.addi %add3A_50, %add3A_221 : vector<16xi32>
        %gather3A_223 = tpu.vector_load_idx %arg11[%add3A_222, %and3A_182] : memref<672x64xf32, #tpu.memory_space<vmem>>[vector<16xi32>, vector<16xi32>], vector<16xf32>,
        %add3A_224 = arith.constant 10 : i32
        %add3A_225 = vector.broadcast %add3A_224 : i32 to vector<16xi32>
        %add3A_226 = arith.addi %add3A_50, %add3A_225 : vector<16xi32>
        %gather3A_227 = tpu.vector_load_idx %arg11[%add3A_226, %and3A_182] : memref<672x64xf32, #tpu.memory_space<vmem>>[vector<16xi32>, vector<16xi32>], vector<16xf32>,
        %add3A_228 = arith.constant 11 : i32
        %add3A_229 = vector.broadcast %add3A_228 : i32 to vector<16xi32>
        %add3A_230 = arith.addi %add3A_50, %add3A_229 : vector<16xi32>
        %gather3A_231 = tpu.vector_load_idx %arg11[%add3A_230, %and3A_182] : memref<672x64xf32, #tpu.memory_space<vmem>>[vector<16xi32>, vector<16xi32>], vector<16xf32>,
        %add3A_232 = arith.constant 12 : i32
        %add3A_233 = vector.broadcast %add3A_232 : i32 to vector<16xi32>
        %add3A_234 = arith.addi %add3A_50, %add3A_233 : vector<16xi32>
        %gather3A_235 = tpu.vector_load_idx %arg11[%add3A_234, %and3A_182] : memref<672x64xf32, #tpu.memory_space<vmem>>[vector<16xi32>, vector<16xi32>], vector<16xf32>,
        %add3A_236 = arith.constant 13 : i32
        %add3A_237 = vector.broadcast %add3A_236 : i32 to vector<16xi32>
        %add3A_238 = arith.addi %add3A_50, %add3A_237 : vector<16xi32>
        %gather3A_239 = tpu.vector_load_idx %arg11[%add3A_238, %and3A_182] : memref<672x64xf32, #tpu.memory_space<vmem>>[vector<16xi32>, vector<16xi32>], vector<16xf32>,
        %add3A_240 = arith.constant 14 : i32
        %add3A_241 = vector.broadcast %add3A_240 : i32 to vector<16xi32>
        %add3A_242 = arith.addi %add3A_50, %add3A_241 : vector<16xi32>
        %gather3A_243 = tpu.vector_load_idx %arg11[%add3A_242, %and3A_182] : memref<672x64xf32, #tpu.memory_space<vmem>>[vector<16xi32>, vector<16xi32>], vector<16xf32>,
        %add3A_244 = arith.constant 15 : i32
        %add3A_245 = vector.broadcast %add3A_244 : i32 to vector<16xi32>
        %add3A_246 = arith.addi %add3A_50, %add3A_245 : vector<16xi32>
        %gather3A_247 = tpu.vector_load_idx %arg11[%add3A_246, %and3A_182] : memref<672x64xf32, #tpu.memory_space<vmem>>[vector<16xi32>, vector<16xi32>], vector<16xf32>,
        %add3A_248 = arith.constant 16 : i32
        %add3A_249 = vector.broadcast %add3A_248 : i32 to vector<16xi32>
        %add3A_250 = arith.addi %add3A_50, %add3A_249 : vector<16xi32>
        %gather3A_251 = tpu.vector_load_idx %arg11[%add3A_250, %and3A_182] : memref<672x64xf32, #tpu.memory_space<vmem>>[vector<16xi32>, vector<16xi32>], vector<16xf32>,
        %add3A_252 = arith.constant 17 : i32
        %add3A_253 = vector.broadcast %add3A_252 : i32 to vector<16xi32>
        %add3A_254 = arith.addi %add3A_50, %add3A_253 : vector<16xi32>
        %gather3A_255 = tpu.vector_load_idx %arg11[%add3A_254, %and3A_182] : memref<672x64xf32, #tpu.memory_space<vmem>>[vector<16xi32>, vector<16xi32>], vector<16xf32>,
        %add3A_256 = arith.constant 18 : i32
        %add3A_257 = vector.broadcast %add3A_256 : i32 to vector<16xi32>
        %add3A_258 = arith.addi %add3A_50, %add3A_257 : vector<16xi32>
        %gather3A_259 = tpu.vector_load_idx %arg11[%add3A_258, %and3A_182] : memref<672x64xf32, #tpu.memory_space<vmem>>[vector<16xi32>, vector<16xi32>], vector<16xf32>,
        %add3A_260 = arith.constant 19 : i32
        %add3A_261 = vector.broadcast %add3A_260 : i32 to vector<16xi32>
        %add3A_262 = arith.addi %add3A_50, %add3A_261 : vector<16xi32>
        %gather3A_263 = tpu.vector_load_idx %arg11[%add3A_262, %and3A_182] : memref<672x64xf32, #tpu.memory_space<vmem>>[vector<16xi32>, vector<16xi32>], vector<16xf32>,
        %add3A_264 = arith.addf %gather3A_187, %gather3A_191 : vector<16xf32>
        %add3A_265 = arith.addf %gather3A_195, %gather3A_199 : vector<16xf32>
        %add3A_266 = arith.addf %gather3A_203, %gather3A_207 : vector<16xf32>
        %add3A_267 = arith.addf %gather3A_211, %gather3A_215 : vector<16xf32>
        %add3A_268 = arith.addf %gather3A_219, %gather3A_223 : vector<16xf32>
        %add3A_269 = arith.addf %gather3A_227, %gather3A_231 : vector<16xf32>
        %add3A_270 = arith.addf %gather3A_235, %gather3A_239 : vector<16xf32>
        %add3A_271 = arith.addf %gather3A_243, %gather3A_247 : vector<16xf32>
        %add3A_272 = arith.addf %gather3A_251, %gather3A_255 : vector<16xf32>
        %add3A_273 = arith.addf %gather3A_259, %gather3A_263 : vector<16xf32>
        %add3A_274 = arith.addf %add3A_264, %add3A_265 : vector<16xf32>
        %add3A_275 = arith.addf %add3A_266, %add3A_267 : vector<16xf32>
        %add3A_276 = arith.addf %add3A_268, %add3A_269 : vector<16xf32>
        %add3A_277 = arith.addf %add3A_270, %add3A_271 : vector<16xf32>
        %add3A_278 = arith.addf %add3A_272, %add3A_273 : vector<16xf32>
        %add3A_279 = arith.addf %add3A_274, %add3A_275 : vector<16xf32>
        %add3A_280 = arith.addf %add3A_276, %add3A_277 : vector<16xf32>
        %add3A_281 = arith.addf %add3A_279, %add3A_280 : vector<16xf32>
        %add3A_282 = arith.addf %add3A_281, %add3A_278 : vector<16xf32>
        %mul3A_283 = arith.mulf %gather3A, %gather3A_183 : vector<16xf32>
        %mul3A_284 = arith.mulf %gather3A, %add3A_282 : vector<16xf32>
        %add3A_285 = arith.constant 1 : i32
        %add3A_286 = arith.addi %mul3A_176, %add3A_285 : i32
        %add3A_287 = vector.broadcast %add3A_286 : i32 to vector<16xi32>
        %add3A_288 = arith.addi %add3A_287, %iota3A : vector<16xi32>
        %and3A_289 = arith.constant 63 : i32
        %and3A_290 = vector.broadcast %and3A_289 : i32 to vector<16xi32>
        %and3A_291 = arith.andi %add3A_288, %and3A_290 : vector<16xi32>
        %gather3A_292 = tpu.vector_load_idx %arg10[%add3A_44, %and3A_291] : memref<32x64xf32, #tpu.memory_space<vmem>>[vector<16xi32>, vector<16xi32>], vector<16xf32>,
        %gather3A_293 = tpu.vector_load_idx %arg11[%add3A_44, %and3A_291] : memref<672x64xf32, #tpu.memory_space<vmem>>[vector<16xi32>, vector<16xi32>], vector<16xf32>,
        %add3A_294 = arith.constant 0 : i32
        %add3A_295 = vector.broadcast %add3A_294 : i32 to vector<16xi32>
        %add3A_296 = arith.addi %add3A_50, %add3A_295 : vector<16xi32>
        %gather3A_297 = tpu.vector_load_idx %arg11[%add3A_296, %and3A_291] : memref<672x64xf32, #tpu.memory_space<vmem>>[vector<16xi32>, vector<16xi32>], vector<16xf32>,
        %add3A_298 = arith.constant 1 : i32
        %add3A_299 = vector.broadcast %add3A_298 : i32 to vector<16xi32>
        %add3A_300 = arith.addi %add3A_50, %add3A_299 : vector<16xi32>
        %gather3A_301 = tpu.vector_load_idx %arg11[%add3A_300, %and3A_291] : memref<672x64xf32, #tpu.memory_space<vmem>>[vector<16xi32>, vector<16xi32>], vector<16xf32>,
        %add3A_302 = arith.constant 2 : i32
        %add3A_303 = vector.broadcast %add3A_302 : i32 to vector<16xi32>
        %add3A_304 = arith.addi %add3A_50, %add3A_303 : vector<16xi32>
        %gather3A_305 = tpu.vector_load_idx %arg11[%add3A_304, %and3A_291] : memref<672x64xf32, #tpu.memory_space<vmem>>[vector<16xi32>, vector<16xi32>], vector<16xf32>,
        %add3A_306 = arith.constant 3 : i32
        %add3A_307 = vector.broadcast %add3A_306 : i32 to vector<16xi32>
        %add3A_308 = arith.addi %add3A_50, %add3A_307 : vector<16xi32>
        %gather3A_309 = tpu.vector_load_idx %arg11[%add3A_308, %and3A_291] : memref<672x64xf32, #tpu.memory_space<vmem>>[vector<16xi32>, vector<16xi32>], vector<16xf32>,
        %add3A_310 = arith.constant 4 : i32
        %add3A_311 = vector.broadcast %add3A_310 : i32 to vector<16xi32>
        %add3A_312 = arith.addi %add3A_50, %add3A_311 : vector<16xi32>
        %gather3A_313 = tpu.vector_load_idx %arg11[%add3A_312, %and3A_291] : memref<672x64xf32, #tpu.memory_space<vmem>>[vector<16xi32>, vector<16xi32>], vector<16xf32>,
        %add3A_314 = arith.constant 5 : i32
        %add3A_315 = vector.broadcast %add3A_314 : i32 to vector<16xi32>
        %add3A_316 = arith.addi %add3A_50, %add3A_315 : vector<16xi32>
        %gather3A_317 = tpu.vector_load_idx %arg11[%add3A_316, %and3A_291] : memref<672x64xf32, #tpu.memory_space<vmem>>[vector<16xi32>, vector<16xi32>], vector<16xf32>,
        %add3A_318 = arith.constant 6 : i32
        %add3A_319 = vector.broadcast %add3A_318 : i32 to vector<16xi32>
        %add3A_320 = arith.addi %add3A_50, %add3A_319 : vector<16xi32>
        %gather3A_321 = tpu.vector_load_idx %arg11[%add3A_320, %and3A_291] : memref<672x64xf32, #tpu.memory_space<vmem>>[vector<16xi32>, vector<16xi32>], vector<16xf32>,
        %add3A_322 = arith.constant 7 : i32
        %add3A_323 = vector.broadcast %add3A_322 : i32 to vector<16xi32>
        %add3A_324 = arith.addi %add3A_50, %add3A_323 : vector<16xi32>
        %gather3A_325 = tpu.vector_load_idx %arg11[%add3A_324, %and3A_291] : memref<672x64xf32, #tpu.memory_space<vmem>>[vector<16xi32>, vector<16xi32>], vector<16xf32>,
        %add3A_326 = arith.constant 8 : i32
        %add3A_327 = vector.broadcast %add3A_326 : i32 to vector<16xi32>
        %add3A_328 = arith.addi %add3A_50, %add3A_327 : vector<16xi32>
        %gather3A_329 = tpu.vector_load_idx %arg11[%add3A_328, %and3A_291] : memref<672x64xf32, #tpu.memory_space<vmem>>[vector<16xi32>, vector<16xi32>], vector<16xf32>,
        %add3A_330 = arith.constant 9 : i32
        %add3A_331 = vector.broadcast %add3A_330 : i32 to vector<16xi32>
        %add3A_332 = arith.addi %add3A_50, %add3A_331 : vector<16xi32>
        %gather3A_333 = tpu.vector_load_idx %arg11[%add3A_332, %and3A_291] : memref<672x64xf32, #tpu.memory_space<vmem>>[vector<16xi32>, vector<16xi32>], vector<16xf32>,
        %add3A_334 = arith.constant 10 : i32
        %add3A_335 = vector.broadcast %add3A_334 : i32 to vector<16xi32>
        %add3A_336 = arith.addi %add3A_50, %add3A_335 : vector<16xi32>
        %gather3A_337 = tpu.vector_load_idx %arg11[%add3A_336, %and3A_291] : memref<672x64xf32, #tpu.memory_space<vmem>>[vector<16xi32>, vector<16xi32>], vector<16xf32>,
        %add3A_338 = arith.constant 11 : i32
        %add3A_339 = vector.broadcast %add3A_338 : i32 to vector<16xi32>
        %add3A_340 = arith.addi %add3A_50, %add3A_339 : vector<16xi32>
        %gather3A_341 = tpu.vector_load_idx %arg11[%add3A_340, %and3A_291] : memref<672x64xf32, #tpu.memory_space<vmem>>[vector<16xi32>, vector<16xi32>], vector<16xf32>,
        %add3A_342 = arith.constant 12 : i32
        %add3A_343 = vector.broadcast %add3A_342 : i32 to vector<16xi32>
        %add3A_344 = arith.addi %add3A_50, %add3A_343 : vector<16xi32>
        %gather3A_345 = tpu.vector_load_idx %arg11[%add3A_344, %and3A_291] : memref<672x64xf32, #tpu.memory_space<vmem>>[vector<16xi32>, vector<16xi32>], vector<16xf32>,
        %add3A_346 = arith.constant 13 : i32
        %add3A_347 = vector.broadcast %add3A_346 : i32 to vector<16xi32>
        %add3A_348 = arith.addi %add3A_50, %add3A_347 : vector<16xi32>
        %gather3A_349 = tpu.vector_load_idx %arg11[%add3A_348, %and3A_291] : memref<672x64xf32, #tpu.memory_space<vmem>>[vector<16xi32>, vector<16xi32>], vector<16xf32>,
        %add3A_350 = arith.constant 14 : i32
        %add3A_351 = vector.broadcast %add3A_350 : i32 to vector<16xi32>
        %add3A_352 = arith.addi %add3A_50, %add3A_351 : vector<16xi32>
        %gather3A_353 = tpu.vector_load_idx %arg11[%add3A_352, %and3A_291] : memref<672x64xf32, #tpu.memory_space<vmem>>[vector<16xi32>, vector<16xi32>], vector<16xf32>,
        %add3A_354 = arith.constant 15 : i32
        %add3A_355 = vector.broadcast %add3A_354 : i32 to vector<16xi32>
        %add3A_356 = arith.addi %add3A_50, %add3A_355 : vector<16xi32>
        %gather3A_357 = tpu.vector_load_idx %arg11[%add3A_356, %and3A_291] : memref<672x64xf32, #tpu.memory_space<vmem>>[vector<16xi32>, vector<16xi32>], vector<16xf32>,
        %add3A_358 = arith.constant 16 : i32
        %add3A_359 = vector.broadcast %add3A_358 : i32 to vector<16xi32>
        %add3A_360 = arith.addi %add3A_50, %add3A_359 : vector<16xi32>
        %gather3A_361 = tpu.vector_load_idx %arg11[%add3A_360, %and3A_291] : memref<672x64xf32, #tpu.memory_space<vmem>>[vector<16xi32>, vector<16xi32>], vector<16xf32>,
        %add3A_362 = arith.constant 17 : i32
        %add3A_363 = vector.broadcast %add3A_362 : i32 to vector<16xi32>
        %add3A_364 = arith.addi %add3A_50, %add3A_363 : vector<16xi32>
        %gather3A_365 = tpu.vector_load_idx %arg11[%add3A_364, %and3A_291] : memref<672x64xf32, #tpu.memory_space<vmem>>[vector<16xi32>, vector<16xi32>], vector<16xf32>,
        %add3A_366 = arith.constant 18 : i32
        %add3A_367 = vector.broadcast %add3A_366 : i32 to vector<16xi32>
        %add3A_368 = arith.addi %add3A_50, %add3A_367 : vector<16xi32>
        %gather3A_369 = tpu.vector_load_idx %arg11[%add3A_368, %and3A_291] : memref<672x64xf32, #tpu.memory_space<vmem>>[vector<16xi32>, vector<16xi32>], vector<16xf32>,
        %add3A_370 = arith.constant 19 : i32
        %add3A_371 = vector.broadcast %add3A_370 : i32 to vector<16xi32>
        %add3A_372 = arith.addi %add3A_50, %add3A_371 : vector<16xi32>
        %gather3A_373 = tpu.vector_load_idx %arg11[%add3A_372, %and3A_291] : memref<672x64xf32, #tpu.memory_space<vmem>>[vector<16xi32>, vector<16xi32>], vector<16xf32>,
        %add3A_374 = arith.addf %gather3A_297, %gather3A_301 : vector<16xf32>
        %add3A_375 = arith.addf %gather3A_305, %gather3A_309 : vector<16xf32>
        %add3A_376 = arith.addf %gather3A_313, %gather3A_317 : vector<16xf32>
        %add3A_377 = arith.addf %gather3A_321, %gather3A_325 : vector<16xf32>
        %add3A_378 = arith.addf %gather3A_329, %gather3A_333 : vector<16xf32>
        %add3A_379 = arith.addf %gather3A_337, %gather3A_341 : vector<16xf32>
        %add3A_380 = arith.addf %gather3A_345, %gather3A_349 : vector<16xf32>
        %add3A_381 = arith.addf %gather3A_353, %gather3A_357 : vector<16xf32>
        %add3A_382 = arith.addf %gather3A_361, %gather3A_365 : vector<16xf32>
        %add3A_383 = arith.addf %gather3A_369, %gather3A_373 : vector<16xf32>
        %add3A_384 = arith.addf %add3A_374, %add3A_375 : vector<16xf32>
        %add3A_385 = arith.addf %add3A_376, %add3A_377 : vector<16xf32>
        %add3A_386 = arith.addf %add3A_378, %add3A_379 : vector<16xf32>
        %add3A_387 = arith.addf %add3A_380, %add3A_381 : vector<16xf32>
        %add3A_388 = arith.addf %add3A_382, %add3A_383 : vector<16xf32>
        %add3A_389 = arith.addf %add3A_384, %add3A_385 : vector<16xf32>
        %add3A_390 = arith.addf %add3A_386, %add3A_387 : vector<16xf32>
        %add3A_391 = arith.addf %add3A_389, %add3A_390 : vector<16xf32>
        %add3A_392 = arith.addf %add3A_391, %add3A_388 : vector<16xf32>
        %mul3A_393 = arith.mulf %gather3A_292, %gather3A_293 : vector<16xf32>
        %mul3A_394 = arith.mulf %gather3A_292, %add3A_392 : vector<16xf32>
        %add3A_395 = arith.constant 2 : i32
        %add3A_396 = arith.addi %mul3A_176, %add3A_395 : i32
        %add3A_397 = vector.broadcast %add3A_396 : i32 to vector<16xi32>
        %add3A_398 = arith.addi %add3A_397, %iota3A : vector<16xi32>
        %and3A_399 = arith.constant 63 : i32
        %and3A_400 = vector.broadcast %and3A_399 : i32 to vector<16xi32>
        %and3A_401 = arith.andi %add3A_398, %and3A_400 : vector<16xi32>
        %gather3A_402 = tpu.vector_load_idx %arg10[%add3A_44, %and3A_401] : memref<32x64xf32, #tpu.memory_space<vmem>>[vector<16xi32>, vector<16xi32>], vector<16xf32>,
        %gather3A_403 = tpu.vector_load_idx %arg11[%add3A_44, %and3A_401] : memref<672x64xf32, #tpu.memory_space<vmem>>[vector<16xi32>, vector<16xi32>], vector<16xf32>,
        %add3A_404 = arith.constant 0 : i32
        %add3A_405 = vector.broadcast %add3A_404 : i32 to vector<16xi32>
        %add3A_406 = arith.addi %add3A_50, %add3A_405 : vector<16xi32>
        %gather3A_407 = tpu.vector_load_idx %arg11[%add3A_406, %and3A_401] : memref<672x64xf32, #tpu.memory_space<vmem>>[vector<16xi32>, vector<16xi32>], vector<16xf32>,
        %add3A_408 = arith.constant 1 : i32
        %add3A_409 = vector.broadcast %add3A_408 : i32 to vector<16xi32>
        %add3A_410 = arith.addi %add3A_50, %add3A_409 : vector<16xi32>
        %gather3A_411 = tpu.vector_load_idx %arg11[%add3A_410, %and3A_401] : memref<672x64xf32, #tpu.memory_space<vmem>>[vector<16xi32>, vector<16xi32>], vector<16xf32>,
        %add3A_412 = arith.constant 2 : i32
        %add3A_413 = vector.broadcast %add3A_412 : i32 to vector<16xi32>
        %add3A_414 = arith.addi %add3A_50, %add3A_413 : vector<16xi32>
        %gather3A_415 = tpu.vector_load_idx %arg11[%add3A_414, %and3A_401] : memref<672x64xf32, #tpu.memory_space<vmem>>[vector<16xi32>, vector<16xi32>], vector<16xf32>,
        %add3A_416 = arith.constant 3 : i32
        %add3A_417 = vector.broadcast %add3A_416 : i32 to vector<16xi32>
        %add3A_418 = arith.addi %add3A_50, %add3A_417 : vector<16xi32>
        %gather3A_419 = tpu.vector_load_idx %arg11[%add3A_418, %and3A_401] : memref<672x64xf32, #tpu.memory_space<vmem>>[vector<16xi32>, vector<16xi32>], vector<16xf32>,
        %add3A_420 = arith.constant 4 : i32
        %add3A_421 = vector.broadcast %add3A_420 : i32 to vector<16xi32>
        %add3A_422 = arith.addi %add3A_50, %add3A_421 : vector<16xi32>
        %gather3A_423 = tpu.vector_load_idx %arg11[%add3A_422, %and3A_401] : memref<672x64xf32, #tpu.memory_space<vmem>>[vector<16xi32>, vector<16xi32>], vector<16xf32>,
        %add3A_424 = arith.constant 5 : i32
        %add3A_425 = vector.broadcast %add3A_424 : i32 to vector<16xi32>
        %add3A_426 = arith.addi %add3A_50, %add3A_425 : vector<16xi32>
        %gather3A_427 = tpu.vector_load_idx %arg11[%add3A_426, %and3A_401] : memref<672x64xf32, #tpu.memory_space<vmem>>[vector<16xi32>, vector<16xi32>], vector<16xf32>,
        %add3A_428 = arith.constant 6 : i32
        %add3A_429 = vector.broadcast %add3A_428 : i32 to vector<16xi32>
        %add3A_430 = arith.addi %add3A_50, %add3A_429 : vector<16xi32>
        %gather3A_431 = tpu.vector_load_idx %arg11[%add3A_430, %and3A_401] : memref<672x64xf32, #tpu.memory_space<vmem>>[vector<16xi32>, vector<16xi32>], vector<16xf32>,
        %add3A_432 = arith.constant 7 : i32
        %add3A_433 = vector.broadcast %add3A_432 : i32 to vector<16xi32>
        %add3A_434 = arith.addi %add3A_50, %add3A_433 : vector<16xi32>
        %gather3A_435 = tpu.vector_load_idx %arg11[%add3A_434, %and3A_401] : memref<672x64xf32, #tpu.memory_space<vmem>>[vector<16xi32>, vector<16xi32>], vector<16xf32>,
        %add3A_436 = arith.constant 8 : i32
        %add3A_437 = vector.broadcast %add3A_436 : i32 to vector<16xi32>
        %add3A_438 = arith.addi %add3A_50, %add3A_437 : vector<16xi32>
        %gather3A_439 = tpu.vector_load_idx %arg11[%add3A_438, %and3A_401] : memref<672x64xf32, #tpu.memory_space<vmem>>[vector<16xi32>, vector<16xi32>], vector<16xf32>,
        %add3A_440 = arith.constant 9 : i32
        %add3A_441 = vector.broadcast %add3A_440 : i32 to vector<16xi32>
        %add3A_442 = arith.addi %add3A_50, %add3A_441 : vector<16xi32>
        %gather3A_443 = tpu.vector_load_idx %arg11[%add3A_442, %and3A_401] : memref<672x64xf32, #tpu.memory_space<vmem>>[vector<16xi32>, vector<16xi32>], vector<16xf32>,
        %add3A_444 = arith.constant 10 : i32
        %add3A_445 = vector.broadcast %add3A_444 : i32 to vector<16xi32>
        %add3A_446 = arith.addi %add3A_50, %add3A_445 : vector<16xi32>
        %gather3A_447 = tpu.vector_load_idx %arg11[%add3A_446, %and3A_401] : memref<672x64xf32, #tpu.memory_space<vmem>>[vector<16xi32>, vector<16xi32>], vector<16xf32>,
        %add3A_448 = arith.constant 11 : i32
        %add3A_449 = vector.broadcast %add3A_448 : i32 to vector<16xi32>
        %add3A_450 = arith.addi %add3A_50, %add3A_449 : vector<16xi32>
        %gather3A_451 = tpu.vector_load_idx %arg11[%add3A_450, %and3A_401] : memref<672x64xf32, #tpu.memory_space<vmem>>[vector<16xi32>, vector<16xi32>], vector<16xf32>,
        %add3A_452 = arith.constant 12 : i32
        %add3A_453 = vector.broadcast %add3A_452 : i32 to vector<16xi32>
        %add3A_454 = arith.addi %add3A_50, %add3A_453 : vector<16xi32>
        %gather3A_455 = tpu.vector_load_idx %arg11[%add3A_454, %and3A_401] : memref<672x64xf32, #tpu.memory_space<vmem>>[vector<16xi32>, vector<16xi32>], vector<16xf32>,
        %add3A_456 = arith.constant 13 : i32
        %add3A_457 = vector.broadcast %add3A_456 : i32 to vector<16xi32>
        %add3A_458 = arith.addi %add3A_50, %add3A_457 : vector<16xi32>
        %gather3A_459 = tpu.vector_load_idx %arg11[%add3A_458, %and3A_401] : memref<672x64xf32, #tpu.memory_space<vmem>>[vector<16xi32>, vector<16xi32>], vector<16xf32>,
        %add3A_460 = arith.constant 14 : i32
        %add3A_461 = vector.broadcast %add3A_460 : i32 to vector<16xi32>
        %add3A_462 = arith.addi %add3A_50, %add3A_461 : vector<16xi32>
        %gather3A_463 = tpu.vector_load_idx %arg11[%add3A_462, %and3A_401] : memref<672x64xf32, #tpu.memory_space<vmem>>[vector<16xi32>, vector<16xi32>], vector<16xf32>,
        %add3A_464 = arith.constant 15 : i32
        %add3A_465 = vector.broadcast %add3A_464 : i32 to vector<16xi32>
        %add3A_466 = arith.addi %add3A_50, %add3A_465 : vector<16xi32>
        %gather3A_467 = tpu.vector_load_idx %arg11[%add3A_466, %and3A_401] : memref<672x64xf32, #tpu.memory_space<vmem>>[vector<16xi32>, vector<16xi32>], vector<16xf32>,
        %add3A_468 = arith.constant 16 : i32
        %add3A_469 = vector.broadcast %add3A_468 : i32 to vector<16xi32>
        %add3A_470 = arith.addi %add3A_50, %add3A_469 : vector<16xi32>
        %gather3A_471 = tpu.vector_load_idx %arg11[%add3A_470, %and3A_401] : memref<672x64xf32, #tpu.memory_space<vmem>>[vector<16xi32>, vector<16xi32>], vector<16xf32>,
        %add3A_472 = arith.constant 17 : i32
        %add3A_473 = vector.broadcast %add3A_472 : i32 to vector<16xi32>
        %add3A_474 = arith.addi %add3A_50, %add3A_473 : vector<16xi32>
        %gather3A_475 = tpu.vector_load_idx %arg11[%add3A_474, %and3A_401] : memref<672x64xf32, #tpu.memory_space<vmem>>[vector<16xi32>, vector<16xi32>], vector<16xf32>,
        %add3A_476 = arith.constant 18 : i32
        %add3A_477 = vector.broadcast %add3A_476 : i32 to vector<16xi32>
        %add3A_478 = arith.addi %add3A_50, %add3A_477 : vector<16xi32>
        %gather3A_479 = tpu.vector_load_idx %arg11[%add3A_478, %and3A_401] : memref<672x64xf32, #tpu.memory_space<vmem>>[vector<16xi32>, vector<16xi32>], vector<16xf32>,
        %add3A_480 = arith.constant 19 : i32
        %add3A_481 = vector.broadcast %add3A_480 : i32 to vector<16xi32>
        %add3A_482 = arith.addi %add3A_50, %add3A_481 : vector<16xi32>
        %gather3A_483 = tpu.vector_load_idx %arg11[%add3A_482, %and3A_401] : memref<672x64xf32, #tpu.memory_space<vmem>>[vector<16xi32>, vector<16xi32>], vector<16xf32>,
        %add3A_484 = arith.addf %gather3A_407, %gather3A_411 : vector<16xf32>
        %add3A_485 = arith.addf %gather3A_415, %gather3A_419 : vector<16xf32>
        %add3A_486 = arith.addf %gather3A_423, %gather3A_427 : vector<16xf32>
        %add3A_487 = arith.addf %gather3A_431, %gather3A_435 : vector<16xf32>
        %add3A_488 = arith.addf %gather3A_439, %gather3A_443 : vector<16xf32>
        %add3A_489 = arith.addf %gather3A_447, %gather3A_451 : vector<16xf32>
        %add3A_490 = arith.addf %gather3A_455, %gather3A_459 : vector<16xf32>
        %add3A_491 = arith.addf %gather3A_463, %gather3A_467 : vector<16xf32>
        %add3A_492 = arith.addf %gather3A_471, %gather3A_475 : vector<16xf32>
        %add3A_493 = arith.addf %gather3A_479, %gather3A_483 : vector<16xf32>
        %add3A_494 = arith.addf %add3A_484, %add3A_485 : vector<16xf32>
        %add3A_495 = arith.addf %add3A_486, %add3A_487 : vector<16xf32>
        %add3A_496 = arith.addf %add3A_488, %add3A_489 : vector<16xf32>
        %add3A_497 = arith.addf %add3A_490, %add3A_491 : vector<16xf32>
        %add3A_498 = arith.addf %add3A_492, %add3A_493 : vector<16xf32>
        %add3A_499 = arith.addf %add3A_494, %add3A_495 : vector<16xf32>
        %add3A_500 = arith.addf %add3A_496, %add3A_497 : vector<16xf32>
        %add3A_501 = arith.addf %add3A_499, %add3A_500 : vector<16xf32>
        %add3A_502 = arith.addf %add3A_501, %add3A_498 : vector<16xf32>
        %mul3A_503 = arith.mulf %gather3A_402, %gather3A_403 : vector<16xf32>
        %mul3A_504 = arith.mulf %gather3A_402, %add3A_502 : vector<16xf32>
        %add3A_505 = arith.constant 3 : i32
        %add3A_506 = arith.addi %mul3A_176, %add3A_505 : i32
        %add3A_507 = vector.broadcast %add3A_506 : i32 to vector<16xi32>
        %add3A_508 = arith.addi %add3A_507, %iota3A : vector<16xi32>
        %and3A_509 = arith.constant 63 : i32
        %and3A_510 = vector.broadcast %and3A_509 : i32 to vector<16xi32>
        %and3A_511 = arith.andi %add3A_508, %and3A_510 : vector<16xi32>
        %gather3A_512 = tpu.vector_load_idx %arg10[%add3A_44, %and3A_511] : memref<32x64xf32, #tpu.memory_space<vmem>>[vector<16xi32>, vector<16xi32>], vector<16xf32>,
        %gather3A_513 = tpu.vector_load_idx %arg11[%add3A_44, %and3A_511] : memref<672x64xf32, #tpu.memory_space<vmem>>[vector<16xi32>, vector<16xi32>], vector<16xf32>,
        %add3A_514 = arith.constant 0 : i32
        %add3A_515 = vector.broadcast %add3A_514 : i32 to vector<16xi32>
        %add3A_516 = arith.addi %add3A_50, %add3A_515 : vector<16xi32>
        %gather3A_517 = tpu.vector_load_idx %arg11[%add3A_516, %and3A_511] : memref<672x64xf32, #tpu.memory_space<vmem>>[vector<16xi32>, vector<16xi32>], vector<16xf32>,
        %add3A_518 = arith.constant 1 : i32
        %add3A_519 = vector.broadcast %add3A_518 : i32 to vector<16xi32>
        %add3A_520 = arith.addi %add3A_50, %add3A_519 : vector<16xi32>
        %gather3A_521 = tpu.vector_load_idx %arg11[%add3A_520, %and3A_511] : memref<672x64xf32, #tpu.memory_space<vmem>>[vector<16xi32>, vector<16xi32>], vector<16xf32>,
        %add3A_522 = arith.constant 2 : i32
        %add3A_523 = vector.broadcast %add3A_522 : i32 to vector<16xi32>
        %add3A_524 = arith.addi %add3A_50, %add3A_523 : vector<16xi32>
        %gather3A_525 = tpu.vector_load_idx %arg11[%add3A_524, %and3A_511] : memref<672x64xf32, #tpu.memory_space<vmem>>[vector<16xi32>, vector<16xi32>], vector<16xf32>,
        %add3A_526 = arith.constant 3 : i32
        %add3A_527 = vector.broadcast %add3A_526 : i32 to vector<16xi32>
        %add3A_528 = arith.addi %add3A_50, %add3A_527 : vector<16xi32>
        %gather3A_529 = tpu.vector_load_idx %arg11[%add3A_528, %and3A_511] : memref<672x64xf32, #tpu.memory_space<vmem>>[vector<16xi32>, vector<16xi32>], vector<16xf32>,
        %add3A_530 = arith.constant 4 : i32
        %add3A_531 = vector.broadcast %add3A_530 : i32 to vector<16xi32>
        %add3A_532 = arith.addi %add3A_50, %add3A_531 : vector<16xi32>
        %gather3A_533 = tpu.vector_load_idx %arg11[%add3A_532, %and3A_511] : memref<672x64xf32, #tpu.memory_space<vmem>>[vector<16xi32>, vector<16xi32>], vector<16xf32>,
        %add3A_534 = arith.constant 5 : i32
        %add3A_535 = vector.broadcast %add3A_534 : i32 to vector<16xi32>
        %add3A_536 = arith.addi %add3A_50, %add3A_535 : vector<16xi32>
        %gather3A_537 = tpu.vector_load_idx %arg11[%add3A_536, %and3A_511] : memref<672x64xf32, #tpu.memory_space<vmem>>[vector<16xi32>, vector<16xi32>], vector<16xf32>,
        %add3A_538 = arith.constant 6 : i32
        %add3A_539 = vector.broadcast %add3A_538 : i32 to vector<16xi32>
        %add3A_540 = arith.addi %add3A_50, %add3A_539 : vector<16xi32>
        %gather3A_541 = tpu.vector_load_idx %arg11[%add3A_540, %and3A_511] : memref<672x64xf32, #tpu.memory_space<vmem>>[vector<16xi32>, vector<16xi32>], vector<16xf32>,
        %add3A_542 = arith.constant 7 : i32
        %add3A_543 = vector.broadcast %add3A_542 : i32 to vector<16xi32>
        %add3A_544 = arith.addi %add3A_50, %add3A_543 : vector<16xi32>
        %gather3A_545 = tpu.vector_load_idx %arg11[%add3A_544, %and3A_511] : memref<672x64xf32, #tpu.memory_space<vmem>>[vector<16xi32>, vector<16xi32>], vector<16xf32>,
        %add3A_546 = arith.constant 8 : i32
        %add3A_547 = vector.broadcast %add3A_546 : i32 to vector<16xi32>
        %add3A_548 = arith.addi %add3A_50, %add3A_547 : vector<16xi32>
        %gather3A_549 = tpu.vector_load_idx %arg11[%add3A_548, %and3A_511] : memref<672x64xf32, #tpu.memory_space<vmem>>[vector<16xi32>, vector<16xi32>], vector<16xf32>,
        %add3A_550 = arith.constant 9 : i32
        %add3A_551 = vector.broadcast %add3A_550 : i32 to vector<16xi32>
        %add3A_552 = arith.addi %add3A_50, %add3A_551 : vector<16xi32>
        %gather3A_553 = tpu.vector_load_idx %arg11[%add3A_552, %and3A_511] : memref<672x64xf32, #tpu.memory_space<vmem>>[vector<16xi32>, vector<16xi32>], vector<16xf32>,
        %add3A_554 = arith.constant 10 : i32
        %add3A_555 = vector.broadcast %add3A_554 : i32 to vector<16xi32>
        %add3A_556 = arith.addi %add3A_50, %add3A_555 : vector<16xi32>
        %gather3A_557 = tpu.vector_load_idx %arg11[%add3A_556, %and3A_511] : memref<672x64xf32, #tpu.memory_space<vmem>>[vector<16xi32>, vector<16xi32>], vector<16xf32>,
        %add3A_558 = arith.constant 11 : i32
        %add3A_559 = vector.broadcast %add3A_558 : i32 to vector<16xi32>
        %add3A_560 = arith.addi %add3A_50, %add3A_559 : vector<16xi32>
        %gather3A_561 = tpu.vector_load_idx %arg11[%add3A_560, %and3A_511] : memref<672x64xf32, #tpu.memory_space<vmem>>[vector<16xi32>, vector<16xi32>], vector<16xf32>,
        %add3A_562 = arith.constant 12 : i32
        %add3A_563 = vector.broadcast %add3A_562 : i32 to vector<16xi32>
        %add3A_564 = arith.addi %add3A_50, %add3A_563 : vector<16xi32>
        %gather3A_565 = tpu.vector_load_idx %arg11[%add3A_564, %and3A_511] : memref<672x64xf32, #tpu.memory_space<vmem>>[vector<16xi32>, vector<16xi32>], vector<16xf32>,
        %add3A_566 = arith.constant 13 : i32
        %add3A_567 = vector.broadcast %add3A_566 : i32 to vector<16xi32>
        %add3A_568 = arith.addi %add3A_50, %add3A_567 : vector<16xi32>
        %gather3A_569 = tpu.vector_load_idx %arg11[%add3A_568, %and3A_511] : memref<672x64xf32, #tpu.memory_space<vmem>>[vector<16xi32>, vector<16xi32>], vector<16xf32>,
        %add3A_570 = arith.constant 14 : i32
        %add3A_571 = vector.broadcast %add3A_570 : i32 to vector<16xi32>
        %add3A_572 = arith.addi %add3A_50, %add3A_571 : vector<16xi32>
        %gather3A_573 = tpu.vector_load_idx %arg11[%add3A_572, %and3A_511] : memref<672x64xf32, #tpu.memory_space<vmem>>[vector<16xi32>, vector<16xi32>], vector<16xf32>,
        %add3A_574 = arith.constant 15 : i32
        %add3A_575 = vector.broadcast %add3A_574 : i32 to vector<16xi32>
        %add3A_576 = arith.addi %add3A_50, %add3A_575 : vector<16xi32>
        %gather3A_577 = tpu.vector_load_idx %arg11[%add3A_576, %and3A_511] : memref<672x64xf32, #tpu.memory_space<vmem>>[vector<16xi32>, vector<16xi32>], vector<16xf32>,
        %add3A_578 = arith.constant 16 : i32
        %add3A_579 = vector.broadcast %add3A_578 : i32 to vector<16xi32>
        %add3A_580 = arith.addi %add3A_50, %add3A_579 : vector<16xi32>
        %gather3A_581 = tpu.vector_load_idx %arg11[%add3A_580, %and3A_511] : memref<672x64xf32, #tpu.memory_space<vmem>>[vector<16xi32>, vector<16xi32>], vector<16xf32>,
        %add3A_582 = arith.constant 17 : i32
        %add3A_583 = vector.broadcast %add3A_582 : i32 to vector<16xi32>
        %add3A_584 = arith.addi %add3A_50, %add3A_583 : vector<16xi32>
        %gather3A_585 = tpu.vector_load_idx %arg11[%add3A_584, %and3A_511] : memref<672x64xf32, #tpu.memory_space<vmem>>[vector<16xi32>, vector<16xi32>], vector<16xf32>,
        %add3A_586 = arith.constant 18 : i32
        %add3A_587 = vector.broadcast %add3A_586 : i32 to vector<16xi32>
        %add3A_588 = arith.addi %add3A_50, %add3A_587 : vector<16xi32>
        %gather3A_589 = tpu.vector_load_idx %arg11[%add3A_588, %and3A_511] : memref<672x64xf32, #tpu.memory_space<vmem>>[vector<16xi32>, vector<16xi32>], vector<16xf32>,
        %add3A_590 = arith.constant 19 : i32
        %add3A_591 = vector.broadcast %add3A_590 : i32 to vector<16xi32>
        %add3A_592 = arith.addi %add3A_50, %add3A_591 : vector<16xi32>
        %gather3A_593 = tpu.vector_load_idx %arg11[%add3A_592, %and3A_511] : memref<672x64xf32, #tpu.memory_space<vmem>>[vector<16xi32>, vector<16xi32>], vector<16xf32>,
        %add3A_594 = arith.addf %gather3A_517, %gather3A_521 : vector<16xf32>
        %add3A_595 = arith.addf %gather3A_525, %gather3A_529 : vector<16xf32>
        %add3A_596 = arith.addf %gather3A_533, %gather3A_537 : vector<16xf32>
        %add3A_597 = arith.addf %gather3A_541, %gather3A_545 : vector<16xf32>
        %add3A_598 = arith.addf %gather3A_549, %gather3A_553 : vector<16xf32>
        %add3A_599 = arith.addf %gather3A_557, %gather3A_561 : vector<16xf32>
        %add3A_600 = arith.addf %gather3A_565, %gather3A_569 : vector<16xf32>
        %add3A_601 = arith.addf %gather3A_573, %gather3A_577 : vector<16xf32>
        %add3A_602 = arith.addf %gather3A_581, %gather3A_585 : vector<16xf32>
        %add3A_603 = arith.addf %gather3A_589, %gather3A_593 : vector<16xf32>
        %add3A_604 = arith.addf %add3A_594, %add3A_595 : vector<16xf32>
        %add3A_605 = arith.addf %add3A_596, %add3A_597 : vector<16xf32>
        %add3A_606 = arith.addf %add3A_598, %add3A_599 : vector<16xf32>
        %add3A_607 = arith.addf %add3A_600, %add3A_601 : vector<16xf32>
        %add3A_608 = arith.addf %add3A_602, %add3A_603 : vector<16xf32>
        %add3A_609 = arith.addf %add3A_604, %add3A_605 : vector<16xf32>
        %add3A_610 = arith.addf %add3A_606, %add3A_607 : vector<16xf32>
        %add3A_611 = arith.addf %add3A_609, %add3A_610 : vector<16xf32>
        %add3A_612 = arith.addf %add3A_611, %add3A_608 : vector<16xf32>
        %mul3A_613 = arith.mulf %gather3A_512, %gather3A_513 : vector<16xf32>
        %mul3A_614 = arith.mulf %gather3A_512, %add3A_612 : vector<16xf32>
        %add3A_615 = arith.addf %mul3A_283, %mul3A_393 : vector<16xf32>
        %add3A_616 = arith.addf %mul3A_503, %mul3A_613 : vector<16xf32>
        %add3A_617 = arith.addf %add3A_615, %add3A_616 : vector<16xf32>
        %add3A_618 = arith.addf %scan3A_173, %add3A_617 : vector<16xf32>
        %add3A_619 = arith.addf %mul3A_284, %mul3A_394 : vector<16xf32>
        %add3A_620 = arith.addf %mul3A_504, %mul3A_614 : vector<16xf32>
        %add3A_621 = arith.addf %add3A_619, %add3A_620 : vector<16xf32>
        %add3A_622 = arith.addf %scan3A_174, %add3A_621 : vector<16xf32>
        scf.yield %add3A_618, %add3A_622 : vector<16xf32>, vector<16xf32>
      }
      %scan3A_56 = arith.constant 16 : i32
      %mul3A_57 = arith.constant 32 : i32
      %mul3A_58 = arith.muli %add3A_26, %mul3A_57 : i32
      %add3A_59 = arith.constant 0 : i32
      %add3A_60 = arith.addi %mul3A_58, %add3A_59 : i32
      %swap3A = arith.index_cast %add3A_60 : i32 to index
      %swap3A_61 = tpu.vector_load %arg14[%swap3A] {strides = array<i32>} : memref<512xf32, #tpu.memory_space<vmem>>, vector<16xf32>,
      tpu.vector_store %arg14[%swap3A], %scan3A_55#0 {strides = array<i32>} : memref<512xf32, #tpu.memory_space<vmem>>, vector<16xf32>,
      %mul3A_62 = arith.constant 32 : i32
      %mul3A_63 = arith.muli %add3A_26, %mul3A_62 : i32
      %add3A_64 = arith.constant 0 : i32
      %add3A_65 = arith.addi %mul3A_63, %add3A_64 : i32
      %swap3A_66 = arith.index_cast %add3A_65 : i32 to index
      %swap3A_67 = tpu.vector_load %arg15[%swap3A_66] {strides = array<i32>} : memref<512xf32, #tpu.memory_space<vmem>>, vector<16xf32>,
      tpu.vector_store %arg15[%swap3A_66], %scan3A_55#1 {strides = array<i32>} : memref<512xf32, #tpu.memory_space<vmem>>, vector<16xf32>,
      %add3A_68 = arith.constant 16 : i32
      %add3A_69 = vector.broadcast %add3A_68 : i32 to vector<16xi32>
      %add3A_70 = arith.addi %add3A_69, %iota3A : vector<16xi32>
      %mul3A_71 = arith.constant 20 : i32
      %mul3A_72 = vector.broadcast %mul3A_71 : i32 to vector<16xi32>
      %mul3A_73 = arith.muli %add3A_70, %mul3A_72 : vector<16xi32>
      %add3A_74 = arith.constant 32 : i32
      %add3A_75 = vector.broadcast %add3A_74 : i32 to vector<16xi32>
      %add3A_76 = arith.addi %add3A_75, %mul3A_73 : vector<16xi32>
      %scan3A_77 = arith.constant 0 : i32
      %scan3A_78 = arith.constant 16 : i32
      %scan3A_79 = arith.addi %scan3A_77, %scan3A_78 : i32
      %scan3A_80 = arith.constant 1 : i32
      %scan3A_81:2 = scf.for %scan3A_172 = %scan3A_77 to %scan3A_79 step %scan3A_80 iter_args(%scan3A_173 = %broadcast_in_dim3A_1, %scan3A_174 = %broadcast_in_dim3A_1) -> (vector<16xf32>, vector<16xf32>)  : i32 {
        %mul3A_175 = arith.constant 4 : i32
        %mul3A_176 = arith.muli %scan3A_172, %mul3A_175 : i32
        %add3A_177 = arith.constant 0 : i32
        %add3A_178 = arith.addi %mul3A_176, %add3A_177 : i32
        %add3A_179 = vector.broadcast %add3A_178 : i32 to vector<16xi32>
        %add3A_180 = arith.addi %add3A_179, %iota3A : vector<16xi32>
        %and3A = arith.constant 63 : i32
        %and3A_181 = vector.broadcast %and3A : i32 to vector<16xi32>
        %and3A_182 = arith.andi %add3A_180, %and3A_181 : vector<16xi32>
        %gather3A = tpu.vector_load_idx %arg10[%add3A_70, %and3A_182] : memref<32x64xf32, #tpu.memory_space<vmem>>[vector<16xi32>, vector<16xi32>], vector<16xf32>,
        %gather3A_183 = tpu.vector_load_idx %arg11[%add3A_70, %and3A_182] : memref<672x64xf32, #tpu.memory_space<vmem>>[vector<16xi32>, vector<16xi32>], vector<16xf32>,
        %add3A_184 = arith.constant 0 : i32
        %add3A_185 = vector.broadcast %add3A_184 : i32 to vector<16xi32>
        %add3A_186 = arith.addi %add3A_76, %add3A_185 : vector<16xi32>
        %gather3A_187 = tpu.vector_load_idx %arg11[%add3A_186, %and3A_182] : memref<672x64xf32, #tpu.memory_space<vmem>>[vector<16xi32>, vector<16xi32>], vector<16xf32>,
        %add3A_188 = arith.constant 1 : i32
        %add3A_189 = vector.broadcast %add3A_188 : i32 to vector<16xi32>
        %add3A_190 = arith.addi %add3A_76, %add3A_189 : vector<16xi32>
        %gather3A_191 = tpu.vector_load_idx %arg11[%add3A_190, %and3A_182] : memref<672x64xf32, #tpu.memory_space<vmem>>[vector<16xi32>, vector<16xi32>], vector<16xf32>,
        %add3A_192 = arith.constant 2 : i32
        %add3A_193 = vector.broadcast %add3A_192 : i32 to vector<16xi32>
        %add3A_194 = arith.addi %add3A_76, %add3A_193 : vector<16xi32>
        %gather3A_195 = tpu.vector_load_idx %arg11[%add3A_194, %and3A_182] : memref<672x64xf32, #tpu.memory_space<vmem>>[vector<16xi32>, vector<16xi32>], vector<16xf32>,
        %add3A_196 = arith.constant 3 : i32
        %add3A_197 = vector.broadcast %add3A_196 : i32 to vector<16xi32>
        %add3A_198 = arith.addi %add3A_76, %add3A_197 : vector<16xi32>
        %gather3A_199 = tpu.vector_load_idx %arg11[%add3A_198, %and3A_182] : memref<672x64xf32, #tpu.memory_space<vmem>>[vector<16xi32>, vector<16xi32>], vector<16xf32>,
        %add3A_200 = arith.constant 4 : i32
        %add3A_201 = vector.broadcast %add3A_200 : i32 to vector<16xi32>
        %add3A_202 = arith.addi %add3A_76, %add3A_201 : vector<16xi32>
        %gather3A_203 = tpu.vector_load_idx %arg11[%add3A_202, %and3A_182] : memref<672x64xf32, #tpu.memory_space<vmem>>[vector<16xi32>, vector<16xi32>], vector<16xf32>,
        %add3A_204 = arith.constant 5 : i32
        %add3A_205 = vector.broadcast %add3A_204 : i32 to vector<16xi32>
        %add3A_206 = arith.addi %add3A_76, %add3A_205 : vector<16xi32>
        %gather3A_207 = tpu.vector_load_idx %arg11[%add3A_206, %and3A_182] : memref<672x64xf32, #tpu.memory_space<vmem>>[vector<16xi32>, vector<16xi32>], vector<16xf32>,
        %add3A_208 = arith.constant 6 : i32
        %add3A_209 = vector.broadcast %add3A_208 : i32 to vector<16xi32>
        %add3A_210 = arith.addi %add3A_76, %add3A_209 : vector<16xi32>
        %gather3A_211 = tpu.vector_load_idx %arg11[%add3A_210, %and3A_182] : memref<672x64xf32, #tpu.memory_space<vmem>>[vector<16xi32>, vector<16xi32>], vector<16xf32>,
        %add3A_212 = arith.constant 7 : i32
        %add3A_213 = vector.broadcast %add3A_212 : i32 to vector<16xi32>
        %add3A_214 = arith.addi %add3A_76, %add3A_213 : vector<16xi32>
        %gather3A_215 = tpu.vector_load_idx %arg11[%add3A_214, %and3A_182] : memref<672x64xf32, #tpu.memory_space<vmem>>[vector<16xi32>, vector<16xi32>], vector<16xf32>,
        %add3A_216 = arith.constant 8 : i32
        %add3A_217 = vector.broadcast %add3A_216 : i32 to vector<16xi32>
        %add3A_218 = arith.addi %add3A_76, %add3A_217 : vector<16xi32>
        %gather3A_219 = tpu.vector_load_idx %arg11[%add3A_218, %and3A_182] : memref<672x64xf32, #tpu.memory_space<vmem>>[vector<16xi32>, vector<16xi32>], vector<16xf32>,
        %add3A_220 = arith.constant 9 : i32
        %add3A_221 = vector.broadcast %add3A_220 : i32 to vector<16xi32>
        %add3A_222 = arith.addi %add3A_76, %add3A_221 : vector<16xi32>
        %gather3A_223 = tpu.vector_load_idx %arg11[%add3A_222, %and3A_182] : memref<672x64xf32, #tpu.memory_space<vmem>>[vector<16xi32>, vector<16xi32>], vector<16xf32>,
        %add3A_224 = arith.constant 10 : i32
        %add3A_225 = vector.broadcast %add3A_224 : i32 to vector<16xi32>
        %add3A_226 = arith.addi %add3A_76, %add3A_225 : vector<16xi32>
        %gather3A_227 = tpu.vector_load_idx %arg11[%add3A_226, %and3A_182] : memref<672x64xf32, #tpu.memory_space<vmem>>[vector<16xi32>, vector<16xi32>], vector<16xf32>,
        %add3A_228 = arith.constant 11 : i32
        %add3A_229 = vector.broadcast %add3A_228 : i32 to vector<16xi32>
        %add3A_230 = arith.addi %add3A_76, %add3A_229 : vector<16xi32>
        %gather3A_231 = tpu.vector_load_idx %arg11[%add3A_230, %and3A_182] : memref<672x64xf32, #tpu.memory_space<vmem>>[vector<16xi32>, vector<16xi32>], vector<16xf32>,
        %add3A_232 = arith.constant 12 : i32
        %add3A_233 = vector.broadcast %add3A_232 : i32 to vector<16xi32>
        %add3A_234 = arith.addi %add3A_76, %add3A_233 : vector<16xi32>
        %gather3A_235 = tpu.vector_load_idx %arg11[%add3A_234, %and3A_182] : memref<672x64xf32, #tpu.memory_space<vmem>>[vector<16xi32>, vector<16xi32>], vector<16xf32>,
        %add3A_236 = arith.constant 13 : i32
        %add3A_237 = vector.broadcast %add3A_236 : i32 to vector<16xi32>
        %add3A_238 = arith.addi %add3A_76, %add3A_237 : vector<16xi32>
        %gather3A_239 = tpu.vector_load_idx %arg11[%add3A_238, %and3A_182] : memref<672x64xf32, #tpu.memory_space<vmem>>[vector<16xi32>, vector<16xi32>], vector<16xf32>,
        %add3A_240 = arith.constant 14 : i32
        %add3A_241 = vector.broadcast %add3A_240 : i32 to vector<16xi32>
        %add3A_242 = arith.addi %add3A_76, %add3A_241 : vector<16xi32>
        %gather3A_243 = tpu.vector_load_idx %arg11[%add3A_242, %and3A_182] : memref<672x64xf32, #tpu.memory_space<vmem>>[vector<16xi32>, vector<16xi32>], vector<16xf32>,
        %add3A_244 = arith.constant 15 : i32
        %add3A_245 = vector.broadcast %add3A_244 : i32 to vector<16xi32>
        %add3A_246 = arith.addi %add3A_76, %add3A_245 : vector<16xi32>
        %gather3A_247 = tpu.vector_load_idx %arg11[%add3A_246, %and3A_182] : memref<672x64xf32, #tpu.memory_space<vmem>>[vector<16xi32>, vector<16xi32>], vector<16xf32>,
        %add3A_248 = arith.constant 16 : i32
        %add3A_249 = vector.broadcast %add3A_248 : i32 to vector<16xi32>
        %add3A_250 = arith.addi %add3A_76, %add3A_249 : vector<16xi32>
        %gather3A_251 = tpu.vector_load_idx %arg11[%add3A_250, %and3A_182] : memref<672x64xf32, #tpu.memory_space<vmem>>[vector<16xi32>, vector<16xi32>], vector<16xf32>,
        %add3A_252 = arith.constant 17 : i32
        %add3A_253 = vector.broadcast %add3A_252 : i32 to vector<16xi32>
        %add3A_254 = arith.addi %add3A_76, %add3A_253 : vector<16xi32>
        %gather3A_255 = tpu.vector_load_idx %arg11[%add3A_254, %and3A_182] : memref<672x64xf32, #tpu.memory_space<vmem>>[vector<16xi32>, vector<16xi32>], vector<16xf32>,
        %add3A_256 = arith.constant 18 : i32
        %add3A_257 = vector.broadcast %add3A_256 : i32 to vector<16xi32>
        %add3A_258 = arith.addi %add3A_76, %add3A_257 : vector<16xi32>
        %gather3A_259 = tpu.vector_load_idx %arg11[%add3A_258, %and3A_182] : memref<672x64xf32, #tpu.memory_space<vmem>>[vector<16xi32>, vector<16xi32>], vector<16xf32>,
        %add3A_260 = arith.constant 19 : i32
        %add3A_261 = vector.broadcast %add3A_260 : i32 to vector<16xi32>
        %add3A_262 = arith.addi %add3A_76, %add3A_261 : vector<16xi32>
        %gather3A_263 = tpu.vector_load_idx %arg11[%add3A_262, %and3A_182] : memref<672x64xf32, #tpu.memory_space<vmem>>[vector<16xi32>, vector<16xi32>], vector<16xf32>,
        %add3A_264 = arith.addf %gather3A_187, %gather3A_191 : vector<16xf32>
        %add3A_265 = arith.addf %gather3A_195, %gather3A_199 : vector<16xf32>
        %add3A_266 = arith.addf %gather3A_203, %gather3A_207 : vector<16xf32>
        %add3A_267 = arith.addf %gather3A_211, %gather3A_215 : vector<16xf32>
        %add3A_268 = arith.addf %gather3A_219, %gather3A_223 : vector<16xf32>
        %add3A_269 = arith.addf %gather3A_227, %gather3A_231 : vector<16xf32>
        %add3A_270 = arith.addf %gather3A_235, %gather3A_239 : vector<16xf32>
        %add3A_271 = arith.addf %gather3A_243, %gather3A_247 : vector<16xf32>
        %add3A_272 = arith.addf %gather3A_251, %gather3A_255 : vector<16xf32>
        %add3A_273 = arith.addf %gather3A_259, %gather3A_263 : vector<16xf32>
        %add3A_274 = arith.addf %add3A_264, %add3A_265 : vector<16xf32>
        %add3A_275 = arith.addf %add3A_266, %add3A_267 : vector<16xf32>
        %add3A_276 = arith.addf %add3A_268, %add3A_269 : vector<16xf32>
        %add3A_277 = arith.addf %add3A_270, %add3A_271 : vector<16xf32>
        %add3A_278 = arith.addf %add3A_272, %add3A_273 : vector<16xf32>
        %add3A_279 = arith.addf %add3A_274, %add3A_275 : vector<16xf32>
        %add3A_280 = arith.addf %add3A_276, %add3A_277 : vector<16xf32>
        %add3A_281 = arith.addf %add3A_279, %add3A_280 : vector<16xf32>
        %add3A_282 = arith.addf %add3A_281, %add3A_278 : vector<16xf32>
        %mul3A_283 = arith.mulf %gather3A, %gather3A_183 : vector<16xf32>
        %mul3A_284 = arith.mulf %gather3A, %add3A_282 : vector<16xf32>
        %add3A_285 = arith.constant 1 : i32
        %add3A_286 = arith.addi %mul3A_176, %add3A_285 : i32
        %add3A_287 = vector.broadcast %add3A_286 : i32 to vector<16xi32>
        %add3A_288 = arith.addi %add3A_287, %iota3A : vector<16xi32>
        %and3A_289 = arith.constant 63 : i32
        %and3A_290 = vector.broadcast %and3A_289 : i32 to vector<16xi32>
        %and3A_291 = arith.andi %add3A_288, %and3A_290 : vector<16xi32>
        %gather3A_292 = tpu.vector_load_idx %arg10[%add3A_70, %and3A_291] : memref<32x64xf32, #tpu.memory_space<vmem>>[vector<16xi32>, vector<16xi32>], vector<16xf32>,
        %gather3A_293 = tpu.vector_load_idx %arg11[%add3A_70, %and3A_291] : memref<672x64xf32, #tpu.memory_space<vmem>>[vector<16xi32>, vector<16xi32>], vector<16xf32>,
        %add3A_294 = arith.constant 0 : i32
        %add3A_295 = vector.broadcast %add3A_294 : i32 to vector<16xi32>
        %add3A_296 = arith.addi %add3A_76, %add3A_295 : vector<16xi32>
        %gather3A_297 = tpu.vector_load_idx %arg11[%add3A_296, %and3A_291] : memref<672x64xf32, #tpu.memory_space<vmem>>[vector<16xi32>, vector<16xi32>], vector<16xf32>,
        %add3A_298 = arith.constant 1 : i32
        %add3A_299 = vector.broadcast %add3A_298 : i32 to vector<16xi32>
        %add3A_300 = arith.addi %add3A_76, %add3A_299 : vector<16xi32>
        %gather3A_301 = tpu.vector_load_idx %arg11[%add3A_300, %and3A_291] : memref<672x64xf32, #tpu.memory_space<vmem>>[vector<16xi32>, vector<16xi32>], vector<16xf32>,
        %add3A_302 = arith.constant 2 : i32
        %add3A_303 = vector.broadcast %add3A_302 : i32 to vector<16xi32>
        %add3A_304 = arith.addi %add3A_76, %add3A_303 : vector<16xi32>
        %gather3A_305 = tpu.vector_load_idx %arg11[%add3A_304, %and3A_291] : memref<672x64xf32, #tpu.memory_space<vmem>>[vector<16xi32>, vector<16xi32>], vector<16xf32>,
        %add3A_306 = arith.constant 3 : i32
        %add3A_307 = vector.broadcast %add3A_306 : i32 to vector<16xi32>
        %add3A_308 = arith.addi %add3A_76, %add3A_307 : vector<16xi32>
        %gather3A_309 = tpu.vector_load_idx %arg11[%add3A_308, %and3A_291] : memref<672x64xf32, #tpu.memory_space<vmem>>[vector<16xi32>, vector<16xi32>], vector<16xf32>,
        %add3A_310 = arith.constant 4 : i32
        %add3A_311 = vector.broadcast %add3A_310 : i32 to vector<16xi32>
        %add3A_312 = arith.addi %add3A_76, %add3A_311 : vector<16xi32>
        %gather3A_313 = tpu.vector_load_idx %arg11[%add3A_312, %and3A_291] : memref<672x64xf32, #tpu.memory_space<vmem>>[vector<16xi32>, vector<16xi32>], vector<16xf32>,
        %add3A_314 = arith.constant 5 : i32
        %add3A_315 = vector.broadcast %add3A_314 : i32 to vector<16xi32>
        %add3A_316 = arith.addi %add3A_76, %add3A_315 : vector<16xi32>
        %gather3A_317 = tpu.vector_load_idx %arg11[%add3A_316, %and3A_291] : memref<672x64xf32, #tpu.memory_space<vmem>>[vector<16xi32>, vector<16xi32>], vector<16xf32>,
        %add3A_318 = arith.constant 6 : i32
        %add3A_319 = vector.broadcast %add3A_318 : i32 to vector<16xi32>
        %add3A_320 = arith.addi %add3A_76, %add3A_319 : vector<16xi32>
        %gather3A_321 = tpu.vector_load_idx %arg11[%add3A_320, %and3A_291] : memref<672x64xf32, #tpu.memory_space<vmem>>[vector<16xi32>, vector<16xi32>], vector<16xf32>,
        %add3A_322 = arith.constant 7 : i32
        %add3A_323 = vector.broadcast %add3A_322 : i32 to vector<16xi32>
        %add3A_324 = arith.addi %add3A_76, %add3A_323 : vector<16xi32>
        %gather3A_325 = tpu.vector_load_idx %arg11[%add3A_324, %and3A_291] : memref<672x64xf32, #tpu.memory_space<vmem>>[vector<16xi32>, vector<16xi32>], vector<16xf32>,
        %add3A_326 = arith.constant 8 : i32
        %add3A_327 = vector.broadcast %add3A_326 : i32 to vector<16xi32>
        %add3A_328 = arith.addi %add3A_76, %add3A_327 : vector<16xi32>
        %gather3A_329 = tpu.vector_load_idx %arg11[%add3A_328, %and3A_291] : memref<672x64xf32, #tpu.memory_space<vmem>>[vector<16xi32>, vector<16xi32>], vector<16xf32>,
        %add3A_330 = arith.constant 9 : i32
        %add3A_331 = vector.broadcast %add3A_330 : i32 to vector<16xi32>
        %add3A_332 = arith.addi %add3A_76, %add3A_331 : vector<16xi32>
        %gather3A_333 = tpu.vector_load_idx %arg11[%add3A_332, %and3A_291] : memref<672x64xf32, #tpu.memory_space<vmem>>[vector<16xi32>, vector<16xi32>], vector<16xf32>,
        %add3A_334 = arith.constant 10 : i32
        %add3A_335 = vector.broadcast %add3A_334 : i32 to vector<16xi32>
        %add3A_336 = arith.addi %add3A_76, %add3A_335 : vector<16xi32>
        %gather3A_337 = tpu.vector_load_idx %arg11[%add3A_336, %and3A_291] : memref<672x64xf32, #tpu.memory_space<vmem>>[vector<16xi32>, vector<16xi32>], vector<16xf32>,
        %add3A_338 = arith.constant 11 : i32
        %add3A_339 = vector.broadcast %add3A_338 : i32 to vector<16xi32>
        %add3A_340 = arith.addi %add3A_76, %add3A_339 : vector<16xi32>
        %gather3A_341 = tpu.vector_load_idx %arg11[%add3A_340, %and3A_291] : memref<672x64xf32, #tpu.memory_space<vmem>>[vector<16xi32>, vector<16xi32>], vector<16xf32>,
        %add3A_342 = arith.constant 12 : i32
        %add3A_343 = vector.broadcast %add3A_342 : i32 to vector<16xi32>
        %add3A_344 = arith.addi %add3A_76, %add3A_343 : vector<16xi32>
        %gather3A_345 = tpu.vector_load_idx %arg11[%add3A_344, %and3A_291] : memref<672x64xf32, #tpu.memory_space<vmem>>[vector<16xi32>, vector<16xi32>], vector<16xf32>,
        %add3A_346 = arith.constant 13 : i32
        %add3A_347 = vector.broadcast %add3A_346 : i32 to vector<16xi32>
        %add3A_348 = arith.addi %add3A_76, %add3A_347 : vector<16xi32>
        %gather3A_349 = tpu.vector_load_idx %arg11[%add3A_348, %and3A_291] : memref<672x64xf32, #tpu.memory_space<vmem>>[vector<16xi32>, vector<16xi32>], vector<16xf32>,
        %add3A_350 = arith.constant 14 : i32
        %add3A_351 = vector.broadcast %add3A_350 : i32 to vector<16xi32>
        %add3A_352 = arith.addi %add3A_76, %add3A_351 : vector<16xi32>
        %gather3A_353 = tpu.vector_load_idx %arg11[%add3A_352, %and3A_291] : memref<672x64xf32, #tpu.memory_space<vmem>>[vector<16xi32>, vector<16xi32>], vector<16xf32>,
        %add3A_354 = arith.constant 15 : i32
        %add3A_355 = vector.broadcast %add3A_354 : i32 to vector<16xi32>
        %add3A_356 = arith.addi %add3A_76, %add3A_355 : vector<16xi32>
        %gather3A_357 = tpu.vector_load_idx %arg11[%add3A_356, %and3A_291] : memref<672x64xf32, #tpu.memory_space<vmem>>[vector<16xi32>, vector<16xi32>], vector<16xf32>,
        %add3A_358 = arith.constant 16 : i32
        %add3A_359 = vector.broadcast %add3A_358 : i32 to vector<16xi32>
        %add3A_360 = arith.addi %add3A_76, %add3A_359 : vector<16xi32>
        %gather3A_361 = tpu.vector_load_idx %arg11[%add3A_360, %and3A_291] : memref<672x64xf32, #tpu.memory_space<vmem>>[vector<16xi32>, vector<16xi32>], vector<16xf32>,
        %add3A_362 = arith.constant 17 : i32
        %add3A_363 = vector.broadcast %add3A_362 : i32 to vector<16xi32>
        %add3A_364 = arith.addi %add3A_76, %add3A_363 : vector<16xi32>
        %gather3A_365 = tpu.vector_load_idx %arg11[%add3A_364, %and3A_291] : memref<672x64xf32, #tpu.memory_space<vmem>>[vector<16xi32>, vector<16xi32>], vector<16xf32>,
        %add3A_366 = arith.constant 18 : i32
        %add3A_367 = vector.broadcast %add3A_366 : i32 to vector<16xi32>
        %add3A_368 = arith.addi %add3A_76, %add3A_367 : vector<16xi32>
        %gather3A_369 = tpu.vector_load_idx %arg11[%add3A_368, %and3A_291] : memref<672x64xf32, #tpu.memory_space<vmem>>[vector<16xi32>, vector<16xi32>], vector<16xf32>,
        %add3A_370 = arith.constant 19 : i32
        %add3A_371 = vector.broadcast %add3A_370 : i32 to vector<16xi32>
        %add3A_372 = arith.addi %add3A_76, %add3A_371 : vector<16xi32>
        %gather3A_373 = tpu.vector_load_idx %arg11[%add3A_372, %and3A_291] : memref<672x64xf32, #tpu.memory_space<vmem>>[vector<16xi32>, vector<16xi32>], vector<16xf32>,
        %add3A_374 = arith.addf %gather3A_297, %gather3A_301 : vector<16xf32>
        %add3A_375 = arith.addf %gather3A_305, %gather3A_309 : vector<16xf32>
        %add3A_376 = arith.addf %gather3A_313, %gather3A_317 : vector<16xf32>
        %add3A_377 = arith.addf %gather3A_321, %gather3A_325 : vector<16xf32>
        %add3A_378 = arith.addf %gather3A_329, %gather3A_333 : vector<16xf32>
        %add3A_379 = arith.addf %gather3A_337, %gather3A_341 : vector<16xf32>
        %add3A_380 = arith.addf %gather3A_345, %gather3A_349 : vector<16xf32>
        %add3A_381 = arith.addf %gather3A_353, %gather3A_357 : vector<16xf32>
        %add3A_382 = arith.addf %gather3A_361, %gather3A_365 : vector<16xf32>
        %add3A_383 = arith.addf %gather3A_369, %gather3A_373 : vector<16xf32>
        %add3A_384 = arith.addf %add3A_374, %add3A_375 : vector<16xf32>
        %add3A_385 = arith.addf %add3A_376, %add3A_377 : vector<16xf32>
        %add3A_386 = arith.addf %add3A_378, %add3A_379 : vector<16xf32>
        %add3A_387 = arith.addf %add3A_380, %add3A_381 : vector<16xf32>
        %add3A_388 = arith.addf %add3A_382, %add3A_383 : vector<16xf32>
        %add3A_389 = arith.addf %add3A_384, %add3A_385 : vector<16xf32>
        %add3A_390 = arith.addf %add3A_386, %add3A_387 : vector<16xf32>
        %add3A_391 = arith.addf %add3A_389, %add3A_390 : vector<16xf32>
        %add3A_392 = arith.addf %add3A_391, %add3A_388 : vector<16xf32>
        %mul3A_393 = arith.mulf %gather3A_292, %gather3A_293 : vector<16xf32>
        %mul3A_394 = arith.mulf %gather3A_292, %add3A_392 : vector<16xf32>
        %add3A_395 = arith.constant 2 : i32
        %add3A_396 = arith.addi %mul3A_176, %add3A_395 : i32
        %add3A_397 = vector.broadcast %add3A_396 : i32 to vector<16xi32>
        %add3A_398 = arith.addi %add3A_397, %iota3A : vector<16xi32>
        %and3A_399 = arith.constant 63 : i32
        %and3A_400 = vector.broadcast %and3A_399 : i32 to vector<16xi32>
        %and3A_401 = arith.andi %add3A_398, %and3A_400 : vector<16xi32>
        %gather3A_402 = tpu.vector_load_idx %arg10[%add3A_70, %and3A_401] : memref<32x64xf32, #tpu.memory_space<vmem>>[vector<16xi32>, vector<16xi32>], vector<16xf32>,
        %gather3A_403 = tpu.vector_load_idx %arg11[%add3A_70, %and3A_401] : memref<672x64xf32, #tpu.memory_space<vmem>>[vector<16xi32>, vector<16xi32>], vector<16xf32>,
        %add3A_404 = arith.constant 0 : i32
        %add3A_405 = vector.broadcast %add3A_404 : i32 to vector<16xi32>
        %add3A_406 = arith.addi %add3A_76, %add3A_405 : vector<16xi32>
        %gather3A_407 = tpu.vector_load_idx %arg11[%add3A_406, %and3A_401] : memref<672x64xf32, #tpu.memory_space<vmem>>[vector<16xi32>, vector<16xi32>], vector<16xf32>,
        %add3A_408 = arith.constant 1 : i32
        %add3A_409 = vector.broadcast %add3A_408 : i32 to vector<16xi32>
        %add3A_410 = arith.addi %add3A_76, %add3A_409 : vector<16xi32>
        %gather3A_411 = tpu.vector_load_idx %arg11[%add3A_410, %and3A_401] : memref<672x64xf32, #tpu.memory_space<vmem>>[vector<16xi32>, vector<16xi32>], vector<16xf32>,
        %add3A_412 = arith.constant 2 : i32
        %add3A_413 = vector.broadcast %add3A_412 : i32 to vector<16xi32>
        %add3A_414 = arith.addi %add3A_76, %add3A_413 : vector<16xi32>
        %gather3A_415 = tpu.vector_load_idx %arg11[%add3A_414, %and3A_401] : memref<672x64xf32, #tpu.memory_space<vmem>>[vector<16xi32>, vector<16xi32>], vector<16xf32>,
        %add3A_416 = arith.constant 3 : i32
        %add3A_417 = vector.broadcast %add3A_416 : i32 to vector<16xi32>
        %add3A_418 = arith.addi %add3A_76, %add3A_417 : vector<16xi32>
        %gather3A_419 = tpu.vector_load_idx %arg11[%add3A_418, %and3A_401] : memref<672x64xf32, #tpu.memory_space<vmem>>[vector<16xi32>, vector<16xi32>], vector<16xf32>,
        %add3A_420 = arith.constant 4 : i32
        %add3A_421 = vector.broadcast %add3A_420 : i32 to vector<16xi32>
        %add3A_422 = arith.addi %add3A_76, %add3A_421 : vector<16xi32>
        %gather3A_423 = tpu.vector_load_idx %arg11[%add3A_422, %and3A_401] : memref<672x64xf32, #tpu.memory_space<vmem>>[vector<16xi32>, vector<16xi32>], vector<16xf32>,
        %add3A_424 = arith.constant 5 : i32
        %add3A_425 = vector.broadcast %add3A_424 : i32 to vector<16xi32>
        %add3A_426 = arith.addi %add3A_76, %add3A_425 : vector<16xi32>
        %gather3A_427 = tpu.vector_load_idx %arg11[%add3A_426, %and3A_401] : memref<672x64xf32, #tpu.memory_space<vmem>>[vector<16xi32>, vector<16xi32>], vector<16xf32>,
        %add3A_428 = arith.constant 6 : i32
        %add3A_429 = vector.broadcast %add3A_428 : i32 to vector<16xi32>
        %add3A_430 = arith.addi %add3A_76, %add3A_429 : vector<16xi32>
        %gather3A_431 = tpu.vector_load_idx %arg11[%add3A_430, %and3A_401] : memref<672x64xf32, #tpu.memory_space<vmem>>[vector<16xi32>, vector<16xi32>], vector<16xf32>,
        %add3A_432 = arith.constant 7 : i32
        %add3A_433 = vector.broadcast %add3A_432 : i32 to vector<16xi32>
        %add3A_434 = arith.addi %add3A_76, %add3A_433 : vector<16xi32>
        %gather3A_435 = tpu.vector_load_idx %arg11[%add3A_434, %and3A_401] : memref<672x64xf32, #tpu.memory_space<vmem>>[vector<16xi32>, vector<16xi32>], vector<16xf32>,
        %add3A_436 = arith.constant 8 : i32
        %add3A_437 = vector.broadcast %add3A_436 : i32 to vector<16xi32>
        %add3A_438 = arith.addi %add3A_76, %add3A_437 : vector<16xi32>
        %gather3A_439 = tpu.vector_load_idx %arg11[%add3A_438, %and3A_401] : memref<672x64xf32, #tpu.memory_space<vmem>>[vector<16xi32>, vector<16xi32>], vector<16xf32>,
        %add3A_440 = arith.constant 9 : i32
        %add3A_441 = vector.broadcast %add3A_440 : i32 to vector<16xi32>
        %add3A_442 = arith.addi %add3A_76, %add3A_441 : vector<16xi32>
        %gather3A_443 = tpu.vector_load_idx %arg11[%add3A_442, %and3A_401] : memref<672x64xf32, #tpu.memory_space<vmem>>[vector<16xi32>, vector<16xi32>], vector<16xf32>,
        %add3A_444 = arith.constant 10 : i32
        %add3A_445 = vector.broadcast %add3A_444 : i32 to vector<16xi32>
        %add3A_446 = arith.addi %add3A_76, %add3A_445 : vector<16xi32>
        %gather3A_447 = tpu.vector_load_idx %arg11[%add3A_446, %and3A_401] : memref<672x64xf32, #tpu.memory_space<vmem>>[vector<16xi32>, vector<16xi32>], vector<16xf32>,
        %add3A_448 = arith.constant 11 : i32
        %add3A_449 = vector.broadcast %add3A_448 : i32 to vector<16xi32>
        %add3A_450 = arith.addi %add3A_76, %add3A_449 : vector<16xi32>
        %gather3A_451 = tpu.vector_load_idx %arg11[%add3A_450, %and3A_401] : memref<672x64xf32, #tpu.memory_space<vmem>>[vector<16xi32>, vector<16xi32>], vector<16xf32>,
        %add3A_452 = arith.constant 12 : i32
        %add3A_453 = vector.broadcast %add3A_452 : i32 to vector<16xi32>
        %add3A_454 = arith.addi %add3A_76, %add3A_453 : vector<16xi32>
        %gather3A_455 = tpu.vector_load_idx %arg11[%add3A_454, %and3A_401] : memref<672x64xf32, #tpu.memory_space<vmem>>[vector<16xi32>, vector<16xi32>], vector<16xf32>,
        %add3A_456 = arith.constant 13 : i32
        %add3A_457 = vector.broadcast %add3A_456 : i32 to vector<16xi32>
        %add3A_458 = arith.addi %add3A_76, %add3A_457 : vector<16xi32>
        %gather3A_459 = tpu.vector_load_idx %arg11[%add3A_458, %and3A_401] : memref<672x64xf32, #tpu.memory_space<vmem>>[vector<16xi32>, vector<16xi32>], vector<16xf32>,
        %add3A_460 = arith.constant 14 : i32
        %add3A_461 = vector.broadcast %add3A_460 : i32 to vector<16xi32>
        %add3A_462 = arith.addi %add3A_76, %add3A_461 : vector<16xi32>
        %gather3A_463 = tpu.vector_load_idx %arg11[%add3A_462, %and3A_401] : memref<672x64xf32, #tpu.memory_space<vmem>>[vector<16xi32>, vector<16xi32>], vector<16xf32>,
        %add3A_464 = arith.constant 15 : i32
        %add3A_465 = vector.broadcast %add3A_464 : i32 to vector<16xi32>
        %add3A_466 = arith.addi %add3A_76, %add3A_465 : vector<16xi32>
        %gather3A_467 = tpu.vector_load_idx %arg11[%add3A_466, %and3A_401] : memref<672x64xf32, #tpu.memory_space<vmem>>[vector<16xi32>, vector<16xi32>], vector<16xf32>,
        %add3A_468 = arith.constant 16 : i32
        %add3A_469 = vector.broadcast %add3A_468 : i32 to vector<16xi32>
        %add3A_470 = arith.addi %add3A_76, %add3A_469 : vector<16xi32>
        %gather3A_471 = tpu.vector_load_idx %arg11[%add3A_470, %and3A_401] : memref<672x64xf32, #tpu.memory_space<vmem>>[vector<16xi32>, vector<16xi32>], vector<16xf32>,
        %add3A_472 = arith.constant 17 : i32
        %add3A_473 = vector.broadcast %add3A_472 : i32 to vector<16xi32>
        %add3A_474 = arith.addi %add3A_76, %add3A_473 : vector<16xi32>
        %gather3A_475 = tpu.vector_load_idx %arg11[%add3A_474, %and3A_401] : memref<672x64xf32, #tpu.memory_space<vmem>>[vector<16xi32>, vector<16xi32>], vector<16xf32>,
        %add3A_476 = arith.constant 18 : i32
        %add3A_477 = vector.broadcast %add3A_476 : i32 to vector<16xi32>
        %add3A_478 = arith.addi %add3A_76, %add3A_477 : vector<16xi32>
        %gather3A_479 = tpu.vector_load_idx %arg11[%add3A_478, %and3A_401] : memref<672x64xf32, #tpu.memory_space<vmem>>[vector<16xi32>, vector<16xi32>], vector<16xf32>,
        %add3A_480 = arith.constant 19 : i32
        %add3A_481 = vector.broadcast %add3A_480 : i32 to vector<16xi32>
        %add3A_482 = arith.addi %add3A_76, %add3A_481 : vector<16xi32>
        %gather3A_483 = tpu.vector_load_idx %arg11[%add3A_482, %and3A_401] : memref<672x64xf32, #tpu.memory_space<vmem>>[vector<16xi32>, vector<16xi32>], vector<16xf32>,
        %add3A_484 = arith.addf %gather3A_407, %gather3A_411 : vector<16xf32>
        %add3A_485 = arith.addf %gather3A_415, %gather3A_419 : vector<16xf32>
        %add3A_486 = arith.addf %gather3A_423, %gather3A_427 : vector<16xf32>
        %add3A_487 = arith.addf %gather3A_431, %gather3A_435 : vector<16xf32>
        %add3A_488 = arith.addf %gather3A_439, %gather3A_443 : vector<16xf32>
        %add3A_489 = arith.addf %gather3A_447, %gather3A_451 : vector<16xf32>
        %add3A_490 = arith.addf %gather3A_455, %gather3A_459 : vector<16xf32>
        %add3A_491 = arith.addf %gather3A_463, %gather3A_467 : vector<16xf32>
        %add3A_492 = arith.addf %gather3A_471, %gather3A_475 : vector<16xf32>
        %add3A_493 = arith.addf %gather3A_479, %gather3A_483 : vector<16xf32>
        %add3A_494 = arith.addf %add3A_484, %add3A_485 : vector<16xf32>
        %add3A_495 = arith.addf %add3A_486, %add3A_487 : vector<16xf32>
        %add3A_496 = arith.addf %add3A_488, %add3A_489 : vector<16xf32>
        %add3A_497 = arith.addf %add3A_490, %add3A_491 : vector<16xf32>
        %add3A_498 = arith.addf %add3A_492, %add3A_493 : vector<16xf32>
        %add3A_499 = arith.addf %add3A_494, %add3A_495 : vector<16xf32>
        %add3A_500 = arith.addf %add3A_496, %add3A_497 : vector<16xf32>
        %add3A_501 = arith.addf %add3A_499, %add3A_500 : vector<16xf32>
        %add3A_502 = arith.addf %add3A_501, %add3A_498 : vector<16xf32>
        %mul3A_503 = arith.mulf %gather3A_402, %gather3A_403 : vector<16xf32>
        %mul3A_504 = arith.mulf %gather3A_402, %add3A_502 : vector<16xf32>
        %add3A_505 = arith.constant 3 : i32
        %add3A_506 = arith.addi %mul3A_176, %add3A_505 : i32
        %add3A_507 = vector.broadcast %add3A_506 : i32 to vector<16xi32>
        %add3A_508 = arith.addi %add3A_507, %iota3A : vector<16xi32>
        %and3A_509 = arith.constant 63 : i32
        %and3A_510 = vector.broadcast %and3A_509 : i32 to vector<16xi32>
        %and3A_511 = arith.andi %add3A_508, %and3A_510 : vector<16xi32>
        %gather3A_512 = tpu.vector_load_idx %arg10[%add3A_70, %and3A_511] : memref<32x64xf32, #tpu.memory_space<vmem>>[vector<16xi32>, vector<16xi32>], vector<16xf32>,
        %gather3A_513 = tpu.vector_load_idx %arg11[%add3A_70, %and3A_511] : memref<672x64xf32, #tpu.memory_space<vmem>>[vector<16xi32>, vector<16xi32>], vector<16xf32>,
        %add3A_514 = arith.constant 0 : i32
        %add3A_515 = vector.broadcast %add3A_514 : i32 to vector<16xi32>
        %add3A_516 = arith.addi %add3A_76, %add3A_515 : vector<16xi32>
        %gather3A_517 = tpu.vector_load_idx %arg11[%add3A_516, %and3A_511] : memref<672x64xf32, #tpu.memory_space<vmem>>[vector<16xi32>, vector<16xi32>], vector<16xf32>,
        %add3A_518 = arith.constant 1 : i32
        %add3A_519 = vector.broadcast %add3A_518 : i32 to vector<16xi32>
        %add3A_520 = arith.addi %add3A_76, %add3A_519 : vector<16xi32>
        %gather3A_521 = tpu.vector_load_idx %arg11[%add3A_520, %and3A_511] : memref<672x64xf32, #tpu.memory_space<vmem>>[vector<16xi32>, vector<16xi32>], vector<16xf32>,
        %add3A_522 = arith.constant 2 : i32
        %add3A_523 = vector.broadcast %add3A_522 : i32 to vector<16xi32>
        %add3A_524 = arith.addi %add3A_76, %add3A_523 : vector<16xi32>
        %gather3A_525 = tpu.vector_load_idx %arg11[%add3A_524, %and3A_511] : memref<672x64xf32, #tpu.memory_space<vmem>>[vector<16xi32>, vector<16xi32>], vector<16xf32>,
        %add3A_526 = arith.constant 3 : i32
        %add3A_527 = vector.broadcast %add3A_526 : i32 to vector<16xi32>
        %add3A_528 = arith.addi %add3A_76, %add3A_527 : vector<16xi32>
        %gather3A_529 = tpu.vector_load_idx %arg11[%add3A_528, %and3A_511] : memref<672x64xf32, #tpu.memory_space<vmem>>[vector<16xi32>, vector<16xi32>], vector<16xf32>,
        %add3A_530 = arith.constant 4 : i32
        %add3A_531 = vector.broadcast %add3A_530 : i32 to vector<16xi32>
        %add3A_532 = arith.addi %add3A_76, %add3A_531 : vector<16xi32>
        %gather3A_533 = tpu.vector_load_idx %arg11[%add3A_532, %and3A_511] : memref<672x64xf32, #tpu.memory_space<vmem>>[vector<16xi32>, vector<16xi32>], vector<16xf32>,
        %add3A_534 = arith.constant 5 : i32
        %add3A_535 = vector.broadcast %add3A_534 : i32 to vector<16xi32>
        %add3A_536 = arith.addi %add3A_76, %add3A_535 : vector<16xi32>
        %gather3A_537 = tpu.vector_load_idx %arg11[%add3A_536, %and3A_511] : memref<672x64xf32, #tpu.memory_space<vmem>>[vector<16xi32>, vector<16xi32>], vector<16xf32>,
        %add3A_538 = arith.constant 6 : i32
        %add3A_539 = vector.broadcast %add3A_538 : i32 to vector<16xi32>
        %add3A_540 = arith.addi %add3A_76, %add3A_539 : vector<16xi32>
        %gather3A_541 = tpu.vector_load_idx %arg11[%add3A_540, %and3A_511] : memref<672x64xf32, #tpu.memory_space<vmem>>[vector<16xi32>, vector<16xi32>], vector<16xf32>,
        %add3A_542 = arith.constant 7 : i32
        %add3A_543 = vector.broadcast %add3A_542 : i32 to vector<16xi32>
        %add3A_544 = arith.addi %add3A_76, %add3A_543 : vector<16xi32>
        %gather3A_545 = tpu.vector_load_idx %arg11[%add3A_544, %and3A_511] : memref<672x64xf32, #tpu.memory_space<vmem>>[vector<16xi32>, vector<16xi32>], vector<16xf32>,
        %add3A_546 = arith.constant 8 : i32
        %add3A_547 = vector.broadcast %add3A_546 : i32 to vector<16xi32>
        %add3A_548 = arith.addi %add3A_76, %add3A_547 : vector<16xi32>
        %gather3A_549 = tpu.vector_load_idx %arg11[%add3A_548, %and3A_511] : memref<672x64xf32, #tpu.memory_space<vmem>>[vector<16xi32>, vector<16xi32>], vector<16xf32>,
        %add3A_550 = arith.constant 9 : i32
        %add3A_551 = vector.broadcast %add3A_550 : i32 to vector<16xi32>
        %add3A_552 = arith.addi %add3A_76, %add3A_551 : vector<16xi32>
        %gather3A_553 = tpu.vector_load_idx %arg11[%add3A_552, %and3A_511] : memref<672x64xf32, #tpu.memory_space<vmem>>[vector<16xi32>, vector<16xi32>], vector<16xf32>,
        %add3A_554 = arith.constant 10 : i32
        %add3A_555 = vector.broadcast %add3A_554 : i32 to vector<16xi32>
        %add3A_556 = arith.addi %add3A_76, %add3A_555 : vector<16xi32>
        %gather3A_557 = tpu.vector_load_idx %arg11[%add3A_556, %and3A_511] : memref<672x64xf32, #tpu.memory_space<vmem>>[vector<16xi32>, vector<16xi32>], vector<16xf32>,
        %add3A_558 = arith.constant 11 : i32
        %add3A_559 = vector.broadcast %add3A_558 : i32 to vector<16xi32>
        %add3A_560 = arith.addi %add3A_76, %add3A_559 : vector<16xi32>
        %gather3A_561 = tpu.vector_load_idx %arg11[%add3A_560, %and3A_511] : memref<672x64xf32, #tpu.memory_space<vmem>>[vector<16xi32>, vector<16xi32>], vector<16xf32>,
        %add3A_562 = arith.constant 12 : i32
        %add3A_563 = vector.broadcast %add3A_562 : i32 to vector<16xi32>
        %add3A_564 = arith.addi %add3A_76, %add3A_563 : vector<16xi32>
        %gather3A_565 = tpu.vector_load_idx %arg11[%add3A_564, %and3A_511] : memref<672x64xf32, #tpu.memory_space<vmem>>[vector<16xi32>, vector<16xi32>], vector<16xf32>,
        %add3A_566 = arith.constant 13 : i32
        %add3A_567 = vector.broadcast %add3A_566 : i32 to vector<16xi32>
        %add3A_568 = arith.addi %add3A_76, %add3A_567 : vector<16xi32>
        %gather3A_569 = tpu.vector_load_idx %arg11[%add3A_568, %and3A_511] : memref<672x64xf32, #tpu.memory_space<vmem>>[vector<16xi32>, vector<16xi32>], vector<16xf32>,
        %add3A_570 = arith.constant 14 : i32
        %add3A_571 = vector.broadcast %add3A_570 : i32 to vector<16xi32>
        %add3A_572 = arith.addi %add3A_76, %add3A_571 : vector<16xi32>
        %gather3A_573 = tpu.vector_load_idx %arg11[%add3A_572, %and3A_511] : memref<672x64xf32, #tpu.memory_space<vmem>>[vector<16xi32>, vector<16xi32>], vector<16xf32>,
        %add3A_574 = arith.constant 15 : i32
        %add3A_575 = vector.broadcast %add3A_574 : i32 to vector<16xi32>
        %add3A_576 = arith.addi %add3A_76, %add3A_575 : vector<16xi32>
        %gather3A_577 = tpu.vector_load_idx %arg11[%add3A_576, %and3A_511] : memref<672x64xf32, #tpu.memory_space<vmem>>[vector<16xi32>, vector<16xi32>], vector<16xf32>,
        %add3A_578 = arith.constant 16 : i32
        %add3A_579 = vector.broadcast %add3A_578 : i32 to vector<16xi32>
        %add3A_580 = arith.addi %add3A_76, %add3A_579 : vector<16xi32>
        %gather3A_581 = tpu.vector_load_idx %arg11[%add3A_580, %and3A_511] : memref<672x64xf32, #tpu.memory_space<vmem>>[vector<16xi32>, vector<16xi32>], vector<16xf32>,
        %add3A_582 = arith.constant 17 : i32
        %add3A_583 = vector.broadcast %add3A_582 : i32 to vector<16xi32>
        %add3A_584 = arith.addi %add3A_76, %add3A_583 : vector<16xi32>
        %gather3A_585 = tpu.vector_load_idx %arg11[%add3A_584, %and3A_511] : memref<672x64xf32, #tpu.memory_space<vmem>>[vector<16xi32>, vector<16xi32>], vector<16xf32>,
        %add3A_586 = arith.constant 18 : i32
        %add3A_587 = vector.broadcast %add3A_586 : i32 to vector<16xi32>
        %add3A_588 = arith.addi %add3A_76, %add3A_587 : vector<16xi32>
        %gather3A_589 = tpu.vector_load_idx %arg11[%add3A_588, %and3A_511] : memref<672x64xf32, #tpu.memory_space<vmem>>[vector<16xi32>, vector<16xi32>], vector<16xf32>,
        %add3A_590 = arith.constant 19 : i32
        %add3A_591 = vector.broadcast %add3A_590 : i32 to vector<16xi32>
        %add3A_592 = arith.addi %add3A_76, %add3A_591 : vector<16xi32>
        %gather3A_593 = tpu.vector_load_idx %arg11[%add3A_592, %and3A_511] : memref<672x64xf32, #tpu.memory_space<vmem>>[vector<16xi32>, vector<16xi32>], vector<16xf32>,
        %add3A_594 = arith.addf %gather3A_517, %gather3A_521 : vector<16xf32>
        %add3A_595 = arith.addf %gather3A_525, %gather3A_529 : vector<16xf32>
        %add3A_596 = arith.addf %gather3A_533, %gather3A_537 : vector<16xf32>
        %add3A_597 = arith.addf %gather3A_541, %gather3A_545 : vector<16xf32>
        %add3A_598 = arith.addf %gather3A_549, %gather3A_553 : vector<16xf32>
        %add3A_599 = arith.addf %gather3A_557, %gather3A_561 : vector<16xf32>
        %add3A_600 = arith.addf %gather3A_565, %gather3A_569 : vector<16xf32>
        %add3A_601 = arith.addf %gather3A_573, %gather3A_577 : vector<16xf32>
        %add3A_602 = arith.addf %gather3A_581, %gather3A_585 : vector<16xf32>
        %add3A_603 = arith.addf %gather3A_589, %gather3A_593 : vector<16xf32>
        %add3A_604 = arith.addf %add3A_594, %add3A_595 : vector<16xf32>
        %add3A_605 = arith.addf %add3A_596, %add3A_597 : vector<16xf32>
        %add3A_606 = arith.addf %add3A_598, %add3A_599 : vector<16xf32>
        %add3A_607 = arith.addf %add3A_600, %add3A_601 : vector<16xf32>
        %add3A_608 = arith.addf %add3A_602, %add3A_603 : vector<16xf32>
        %add3A_609 = arith.addf %add3A_604, %add3A_605 : vector<16xf32>
        %add3A_610 = arith.addf %add3A_606, %add3A_607 : vector<16xf32>
        %add3A_611 = arith.addf %add3A_609, %add3A_610 : vector<16xf32>
        %add3A_612 = arith.addf %add3A_611, %add3A_608 : vector<16xf32>
        %mul3A_613 = arith.mulf %gather3A_512, %gather3A_513 : vector<16xf32>
        %mul3A_614 = arith.mulf %gather3A_512, %add3A_612 : vector<16xf32>
        %add3A_615 = arith.addf %mul3A_283, %mul3A_393 : vector<16xf32>
        %add3A_616 = arith.addf %mul3A_503, %mul3A_613 : vector<16xf32>
        %add3A_617 = arith.addf %add3A_615, %add3A_616 : vector<16xf32>
        %add3A_618 = arith.addf %scan3A_173, %add3A_617 : vector<16xf32>
        %add3A_619 = arith.addf %mul3A_284, %mul3A_394 : vector<16xf32>
        %add3A_620 = arith.addf %mul3A_504, %mul3A_614 : vector<16xf32>
        %add3A_621 = arith.addf %add3A_619, %add3A_620 : vector<16xf32>
        %add3A_622 = arith.addf %scan3A_174, %add3A_621 : vector<16xf32>
        scf.yield %add3A_618, %add3A_622 : vector<16xf32>, vector<16xf32>
      }
      %scan3A_82 = arith.constant 16 : i32
      %mul3A_83 = arith.constant 32 : i32
      %mul3A_84 = arith.muli %add3A_26, %mul3A_83 : i32
      %add3A_85 = arith.constant 16 : i32
      %add3A_86 = arith.addi %mul3A_84, %add3A_85 : i32
      %swap3A_87 = arith.index_cast %add3A_86 : i32 to index
      %swap3A_88 = tpu.vector_load %arg14[%swap3A_87] {strides = array<i32>} : memref<512xf32, #tpu.memory_space<vmem>>, vector<16xf32>,
      tpu.vector_store %arg14[%swap3A_87], %scan3A_81#0 {strides = array<i32>} : memref<512xf32, #tpu.memory_space<vmem>>, vector<16xf32>,
      %mul3A_89 = arith.constant 32 : i32
      %mul3A_90 = arith.muli %add3A_26, %mul3A_89 : i32
      %add3A_91 = arith.constant 16 : i32
      %add3A_92 = arith.addi %mul3A_90, %add3A_91 : i32
      %swap3A_93 = arith.index_cast %add3A_92 : i32 to index
      %swap3A_94 = tpu.vector_load %arg15[%swap3A_93] {strides = array<i32>} : memref<512xf32, #tpu.memory_space<vmem>>, vector<16xf32>,
      tpu.vector_store %arg15[%swap3A_93], %scan3A_81#1 {strides = array<i32>} : memref<512xf32, #tpu.memory_space<vmem>>, vector<16xf32>,
      %mul3A_95 = arith.constant 2 : i32
      %mul3A_96 = arith.muli %mul3A_95, %scan3A_22 : i32
      %add3A_97 = arith.constant 1 : i32
      %add3A_98 = arith.addi %mul3A_96, %add3A_97 : i32
      %add3A_99 = arith.constant 1 : i32
      %add3A_100 = arith.addi %add3A_98, %add3A_99 : i32
      %lt3A_101 = arith.constant 16 : i32
      %lt3A_102 = arith.cmpi slt, %add3A_100, %lt3A_101 : i32
      %convert_element_type3A_103 = arith.extui %lt3A_102 : i1 to i32
      %cond3A_104 = arith.constant 0 : i32
      %cond3A_105 = arith.cmpi ne, %convert_element_type3A_103, %cond3A_104 : i32
      scf.if %cond3A_105 {
        %add3A_172 = arith.constant 1 : i32
        %add3A_173 = arith.addi %add3A_98, %add3A_172 : i32
        %dma_start3A_174 = arith.constant 0 : i32
        %dma_start3A_175 = tpu.memref_slice %arg8[%add3A_173, %dma_start3A_174] : memref<16x32xi32, #tpu.memory_space<vmem>> -> memref<1x32xi32, #tpu.memory_space<vmem>>
        %dma_start3A_176 = tpu.memref_squeeze %dma_start3A_175 : memref<1x32xi32, #tpu.memory_space<vmem>> -> memref<32xi32, #tpu.memory_space<vmem>>
        %dma_start3A_177 = arith.constant 0 : i32
        %dma_start3A_178 = arith.constant 0 : i32
        %dma_start3A_179 = tpu.memref_slice %arg4[%dma_start3A_177, %dma_start3A_178] : memref<1007616x64xf32, #tpu.memory_space<hbm>> -> memref<1007616x64xf32, #tpu.memory_space<hbm>>
        tpu.enqueue_indirect_dma source(%dma_start3A_179 : memref<1007616x64xf32, #tpu.memory_space<hbm>>) target(%arg10 : memref<32x64xf32, #tpu.memory_space<vmem>>) offsets(%dma_start3A_176 : memref<32xi32, #tpu.memory_space<vmem>>) semaphore(%arg16 : memref<!tpu.dma_semaphore, #tpu.memory_space<semaphore_mem>>)
        %mul3A_180 = arith.constant 672 : i32
        %mul3A_181 = arith.muli %add3A_173, %mul3A_180 : i32
        %dma_start3A_182 = tpu.memref_slice %arg9[%mul3A_181] : memref<10752xi32, #tpu.memory_space<vmem>> -> memref<672xi32, #tpu.memory_space<vmem>>
        %dma_start3A_183 = arith.constant 0 : i32
        %dma_start3A_184 = arith.constant 0 : i32
        %dma_start3A_185 = tpu.memref_slice %arg5[%dma_start3A_183, %dma_start3A_184] : memref<1007616x64xf32, #tpu.memory_space<hbm>> -> memref<1007616x64xf32, #tpu.memory_space<hbm>>
        tpu.enqueue_indirect_dma source(%dma_start3A_185 : memref<1007616x64xf32, #tpu.memory_space<hbm>>) target(%arg11 : memref<672x64xf32, #tpu.memory_space<vmem>>) offsets(%dma_start3A_182 : memref<672xi32, #tpu.memory_space<vmem>>) semaphore(%arg17 : memref<!tpu.dma_semaphore, #tpu.memory_space<semaphore_mem>>)
      } else {
      }
      %dma_wait3A_106 = arith.constant 0 : i32
      %dma_wait3A_107 = arith.constant 0 : i32
      %dma_wait3A_108 = tpu.memref_slice %arg4[%dma_wait3A_106, %dma_wait3A_107] : memref<1007616x64xf32, #tpu.memory_space<hbm>> -> memref<32x64xf32, #tpu.memory_space<hbm>>
      %dma_wait3A_109 = arith.constant 0 : i32
      %dma_wait3A_110 = arith.constant 0 : i32
      %dma_wait3A_111 = tpu.memref_slice %arg4[%dma_wait3A_109, %dma_wait3A_110] : memref<1007616x64xf32, #tpu.memory_space<hbm>> -> memref<32x64xf32, #tpu.memory_space<hbm>>
      tpu.wait_dma2 semaphore(%arg18 : memref<!tpu.dma_semaphore, #tpu.memory_space<semaphore_mem>>) src(%dma_wait3A_111 : memref<32x64xf32, #tpu.memory_space<hbm>>) dst(%arg12 : memref<32x64xf32, #tpu.memory_space<vmem>>)
      %dma_wait3A_112 = arith.constant 0 : i32
      %dma_wait3A_113 = arith.constant 0 : i32
      %dma_wait3A_114 = tpu.memref_slice %arg5[%dma_wait3A_112, %dma_wait3A_113] : memref<1007616x64xf32, #tpu.memory_space<hbm>> -> memref<672x64xf32, #tpu.memory_space<hbm>>
      %dma_wait3A_115 = arith.constant 0 : i32
      %dma_wait3A_116 = arith.constant 0 : i32
      %dma_wait3A_117 = tpu.memref_slice %arg5[%dma_wait3A_115, %dma_wait3A_116] : memref<1007616x64xf32, #tpu.memory_space<hbm>> -> memref<672x64xf32, #tpu.memory_space<hbm>>
      tpu.wait_dma2 semaphore(%arg19 : memref<!tpu.dma_semaphore, #tpu.memory_space<semaphore_mem>>) src(%dma_wait3A_117 : memref<672x64xf32, #tpu.memory_space<hbm>>) dst(%arg13 : memref<672x64xf32, #tpu.memory_space<vmem>>)
      %add3A_118 = arith.constant 0 : i32
      %add3A_119 = vector.broadcast %add3A_118 : i32 to vector<16xi32>
      %add3A_120 = arith.addi %add3A_119, %iota3A : vector<16xi32>
      %mul3A_121 = arith.constant 20 : i32
      %mul3A_122 = vector.broadcast %mul3A_121 : i32 to vector<16xi32>
      %mul3A_123 = arith.muli %add3A_120, %mul3A_122 : vector<16xi32>
      %add3A_124 = arith.constant 32 : i32
      %add3A_125 = vector.broadcast %add3A_124 : i32 to vector<16xi32>
      %add3A_126 = arith.addi %add3A_125, %mul3A_123 : vector<16xi32>
      %scan3A_127 = arith.constant 0 : i32
      %scan3A_128 = arith.constant 16 : i32
      %scan3A_129 = arith.addi %scan3A_127, %scan3A_128 : i32
      %scan3A_130 = arith.constant 1 : i32
      %scan3A_131:2 = scf.for %scan3A_172 = %scan3A_127 to %scan3A_129 step %scan3A_130 iter_args(%scan3A_173 = %broadcast_in_dim3A_1, %scan3A_174 = %broadcast_in_dim3A_1) -> (vector<16xf32>, vector<16xf32>)  : i32 {
        %mul3A_175 = arith.constant 4 : i32
        %mul3A_176 = arith.muli %scan3A_172, %mul3A_175 : i32
        %add3A_177 = arith.constant 0 : i32
        %add3A_178 = arith.addi %mul3A_176, %add3A_177 : i32
        %add3A_179 = vector.broadcast %add3A_178 : i32 to vector<16xi32>
        %add3A_180 = arith.addi %add3A_179, %iota3A : vector<16xi32>
        %and3A = arith.constant 63 : i32
        %and3A_181 = vector.broadcast %and3A : i32 to vector<16xi32>
        %and3A_182 = arith.andi %add3A_180, %and3A_181 : vector<16xi32>
        %gather3A = tpu.vector_load_idx %arg12[%add3A_120, %and3A_182] : memref<32x64xf32, #tpu.memory_space<vmem>>[vector<16xi32>, vector<16xi32>], vector<16xf32>,
        %gather3A_183 = tpu.vector_load_idx %arg13[%add3A_120, %and3A_182] : memref<672x64xf32, #tpu.memory_space<vmem>>[vector<16xi32>, vector<16xi32>], vector<16xf32>,
        %add3A_184 = arith.constant 0 : i32
        %add3A_185 = vector.broadcast %add3A_184 : i32 to vector<16xi32>
        %add3A_186 = arith.addi %add3A_126, %add3A_185 : vector<16xi32>
        %gather3A_187 = tpu.vector_load_idx %arg13[%add3A_186, %and3A_182] : memref<672x64xf32, #tpu.memory_space<vmem>>[vector<16xi32>, vector<16xi32>], vector<16xf32>,
        %add3A_188 = arith.constant 1 : i32
        %add3A_189 = vector.broadcast %add3A_188 : i32 to vector<16xi32>
        %add3A_190 = arith.addi %add3A_126, %add3A_189 : vector<16xi32>
        %gather3A_191 = tpu.vector_load_idx %arg13[%add3A_190, %and3A_182] : memref<672x64xf32, #tpu.memory_space<vmem>>[vector<16xi32>, vector<16xi32>], vector<16xf32>,
        %add3A_192 = arith.constant 2 : i32
        %add3A_193 = vector.broadcast %add3A_192 : i32 to vector<16xi32>
        %add3A_194 = arith.addi %add3A_126, %add3A_193 : vector<16xi32>
        %gather3A_195 = tpu.vector_load_idx %arg13[%add3A_194, %and3A_182] : memref<672x64xf32, #tpu.memory_space<vmem>>[vector<16xi32>, vector<16xi32>], vector<16xf32>,
        %add3A_196 = arith.constant 3 : i32
        %add3A_197 = vector.broadcast %add3A_196 : i32 to vector<16xi32>
        %add3A_198 = arith.addi %add3A_126, %add3A_197 : vector<16xi32>
        %gather3A_199 = tpu.vector_load_idx %arg13[%add3A_198, %and3A_182] : memref<672x64xf32, #tpu.memory_space<vmem>>[vector<16xi32>, vector<16xi32>], vector<16xf32>,
        %add3A_200 = arith.constant 4 : i32
        %add3A_201 = vector.broadcast %add3A_200 : i32 to vector<16xi32>
        %add3A_202 = arith.addi %add3A_126, %add3A_201 : vector<16xi32>
        %gather3A_203 = tpu.vector_load_idx %arg13[%add3A_202, %and3A_182] : memref<672x64xf32, #tpu.memory_space<vmem>>[vector<16xi32>, vector<16xi32>], vector<16xf32>,
        %add3A_204 = arith.constant 5 : i32
        %add3A_205 = vector.broadcast %add3A_204 : i32 to vector<16xi32>
        %add3A_206 = arith.addi %add3A_126, %add3A_205 : vector<16xi32>
        %gather3A_207 = tpu.vector_load_idx %arg13[%add3A_206, %and3A_182] : memref<672x64xf32, #tpu.memory_space<vmem>>[vector<16xi32>, vector<16xi32>], vector<16xf32>,
        %add3A_208 = arith.constant 6 : i32
        %add3A_209 = vector.broadcast %add3A_208 : i32 to vector<16xi32>
        %add3A_210 = arith.addi %add3A_126, %add3A_209 : vector<16xi32>
        %gather3A_211 = tpu.vector_load_idx %arg13[%add3A_210, %and3A_182] : memref<672x64xf32, #tpu.memory_space<vmem>>[vector<16xi32>, vector<16xi32>], vector<16xf32>,
        %add3A_212 = arith.constant 7 : i32
        %add3A_213 = vector.broadcast %add3A_212 : i32 to vector<16xi32>
        %add3A_214 = arith.addi %add3A_126, %add3A_213 : vector<16xi32>
        %gather3A_215 = tpu.vector_load_idx %arg13[%add3A_214, %and3A_182] : memref<672x64xf32, #tpu.memory_space<vmem>>[vector<16xi32>, vector<16xi32>], vector<16xf32>,
        %add3A_216 = arith.constant 8 : i32
        %add3A_217 = vector.broadcast %add3A_216 : i32 to vector<16xi32>
        %add3A_218 = arith.addi %add3A_126, %add3A_217 : vector<16xi32>
        %gather3A_219 = tpu.vector_load_idx %arg13[%add3A_218, %and3A_182] : memref<672x64xf32, #tpu.memory_space<vmem>>[vector<16xi32>, vector<16xi32>], vector<16xf32>,
        %add3A_220 = arith.constant 9 : i32
        %add3A_221 = vector.broadcast %add3A_220 : i32 to vector<16xi32>
        %add3A_222 = arith.addi %add3A_126, %add3A_221 : vector<16xi32>
        %gather3A_223 = tpu.vector_load_idx %arg13[%add3A_222, %and3A_182] : memref<672x64xf32, #tpu.memory_space<vmem>>[vector<16xi32>, vector<16xi32>], vector<16xf32>,
        %add3A_224 = arith.constant 10 : i32
        %add3A_225 = vector.broadcast %add3A_224 : i32 to vector<16xi32>
        %add3A_226 = arith.addi %add3A_126, %add3A_225 : vector<16xi32>
        %gather3A_227 = tpu.vector_load_idx %arg13[%add3A_226, %and3A_182] : memref<672x64xf32, #tpu.memory_space<vmem>>[vector<16xi32>, vector<16xi32>], vector<16xf32>,
        %add3A_228 = arith.constant 11 : i32
        %add3A_229 = vector.broadcast %add3A_228 : i32 to vector<16xi32>
        %add3A_230 = arith.addi %add3A_126, %add3A_229 : vector<16xi32>
        %gather3A_231 = tpu.vector_load_idx %arg13[%add3A_230, %and3A_182] : memref<672x64xf32, #tpu.memory_space<vmem>>[vector<16xi32>, vector<16xi32>], vector<16xf32>,
        %add3A_232 = arith.constant 12 : i32
        %add3A_233 = vector.broadcast %add3A_232 : i32 to vector<16xi32>
        %add3A_234 = arith.addi %add3A_126, %add3A_233 : vector<16xi32>
        %gather3A_235 = tpu.vector_load_idx %arg13[%add3A_234, %and3A_182] : memref<672x64xf32, #tpu.memory_space<vmem>>[vector<16xi32>, vector<16xi32>], vector<16xf32>,
        %add3A_236 = arith.constant 13 : i32
        %add3A_237 = vector.broadcast %add3A_236 : i32 to vector<16xi32>
        %add3A_238 = arith.addi %add3A_126, %add3A_237 : vector<16xi32>
        %gather3A_239 = tpu.vector_load_idx %arg13[%add3A_238, %and3A_182] : memref<672x64xf32, #tpu.memory_space<vmem>>[vector<16xi32>, vector<16xi32>], vector<16xf32>,
        %add3A_240 = arith.constant 14 : i32
        %add3A_241 = vector.broadcast %add3A_240 : i32 to vector<16xi32>
        %add3A_242 = arith.addi %add3A_126, %add3A_241 : vector<16xi32>
        %gather3A_243 = tpu.vector_load_idx %arg13[%add3A_242, %and3A_182] : memref<672x64xf32, #tpu.memory_space<vmem>>[vector<16xi32>, vector<16xi32>], vector<16xf32>,
        %add3A_244 = arith.constant 15 : i32
        %add3A_245 = vector.broadcast %add3A_244 : i32 to vector<16xi32>
        %add3A_246 = arith.addi %add3A_126, %add3A_245 : vector<16xi32>
        %gather3A_247 = tpu.vector_load_idx %arg13[%add3A_246, %and3A_182] : memref<672x64xf32, #tpu.memory_space<vmem>>[vector<16xi32>, vector<16xi32>], vector<16xf32>,
        %add3A_248 = arith.constant 16 : i32
        %add3A_249 = vector.broadcast %add3A_248 : i32 to vector<16xi32>
        %add3A_250 = arith.addi %add3A_126, %add3A_249 : vector<16xi32>
        %gather3A_251 = tpu.vector_load_idx %arg13[%add3A_250, %and3A_182] : memref<672x64xf32, #tpu.memory_space<vmem>>[vector<16xi32>, vector<16xi32>], vector<16xf32>,
        %add3A_252 = arith.constant 17 : i32
        %add3A_253 = vector.broadcast %add3A_252 : i32 to vector<16xi32>
        %add3A_254 = arith.addi %add3A_126, %add3A_253 : vector<16xi32>
        %gather3A_255 = tpu.vector_load_idx %arg13[%add3A_254, %and3A_182] : memref<672x64xf32, #tpu.memory_space<vmem>>[vector<16xi32>, vector<16xi32>], vector<16xf32>,
        %add3A_256 = arith.constant 18 : i32
        %add3A_257 = vector.broadcast %add3A_256 : i32 to vector<16xi32>
        %add3A_258 = arith.addi %add3A_126, %add3A_257 : vector<16xi32>
        %gather3A_259 = tpu.vector_load_idx %arg13[%add3A_258, %and3A_182] : memref<672x64xf32, #tpu.memory_space<vmem>>[vector<16xi32>, vector<16xi32>], vector<16xf32>,
        %add3A_260 = arith.constant 19 : i32
        %add3A_261 = vector.broadcast %add3A_260 : i32 to vector<16xi32>
        %add3A_262 = arith.addi %add3A_126, %add3A_261 : vector<16xi32>
        %gather3A_263 = tpu.vector_load_idx %arg13[%add3A_262, %and3A_182] : memref<672x64xf32, #tpu.memory_space<vmem>>[vector<16xi32>, vector<16xi32>], vector<16xf32>,
        %add3A_264 = arith.addf %gather3A_187, %gather3A_191 : vector<16xf32>
        %add3A_265 = arith.addf %gather3A_195, %gather3A_199 : vector<16xf32>
        %add3A_266 = arith.addf %gather3A_203, %gather3A_207 : vector<16xf32>
        %add3A_267 = arith.addf %gather3A_211, %gather3A_215 : vector<16xf32>
        %add3A_268 = arith.addf %gather3A_219, %gather3A_223 : vector<16xf32>
        %add3A_269 = arith.addf %gather3A_227, %gather3A_231 : vector<16xf32>
        %add3A_270 = arith.addf %gather3A_235, %gather3A_239 : vector<16xf32>
        %add3A_271 = arith.addf %gather3A_243, %gather3A_247 : vector<16xf32>
        %add3A_272 = arith.addf %gather3A_251, %gather3A_255 : vector<16xf32>
        %add3A_273 = arith.addf %gather3A_259, %gather3A_263 : vector<16xf32>
        %add3A_274 = arith.addf %add3A_264, %add3A_265 : vector<16xf32>
        %add3A_275 = arith.addf %add3A_266, %add3A_267 : vector<16xf32>
        %add3A_276 = arith.addf %add3A_268, %add3A_269 : vector<16xf32>
        %add3A_277 = arith.addf %add3A_270, %add3A_271 : vector<16xf32>
        %add3A_278 = arith.addf %add3A_272, %add3A_273 : vector<16xf32>
        %add3A_279 = arith.addf %add3A_274, %add3A_275 : vector<16xf32>
        %add3A_280 = arith.addf %add3A_276, %add3A_277 : vector<16xf32>
        %add3A_281 = arith.addf %add3A_279, %add3A_280 : vector<16xf32>
        %add3A_282 = arith.addf %add3A_281, %add3A_278 : vector<16xf32>
        %mul3A_283 = arith.mulf %gather3A, %gather3A_183 : vector<16xf32>
        %mul3A_284 = arith.mulf %gather3A, %add3A_282 : vector<16xf32>
        %add3A_285 = arith.constant 1 : i32
        %add3A_286 = arith.addi %mul3A_176, %add3A_285 : i32
        %add3A_287 = vector.broadcast %add3A_286 : i32 to vector<16xi32>
        %add3A_288 = arith.addi %add3A_287, %iota3A : vector<16xi32>
        %and3A_289 = arith.constant 63 : i32
        %and3A_290 = vector.broadcast %and3A_289 : i32 to vector<16xi32>
        %and3A_291 = arith.andi %add3A_288, %and3A_290 : vector<16xi32>
        %gather3A_292 = tpu.vector_load_idx %arg12[%add3A_120, %and3A_291] : memref<32x64xf32, #tpu.memory_space<vmem>>[vector<16xi32>, vector<16xi32>], vector<16xf32>,
        %gather3A_293 = tpu.vector_load_idx %arg13[%add3A_120, %and3A_291] : memref<672x64xf32, #tpu.memory_space<vmem>>[vector<16xi32>, vector<16xi32>], vector<16xf32>,
        %add3A_294 = arith.constant 0 : i32
        %add3A_295 = vector.broadcast %add3A_294 : i32 to vector<16xi32>
        %add3A_296 = arith.addi %add3A_126, %add3A_295 : vector<16xi32>
        %gather3A_297 = tpu.vector_load_idx %arg13[%add3A_296, %and3A_291] : memref<672x64xf32, #tpu.memory_space<vmem>>[vector<16xi32>, vector<16xi32>], vector<16xf32>,
        %add3A_298 = arith.constant 1 : i32
        %add3A_299 = vector.broadcast %add3A_298 : i32 to vector<16xi32>
        %add3A_300 = arith.addi %add3A_126, %add3A_299 : vector<16xi32>
        %gather3A_301 = tpu.vector_load_idx %arg13[%add3A_300, %and3A_291] : memref<672x64xf32, #tpu.memory_space<vmem>>[vector<16xi32>, vector<16xi32>], vector<16xf32>,
        %add3A_302 = arith.constant 2 : i32
        %add3A_303 = vector.broadcast %add3A_302 : i32 to vector<16xi32>
        %add3A_304 = arith.addi %add3A_126, %add3A_303 : vector<16xi32>
        %gather3A_305 = tpu.vector_load_idx %arg13[%add3A_304, %and3A_291] : memref<672x64xf32, #tpu.memory_space<vmem>>[vector<16xi32>, vector<16xi32>], vector<16xf32>,
        %add3A_306 = arith.constant 3 : i32
        %add3A_307 = vector.broadcast %add3A_306 : i32 to vector<16xi32>
        %add3A_308 = arith.addi %add3A_126, %add3A_307 : vector<16xi32>
        %gather3A_309 = tpu.vector_load_idx %arg13[%add3A_308, %and3A_291] : memref<672x64xf32, #tpu.memory_space<vmem>>[vector<16xi32>, vector<16xi32>], vector<16xf32>,
        %add3A_310 = arith.constant 4 : i32
        %add3A_311 = vector.broadcast %add3A_310 : i32 to vector<16xi32>
        %add3A_312 = arith.addi %add3A_126, %add3A_311 : vector<16xi32>
        %gather3A_313 = tpu.vector_load_idx %arg13[%add3A_312, %and3A_291] : memref<672x64xf32, #tpu.memory_space<vmem>>[vector<16xi32>, vector<16xi32>], vector<16xf32>,
        %add3A_314 = arith.constant 5 : i32
        %add3A_315 = vector.broadcast %add3A_314 : i32 to vector<16xi32>
        %add3A_316 = arith.addi %add3A_126, %add3A_315 : vector<16xi32>
        %gather3A_317 = tpu.vector_load_idx %arg13[%add3A_316, %and3A_291] : memref<672x64xf32, #tpu.memory_space<vmem>>[vector<16xi32>, vector<16xi32>], vector<16xf32>,
        %add3A_318 = arith.constant 6 : i32
        %add3A_319 = vector.broadcast %add3A_318 : i32 to vector<16xi32>
        %add3A_320 = arith.addi %add3A_126, %add3A_319 : vector<16xi32>
        %gather3A_321 = tpu.vector_load_idx %arg13[%add3A_320, %and3A_291] : memref<672x64xf32, #tpu.memory_space<vmem>>[vector<16xi32>, vector<16xi32>], vector<16xf32>,
        %add3A_322 = arith.constant 7 : i32
        %add3A_323 = vector.broadcast %add3A_322 : i32 to vector<16xi32>
        %add3A_324 = arith.addi %add3A_126, %add3A_323 : vector<16xi32>
        %gather3A_325 = tpu.vector_load_idx %arg13[%add3A_324, %and3A_291] : memref<672x64xf32, #tpu.memory_space<vmem>>[vector<16xi32>, vector<16xi32>], vector<16xf32>,
        %add3A_326 = arith.constant 8 : i32
        %add3A_327 = vector.broadcast %add3A_326 : i32 to vector<16xi32>
        %add3A_328 = arith.addi %add3A_126, %add3A_327 : vector<16xi32>
        %gather3A_329 = tpu.vector_load_idx %arg13[%add3A_328, %and3A_291] : memref<672x64xf32, #tpu.memory_space<vmem>>[vector<16xi32>, vector<16xi32>], vector<16xf32>,
        %add3A_330 = arith.constant 9 : i32
        %add3A_331 = vector.broadcast %add3A_330 : i32 to vector<16xi32>
        %add3A_332 = arith.addi %add3A_126, %add3A_331 : vector<16xi32>
        %gather3A_333 = tpu.vector_load_idx %arg13[%add3A_332, %and3A_291] : memref<672x64xf32, #tpu.memory_space<vmem>>[vector<16xi32>, vector<16xi32>], vector<16xf32>,
        %add3A_334 = arith.constant 10 : i32
        %add3A_335 = vector.broadcast %add3A_334 : i32 to vector<16xi32>
        %add3A_336 = arith.addi %add3A_126, %add3A_335 : vector<16xi32>
        %gather3A_337 = tpu.vector_load_idx %arg13[%add3A_336, %and3A_291] : memref<672x64xf32, #tpu.memory_space<vmem>>[vector<16xi32>, vector<16xi32>], vector<16xf32>,
        %add3A_338 = arith.constant 11 : i32
        %add3A_339 = vector.broadcast %add3A_338 : i32 to vector<16xi32>
        %add3A_340 = arith.addi %add3A_126, %add3A_339 : vector<16xi32>
        %gather3A_341 = tpu.vector_load_idx %arg13[%add3A_340, %and3A_291] : memref<672x64xf32, #tpu.memory_space<vmem>>[vector<16xi32>, vector<16xi32>], vector<16xf32>,
        %add3A_342 = arith.constant 12 : i32
        %add3A_343 = vector.broadcast %add3A_342 : i32 to vector<16xi32>
        %add3A_344 = arith.addi %add3A_126, %add3A_343 : vector<16xi32>
        %gather3A_345 = tpu.vector_load_idx %arg13[%add3A_344, %and3A_291] : memref<672x64xf32, #tpu.memory_space<vmem>>[vector<16xi32>, vector<16xi32>], vector<16xf32>,
        %add3A_346 = arith.constant 13 : i32
        %add3A_347 = vector.broadcast %add3A_346 : i32 to vector<16xi32>
        %add3A_348 = arith.addi %add3A_126, %add3A_347 : vector<16xi32>
        %gather3A_349 = tpu.vector_load_idx %arg13[%add3A_348, %and3A_291] : memref<672x64xf32, #tpu.memory_space<vmem>>[vector<16xi32>, vector<16xi32>], vector<16xf32>,
        %add3A_350 = arith.constant 14 : i32
        %add3A_351 = vector.broadcast %add3A_350 : i32 to vector<16xi32>
        %add3A_352 = arith.addi %add3A_126, %add3A_351 : vector<16xi32>
        %gather3A_353 = tpu.vector_load_idx %arg13[%add3A_352, %and3A_291] : memref<672x64xf32, #tpu.memory_space<vmem>>[vector<16xi32>, vector<16xi32>], vector<16xf32>,
        %add3A_354 = arith.constant 15 : i32
        %add3A_355 = vector.broadcast %add3A_354 : i32 to vector<16xi32>
        %add3A_356 = arith.addi %add3A_126, %add3A_355 : vector<16xi32>
        %gather3A_357 = tpu.vector_load_idx %arg13[%add3A_356, %and3A_291] : memref<672x64xf32, #tpu.memory_space<vmem>>[vector<16xi32>, vector<16xi32>], vector<16xf32>,
        %add3A_358 = arith.constant 16 : i32
        %add3A_359 = vector.broadcast %add3A_358 : i32 to vector<16xi32>
        %add3A_360 = arith.addi %add3A_126, %add3A_359 : vector<16xi32>
        %gather3A_361 = tpu.vector_load_idx %arg13[%add3A_360, %and3A_291] : memref<672x64xf32, #tpu.memory_space<vmem>>[vector<16xi32>, vector<16xi32>], vector<16xf32>,
        %add3A_362 = arith.constant 17 : i32
        %add3A_363 = vector.broadcast %add3A_362 : i32 to vector<16xi32>
        %add3A_364 = arith.addi %add3A_126, %add3A_363 : vector<16xi32>
        %gather3A_365 = tpu.vector_load_idx %arg13[%add3A_364, %and3A_291] : memref<672x64xf32, #tpu.memory_space<vmem>>[vector<16xi32>, vector<16xi32>], vector<16xf32>,
        %add3A_366 = arith.constant 18 : i32
        %add3A_367 = vector.broadcast %add3A_366 : i32 to vector<16xi32>
        %add3A_368 = arith.addi %add3A_126, %add3A_367 : vector<16xi32>
        %gather3A_369 = tpu.vector_load_idx %arg13[%add3A_368, %and3A_291] : memref<672x64xf32, #tpu.memory_space<vmem>>[vector<16xi32>, vector<16xi32>], vector<16xf32>,
        %add3A_370 = arith.constant 19 : i32
        %add3A_371 = vector.broadcast %add3A_370 : i32 to vector<16xi32>
        %add3A_372 = arith.addi %add3A_126, %add3A_371 : vector<16xi32>
        %gather3A_373 = tpu.vector_load_idx %arg13[%add3A_372, %and3A_291] : memref<672x64xf32, #tpu.memory_space<vmem>>[vector<16xi32>, vector<16xi32>], vector<16xf32>,
        %add3A_374 = arith.addf %gather3A_297, %gather3A_301 : vector<16xf32>
        %add3A_375 = arith.addf %gather3A_305, %gather3A_309 : vector<16xf32>
        %add3A_376 = arith.addf %gather3A_313, %gather3A_317 : vector<16xf32>
        %add3A_377 = arith.addf %gather3A_321, %gather3A_325 : vector<16xf32>
        %add3A_378 = arith.addf %gather3A_329, %gather3A_333 : vector<16xf32>
        %add3A_379 = arith.addf %gather3A_337, %gather3A_341 : vector<16xf32>
        %add3A_380 = arith.addf %gather3A_345, %gather3A_349 : vector<16xf32>
        %add3A_381 = arith.addf %gather3A_353, %gather3A_357 : vector<16xf32>
        %add3A_382 = arith.addf %gather3A_361, %gather3A_365 : vector<16xf32>
        %add3A_383 = arith.addf %gather3A_369, %gather3A_373 : vector<16xf32>
        %add3A_384 = arith.addf %add3A_374, %add3A_375 : vector<16xf32>
        %add3A_385 = arith.addf %add3A_376, %add3A_377 : vector<16xf32>
        %add3A_386 = arith.addf %add3A_378, %add3A_379 : vector<16xf32>
        %add3A_387 = arith.addf %add3A_380, %add3A_381 : vector<16xf32>
        %add3A_388 = arith.addf %add3A_382, %add3A_383 : vector<16xf32>
        %add3A_389 = arith.addf %add3A_384, %add3A_385 : vector<16xf32>
        %add3A_390 = arith.addf %add3A_386, %add3A_387 : vector<16xf32>
        %add3A_391 = arith.addf %add3A_389, %add3A_390 : vector<16xf32>
        %add3A_392 = arith.addf %add3A_391, %add3A_388 : vector<16xf32>
        %mul3A_393 = arith.mulf %gather3A_292, %gather3A_293 : vector<16xf32>
        %mul3A_394 = arith.mulf %gather3A_292, %add3A_392 : vector<16xf32>
        %add3A_395 = arith.constant 2 : i32
        %add3A_396 = arith.addi %mul3A_176, %add3A_395 : i32
        %add3A_397 = vector.broadcast %add3A_396 : i32 to vector<16xi32>
        %add3A_398 = arith.addi %add3A_397, %iota3A : vector<16xi32>
        %and3A_399 = arith.constant 63 : i32
        %and3A_400 = vector.broadcast %and3A_399 : i32 to vector<16xi32>
        %and3A_401 = arith.andi %add3A_398, %and3A_400 : vector<16xi32>
        %gather3A_402 = tpu.vector_load_idx %arg12[%add3A_120, %and3A_401] : memref<32x64xf32, #tpu.memory_space<vmem>>[vector<16xi32>, vector<16xi32>], vector<16xf32>,
        %gather3A_403 = tpu.vector_load_idx %arg13[%add3A_120, %and3A_401] : memref<672x64xf32, #tpu.memory_space<vmem>>[vector<16xi32>, vector<16xi32>], vector<16xf32>,
        %add3A_404 = arith.constant 0 : i32
        %add3A_405 = vector.broadcast %add3A_404 : i32 to vector<16xi32>
        %add3A_406 = arith.addi %add3A_126, %add3A_405 : vector<16xi32>
        %gather3A_407 = tpu.vector_load_idx %arg13[%add3A_406, %and3A_401] : memref<672x64xf32, #tpu.memory_space<vmem>>[vector<16xi32>, vector<16xi32>], vector<16xf32>,
        %add3A_408 = arith.constant 1 : i32
        %add3A_409 = vector.broadcast %add3A_408 : i32 to vector<16xi32>
        %add3A_410 = arith.addi %add3A_126, %add3A_409 : vector<16xi32>
        %gather3A_411 = tpu.vector_load_idx %arg13[%add3A_410, %and3A_401] : memref<672x64xf32, #tpu.memory_space<vmem>>[vector<16xi32>, vector<16xi32>], vector<16xf32>,
        %add3A_412 = arith.constant 2 : i32
        %add3A_413 = vector.broadcast %add3A_412 : i32 to vector<16xi32>
        %add3A_414 = arith.addi %add3A_126, %add3A_413 : vector<16xi32>
        %gather3A_415 = tpu.vector_load_idx %arg13[%add3A_414, %and3A_401] : memref<672x64xf32, #tpu.memory_space<vmem>>[vector<16xi32>, vector<16xi32>], vector<16xf32>,
        %add3A_416 = arith.constant 3 : i32
        %add3A_417 = vector.broadcast %add3A_416 : i32 to vector<16xi32>
        %add3A_418 = arith.addi %add3A_126, %add3A_417 : vector<16xi32>
        %gather3A_419 = tpu.vector_load_idx %arg13[%add3A_418, %and3A_401] : memref<672x64xf32, #tpu.memory_space<vmem>>[vector<16xi32>, vector<16xi32>], vector<16xf32>,
        %add3A_420 = arith.constant 4 : i32
        %add3A_421 = vector.broadcast %add3A_420 : i32 to vector<16xi32>
        %add3A_422 = arith.addi %add3A_126, %add3A_421 : vector<16xi32>
        %gather3A_423 = tpu.vector_load_idx %arg13[%add3A_422, %and3A_401] : memref<672x64xf32, #tpu.memory_space<vmem>>[vector<16xi32>, vector<16xi32>], vector<16xf32>,
        %add3A_424 = arith.constant 5 : i32
        %add3A_425 = vector.broadcast %add3A_424 : i32 to vector<16xi32>
        %add3A_426 = arith.addi %add3A_126, %add3A_425 : vector<16xi32>
        %gather3A_427 = tpu.vector_load_idx %arg13[%add3A_426, %and3A_401] : memref<672x64xf32, #tpu.memory_space<vmem>>[vector<16xi32>, vector<16xi32>], vector<16xf32>,
        %add3A_428 = arith.constant 6 : i32
        %add3A_429 = vector.broadcast %add3A_428 : i32 to vector<16xi32>
        %add3A_430 = arith.addi %add3A_126, %add3A_429 : vector<16xi32>
        %gather3A_431 = tpu.vector_load_idx %arg13[%add3A_430, %and3A_401] : memref<672x64xf32, #tpu.memory_space<vmem>>[vector<16xi32>, vector<16xi32>], vector<16xf32>,
        %add3A_432 = arith.constant 7 : i32
        %add3A_433 = vector.broadcast %add3A_432 : i32 to vector<16xi32>
        %add3A_434 = arith.addi %add3A_126, %add3A_433 : vector<16xi32>
        %gather3A_435 = tpu.vector_load_idx %arg13[%add3A_434, %and3A_401] : memref<672x64xf32, #tpu.memory_space<vmem>>[vector<16xi32>, vector<16xi32>], vector<16xf32>,
        %add3A_436 = arith.constant 8 : i32
        %add3A_437 = vector.broadcast %add3A_436 : i32 to vector<16xi32>
        %add3A_438 = arith.addi %add3A_126, %add3A_437 : vector<16xi32>
        %gather3A_439 = tpu.vector_load_idx %arg13[%add3A_438, %and3A_401] : memref<672x64xf32, #tpu.memory_space<vmem>>[vector<16xi32>, vector<16xi32>], vector<16xf32>,
        %add3A_440 = arith.constant 9 : i32
        %add3A_441 = vector.broadcast %add3A_440 : i32 to vector<16xi32>
        %add3A_442 = arith.addi %add3A_126, %add3A_441 : vector<16xi32>
        %gather3A_443 = tpu.vector_load_idx %arg13[%add3A_442, %and3A_401] : memref<672x64xf32, #tpu.memory_space<vmem>>[vector<16xi32>, vector<16xi32>], vector<16xf32>,
        %add3A_444 = arith.constant 10 : i32
        %add3A_445 = vector.broadcast %add3A_444 : i32 to vector<16xi32>
        %add3A_446 = arith.addi %add3A_126, %add3A_445 : vector<16xi32>
        %gather3A_447 = tpu.vector_load_idx %arg13[%add3A_446, %and3A_401] : memref<672x64xf32, #tpu.memory_space<vmem>>[vector<16xi32>, vector<16xi32>], vector<16xf32>,
        %add3A_448 = arith.constant 11 : i32
        %add3A_449 = vector.broadcast %add3A_448 : i32 to vector<16xi32>
        %add3A_450 = arith.addi %add3A_126, %add3A_449 : vector<16xi32>
        %gather3A_451 = tpu.vector_load_idx %arg13[%add3A_450, %and3A_401] : memref<672x64xf32, #tpu.memory_space<vmem>>[vector<16xi32>, vector<16xi32>], vector<16xf32>,
        %add3A_452 = arith.constant 12 : i32
        %add3A_453 = vector.broadcast %add3A_452 : i32 to vector<16xi32>
        %add3A_454 = arith.addi %add3A_126, %add3A_453 : vector<16xi32>
        %gather3A_455 = tpu.vector_load_idx %arg13[%add3A_454, %and3A_401] : memref<672x64xf32, #tpu.memory_space<vmem>>[vector<16xi32>, vector<16xi32>], vector<16xf32>,
        %add3A_456 = arith.constant 13 : i32
        %add3A_457 = vector.broadcast %add3A_456 : i32 to vector<16xi32>
        %add3A_458 = arith.addi %add3A_126, %add3A_457 : vector<16xi32>
        %gather3A_459 = tpu.vector_load_idx %arg13[%add3A_458, %and3A_401] : memref<672x64xf32, #tpu.memory_space<vmem>>[vector<16xi32>, vector<16xi32>], vector<16xf32>,
        %add3A_460 = arith.constant 14 : i32
        %add3A_461 = vector.broadcast %add3A_460 : i32 to vector<16xi32>
        %add3A_462 = arith.addi %add3A_126, %add3A_461 : vector<16xi32>
        %gather3A_463 = tpu.vector_load_idx %arg13[%add3A_462, %and3A_401] : memref<672x64xf32, #tpu.memory_space<vmem>>[vector<16xi32>, vector<16xi32>], vector<16xf32>,
        %add3A_464 = arith.constant 15 : i32
        %add3A_465 = vector.broadcast %add3A_464 : i32 to vector<16xi32>
        %add3A_466 = arith.addi %add3A_126, %add3A_465 : vector<16xi32>
        %gather3A_467 = tpu.vector_load_idx %arg13[%add3A_466, %and3A_401] : memref<672x64xf32, #tpu.memory_space<vmem>>[vector<16xi32>, vector<16xi32>], vector<16xf32>,
        %add3A_468 = arith.constant 16 : i32
        %add3A_469 = vector.broadcast %add3A_468 : i32 to vector<16xi32>
        %add3A_470 = arith.addi %add3A_126, %add3A_469 : vector<16xi32>
        %gather3A_471 = tpu.vector_load_idx %arg13[%add3A_470, %and3A_401] : memref<672x64xf32, #tpu.memory_space<vmem>>[vector<16xi32>, vector<16xi32>], vector<16xf32>,
        %add3A_472 = arith.constant 17 : i32
        %add3A_473 = vector.broadcast %add3A_472 : i32 to vector<16xi32>
        %add3A_474 = arith.addi %add3A_126, %add3A_473 : vector<16xi32>
        %gather3A_475 = tpu.vector_load_idx %arg13[%add3A_474, %and3A_401] : memref<672x64xf32, #tpu.memory_space<vmem>>[vector<16xi32>, vector<16xi32>], vector<16xf32>,
        %add3A_476 = arith.constant 18 : i32
        %add3A_477 = vector.broadcast %add3A_476 : i32 to vector<16xi32>
        %add3A_478 = arith.addi %add3A_126, %add3A_477 : vector<16xi32>
        %gather3A_479 = tpu.vector_load_idx %arg13[%add3A_478, %and3A_401] : memref<672x64xf32, #tpu.memory_space<vmem>>[vector<16xi32>, vector<16xi32>], vector<16xf32>,
        %add3A_480 = arith.constant 19 : i32
        %add3A_481 = vector.broadcast %add3A_480 : i32 to vector<16xi32>
        %add3A_482 = arith.addi %add3A_126, %add3A_481 : vector<16xi32>
        %gather3A_483 = tpu.vector_load_idx %arg13[%add3A_482, %and3A_401] : memref<672x64xf32, #tpu.memory_space<vmem>>[vector<16xi32>, vector<16xi32>], vector<16xf32>,
        %add3A_484 = arith.addf %gather3A_407, %gather3A_411 : vector<16xf32>
        %add3A_485 = arith.addf %gather3A_415, %gather3A_419 : vector<16xf32>
        %add3A_486 = arith.addf %gather3A_423, %gather3A_427 : vector<16xf32>
        %add3A_487 = arith.addf %gather3A_431, %gather3A_435 : vector<16xf32>
        %add3A_488 = arith.addf %gather3A_439, %gather3A_443 : vector<16xf32>
        %add3A_489 = arith.addf %gather3A_447, %gather3A_451 : vector<16xf32>
        %add3A_490 = arith.addf %gather3A_455, %gather3A_459 : vector<16xf32>
        %add3A_491 = arith.addf %gather3A_463, %gather3A_467 : vector<16xf32>
        %add3A_492 = arith.addf %gather3A_471, %gather3A_475 : vector<16xf32>
        %add3A_493 = arith.addf %gather3A_479, %gather3A_483 : vector<16xf32>
        %add3A_494 = arith.addf %add3A_484, %add3A_485 : vector<16xf32>
        %add3A_495 = arith.addf %add3A_486, %add3A_487 : vector<16xf32>
        %add3A_496 = arith.addf %add3A_488, %add3A_489 : vector<16xf32>
        %add3A_497 = arith.addf %add3A_490, %add3A_491 : vector<16xf32>
        %add3A_498 = arith.addf %add3A_492, %add3A_493 : vector<16xf32>
        %add3A_499 = arith.addf %add3A_494, %add3A_495 : vector<16xf32>
        %add3A_500 = arith.addf %add3A_496, %add3A_497 : vector<16xf32>
        %add3A_501 = arith.addf %add3A_499, %add3A_500 : vector<16xf32>
        %add3A_502 = arith.addf %add3A_501, %add3A_498 : vector<16xf32>
        %mul3A_503 = arith.mulf %gather3A_402, %gather3A_403 : vector<16xf32>
        %mul3A_504 = arith.mulf %gather3A_402, %add3A_502 : vector<16xf32>
        %add3A_505 = arith.constant 3 : i32
        %add3A_506 = arith.addi %mul3A_176, %add3A_505 : i32
        %add3A_507 = vector.broadcast %add3A_506 : i32 to vector<16xi32>
        %add3A_508 = arith.addi %add3A_507, %iota3A : vector<16xi32>
        %and3A_509 = arith.constant 63 : i32
        %and3A_510 = vector.broadcast %and3A_509 : i32 to vector<16xi32>
        %and3A_511 = arith.andi %add3A_508, %and3A_510 : vector<16xi32>
        %gather3A_512 = tpu.vector_load_idx %arg12[%add3A_120, %and3A_511] : memref<32x64xf32, #tpu.memory_space<vmem>>[vector<16xi32>, vector<16xi32>], vector<16xf32>,
        %gather3A_513 = tpu.vector_load_idx %arg13[%add3A_120, %and3A_511] : memref<672x64xf32, #tpu.memory_space<vmem>>[vector<16xi32>, vector<16xi32>], vector<16xf32>,
        %add3A_514 = arith.constant 0 : i32
        %add3A_515 = vector.broadcast %add3A_514 : i32 to vector<16xi32>
        %add3A_516 = arith.addi %add3A_126, %add3A_515 : vector<16xi32>
        %gather3A_517 = tpu.vector_load_idx %arg13[%add3A_516, %and3A_511] : memref<672x64xf32, #tpu.memory_space<vmem>>[vector<16xi32>, vector<16xi32>], vector<16xf32>,
        %add3A_518 = arith.constant 1 : i32
        %add3A_519 = vector.broadcast %add3A_518 : i32 to vector<16xi32>
        %add3A_520 = arith.addi %add3A_126, %add3A_519 : vector<16xi32>
        %gather3A_521 = tpu.vector_load_idx %arg13[%add3A_520, %and3A_511] : memref<672x64xf32, #tpu.memory_space<vmem>>[vector<16xi32>, vector<16xi32>], vector<16xf32>,
        %add3A_522 = arith.constant 2 : i32
        %add3A_523 = vector.broadcast %add3A_522 : i32 to vector<16xi32>
        %add3A_524 = arith.addi %add3A_126, %add3A_523 : vector<16xi32>
        %gather3A_525 = tpu.vector_load_idx %arg13[%add3A_524, %and3A_511] : memref<672x64xf32, #tpu.memory_space<vmem>>[vector<16xi32>, vector<16xi32>], vector<16xf32>,
        %add3A_526 = arith.constant 3 : i32
        %add3A_527 = vector.broadcast %add3A_526 : i32 to vector<16xi32>
        %add3A_528 = arith.addi %add3A_126, %add3A_527 : vector<16xi32>
        %gather3A_529 = tpu.vector_load_idx %arg13[%add3A_528, %and3A_511] : memref<672x64xf32, #tpu.memory_space<vmem>>[vector<16xi32>, vector<16xi32>], vector<16xf32>,
        %add3A_530 = arith.constant 4 : i32
        %add3A_531 = vector.broadcast %add3A_530 : i32 to vector<16xi32>
        %add3A_532 = arith.addi %add3A_126, %add3A_531 : vector<16xi32>
        %gather3A_533 = tpu.vector_load_idx %arg13[%add3A_532, %and3A_511] : memref<672x64xf32, #tpu.memory_space<vmem>>[vector<16xi32>, vector<16xi32>], vector<16xf32>,
        %add3A_534 = arith.constant 5 : i32
        %add3A_535 = vector.broadcast %add3A_534 : i32 to vector<16xi32>
        %add3A_536 = arith.addi %add3A_126, %add3A_535 : vector<16xi32>
        %gather3A_537 = tpu.vector_load_idx %arg13[%add3A_536, %and3A_511] : memref<672x64xf32, #tpu.memory_space<vmem>>[vector<16xi32>, vector<16xi32>], vector<16xf32>,
        %add3A_538 = arith.constant 6 : i32
        %add3A_539 = vector.broadcast %add3A_538 : i32 to vector<16xi32>
        %add3A_540 = arith.addi %add3A_126, %add3A_539 : vector<16xi32>
        %gather3A_541 = tpu.vector_load_idx %arg13[%add3A_540, %and3A_511] : memref<672x64xf32, #tpu.memory_space<vmem>>[vector<16xi32>, vector<16xi32>], vector<16xf32>,
        %add3A_542 = arith.constant 7 : i32
        %add3A_543 = vector.broadcast %add3A_542 : i32 to vector<16xi32>
        %add3A_544 = arith.addi %add3A_126, %add3A_543 : vector<16xi32>
        %gather3A_545 = tpu.vector_load_idx %arg13[%add3A_544, %and3A_511] : memref<672x64xf32, #tpu.memory_space<vmem>>[vector<16xi32>, vector<16xi32>], vector<16xf32>,
        %add3A_546 = arith.constant 8 : i32
        %add3A_547 = vector.broadcast %add3A_546 : i32 to vector<16xi32>
        %add3A_548 = arith.addi %add3A_126, %add3A_547 : vector<16xi32>
        %gather3A_549 = tpu.vector_load_idx %arg13[%add3A_548, %and3A_511] : memref<672x64xf32, #tpu.memory_space<vmem>>[vector<16xi32>, vector<16xi32>], vector<16xf32>,
        %add3A_550 = arith.constant 9 : i32
        %add3A_551 = vector.broadcast %add3A_550 : i32 to vector<16xi32>
        %add3A_552 = arith.addi %add3A_126, %add3A_551 : vector<16xi32>
        %gather3A_553 = tpu.vector_load_idx %arg13[%add3A_552, %and3A_511] : memref<672x64xf32, #tpu.memory_space<vmem>>[vector<16xi32>, vector<16xi32>], vector<16xf32>,
        %add3A_554 = arith.constant 10 : i32
        %add3A_555 = vector.broadcast %add3A_554 : i32 to vector<16xi32>
        %add3A_556 = arith.addi %add3A_126, %add3A_555 : vector<16xi32>
        %gather3A_557 = tpu.vector_load_idx %arg13[%add3A_556, %and3A_511] : memref<672x64xf32, #tpu.memory_space<vmem>>[vector<16xi32>, vector<16xi32>], vector<16xf32>,
        %add3A_558 = arith.constant 11 : i32
        %add3A_559 = vector.broadcast %add3A_558 : i32 to vector<16xi32>
        %add3A_560 = arith.addi %add3A_126, %add3A_559 : vector<16xi32>
        %gather3A_561 = tpu.vector_load_idx %arg13[%add3A_560, %and3A_511] : memref<672x64xf32, #tpu.memory_space<vmem>>[vector<16xi32>, vector<16xi32>], vector<16xf32>,
        %add3A_562 = arith.constant 12 : i32
        %add3A_563 = vector.broadcast %add3A_562 : i32 to vector<16xi32>
        %add3A_564 = arith.addi %add3A_126, %add3A_563 : vector<16xi32>
        %gather3A_565 = tpu.vector_load_idx %arg13[%add3A_564, %and3A_511] : memref<672x64xf32, #tpu.memory_space<vmem>>[vector<16xi32>, vector<16xi32>], vector<16xf32>,
        %add3A_566 = arith.constant 13 : i32
        %add3A_567 = vector.broadcast %add3A_566 : i32 to vector<16xi32>
        %add3A_568 = arith.addi %add3A_126, %add3A_567 : vector<16xi32>
        %gather3A_569 = tpu.vector_load_idx %arg13[%add3A_568, %and3A_511] : memref<672x64xf32, #tpu.memory_space<vmem>>[vector<16xi32>, vector<16xi32>], vector<16xf32>,
        %add3A_570 = arith.constant 14 : i32
        %add3A_571 = vector.broadcast %add3A_570 : i32 to vector<16xi32>
        %add3A_572 = arith.addi %add3A_126, %add3A_571 : vector<16xi32>
        %gather3A_573 = tpu.vector_load_idx %arg13[%add3A_572, %and3A_511] : memref<672x64xf32, #tpu.memory_space<vmem>>[vector<16xi32>, vector<16xi32>], vector<16xf32>,
        %add3A_574 = arith.constant 15 : i32
        %add3A_575 = vector.broadcast %add3A_574 : i32 to vector<16xi32>
        %add3A_576 = arith.addi %add3A_126, %add3A_575 : vector<16xi32>
        %gather3A_577 = tpu.vector_load_idx %arg13[%add3A_576, %and3A_511] : memref<672x64xf32, #tpu.memory_space<vmem>>[vector<16xi32>, vector<16xi32>], vector<16xf32>,
        %add3A_578 = arith.constant 16 : i32
        %add3A_579 = vector.broadcast %add3A_578 : i32 to vector<16xi32>
        %add3A_580 = arith.addi %add3A_126, %add3A_579 : vector<16xi32>
        %gather3A_581 = tpu.vector_load_idx %arg13[%add3A_580, %and3A_511] : memref<672x64xf32, #tpu.memory_space<vmem>>[vector<16xi32>, vector<16xi32>], vector<16xf32>,
        %add3A_582 = arith.constant 17 : i32
        %add3A_583 = vector.broadcast %add3A_582 : i32 to vector<16xi32>
        %add3A_584 = arith.addi %add3A_126, %add3A_583 : vector<16xi32>
        %gather3A_585 = tpu.vector_load_idx %arg13[%add3A_584, %and3A_511] : memref<672x64xf32, #tpu.memory_space<vmem>>[vector<16xi32>, vector<16xi32>], vector<16xf32>,
        %add3A_586 = arith.constant 18 : i32
        %add3A_587 = vector.broadcast %add3A_586 : i32 to vector<16xi32>
        %add3A_588 = arith.addi %add3A_126, %add3A_587 : vector<16xi32>
        %gather3A_589 = tpu.vector_load_idx %arg13[%add3A_588, %and3A_511] : memref<672x64xf32, #tpu.memory_space<vmem>>[vector<16xi32>, vector<16xi32>], vector<16xf32>,
        %add3A_590 = arith.constant 19 : i32
        %add3A_591 = vector.broadcast %add3A_590 : i32 to vector<16xi32>
        %add3A_592 = arith.addi %add3A_126, %add3A_591 : vector<16xi32>
        %gather3A_593 = tpu.vector_load_idx %arg13[%add3A_592, %and3A_511] : memref<672x64xf32, #tpu.memory_space<vmem>>[vector<16xi32>, vector<16xi32>], vector<16xf32>,
        %add3A_594 = arith.addf %gather3A_517, %gather3A_521 : vector<16xf32>
        %add3A_595 = arith.addf %gather3A_525, %gather3A_529 : vector<16xf32>
        %add3A_596 = arith.addf %gather3A_533, %gather3A_537 : vector<16xf32>
        %add3A_597 = arith.addf %gather3A_541, %gather3A_545 : vector<16xf32>
        %add3A_598 = arith.addf %gather3A_549, %gather3A_553 : vector<16xf32>
        %add3A_599 = arith.addf %gather3A_557, %gather3A_561 : vector<16xf32>
        %add3A_600 = arith.addf %gather3A_565, %gather3A_569 : vector<16xf32>
        %add3A_601 = arith.addf %gather3A_573, %gather3A_577 : vector<16xf32>
        %add3A_602 = arith.addf %gather3A_581, %gather3A_585 : vector<16xf32>
        %add3A_603 = arith.addf %gather3A_589, %gather3A_593 : vector<16xf32>
        %add3A_604 = arith.addf %add3A_594, %add3A_595 : vector<16xf32>
        %add3A_605 = arith.addf %add3A_596, %add3A_597 : vector<16xf32>
        %add3A_606 = arith.addf %add3A_598, %add3A_599 : vector<16xf32>
        %add3A_607 = arith.addf %add3A_600, %add3A_601 : vector<16xf32>
        %add3A_608 = arith.addf %add3A_602, %add3A_603 : vector<16xf32>
        %add3A_609 = arith.addf %add3A_604, %add3A_605 : vector<16xf32>
        %add3A_610 = arith.addf %add3A_606, %add3A_607 : vector<16xf32>
        %add3A_611 = arith.addf %add3A_609, %add3A_610 : vector<16xf32>
        %add3A_612 = arith.addf %add3A_611, %add3A_608 : vector<16xf32>
        %mul3A_613 = arith.mulf %gather3A_512, %gather3A_513 : vector<16xf32>
        %mul3A_614 = arith.mulf %gather3A_512, %add3A_612 : vector<16xf32>
        %add3A_615 = arith.addf %mul3A_283, %mul3A_393 : vector<16xf32>
        %add3A_616 = arith.addf %mul3A_503, %mul3A_613 : vector<16xf32>
        %add3A_617 = arith.addf %add3A_615, %add3A_616 : vector<16xf32>
        %add3A_618 = arith.addf %scan3A_173, %add3A_617 : vector<16xf32>
        %add3A_619 = arith.addf %mul3A_284, %mul3A_394 : vector<16xf32>
        %add3A_620 = arith.addf %mul3A_504, %mul3A_614 : vector<16xf32>
        %add3A_621 = arith.addf %add3A_619, %add3A_620 : vector<16xf32>
        %add3A_622 = arith.addf %scan3A_174, %add3A_621 : vector<16xf32>
        scf.yield %add3A_618, %add3A_622 : vector<16xf32>, vector<16xf32>
      }
      %scan3A_132 = arith.constant 16 : i32
      %mul3A_133 = arith.constant 32 : i32
      %mul3A_134 = arith.muli %add3A_98, %mul3A_133 : i32
      %add3A_135 = arith.constant 0 : i32
      %add3A_136 = arith.addi %mul3A_134, %add3A_135 : i32
      %swap3A_137 = arith.index_cast %add3A_136 : i32 to index
      %swap3A_138 = tpu.vector_load %arg14[%swap3A_137] {strides = array<i32>} : memref<512xf32, #tpu.memory_space<vmem>>, vector<16xf32>,
      tpu.vector_store %arg14[%swap3A_137], %scan3A_131#0 {strides = array<i32>} : memref<512xf32, #tpu.memory_space<vmem>>, vector<16xf32>,
      %mul3A_139 = arith.constant 32 : i32
      %mul3A_140 = arith.muli %add3A_98, %mul3A_139 : i32
      %add3A_141 = arith.constant 0 : i32
      %add3A_142 = arith.addi %mul3A_140, %add3A_141 : i32
      %swap3A_143 = arith.index_cast %add3A_142 : i32 to index
      %swap3A_144 = tpu.vector_load %arg15[%swap3A_143] {strides = array<i32>} : memref<512xf32, #tpu.memory_space<vmem>>, vector<16xf32>,
      tpu.vector_store %arg15[%swap3A_143], %scan3A_131#1 {strides = array<i32>} : memref<512xf32, #tpu.memory_space<vmem>>, vector<16xf32>,
      %add3A_145 = arith.constant 16 : i32
      %add3A_146 = vector.broadcast %add3A_145 : i32 to vector<16xi32>
      %add3A_147 = arith.addi %add3A_146, %iota3A : vector<16xi32>
      %mul3A_148 = arith.constant 20 : i32
      %mul3A_149 = vector.broadcast %mul3A_148 : i32 to vector<16xi32>
      %mul3A_150 = arith.muli %add3A_147, %mul3A_149 : vector<16xi32>
      %add3A_151 = arith.constant 32 : i32
      %add3A_152 = vector.broadcast %add3A_151 : i32 to vector<16xi32>
      %add3A_153 = arith.addi %add3A_152, %mul3A_150 : vector<16xi32>
      %scan3A_154 = arith.constant 0 : i32
      %scan3A_155 = arith.constant 16 : i32
      %scan3A_156 = arith.addi %scan3A_154, %scan3A_155 : i32
      %scan3A_157 = arith.constant 1 : i32
      %scan3A_158:2 = scf.for %scan3A_172 = %scan3A_154 to %scan3A_156 step %scan3A_157 iter_args(%scan3A_173 = %broadcast_in_dim3A_1, %scan3A_174 = %broadcast_in_dim3A_1) -> (vector<16xf32>, vector<16xf32>)  : i32 {
        %mul3A_175 = arith.constant 4 : i32
        %mul3A_176 = arith.muli %scan3A_172, %mul3A_175 : i32
        %add3A_177 = arith.constant 0 : i32
        %add3A_178 = arith.addi %mul3A_176, %add3A_177 : i32
        %add3A_179 = vector.broadcast %add3A_178 : i32 to vector<16xi32>
        %add3A_180 = arith.addi %add3A_179, %iota3A : vector<16xi32>
        %and3A = arith.constant 63 : i32
        %and3A_181 = vector.broadcast %and3A : i32 to vector<16xi32>
        %and3A_182 = arith.andi %add3A_180, %and3A_181 : vector<16xi32>
        %gather3A = tpu.vector_load_idx %arg12[%add3A_147, %and3A_182] : memref<32x64xf32, #tpu.memory_space<vmem>>[vector<16xi32>, vector<16xi32>], vector<16xf32>,
        %gather3A_183 = tpu.vector_load_idx %arg13[%add3A_147, %and3A_182] : memref<672x64xf32, #tpu.memory_space<vmem>>[vector<16xi32>, vector<16xi32>], vector<16xf32>,
        %add3A_184 = arith.constant 0 : i32
        %add3A_185 = vector.broadcast %add3A_184 : i32 to vector<16xi32>
        %add3A_186 = arith.addi %add3A_153, %add3A_185 : vector<16xi32>
        %gather3A_187 = tpu.vector_load_idx %arg13[%add3A_186, %and3A_182] : memref<672x64xf32, #tpu.memory_space<vmem>>[vector<16xi32>, vector<16xi32>], vector<16xf32>,
        %add3A_188 = arith.constant 1 : i32
        %add3A_189 = vector.broadcast %add3A_188 : i32 to vector<16xi32>
        %add3A_190 = arith.addi %add3A_153, %add3A_189 : vector<16xi32>
        %gather3A_191 = tpu.vector_load_idx %arg13[%add3A_190, %and3A_182] : memref<672x64xf32, #tpu.memory_space<vmem>>[vector<16xi32>, vector<16xi32>], vector<16xf32>,
        %add3A_192 = arith.constant 2 : i32
        %add3A_193 = vector.broadcast %add3A_192 : i32 to vector<16xi32>
        %add3A_194 = arith.addi %add3A_153, %add3A_193 : vector<16xi32>
        %gather3A_195 = tpu.vector_load_idx %arg13[%add3A_194, %and3A_182] : memref<672x64xf32, #tpu.memory_space<vmem>>[vector<16xi32>, vector<16xi32>], vector<16xf32>,
        %add3A_196 = arith.constant 3 : i32
        %add3A_197 = vector.broadcast %add3A_196 : i32 to vector<16xi32>
        %add3A_198 = arith.addi %add3A_153, %add3A_197 : vector<16xi32>
        %gather3A_199 = tpu.vector_load_idx %arg13[%add3A_198, %and3A_182] : memref<672x64xf32, #tpu.memory_space<vmem>>[vector<16xi32>, vector<16xi32>], vector<16xf32>,
        %add3A_200 = arith.constant 4 : i32
        %add3A_201 = vector.broadcast %add3A_200 : i32 to vector<16xi32>
        %add3A_202 = arith.addi %add3A_153, %add3A_201 : vector<16xi32>
        %gather3A_203 = tpu.vector_load_idx %arg13[%add3A_202, %and3A_182] : memref<672x64xf32, #tpu.memory_space<vmem>>[vector<16xi32>, vector<16xi32>], vector<16xf32>,
        %add3A_204 = arith.constant 5 : i32
        %add3A_205 = vector.broadcast %add3A_204 : i32 to vector<16xi32>
        %add3A_206 = arith.addi %add3A_153, %add3A_205 : vector<16xi32>
        %gather3A_207 = tpu.vector_load_idx %arg13[%add3A_206, %and3A_182] : memref<672x64xf32, #tpu.memory_space<vmem>>[vector<16xi32>, vector<16xi32>], vector<16xf32>,
        %add3A_208 = arith.constant 6 : i32
        %add3A_209 = vector.broadcast %add3A_208 : i32 to vector<16xi32>
        %add3A_210 = arith.addi %add3A_153, %add3A_209 : vector<16xi32>
        %gather3A_211 = tpu.vector_load_idx %arg13[%add3A_210, %and3A_182] : memref<672x64xf32, #tpu.memory_space<vmem>>[vector<16xi32>, vector<16xi32>], vector<16xf32>,
        %add3A_212 = arith.constant 7 : i32
        %add3A_213 = vector.broadcast %add3A_212 : i32 to vector<16xi32>
        %add3A_214 = arith.addi %add3A_153, %add3A_213 : vector<16xi32>
        %gather3A_215 = tpu.vector_load_idx %arg13[%add3A_214, %and3A_182] : memref<672x64xf32, #tpu.memory_space<vmem>>[vector<16xi32>, vector<16xi32>], vector<16xf32>,
        %add3A_216 = arith.constant 8 : i32
        %add3A_217 = vector.broadcast %add3A_216 : i32 to vector<16xi32>
        %add3A_218 = arith.addi %add3A_153, %add3A_217 : vector<16xi32>
        %gather3A_219 = tpu.vector_load_idx %arg13[%add3A_218, %and3A_182] : memref<672x64xf32, #tpu.memory_space<vmem>>[vector<16xi32>, vector<16xi32>], vector<16xf32>,
        %add3A_220 = arith.constant 9 : i32
        %add3A_221 = vector.broadcast %add3A_220 : i32 to vector<16xi32>
        %add3A_222 = arith.addi %add3A_153, %add3A_221 : vector<16xi32>
        %gather3A_223 = tpu.vector_load_idx %arg13[%add3A_222, %and3A_182] : memref<672x64xf32, #tpu.memory_space<vmem>>[vector<16xi32>, vector<16xi32>], vector<16xf32>,
        %add3A_224 = arith.constant 10 : i32
        %add3A_225 = vector.broadcast %add3A_224 : i32 to vector<16xi32>
        %add3A_226 = arith.addi %add3A_153, %add3A_225 : vector<16xi32>
        %gather3A_227 = tpu.vector_load_idx %arg13[%add3A_226, %and3A_182] : memref<672x64xf32, #tpu.memory_space<vmem>>[vector<16xi32>, vector<16xi32>], vector<16xf32>,
        %add3A_228 = arith.constant 11 : i32
        %add3A_229 = vector.broadcast %add3A_228 : i32 to vector<16xi32>
        %add3A_230 = arith.addi %add3A_153, %add3A_229 : vector<16xi32>
        %gather3A_231 = tpu.vector_load_idx %arg13[%add3A_230, %and3A_182] : memref<672x64xf32, #tpu.memory_space<vmem>>[vector<16xi32>, vector<16xi32>], vector<16xf32>,
        %add3A_232 = arith.constant 12 : i32
        %add3A_233 = vector.broadcast %add3A_232 : i32 to vector<16xi32>
        %add3A_234 = arith.addi %add3A_153, %add3A_233 : vector<16xi32>
        %gather3A_235 = tpu.vector_load_idx %arg13[%add3A_234, %and3A_182] : memref<672x64xf32, #tpu.memory_space<vmem>>[vector<16xi32>, vector<16xi32>], vector<16xf32>,
        %add3A_236 = arith.constant 13 : i32
        %add3A_237 = vector.broadcast %add3A_236 : i32 to vector<16xi32>
        %add3A_238 = arith.addi %add3A_153, %add3A_237 : vector<16xi32>
        %gather3A_239 = tpu.vector_load_idx %arg13[%add3A_238, %and3A_182] : memref<672x64xf32, #tpu.memory_space<vmem>>[vector<16xi32>, vector<16xi32>], vector<16xf32>,
        %add3A_240 = arith.constant 14 : i32
        %add3A_241 = vector.broadcast %add3A_240 : i32 to vector<16xi32>
        %add3A_242 = arith.addi %add3A_153, %add3A_241 : vector<16xi32>
        %gather3A_243 = tpu.vector_load_idx %arg13[%add3A_242, %and3A_182] : memref<672x64xf32, #tpu.memory_space<vmem>>[vector<16xi32>, vector<16xi32>], vector<16xf32>,
        %add3A_244 = arith.constant 15 : i32
        %add3A_245 = vector.broadcast %add3A_244 : i32 to vector<16xi32>
        %add3A_246 = arith.addi %add3A_153, %add3A_245 : vector<16xi32>
        %gather3A_247 = tpu.vector_load_idx %arg13[%add3A_246, %and3A_182] : memref<672x64xf32, #tpu.memory_space<vmem>>[vector<16xi32>, vector<16xi32>], vector<16xf32>,
        %add3A_248 = arith.constant 16 : i32
        %add3A_249 = vector.broadcast %add3A_248 : i32 to vector<16xi32>
        %add3A_250 = arith.addi %add3A_153, %add3A_249 : vector<16xi32>
        %gather3A_251 = tpu.vector_load_idx %arg13[%add3A_250, %and3A_182] : memref<672x64xf32, #tpu.memory_space<vmem>>[vector<16xi32>, vector<16xi32>], vector<16xf32>,
        %add3A_252 = arith.constant 17 : i32
        %add3A_253 = vector.broadcast %add3A_252 : i32 to vector<16xi32>
        %add3A_254 = arith.addi %add3A_153, %add3A_253 : vector<16xi32>
        %gather3A_255 = tpu.vector_load_idx %arg13[%add3A_254, %and3A_182] : memref<672x64xf32, #tpu.memory_space<vmem>>[vector<16xi32>, vector<16xi32>], vector<16xf32>,
        %add3A_256 = arith.constant 18 : i32
        %add3A_257 = vector.broadcast %add3A_256 : i32 to vector<16xi32>
        %add3A_258 = arith.addi %add3A_153, %add3A_257 : vector<16xi32>
        %gather3A_259 = tpu.vector_load_idx %arg13[%add3A_258, %and3A_182] : memref<672x64xf32, #tpu.memory_space<vmem>>[vector<16xi32>, vector<16xi32>], vector<16xf32>,
        %add3A_260 = arith.constant 19 : i32
        %add3A_261 = vector.broadcast %add3A_260 : i32 to vector<16xi32>
        %add3A_262 = arith.addi %add3A_153, %add3A_261 : vector<16xi32>
        %gather3A_263 = tpu.vector_load_idx %arg13[%add3A_262, %and3A_182] : memref<672x64xf32, #tpu.memory_space<vmem>>[vector<16xi32>, vector<16xi32>], vector<16xf32>,
        %add3A_264 = arith.addf %gather3A_187, %gather3A_191 : vector<16xf32>
        %add3A_265 = arith.addf %gather3A_195, %gather3A_199 : vector<16xf32>
        %add3A_266 = arith.addf %gather3A_203, %gather3A_207 : vector<16xf32>
        %add3A_267 = arith.addf %gather3A_211, %gather3A_215 : vector<16xf32>
        %add3A_268 = arith.addf %gather3A_219, %gather3A_223 : vector<16xf32>
        %add3A_269 = arith.addf %gather3A_227, %gather3A_231 : vector<16xf32>
        %add3A_270 = arith.addf %gather3A_235, %gather3A_239 : vector<16xf32>
        %add3A_271 = arith.addf %gather3A_243, %gather3A_247 : vector<16xf32>
        %add3A_272 = arith.addf %gather3A_251, %gather3A_255 : vector<16xf32>
        %add3A_273 = arith.addf %gather3A_259, %gather3A_263 : vector<16xf32>
        %add3A_274 = arith.addf %add3A_264, %add3A_265 : vector<16xf32>
        %add3A_275 = arith.addf %add3A_266, %add3A_267 : vector<16xf32>
        %add3A_276 = arith.addf %add3A_268, %add3A_269 : vector<16xf32>
        %add3A_277 = arith.addf %add3A_270, %add3A_271 : vector<16xf32>
        %add3A_278 = arith.addf %add3A_272, %add3A_273 : vector<16xf32>
        %add3A_279 = arith.addf %add3A_274, %add3A_275 : vector<16xf32>
        %add3A_280 = arith.addf %add3A_276, %add3A_277 : vector<16xf32>
        %add3A_281 = arith.addf %add3A_279, %add3A_280 : vector<16xf32>
        %add3A_282 = arith.addf %add3A_281, %add3A_278 : vector<16xf32>
        %mul3A_283 = arith.mulf %gather3A, %gather3A_183 : vector<16xf32>
        %mul3A_284 = arith.mulf %gather3A, %add3A_282 : vector<16xf32>
        %add3A_285 = arith.constant 1 : i32
        %add3A_286 = arith.addi %mul3A_176, %add3A_285 : i32
        %add3A_287 = vector.broadcast %add3A_286 : i32 to vector<16xi32>
        %add3A_288 = arith.addi %add3A_287, %iota3A : vector<16xi32>
        %and3A_289 = arith.constant 63 : i32
        %and3A_290 = vector.broadcast %and3A_289 : i32 to vector<16xi32>
        %and3A_291 = arith.andi %add3A_288, %and3A_290 : vector<16xi32>
        %gather3A_292 = tpu.vector_load_idx %arg12[%add3A_147, %and3A_291] : memref<32x64xf32, #tpu.memory_space<vmem>>[vector<16xi32>, vector<16xi32>], vector<16xf32>,
        %gather3A_293 = tpu.vector_load_idx %arg13[%add3A_147, %and3A_291] : memref<672x64xf32, #tpu.memory_space<vmem>>[vector<16xi32>, vector<16xi32>], vector<16xf32>,
        %add3A_294 = arith.constant 0 : i32
        %add3A_295 = vector.broadcast %add3A_294 : i32 to vector<16xi32>
        %add3A_296 = arith.addi %add3A_153, %add3A_295 : vector<16xi32>
        %gather3A_297 = tpu.vector_load_idx %arg13[%add3A_296, %and3A_291] : memref<672x64xf32, #tpu.memory_space<vmem>>[vector<16xi32>, vector<16xi32>], vector<16xf32>,
        %add3A_298 = arith.constant 1 : i32
        %add3A_299 = vector.broadcast %add3A_298 : i32 to vector<16xi32>
        %add3A_300 = arith.addi %add3A_153, %add3A_299 : vector<16xi32>
        %gather3A_301 = tpu.vector_load_idx %arg13[%add3A_300, %and3A_291] : memref<672x64xf32, #tpu.memory_space<vmem>>[vector<16xi32>, vector<16xi32>], vector<16xf32>,
        %add3A_302 = arith.constant 2 : i32
        %add3A_303 = vector.broadcast %add3A_302 : i32 to vector<16xi32>
        %add3A_304 = arith.addi %add3A_153, %add3A_303 : vector<16xi32>
        %gather3A_305 = tpu.vector_load_idx %arg13[%add3A_304, %and3A_291] : memref<672x64xf32, #tpu.memory_space<vmem>>[vector<16xi32>, vector<16xi32>], vector<16xf32>,
        %add3A_306 = arith.constant 3 : i32
        %add3A_307 = vector.broadcast %add3A_306 : i32 to vector<16xi32>
        %add3A_308 = arith.addi %add3A_153, %add3A_307 : vector<16xi32>
        %gather3A_309 = tpu.vector_load_idx %arg13[%add3A_308, %and3A_291] : memref<672x64xf32, #tpu.memory_space<vmem>>[vector<16xi32>, vector<16xi32>], vector<16xf32>,
        %add3A_310 = arith.constant 4 : i32
        %add3A_311 = vector.broadcast %add3A_310 : i32 to vector<16xi32>
        %add3A_312 = arith.addi %add3A_153, %add3A_311 : vector<16xi32>
        %gather3A_313 = tpu.vector_load_idx %arg13[%add3A_312, %and3A_291] : memref<672x64xf32, #tpu.memory_space<vmem>>[vector<16xi32>, vector<16xi32>], vector<16xf32>,
        %add3A_314 = arith.constant 5 : i32
        %add3A_315 = vector.broadcast %add3A_314 : i32 to vector<16xi32>
        %add3A_316 = arith.addi %add3A_153, %add3A_315 : vector<16xi32>
        %gather3A_317 = tpu.vector_load_idx %arg13[%add3A_316, %and3A_291] : memref<672x64xf32, #tpu.memory_space<vmem>>[vector<16xi32>, vector<16xi32>], vector<16xf32>,
        %add3A_318 = arith.constant 6 : i32
        %add3A_319 = vector.broadcast %add3A_318 : i32 to vector<16xi32>
        %add3A_320 = arith.addi %add3A_153, %add3A_319 : vector<16xi32>
        %gather3A_321 = tpu.vector_load_idx %arg13[%add3A_320, %and3A_291] : memref<672x64xf32, #tpu.memory_space<vmem>>[vector<16xi32>, vector<16xi32>], vector<16xf32>,
        %add3A_322 = arith.constant 7 : i32
        %add3A_323 = vector.broadcast %add3A_322 : i32 to vector<16xi32>
        %add3A_324 = arith.addi %add3A_153, %add3A_323 : vector<16xi32>
        %gather3A_325 = tpu.vector_load_idx %arg13[%add3A_324, %and3A_291] : memref<672x64xf32, #tpu.memory_space<vmem>>[vector<16xi32>, vector<16xi32>], vector<16xf32>,
        %add3A_326 = arith.constant 8 : i32
        %add3A_327 = vector.broadcast %add3A_326 : i32 to vector<16xi32>
        %add3A_328 = arith.addi %add3A_153, %add3A_327 : vector<16xi32>
        %gather3A_329 = tpu.vector_load_idx %arg13[%add3A_328, %and3A_291] : memref<672x64xf32, #tpu.memory_space<vmem>>[vector<16xi32>, vector<16xi32>], vector<16xf32>,
        %add3A_330 = arith.constant 9 : i32
        %add3A_331 = vector.broadcast %add3A_330 : i32 to vector<16xi32>
        %add3A_332 = arith.addi %add3A_153, %add3A_331 : vector<16xi32>
        %gather3A_333 = tpu.vector_load_idx %arg13[%add3A_332, %and3A_291] : memref<672x64xf32, #tpu.memory_space<vmem>>[vector<16xi32>, vector<16xi32>], vector<16xf32>,
        %add3A_334 = arith.constant 10 : i32
        %add3A_335 = vector.broadcast %add3A_334 : i32 to vector<16xi32>
        %add3A_336 = arith.addi %add3A_153, %add3A_335 : vector<16xi32>
        %gather3A_337 = tpu.vector_load_idx %arg13[%add3A_336, %and3A_291] : memref<672x64xf32, #tpu.memory_space<vmem>>[vector<16xi32>, vector<16xi32>], vector<16xf32>,
        %add3A_338 = arith.constant 11 : i32
        %add3A_339 = vector.broadcast %add3A_338 : i32 to vector<16xi32>
        %add3A_340 = arith.addi %add3A_153, %add3A_339 : vector<16xi32>
        %gather3A_341 = tpu.vector_load_idx %arg13[%add3A_340, %and3A_291] : memref<672x64xf32, #tpu.memory_space<vmem>>[vector<16xi32>, vector<16xi32>], vector<16xf32>,
        %add3A_342 = arith.constant 12 : i32
        %add3A_343 = vector.broadcast %add3A_342 : i32 to vector<16xi32>
        %add3A_344 = arith.addi %add3A_153, %add3A_343 : vector<16xi32>
        %gather3A_345 = tpu.vector_load_idx %arg13[%add3A_344, %and3A_291] : memref<672x64xf32, #tpu.memory_space<vmem>>[vector<16xi32>, vector<16xi32>], vector<16xf32>,
        %add3A_346 = arith.constant 13 : i32
        %add3A_347 = vector.broadcast %add3A_346 : i32 to vector<16xi32>
        %add3A_348 = arith.addi %add3A_153, %add3A_347 : vector<16xi32>
        %gather3A_349 = tpu.vector_load_idx %arg13[%add3A_348, %and3A_291] : memref<672x64xf32, #tpu.memory_space<vmem>>[vector<16xi32>, vector<16xi32>], vector<16xf32>,
        %add3A_350 = arith.constant 14 : i32
        %add3A_351 = vector.broadcast %add3A_350 : i32 to vector<16xi32>
        %add3A_352 = arith.addi %add3A_153, %add3A_351 : vector<16xi32>
        %gather3A_353 = tpu.vector_load_idx %arg13[%add3A_352, %and3A_291] : memref<672x64xf32, #tpu.memory_space<vmem>>[vector<16xi32>, vector<16xi32>], vector<16xf32>,
        %add3A_354 = arith.constant 15 : i32
        %add3A_355 = vector.broadcast %add3A_354 : i32 to vector<16xi32>
        %add3A_356 = arith.addi %add3A_153, %add3A_355 : vector<16xi32>
        %gather3A_357 = tpu.vector_load_idx %arg13[%add3A_356, %and3A_291] : memref<672x64xf32, #tpu.memory_space<vmem>>[vector<16xi32>, vector<16xi32>], vector<16xf32>,
        %add3A_358 = arith.constant 16 : i32
        %add3A_359 = vector.broadcast %add3A_358 : i32 to vector<16xi32>
        %add3A_360 = arith.addi %add3A_153, %add3A_359 : vector<16xi32>
        %gather3A_361 = tpu.vector_load_idx %arg13[%add3A_360, %and3A_291] : memref<672x64xf32, #tpu.memory_space<vmem>>[vector<16xi32>, vector<16xi32>], vector<16xf32>,
        %add3A_362 = arith.constant 17 : i32
        %add3A_363 = vector.broadcast %add3A_362 : i32 to vector<16xi32>
        %add3A_364 = arith.addi %add3A_153, %add3A_363 : vector<16xi32>
        %gather3A_365 = tpu.vector_load_idx %arg13[%add3A_364, %and3A_291] : memref<672x64xf32, #tpu.memory_space<vmem>>[vector<16xi32>, vector<16xi32>], vector<16xf32>,
        %add3A_366 = arith.constant 18 : i32
        %add3A_367 = vector.broadcast %add3A_366 : i32 to vector<16xi32>
        %add3A_368 = arith.addi %add3A_153, %add3A_367 : vector<16xi32>
        %gather3A_369 = tpu.vector_load_idx %arg13[%add3A_368, %and3A_291] : memref<672x64xf32, #tpu.memory_space<vmem>>[vector<16xi32>, vector<16xi32>], vector<16xf32>,
        %add3A_370 = arith.constant 19 : i32
        %add3A_371 = vector.broadcast %add3A_370 : i32 to vector<16xi32>
        %add3A_372 = arith.addi %add3A_153, %add3A_371 : vector<16xi32>
        %gather3A_373 = tpu.vector_load_idx %arg13[%add3A_372, %and3A_291] : memref<672x64xf32, #tpu.memory_space<vmem>>[vector<16xi32>, vector<16xi32>], vector<16xf32>,
        %add3A_374 = arith.addf %gather3A_297, %gather3A_301 : vector<16xf32>
        %add3A_375 = arith.addf %gather3A_305, %gather3A_309 : vector<16xf32>
        %add3A_376 = arith.addf %gather3A_313, %gather3A_317 : vector<16xf32>
        %add3A_377 = arith.addf %gather3A_321, %gather3A_325 : vector<16xf32>
        %add3A_378 = arith.addf %gather3A_329, %gather3A_333 : vector<16xf32>
        %add3A_379 = arith.addf %gather3A_337, %gather3A_341 : vector<16xf32>
        %add3A_380 = arith.addf %gather3A_345, %gather3A_349 : vector<16xf32>
        %add3A_381 = arith.addf %gather3A_353, %gather3A_357 : vector<16xf32>
        %add3A_382 = arith.addf %gather3A_361, %gather3A_365 : vector<16xf32>
        %add3A_383 = arith.addf %gather3A_369, %gather3A_373 : vector<16xf32>
        %add3A_384 = arith.addf %add3A_374, %add3A_375 : vector<16xf32>
        %add3A_385 = arith.addf %add3A_376, %add3A_377 : vector<16xf32>
        %add3A_386 = arith.addf %add3A_378, %add3A_379 : vector<16xf32>
        %add3A_387 = arith.addf %add3A_380, %add3A_381 : vector<16xf32>
        %add3A_388 = arith.addf %add3A_382, %add3A_383 : vector<16xf32>
        %add3A_389 = arith.addf %add3A_384, %add3A_385 : vector<16xf32>
        %add3A_390 = arith.addf %add3A_386, %add3A_387 : vector<16xf32>
        %add3A_391 = arith.addf %add3A_389, %add3A_390 : vector<16xf32>
        %add3A_392 = arith.addf %add3A_391, %add3A_388 : vector<16xf32>
        %mul3A_393 = arith.mulf %gather3A_292, %gather3A_293 : vector<16xf32>
        %mul3A_394 = arith.mulf %gather3A_292, %add3A_392 : vector<16xf32>
        %add3A_395 = arith.constant 2 : i32
        %add3A_396 = arith.addi %mul3A_176, %add3A_395 : i32
        %add3A_397 = vector.broadcast %add3A_396 : i32 to vector<16xi32>
        %add3A_398 = arith.addi %add3A_397, %iota3A : vector<16xi32>
        %and3A_399 = arith.constant 63 : i32
        %and3A_400 = vector.broadcast %and3A_399 : i32 to vector<16xi32>
        %and3A_401 = arith.andi %add3A_398, %and3A_400 : vector<16xi32>
        %gather3A_402 = tpu.vector_load_idx %arg12[%add3A_147, %and3A_401] : memref<32x64xf32, #tpu.memory_space<vmem>>[vector<16xi32>, vector<16xi32>], vector<16xf32>,
        %gather3A_403 = tpu.vector_load_idx %arg13[%add3A_147, %and3A_401] : memref<672x64xf32, #tpu.memory_space<vmem>>[vector<16xi32>, vector<16xi32>], vector<16xf32>,
        %add3A_404 = arith.constant 0 : i32
        %add3A_405 = vector.broadcast %add3A_404 : i32 to vector<16xi32>
        %add3A_406 = arith.addi %add3A_153, %add3A_405 : vector<16xi32>
        %gather3A_407 = tpu.vector_load_idx %arg13[%add3A_406, %and3A_401] : memref<672x64xf32, #tpu.memory_space<vmem>>[vector<16xi32>, vector<16xi32>], vector<16xf32>,
        %add3A_408 = arith.constant 1 : i32
        %add3A_409 = vector.broadcast %add3A_408 : i32 to vector<16xi32>
        %add3A_410 = arith.addi %add3A_153, %add3A_409 : vector<16xi32>
        %gather3A_411 = tpu.vector_load_idx %arg13[%add3A_410, %and3A_401] : memref<672x64xf32, #tpu.memory_space<vmem>>[vector<16xi32>, vector<16xi32>], vector<16xf32>,
        %add3A_412 = arith.constant 2 : i32
        %add3A_413 = vector.broadcast %add3A_412 : i32 to vector<16xi32>
        %add3A_414 = arith.addi %add3A_153, %add3A_413 : vector<16xi32>
        %gather3A_415 = tpu.vector_load_idx %arg13[%add3A_414, %and3A_401] : memref<672x64xf32, #tpu.memory_space<vmem>>[vector<16xi32>, vector<16xi32>], vector<16xf32>,
        %add3A_416 = arith.constant 3 : i32
        %add3A_417 = vector.broadcast %add3A_416 : i32 to vector<16xi32>
        %add3A_418 = arith.addi %add3A_153, %add3A_417 : vector<16xi32>
        %gather3A_419 = tpu.vector_load_idx %arg13[%add3A_418, %and3A_401] : memref<672x64xf32, #tpu.memory_space<vmem>>[vector<16xi32>, vector<16xi32>], vector<16xf32>,
        %add3A_420 = arith.constant 4 : i32
        %add3A_421 = vector.broadcast %add3A_420 : i32 to vector<16xi32>
        %add3A_422 = arith.addi %add3A_153, %add3A_421 : vector<16xi32>
        %gather3A_423 = tpu.vector_load_idx %arg13[%add3A_422, %and3A_401] : memref<672x64xf32, #tpu.memory_space<vmem>>[vector<16xi32>, vector<16xi32>], vector<16xf32>,
        %add3A_424 = arith.constant 5 : i32
        %add3A_425 = vector.broadcast %add3A_424 : i32 to vector<16xi32>
        %add3A_426 = arith.addi %add3A_153, %add3A_425 : vector<16xi32>
        %gather3A_427 = tpu.vector_load_idx %arg13[%add3A_426, %and3A_401] : memref<672x64xf32, #tpu.memory_space<vmem>>[vector<16xi32>, vector<16xi32>], vector<16xf32>,
        %add3A_428 = arith.constant 6 : i32
        %add3A_429 = vector.broadcast %add3A_428 : i32 to vector<16xi32>
        %add3A_430 = arith.addi %add3A_153, %add3A_429 : vector<16xi32>
        %gather3A_431 = tpu.vector_load_idx %arg13[%add3A_430, %and3A_401] : memref<672x64xf32, #tpu.memory_space<vmem>>[vector<16xi32>, vector<16xi32>], vector<16xf32>,
        %add3A_432 = arith.constant 7 : i32
        %add3A_433 = vector.broadcast %add3A_432 : i32 to vector<16xi32>
        %add3A_434 = arith.addi %add3A_153, %add3A_433 : vector<16xi32>
        %gather3A_435 = tpu.vector_load_idx %arg13[%add3A_434, %and3A_401] : memref<672x64xf32, #tpu.memory_space<vmem>>[vector<16xi32>, vector<16xi32>], vector<16xf32>,
        %add3A_436 = arith.constant 8 : i32
        %add3A_437 = vector.broadcast %add3A_436 : i32 to vector<16xi32>
        %add3A_438 = arith.addi %add3A_153, %add3A_437 : vector<16xi32>
        %gather3A_439 = tpu.vector_load_idx %arg13[%add3A_438, %and3A_401] : memref<672x64xf32, #tpu.memory_space<vmem>>[vector<16xi32>, vector<16xi32>], vector<16xf32>,
        %add3A_440 = arith.constant 9 : i32
        %add3A_441 = vector.broadcast %add3A_440 : i32 to vector<16xi32>
        %add3A_442 = arith.addi %add3A_153, %add3A_441 : vector<16xi32>
        %gather3A_443 = tpu.vector_load_idx %arg13[%add3A_442, %and3A_401] : memref<672x64xf32, #tpu.memory_space<vmem>>[vector<16xi32>, vector<16xi32>], vector<16xf32>,
        %add3A_444 = arith.constant 10 : i32
        %add3A_445 = vector.broadcast %add3A_444 : i32 to vector<16xi32>
        %add3A_446 = arith.addi %add3A_153, %add3A_445 : vector<16xi32>
        %gather3A_447 = tpu.vector_load_idx %arg13[%add3A_446, %and3A_401] : memref<672x64xf32, #tpu.memory_space<vmem>>[vector<16xi32>, vector<16xi32>], vector<16xf32>,
        %add3A_448 = arith.constant 11 : i32
        %add3A_449 = vector.broadcast %add3A_448 : i32 to vector<16xi32>
        %add3A_450 = arith.addi %add3A_153, %add3A_449 : vector<16xi32>
        %gather3A_451 = tpu.vector_load_idx %arg13[%add3A_450, %and3A_401] : memref<672x64xf32, #tpu.memory_space<vmem>>[vector<16xi32>, vector<16xi32>], vector<16xf32>,
        %add3A_452 = arith.constant 12 : i32
        %add3A_453 = vector.broadcast %add3A_452 : i32 to vector<16xi32>
        %add3A_454 = arith.addi %add3A_153, %add3A_453 : vector<16xi32>
        %gather3A_455 = tpu.vector_load_idx %arg13[%add3A_454, %and3A_401] : memref<672x64xf32, #tpu.memory_space<vmem>>[vector<16xi32>, vector<16xi32>], vector<16xf32>,
        %add3A_456 = arith.constant 13 : i32
        %add3A_457 = vector.broadcast %add3A_456 : i32 to vector<16xi32>
        %add3A_458 = arith.addi %add3A_153, %add3A_457 : vector<16xi32>
        %gather3A_459 = tpu.vector_load_idx %arg13[%add3A_458, %and3A_401] : memref<672x64xf32, #tpu.memory_space<vmem>>[vector<16xi32>, vector<16xi32>], vector<16xf32>,
        %add3A_460 = arith.constant 14 : i32
        %add3A_461 = vector.broadcast %add3A_460 : i32 to vector<16xi32>
        %add3A_462 = arith.addi %add3A_153, %add3A_461 : vector<16xi32>
        %gather3A_463 = tpu.vector_load_idx %arg13[%add3A_462, %and3A_401] : memref<672x64xf32, #tpu.memory_space<vmem>>[vector<16xi32>, vector<16xi32>], vector<16xf32>,
        %add3A_464 = arith.constant 15 : i32
        %add3A_465 = vector.broadcast %add3A_464 : i32 to vector<16xi32>
        %add3A_466 = arith.addi %add3A_153, %add3A_465 : vector<16xi32>
        %gather3A_467 = tpu.vector_load_idx %arg13[%add3A_466, %and3A_401] : memref<672x64xf32, #tpu.memory_space<vmem>>[vector<16xi32>, vector<16xi32>], vector<16xf32>,
        %add3A_468 = arith.constant 16 : i32
        %add3A_469 = vector.broadcast %add3A_468 : i32 to vector<16xi32>
        %add3A_470 = arith.addi %add3A_153, %add3A_469 : vector<16xi32>
        %gather3A_471 = tpu.vector_load_idx %arg13[%add3A_470, %and3A_401] : memref<672x64xf32, #tpu.memory_space<vmem>>[vector<16xi32>, vector<16xi32>], vector<16xf32>,
        %add3A_472 = arith.constant 17 : i32
        %add3A_473 = vector.broadcast %add3A_472 : i32 to vector<16xi32>
        %add3A_474 = arith.addi %add3A_153, %add3A_473 : vector<16xi32>
        %gather3A_475 = tpu.vector_load_idx %arg13[%add3A_474, %and3A_401] : memref<672x64xf32, #tpu.memory_space<vmem>>[vector<16xi32>, vector<16xi32>], vector<16xf32>,
        %add3A_476 = arith.constant 18 : i32
        %add3A_477 = vector.broadcast %add3A_476 : i32 to vector<16xi32>
        %add3A_478 = arith.addi %add3A_153, %add3A_477 : vector<16xi32>
        %gather3A_479 = tpu.vector_load_idx %arg13[%add3A_478, %and3A_401] : memref<672x64xf32, #tpu.memory_space<vmem>>[vector<16xi32>, vector<16xi32>], vector<16xf32>,
        %add3A_480 = arith.constant 19 : i32
        %add3A_481 = vector.broadcast %add3A_480 : i32 to vector<16xi32>
        %add3A_482 = arith.addi %add3A_153, %add3A_481 : vector<16xi32>
        %gather3A_483 = tpu.vector_load_idx %arg13[%add3A_482, %and3A_401] : memref<672x64xf32, #tpu.memory_space<vmem>>[vector<16xi32>, vector<16xi32>], vector<16xf32>,
        %add3A_484 = arith.addf %gather3A_407, %gather3A_411 : vector<16xf32>
        %add3A_485 = arith.addf %gather3A_415, %gather3A_419 : vector<16xf32>
        %add3A_486 = arith.addf %gather3A_423, %gather3A_427 : vector<16xf32>
        %add3A_487 = arith.addf %gather3A_431, %gather3A_435 : vector<16xf32>
        %add3A_488 = arith.addf %gather3A_439, %gather3A_443 : vector<16xf32>
        %add3A_489 = arith.addf %gather3A_447, %gather3A_451 : vector<16xf32>
        %add3A_490 = arith.addf %gather3A_455, %gather3A_459 : vector<16xf32>
        %add3A_491 = arith.addf %gather3A_463, %gather3A_467 : vector<16xf32>
        %add3A_492 = arith.addf %gather3A_471, %gather3A_475 : vector<16xf32>
        %add3A_493 = arith.addf %gather3A_479, %gather3A_483 : vector<16xf32>
        %add3A_494 = arith.addf %add3A_484, %add3A_485 : vector<16xf32>
        %add3A_495 = arith.addf %add3A_486, %add3A_487 : vector<16xf32>
        %add3A_496 = arith.addf %add3A_488, %add3A_489 : vector<16xf32>
        %add3A_497 = arith.addf %add3A_490, %add3A_491 : vector<16xf32>
        %add3A_498 = arith.addf %add3A_492, %add3A_493 : vector<16xf32>
        %add3A_499 = arith.addf %add3A_494, %add3A_495 : vector<16xf32>
        %add3A_500 = arith.addf %add3A_496, %add3A_497 : vector<16xf32>
        %add3A_501 = arith.addf %add3A_499, %add3A_500 : vector<16xf32>
        %add3A_502 = arith.addf %add3A_501, %add3A_498 : vector<16xf32>
        %mul3A_503 = arith.mulf %gather3A_402, %gather3A_403 : vector<16xf32>
        %mul3A_504 = arith.mulf %gather3A_402, %add3A_502 : vector<16xf32>
        %add3A_505 = arith.constant 3 : i32
        %add3A_506 = arith.addi %mul3A_176, %add3A_505 : i32
        %add3A_507 = vector.broadcast %add3A_506 : i32 to vector<16xi32>
        %add3A_508 = arith.addi %add3A_507, %iota3A : vector<16xi32>
        %and3A_509 = arith.constant 63 : i32
        %and3A_510 = vector.broadcast %and3A_509 : i32 to vector<16xi32>
        %and3A_511 = arith.andi %add3A_508, %and3A_510 : vector<16xi32>
        %gather3A_512 = tpu.vector_load_idx %arg12[%add3A_147, %and3A_511] : memref<32x64xf32, #tpu.memory_space<vmem>>[vector<16xi32>, vector<16xi32>], vector<16xf32>,
        %gather3A_513 = tpu.vector_load_idx %arg13[%add3A_147, %and3A_511] : memref<672x64xf32, #tpu.memory_space<vmem>>[vector<16xi32>, vector<16xi32>], vector<16xf32>,
        %add3A_514 = arith.constant 0 : i32
        %add3A_515 = vector.broadcast %add3A_514 : i32 to vector<16xi32>
        %add3A_516 = arith.addi %add3A_153, %add3A_515 : vector<16xi32>
        %gather3A_517 = tpu.vector_load_idx %arg13[%add3A_516, %and3A_511] : memref<672x64xf32, #tpu.memory_space<vmem>>[vector<16xi32>, vector<16xi32>], vector<16xf32>,
        %add3A_518 = arith.constant 1 : i32
        %add3A_519 = vector.broadcast %add3A_518 : i32 to vector<16xi32>
        %add3A_520 = arith.addi %add3A_153, %add3A_519 : vector<16xi32>
        %gather3A_521 = tpu.vector_load_idx %arg13[%add3A_520, %and3A_511] : memref<672x64xf32, #tpu.memory_space<vmem>>[vector<16xi32>, vector<16xi32>], vector<16xf32>,
        %add3A_522 = arith.constant 2 : i32
        %add3A_523 = vector.broadcast %add3A_522 : i32 to vector<16xi32>
        %add3A_524 = arith.addi %add3A_153, %add3A_523 : vector<16xi32>
        %gather3A_525 = tpu.vector_load_idx %arg13[%add3A_524, %and3A_511] : memref<672x64xf32, #tpu.memory_space<vmem>>[vector<16xi32>, vector<16xi32>], vector<16xf32>,
        %add3A_526 = arith.constant 3 : i32
        %add3A_527 = vector.broadcast %add3A_526 : i32 to vector<16xi32>
        %add3A_528 = arith.addi %add3A_153, %add3A_527 : vector<16xi32>
        %gather3A_529 = tpu.vector_load_idx %arg13[%add3A_528, %and3A_511] : memref<672x64xf32, #tpu.memory_space<vmem>>[vector<16xi32>, vector<16xi32>], vector<16xf32>,
        %add3A_530 = arith.constant 4 : i32
        %add3A_531 = vector.broadcast %add3A_530 : i32 to vector<16xi32>
        %add3A_532 = arith.addi %add3A_153, %add3A_531 : vector<16xi32>
        %gather3A_533 = tpu.vector_load_idx %arg13[%add3A_532, %and3A_511] : memref<672x64xf32, #tpu.memory_space<vmem>>[vector<16xi32>, vector<16xi32>], vector<16xf32>,
        %add3A_534 = arith.constant 5 : i32
        %add3A_535 = vector.broadcast %add3A_534 : i32 to vector<16xi32>
        %add3A_536 = arith.addi %add3A_153, %add3A_535 : vector<16xi32>
        %gather3A_537 = tpu.vector_load_idx %arg13[%add3A_536, %and3A_511] : memref<672x64xf32, #tpu.memory_space<vmem>>[vector<16xi32>, vector<16xi32>], vector<16xf32>,
        %add3A_538 = arith.constant 6 : i32
        %add3A_539 = vector.broadcast %add3A_538 : i32 to vector<16xi32>
        %add3A_540 = arith.addi %add3A_153, %add3A_539 : vector<16xi32>
        %gather3A_541 = tpu.vector_load_idx %arg13[%add3A_540, %and3A_511] : memref<672x64xf32, #tpu.memory_space<vmem>>[vector<16xi32>, vector<16xi32>], vector<16xf32>,
        %add3A_542 = arith.constant 7 : i32
        %add3A_543 = vector.broadcast %add3A_542 : i32 to vector<16xi32>
        %add3A_544 = arith.addi %add3A_153, %add3A_543 : vector<16xi32>
        %gather3A_545 = tpu.vector_load_idx %arg13[%add3A_544, %and3A_511] : memref<672x64xf32, #tpu.memory_space<vmem>>[vector<16xi32>, vector<16xi32>], vector<16xf32>,
        %add3A_546 = arith.constant 8 : i32
        %add3A_547 = vector.broadcast %add3A_546 : i32 to vector<16xi32>
        %add3A_548 = arith.addi %add3A_153, %add3A_547 : vector<16xi32>
        %gather3A_549 = tpu.vector_load_idx %arg13[%add3A_548, %and3A_511] : memref<672x64xf32, #tpu.memory_space<vmem>>[vector<16xi32>, vector<16xi32>], vector<16xf32>,
        %add3A_550 = arith.constant 9 : i32
        %add3A_551 = vector.broadcast %add3A_550 : i32 to vector<16xi32>
        %add3A_552 = arith.addi %add3A_153, %add3A_551 : vector<16xi32>
        %gather3A_553 = tpu.vector_load_idx %arg13[%add3A_552, %and3A_511] : memref<672x64xf32, #tpu.memory_space<vmem>>[vector<16xi32>, vector<16xi32>], vector<16xf32>,
        %add3A_554 = arith.constant 10 : i32
        %add3A_555 = vector.broadcast %add3A_554 : i32 to vector<16xi32>
        %add3A_556 = arith.addi %add3A_153, %add3A_555 : vector<16xi32>
        %gather3A_557 = tpu.vector_load_idx %arg13[%add3A_556, %and3A_511] : memref<672x64xf32, #tpu.memory_space<vmem>>[vector<16xi32>, vector<16xi32>], vector<16xf32>,
        %add3A_558 = arith.constant 11 : i32
        %add3A_559 = vector.broadcast %add3A_558 : i32 to vector<16xi32>
        %add3A_560 = arith.addi %add3A_153, %add3A_559 : vector<16xi32>
        %gather3A_561 = tpu.vector_load_idx %arg13[%add3A_560, %and3A_511] : memref<672x64xf32, #tpu.memory_space<vmem>>[vector<16xi32>, vector<16xi32>], vector<16xf32>,
        %add3A_562 = arith.constant 12 : i32
        %add3A_563 = vector.broadcast %add3A_562 : i32 to vector<16xi32>
        %add3A_564 = arith.addi %add3A_153, %add3A_563 : vector<16xi32>
        %gather3A_565 = tpu.vector_load_idx %arg13[%add3A_564, %and3A_511] : memref<672x64xf32, #tpu.memory_space<vmem>>[vector<16xi32>, vector<16xi32>], vector<16xf32>,
        %add3A_566 = arith.constant 13 : i32
        %add3A_567 = vector.broadcast %add3A_566 : i32 to vector<16xi32>
        %add3A_568 = arith.addi %add3A_153, %add3A_567 : vector<16xi32>
        %gather3A_569 = tpu.vector_load_idx %arg13[%add3A_568, %and3A_511] : memref<672x64xf32, #tpu.memory_space<vmem>>[vector<16xi32>, vector<16xi32>], vector<16xf32>,
        %add3A_570 = arith.constant 14 : i32
        %add3A_571 = vector.broadcast %add3A_570 : i32 to vector<16xi32>
        %add3A_572 = arith.addi %add3A_153, %add3A_571 : vector<16xi32>
        %gather3A_573 = tpu.vector_load_idx %arg13[%add3A_572, %and3A_511] : memref<672x64xf32, #tpu.memory_space<vmem>>[vector<16xi32>, vector<16xi32>], vector<16xf32>,
        %add3A_574 = arith.constant 15 : i32
        %add3A_575 = vector.broadcast %add3A_574 : i32 to vector<16xi32>
        %add3A_576 = arith.addi %add3A_153, %add3A_575 : vector<16xi32>
        %gather3A_577 = tpu.vector_load_idx %arg13[%add3A_576, %and3A_511] : memref<672x64xf32, #tpu.memory_space<vmem>>[vector<16xi32>, vector<16xi32>], vector<16xf32>,
        %add3A_578 = arith.constant 16 : i32
        %add3A_579 = vector.broadcast %add3A_578 : i32 to vector<16xi32>
        %add3A_580 = arith.addi %add3A_153, %add3A_579 : vector<16xi32>
        %gather3A_581 = tpu.vector_load_idx %arg13[%add3A_580, %and3A_511] : memref<672x64xf32, #tpu.memory_space<vmem>>[vector<16xi32>, vector<16xi32>], vector<16xf32>,
        %add3A_582 = arith.constant 17 : i32
        %add3A_583 = vector.broadcast %add3A_582 : i32 to vector<16xi32>
        %add3A_584 = arith.addi %add3A_153, %add3A_583 : vector<16xi32>
        %gather3A_585 = tpu.vector_load_idx %arg13[%add3A_584, %and3A_511] : memref<672x64xf32, #tpu.memory_space<vmem>>[vector<16xi32>, vector<16xi32>], vector<16xf32>,
        %add3A_586 = arith.constant 18 : i32
        %add3A_587 = vector.broadcast %add3A_586 : i32 to vector<16xi32>
        %add3A_588 = arith.addi %add3A_153, %add3A_587 : vector<16xi32>
        %gather3A_589 = tpu.vector_load_idx %arg13[%add3A_588, %and3A_511] : memref<672x64xf32, #tpu.memory_space<vmem>>[vector<16xi32>, vector<16xi32>], vector<16xf32>,
        %add3A_590 = arith.constant 19 : i32
        %add3A_591 = vector.broadcast %add3A_590 : i32 to vector<16xi32>
        %add3A_592 = arith.addi %add3A_153, %add3A_591 : vector<16xi32>
        %gather3A_593 = tpu.vector_load_idx %arg13[%add3A_592, %and3A_511] : memref<672x64xf32, #tpu.memory_space<vmem>>[vector<16xi32>, vector<16xi32>], vector<16xf32>,
        %add3A_594 = arith.addf %gather3A_517, %gather3A_521 : vector<16xf32>
        %add3A_595 = arith.addf %gather3A_525, %gather3A_529 : vector<16xf32>
        %add3A_596 = arith.addf %gather3A_533, %gather3A_537 : vector<16xf32>
        %add3A_597 = arith.addf %gather3A_541, %gather3A_545 : vector<16xf32>
        %add3A_598 = arith.addf %gather3A_549, %gather3A_553 : vector<16xf32>
        %add3A_599 = arith.addf %gather3A_557, %gather3A_561 : vector<16xf32>
        %add3A_600 = arith.addf %gather3A_565, %gather3A_569 : vector<16xf32>
        %add3A_601 = arith.addf %gather3A_573, %gather3A_577 : vector<16xf32>
        %add3A_602 = arith.addf %gather3A_581, %gather3A_585 : vector<16xf32>
        %add3A_603 = arith.addf %gather3A_589, %gather3A_593 : vector<16xf32>
        %add3A_604 = arith.addf %add3A_594, %add3A_595 : vector<16xf32>
        %add3A_605 = arith.addf %add3A_596, %add3A_597 : vector<16xf32>
        %add3A_606 = arith.addf %add3A_598, %add3A_599 : vector<16xf32>
        %add3A_607 = arith.addf %add3A_600, %add3A_601 : vector<16xf32>
        %add3A_608 = arith.addf %add3A_602, %add3A_603 : vector<16xf32>
        %add3A_609 = arith.addf %add3A_604, %add3A_605 : vector<16xf32>
        %add3A_610 = arith.addf %add3A_606, %add3A_607 : vector<16xf32>
        %add3A_611 = arith.addf %add3A_609, %add3A_610 : vector<16xf32>
        %add3A_612 = arith.addf %add3A_611, %add3A_608 : vector<16xf32>
        %mul3A_613 = arith.mulf %gather3A_512, %gather3A_513 : vector<16xf32>
        %mul3A_614 = arith.mulf %gather3A_512, %add3A_612 : vector<16xf32>
        %add3A_615 = arith.addf %mul3A_283, %mul3A_393 : vector<16xf32>
        %add3A_616 = arith.addf %mul3A_503, %mul3A_613 : vector<16xf32>
        %add3A_617 = arith.addf %add3A_615, %add3A_616 : vector<16xf32>
        %add3A_618 = arith.addf %scan3A_173, %add3A_617 : vector<16xf32>
        %add3A_619 = arith.addf %mul3A_284, %mul3A_394 : vector<16xf32>
        %add3A_620 = arith.addf %mul3A_504, %mul3A_614 : vector<16xf32>
        %add3A_621 = arith.addf %add3A_619, %add3A_620 : vector<16xf32>
        %add3A_622 = arith.addf %scan3A_174, %add3A_621 : vector<16xf32>
        scf.yield %add3A_618, %add3A_622 : vector<16xf32>, vector<16xf32>
      }
      %scan3A_159 = arith.constant 16 : i32
      %mul3A_160 = arith.constant 32 : i32
      %mul3A_161 = arith.muli %add3A_98, %mul3A_160 : i32
      %add3A_162 = arith.constant 16 : i32
      %add3A_163 = arith.addi %mul3A_161, %add3A_162 : i32
      %swap3A_164 = arith.index_cast %add3A_163 : i32 to index
      %swap3A_165 = tpu.vector_load %arg14[%swap3A_164] {strides = array<i32>} : memref<512xf32, #tpu.memory_space<vmem>>, vector<16xf32>,
      tpu.vector_store %arg14[%swap3A_164], %scan3A_158#0 {strides = array<i32>} : memref<512xf32, #tpu.memory_space<vmem>>, vector<16xf32>,
      %mul3A_166 = arith.constant 32 : i32
      %mul3A_167 = arith.muli %add3A_98, %mul3A_166 : i32
      %add3A_168 = arith.constant 16 : i32
      %add3A_169 = arith.addi %mul3A_167, %add3A_168 : i32
      %swap3A_170 = arith.index_cast %add3A_169 : i32 to index
      %swap3A_171 = tpu.vector_load %arg15[%swap3A_170] {strides = array<i32>} : memref<512xf32, #tpu.memory_space<vmem>>, vector<16xf32>,
      tpu.vector_store %arg15[%swap3A_170], %scan3A_158#1 {strides = array<i32>} : memref<512xf32, #tpu.memory_space<vmem>>, vector<16xf32>,
    }
    %scan3A_17 = arith.constant 8 : i32
    %mul3A_18 = arith.constant 512 : i32
    %mul3A_19 = arith.muli %add3A, %mul3A_18 : i32
    "tpu.region"() ({
      %run_scoped3A = tpu.sem_alloc : memref<!tpu.dma_semaphore, #tpu.memory_space<semaphore_mem>>
      %dma_start3A_22 = tpu.memref_slice %arg6[%mul3A_19] : memref<16384xf32, #tpu.memory_space<hbm>> -> memref<512xf32, #tpu.memory_space<hbm>>
      %dma_start3A_23 = tpu.memref_slice %arg6[%mul3A_19] : memref<16384xf32, #tpu.memory_space<hbm>> -> memref<512xf32, #tpu.memory_space<hbm>>
      tpu.enqueue_dma source(%arg14 : memref<512xf32, #tpu.memory_space<vmem>>) target(%dma_start3A_23 : memref<512xf32, #tpu.memory_space<hbm>>) target_semaphore(%run_scoped3A : memref<!tpu.dma_semaphore, #tpu.memory_space<semaphore_mem>>)
      %dma_wait3A = tpu.memref_slice %arg6[%mul3A_19] : memref<16384xf32, #tpu.memory_space<hbm>> -> memref<512xf32, #tpu.memory_space<hbm>>
      %dma_wait3A_24 = tpu.memref_slice %arg6[%mul3A_19] : memref<16384xf32, #tpu.memory_space<hbm>> -> memref<512xf32, #tpu.memory_space<hbm>>
      tpu.wait_dma2 semaphore(%run_scoped3A : memref<!tpu.dma_semaphore, #tpu.memory_space<semaphore_mem>>) src(%arg14 : memref<512xf32, #tpu.memory_space<vmem>>) dst(%dma_wait3A_24 : memref<512xf32, #tpu.memory_space<hbm>>)
      tpu.yield
    }) : () -> ()
    %mul3A_20 = arith.constant 512 : i32
    %mul3A_21 = arith.muli %add3A, %mul3A_20 : i32
    "tpu.region"() ({
      %run_scoped3A = tpu.sem_alloc : memref<!tpu.dma_semaphore, #tpu.memory_space<semaphore_mem>>
      %dma_start3A_22 = tpu.memref_slice %arg7[%mul3A_21] : memref<16384xf32, #tpu.memory_space<hbm>> -> memref<512xf32, #tpu.memory_space<hbm>>
      %dma_start3A_23 = tpu.memref_slice %arg7[%mul3A_21] : memref<16384xf32, #tpu.memory_space<hbm>> -> memref<512xf32, #tpu.memory_space<hbm>>
      tpu.enqueue_dma source(%arg15 : memref<512xf32, #tpu.memory_space<vmem>>) target(%dma_start3A_23 : memref<512xf32, #tpu.memory_space<hbm>>) target_semaphore(%run_scoped3A : memref<!tpu.dma_semaphore, #tpu.memory_space<semaphore_mem>>)
      %dma_wait3A = tpu.memref_slice %arg7[%mul3A_21] : memref<16384xf32, #tpu.memory_space<hbm>> -> memref<512xf32, #tpu.memory_space<hbm>>
      %dma_wait3A_24 = tpu.memref_slice %arg7[%mul3A_21] : memref<16384xf32, #tpu.memory_space<hbm>> -> memref<512xf32, #tpu.memory_space<hbm>>
      tpu.wait_dma2 semaphore(%run_scoped3A : memref<!tpu.dma_semaphore, #tpu.memory_space<semaphore_mem>>) src(%arg15 : memref<512xf32, #tpu.memory_space<vmem>>) dst(%dma_wait3A_24 : memref<512xf32, #tpu.memory_space<hbm>>)
      tpu.yield
    }) : () -> ()
    return
  }
}

module attributes {stable_mosaic.version = 14 : i64} {
  func.func @_tc_loss_body(%arg0: memref<128x128xf32, #tpu.memory_space<vmem>>, %arg1: memref<128x128xf32, #tpu.memory_space<vmem>>, %arg2: memref<1x1xf32, #tpu.memory_space<smem>>) attributes {dimension_semantics = [], scalar_prefetch = 0 : i64, scratch_operands = 0 : i64, tpu.core_type = #tpu.core_type<tc>} {
    %get3A = arith.constant 0 : index
    %get3A_0 = arith.constant 0 : index
    %get3A_1 = vector.load %arg0[%get3A, %get3A_0] : memref<128x128xf32, #tpu.memory_space<vmem>>, vector<128x128xf32>
    %get3A_2 = arith.constant 0 : index
    %get3A_3 = arith.constant 0 : index
    %get3A_4 = vector.load %arg1[%get3A_2, %get3A_3] : memref<128x128xf32, #tpu.memory_space<vmem>>, vector<128x128xf32>
    %min3A = arith.constant 0.000000e+00 : f32
    %min3A_5 = vector.broadcast %min3A : f32 to vector<128x128xf32>
    %min3A_6 = arith.minimumf %get3A_1, %min3A_5 : vector<128x128xf32>
    %abs3A = math.absf %get3A_1 : vector<128x128xf32>
    %neg3A = arith.constant 0.000000e+00 : f32
    %neg3A_7 = vector.broadcast %neg3A : f32 to vector<128x128xf32>
    %neg3A_8 = arith.subf %neg3A_7, %abs3A : vector<128x128xf32>
    %exp3A = math.exp %neg3A_8 : vector<128x128xf32>
    %log1p3A = math.log1p %exp3A : vector<128x128xf32>
    %sub3A = arith.subf %min3A_6, %log1p3A : vector<128x128xf32>
    %neg3A_9 = arith.constant 0.000000e+00 : f32
    %neg3A_10 = vector.broadcast %neg3A_9 : f32 to vector<128x128xf32>
    %neg3A_11 = arith.subf %neg3A_10, %get3A_4 : vector<128x128xf32>
    %min3A_12 = arith.constant 0.000000e+00 : f32
    %min3A_13 = vector.broadcast %min3A_12 : f32 to vector<128x128xf32>
    %min3A_14 = arith.minimumf %neg3A_11, %min3A_13 : vector<128x128xf32>
    %abs3A_15 = math.absf %neg3A_11 : vector<128x128xf32>
    %neg3A_16 = arith.constant 0.000000e+00 : f32
    %neg3A_17 = vector.broadcast %neg3A_16 : f32 to vector<128x128xf32>
    %neg3A_18 = arith.subf %neg3A_17, %abs3A_15 : vector<128x128xf32>
    %exp3A_19 = math.exp %neg3A_18 : vector<128x128xf32>
    %log1p3A_20 = math.log1p %exp3A_19 : vector<128x128xf32>
    %sub3A_21 = arith.subf %min3A_14, %log1p3A_20 : vector<128x128xf32>
    %add3A = arith.addf %sub3A, %sub3A_21 : vector<128x128xf32>
    %reduce_sum3A = vector.shape_cast %add3A : vector<128x128xf32> to vector<1x128x128xf32>
    %reduce_sum3A_22 = arith.constant dense<0.000000e+00> : vector<1xf32>
    %reduce_sum3A_23 = vector.multi_reduction <add>, %reduce_sum3A, %reduce_sum3A_22 [1, 2] : vector<1x128x128xf32> to vector<1xf32>
    %reduce_sum3A_24 = vector.shape_cast %reduce_sum3A_23 : vector<1xf32> to vector<1x1x1xf32>
    %reduce_sum3A_25 = vector.extract %reduce_sum3A_24[0, 0, 0] : f32 from vector<1x1x1xf32>
    %neg3A_26 = arith.constant 0.000000e+00 : f32
    %neg3A_27 = arith.subf %neg3A_26, %reduce_sum3A_25 : f32
    %mul3A = arith.constant 6.10351563E-5 : f32
    %mul3A_28 = arith.mulf %neg3A_27, %mul3A : f32
    %swap3A = arith.constant 0 : index
    %swap3A_29 = arith.constant 0 : index
    %swap3A_30 = memref.load %arg2[%swap3A, %swap3A_29] : memref<1x1xf32, #tpu.memory_space<smem>>
    memref.store %mul3A_28, %arg2[%swap3A, %swap3A_29] : memref<1x1xf32, #tpu.memory_space<smem>>
    return
  }
}

module attributes {stable_mosaic.version = 14 : i64} {
  func.func @_tp_body(%arg0: i32, %arg1: memref<64x8192xf32, #tpu.memory_space<vmem>>, %arg2: memref<64x8192xf32, #tpu.memory_space<vmem>>, %arg3: memref<4096x128xf32, #tpu.memory_space<vmem>>, %arg4: memref<4096x128xf32, #tpu.memory_space<vmem>>) attributes {dimension_semantics = [#tpu.dimension_semantics<arbitrary>], iteration_bounds = array<i64: 123>, scalar_prefetch = 0 : i64, scratch_operands = 0 : i64, tpu.core_type = #tpu.core_type<tc>, window_params = [{transform_indices = @transform_0, window_bounds = array<i64: 64, 8192>}, {transform_indices = @transform_1, window_bounds = array<i64: 64, 8192>}, {transform_indices = @transform_2, window_bounds = array<i64: 4096, 128>}, {transform_indices = @transform_3, window_bounds = array<i64: 4096, 128>}]} {
    %get3A = arith.constant 0 : index
    %get3A_0 = arith.constant 0 : index
    %get3A_1 = vector.load %arg1[%get3A, %get3A_0] : memref<64x8192xf32, #tpu.memory_space<vmem>>, vector<64x8192xf32>
    %slice3A = vector.extract_strided_slice %get3A_1 {offsets = [0, 0], sizes = [64, 4096], strides = [1, 1]} : vector<64x8192xf32> to vector<64x4096xf32>
    %transpose3A = tpu.transpose %slice3A, [1, 0] : vector<64x4096xf32> -> vector<4096x64xf32>
    %swap3A = arith.constant 0 : index
    %swap3A_2 = arith.constant 0 : index
    %swap3A_3 = vector.load %arg3[%swap3A, %swap3A_2] : memref<4096x128xf32, #tpu.memory_space<vmem>>, vector<4096x64xf32>
    tpu.vector_store %arg3[%swap3A, %swap3A_2], %transpose3A {strides = array<i32>} : memref<4096x128xf32, #tpu.memory_space<vmem>>, vector<4096x64xf32>,
    %slice3A_4 = vector.extract_strided_slice %get3A_1 {offsets = [0, 4096], sizes = [64, 4096], strides = [1, 1]} : vector<64x8192xf32> to vector<64x4096xf32>
    %transpose3A_5 = tpu.transpose %slice3A_4, [1, 0] : vector<64x4096xf32> -> vector<4096x64xf32>
    %swap3A_6 = arith.constant 0 : index
    %swap3A_7 = arith.constant 64 : index
    %swap3A_8 = vector.load %arg3[%swap3A_6, %swap3A_7] : memref<4096x128xf32, #tpu.memory_space<vmem>>, vector<4096x64xf32>
    tpu.vector_store %arg3[%swap3A_6, %swap3A_7], %transpose3A_5 {strides = array<i32>} : memref<4096x128xf32, #tpu.memory_space<vmem>>, vector<4096x64xf32>,
    %get3A_9 = arith.constant 0 : index
    %get3A_10 = arith.constant 0 : index
    %get3A_11 = vector.load %arg2[%get3A_9, %get3A_10] : memref<64x8192xf32, #tpu.memory_space<vmem>>, vector<64x8192xf32>
    %slice3A_12 = vector.extract_strided_slice %get3A_11 {offsets = [0, 0], sizes = [64, 4096], strides = [1, 1]} : vector<64x8192xf32> to vector<64x4096xf32>
    %transpose3A_13 = tpu.transpose %slice3A_12, [1, 0] : vector<64x4096xf32> -> vector<4096x64xf32>
    %swap3A_14 = arith.constant 0 : index
    %swap3A_15 = arith.constant 0 : index
    %swap3A_16 = vector.load %arg4[%swap3A_14, %swap3A_15] : memref<4096x128xf32, #tpu.memory_space<vmem>>, vector<4096x64xf32>
    tpu.vector_store %arg4[%swap3A_14, %swap3A_15], %transpose3A_13 {strides = array<i32>} : memref<4096x128xf32, #tpu.memory_space<vmem>>, vector<4096x64xf32>,
    %slice3A_17 = vector.extract_strided_slice %get3A_11 {offsets = [0, 4096], sizes = [64, 4096], strides = [1, 1]} : vector<64x8192xf32> to vector<64x4096xf32>
    %transpose3A_18 = tpu.transpose %slice3A_17, [1, 0] : vector<64x4096xf32> -> vector<4096x64xf32>
    %swap3A_19 = arith.constant 0 : index
    %swap3A_20 = arith.constant 64 : index
    %swap3A_21 = vector.load %arg4[%swap3A_19, %swap3A_20] : memref<4096x128xf32, #tpu.memory_space<vmem>>, vector<4096x64xf32>
    tpu.vector_store %arg4[%swap3A_19, %swap3A_20], %transpose3A_18 {strides = array<i32>} : memref<4096x128xf32, #tpu.memory_space<vmem>>, vector<4096x64xf32>,
    return
  }
  func.func @transform_0(%arg0: i32) -> (i32, i32) {
    %c0_i32 = arith.constant 0 : i32
    %c0_i32_0 = arith.constant 0 : i32
    return %c0_i32, %arg0 : i32, i32
  }
  func.func @transform_1(%arg0: i32) -> (i32, i32) {
    %c0_i32 = arith.constant 0 : i32
    %c0_i32_0 = arith.constant 0 : i32
    return %c0_i32, %arg0 : i32, i32
  }
  func.func @transform_2(%arg0: i32) -> (i32, i32) {
    %c0_i32 = arith.constant 0 : i32
    %c0_i32_0 = arith.constant 0 : i32
    return %arg0, %c0_i32 : i32, i32
  }
  func.func @transform_3(%arg0: i32) -> (i32, i32) {
    %c0_i32 = arith.constant 0 : i32
    %c0_i32_0 = arith.constant 0 : i32
    return %arg0, %c0_i32 : i32, i32
  }
}

</mosaic_0001>

<sc_bundles>
// kernel: _w2v_loss.5.cloned.1.call-start
scs
__scs_entry_jumppad:
0x0: {  	(pc) =	sbr.rel $0x88, $3  }
0x1: {  	(tag) =	ssettag $0x0;
	lr =	simm.s32 $0x1  }
0x2: {  	[smem:$0x3F9D] =	sst lr;
	_ =	strace $0xD0000000  }
0x3: {  	_ = 	snop  }
0x4: {  	_ = 	snop  }
0x5: {  	_ = 	snop  }
0x6: {  	_ = 	snop  }
0x7: {  	_ = 	snop  }
__scs_overlays_trampoline_lowered:
0x8: {  	[smem:$0x3FAC] =	sst s0  }
0x9: {  	[smem:$0x3FAD] =	sst s1  }
0xa: {  	[smem:$0x3FAE] =	sst s2  }
0xb: {  	[smem:$0x3FAF] =	sst s3  }
0xc: {  	[smem:$0x3FB0] =	sst s4  }
0xd: {  	[smem:$0x3FB1] =	sst s5  }
0xe: {  	[smem:$0x3FB2] =	sst s6  }
0xf: {  	[smem:$0x3FB3] =	sst s7  }
0x10: {  	[smem:$0x3FB4] =	sst s8  }
0x11: {  	[smem:$0x3FB5] =	sst s9;
	s0 =	simm.s32 @!p0 $0x0  }
0x12: {  	s1 =	sld [smem:$0x3F9B];
	s0 =	simm.s32 @p0 $0x1  }
0x13: {  	[smem:$0x3FB6] =	sst s0;
	s0 =	simm.s32 @!p1 $0x0  }
0x14: {  	s2 =	sld [smem:$0x3F9A];
	s0 =	simm.s32 @p1 $0x1  }
0x15: {  	[smem:$0x3FB7] =	sst s0;
	s0 =	simm.s32 @!p2 $0x0  }
0x16: {  	s3 =	sld [smem:$0x3FDB];
	s0 =	simm.s32 @p2 $0x1  }
0x17: {  	s4 =	simm.s32 $0x1BF5;
	[smem:$0x3FB9] =	sst s0  }
0x18: {  	s0 =	sld [smem:$0x3F9C];
	_ =	swait.ge [sflag:s4], $0x0  }
0x19: {  	s7 =	sld [smem:$0x3F9D]  }
0x1a: {  	s8 =	sadd.s32 $0xFFFFE003, lr  }
0x1b: {  	s9 =	sadd.s32 $0xFFFFFEF7, lr;
	s5 =	simm.s32 $0xFFFFFFFF;
	p2 =	slt.u32 s8, $0xFFFFF086  }
0x1c: {  	p1 =	slt.u32 s9, $0xF7A;
	s5 =	simm.s32 @!p2 $0x0  }
0x1d: {  	s5 =	simm.s32 @p1 $0x1;
	p0 =	seq.s32 s7, s2  }
0x1e: {  	s7 =	smul.u32 @!p0 $0xF7A, s2;
	p2 =	seq.s32 @!p0 s5, $0x0  }
0x1f: {  	s9 =	smul.u32 $0xF7A, s1;
	s8 =	simm.s32 @!p0 $0x1BF5;
	p2 =	por !p2, p0  }
0x20: {  	[sflag:s8] =	ssyncset.s32 @!p0 $0xFFFFF086;
	s6 =	sadd.s32 @!p0 s3, s7;
	s7 =	simm.s32 @!p0 $0x108  }
0x21: {  	s3 =	sadd.s32 s3, s9;
	s6 =	sadd.s32 @!p0 $0x88, s6;
	s7 =	simm.s32 @p2 $0x1082  }
0x22: {  	[simem:s7], [sflag:s8] =	dma.local @!p0 [hbm:s6], $0xF7A  }
0x23: {  	s9 =	sor.u32 $0xD0000000, s2;
	s6 =	simm.s32 $0x108;
	_ =	swait.ge @!p0 [sflag:s8], $0x0  }
0x24: {  	s3 =	sadd.s32 $0x88, s3;
	s6 =	simm.s32 @!p1 $0x1082;
	[sflag:s4] =	ssyncset.s32 $0xFFFFF086  }
0x25: {  	[simem:s6], [sflag:s4] =	dma.local [hbm:s3], $0xF7A  }
0x26: {  	[smem:$0x3F9D] =	sst s1;
	(tag) =	ssettag s2;
	_ =	strace s9  }
0x27: {  	s1 =	sld [smem:$0x3FAD]  }
0x28: {  	s2 =	sld [smem:$0x3FAE]  }
0x29: {  	s4 =	sld [smem:$0x3FB0]  }
0x2a: {  	p0 =	seq.s32 s5, $0x0;
	s5 =	sld [smem:$0x3FB1]  }
0x2b: {  	s6 =	sld [smem:$0x3FB2]  }
0x2c: {  	s7 =	sld [smem:$0x3FB3]  }
0x2d: {  	s3 =	simm.s32 $0x108;
	s8 =	sld [smem:$0x3FB4]  }
0x2e: {  	s3 =	simm.s32 @!p0 $0x1082;
	s9 =	sld [smem:$0x3FB5]  }
0x2f: {  	lr =	sadd.s32 s0, s3;
	s0 =	sld [smem:$0x3FAC]  }
0x30: {  	s3 =	sld [smem:$0x3FAF]  }
0x31: {  	[smem:$0x3FB8] =	sst s10  }
0x32: {  	s10 =	sld [smem:$0x3FB6];
	_ =	sdelay $0x3  }
0x33: {  	p0 =	seq.s32 s10, $0x1;
	s10 =	sld [smem:$0x3FB8];
	_ =	sdelay $0x3  }
0x34: {  	[smem:$0x3FB8] =	sst s10  }
0x35: {  	s10 =	sld [smem:$0x3FB7];
	_ =	sdelay $0x3  }
0x36: {  	p1 =	seq.s32 s10, $0x1;
	s10 =	sld [smem:$0x3FB8];
	_ =	sdelay $0x3  }
0x37: {  	[smem:$0x3FB8] =	sst s10  }
0x38: {  	s10 =	sld [smem:$0x3FB9]  }
0x39: {  	_ = 	snop;
	(pc) =	sbr.ind lr, $3  }
0x3a: {  	_ = 	snop  }
0x3b: {  	_ = 	snop  }
0x3c: {  	p2 =	seq.s32 s10, $0x1;
	s10 =	sld [smem:$0x3FB8]  }
0x3d: {  	_ =	shalt  }
0x3e: {  	_ =	shalt  }
0x3f: {  	_ =	shalt  }
0x40: {  	_ =	shalt  }
0x41: {  	_ =	shalt  }
0x42: {  	_ =	shalt  }
0x43: {  	_ =	shalt  }
0x44: {  	_ =	shalt  }
0x45: {  	_ =	shalt  }
0x46: {  	_ =	shalt  }
0x47: {  	_ =	shalt  }
0x48: {  	_ =	shalt  }
0x49: {  	_ =	shalt  }
0x4a: {  	_ =	shalt  }
0x4b: {  	_ =	shalt  }
0x4c: {  	_ =	shalt  }
0x4d: {  	_ =	shalt  }
0x4e: {  	_ =	shalt  }
0x4f: {  	_ =	shalt  }
0x50: {  	_ =	shalt  }
0x51: {  	_ =	shalt  }
0x52: {  	_ =	shalt  }
0x53: {  	_ =	shalt  }
0x54: {  	_ =	shalt  }
0x55: {  	_ =	shalt  }
0x56: {  	_ =	shalt  }
0x57: {  	_ =	shalt  }
0x58: {  	_ =	shalt  }
0x59: {  	_ =	shalt  }
0x5a: {  	_ =	shalt  }
0x5b: {  	_ =	shalt  }
0x5c: {  	_ =	shalt  }
0x5d: {  	_ =	shalt  }
0x5e: {  	_ =	shalt  }
0x5f: {  	_ =	shalt  }
0x60: {  	_ =	shalt  }
0x61: {  	_ =	shalt  }
0x62: {  	_ =	shalt  }
0x63: {  	_ =	shalt  }
0x64: {  	_ =	shalt  }
0x65: {  	_ =	shalt  }
0x66: {  	_ =	shalt  }
0x67: {  	_ =	shalt  }
0x68: {  	_ =	shalt  }
0x69: {  	_ =	shalt  }
0x6a: {  	_ =	shalt  }
0x6b: {  	_ =	shalt  }
0x6c: {  	_ =	shalt  }
0x6d: {  	_ =	shalt  }
0x6e: {  	_ =	shalt  }
0x6f: {  	_ =	shalt  }
0x70: {  	_ =	shalt  }
0x71: {  	_ =	shalt  }
0x72: {  	_ =	shalt  }
0x73: {  	_ =	shalt  }
0x74: {  	_ =	shalt  }
0x75: {  	_ =	shalt  }
0x76: {  	_ =	shalt  }
0x77: {  	_ =	shalt  }
0x78: {  	_ =	shalt  }
0x79: {  	_ =	shalt  }
0x7a: {  	_ =	shalt  }
0x7b: {  	_ =	shalt  }
0x7c: {  	_ =	shalt  }
0x7d: {  	_ =	shalt  }
0x7e: {  	_ =	shalt  }
0x7f: {  	_ =	shalt  }
0x80: {  	_ =	shalt  }
0x81: {  	_ =	shalt  }
0x82: {  	_ =	shalt  }
0x83: {  	_ =	shalt  }
0x84: {  	_ =	shalt  }
0x85: {  	_ =	shalt  }
0x86: {  	_ =	shalt  }
0x87: {  	_ =	shalt  }
.Lfunc_end0:
.L_simem_size_0:
called_computation_lowered:
.L_overlay_start_0:
0x88: {  	s2 =	sld [smem:$0x3FD9]  }
0x89: {  	s3 =	sld [smem:$0x3FFE];
	_ =	sdelay $0x1  }
0x8a: {  	s1 =	srdreg.scid  }
0x8b: {  	s0 =	sand.u32 $0x1, s1  }
0x8c: {  	s16 =	sshll.u32 s0, $0xA;
	s2 =	sadd.s32 s3, s2  }
0x8d: {  	s2 =	sadd.s32 s2, s16  }
0x8e: {  	[smem:$0x3FC4] =	sst s2  }
0x8f: {  	_ = 	snop  }
0x90: {  	(tm) =	ssettm $0x1  }
0x91: {  	s17 =	sld [smem:$0x3FFB];
	_ =	sdelay $0x3  }
0x92: {  	_ =	strace s17  }
0x93: {  	s2 =	sld [smem:$0x3FFC];
	_ =	sdelay $0x3  }
0x94: {  	_ =	strace s2  }
0x95: {  	s2 =	sld [smem:$0x3FFD];
	_ =	sdelay $0x3  }
0x96: {  	_ =	strace s2  }
0x97: {  	_ =	strace $0x8FFFFFFF  }
0x98: {  	s18 =	sld [smem:$0x3FDB];
	_ =	sdelay $0x1  }
0x99: {  	s19 =	simm.s32 $_scs_section_size  }
0x9a: {  	s4 =	simm.s32 $_size__tile_overlayer_lowered;
	s5 =	simm.s32 $_tile_overlayer_lowered  }
0x9b: {  	s22 =	simm.s32 $0x1BFF;
	s21 =	sshll.u32 s5, $0x1;
	s2 =	sadd.s32 s19, s18  }
0x9c: {  	s6 =	simm.s32 $0x0;
	s20 =	sshll.u32 s4, $0x1;
	s4 =	sadd.s32 s21, s2  }
0x9d: {  	[timem:s6], [sflag:s22] =	dma.local [hbm:s4], s20  }
0x9e: {  	_ =	swait.ge [sflag:s22], s20  }
0x9f: {  	s3 =	ssub.s32 $0x0, s20;
	[sflag:s22] =	ssyncset.done $0x0  }
0xa0: {  	[sflag:s22] =	ssyncadd.s32 s3;
	_ =	sdelay $0x1  }
0xa1: {  	s23 =	simm.s32 $0x1B8B  }
0xa2: {  	_ =	swait.ge [sflag:s23], $0x1  }
0xa3: {  	[sflag:s23] =	ssyncset.done $0x0  }
0xa4: {  	s25 =	simm.s32 $0x1B8E;
	s24 =	sld [smem:$0x3FFE];
	[sflag:s23] =	ssyncadd.s32 $0xFFFFFFFF  }
0xa5: {  	s26 =	simm.s32 $execute0_lowered;
	[smem:$0x3FD2] =	sst s25  }
0xa6: {  	s4 =	sshll.u32 s26, $0x1;
	_ =	strace $0x80000046;
	[dreg:$0x1] =	wrdreg $0xFFFFFFFF  }
0xa7: {  	s28 =	simm.s32 $_size_execute0_lowered;
	s2 =	sadd.s32 s2, s4;
	[dreg:$0x0] =	wrdreg $0x0  }
0xa8: {  	s4 =	sshll.u32 s28, $0x1;
	[dreg:$0x2] =	wrdreg s2  }
0xa9: {  	[dreg:$0x3] =	wrdreg s4  }
0xaa: {  	[dreg:$0x4] =	wrdreg $0xC0  }
0xab: {  	_ =	task [dreg:s6], $0x5FFFF  }
0xac: {  	[dreg:$0x1] =	wrdreg $0xFFFFFFFF  }
0xad: {  	[dreg:$0x0] =	wrdreg $0x60  }
0xae: {  	[dreg:$0x2] =	wrdreg s24  }
0xaf: {  	[dreg:$0x3] =	wrdreg $0x9  }
0xb0: {  	_ =	task.clear_ibuf [dreg:s6], $0x4FFFF;
	_ =	strace $0x90000046  }
0xb1: {  	s29 =	simm.s32 $0x9;
	_ =	strace $0x80000048  }
0xb2: {  	_ =	swait.ge [sflag:s29], $0x1  }
0xb3: {  	[sflag:s29] =	ssyncadd.s32 $0xFFFFFFFF  }
0xb4: {  	_ =	strace $0x90000048  }
0xb5: {  	_ =	sfence  }
0xb6: {  	s30 =	sld [smem:$0x0];
	_ =	sdelay $0x2  }
0xb7: {  	s31 =	sshll.u32 s1, $0xD;
	s1 =	sshrl.u32 s1, $0x2  }
0xb8: {  	s3 =	sand.u32 $0x4000, s31;
	s1 =	sadd.s32 s1, s30  }
0xb9: {  	s0 =	sor.u32 s3, s0;
	s1 =	sshll.u32 s1, $0x11  }
0xba: {  	s0 =	sor.u32 s1, s0  }
0xbb: {  	s0 =	sadd.s32 $0x8F2B, s0  }
0xbc: {  	[sflag:s0] =	ssyncadd.remote.s32 $0x1  }
0xbd: {  	_ =	sfence.sel $0xFFFF  }
0xbe: {  	[dreg:$0x0] =	wrdreg $0xFFFFFFFF;
	(pc) =	sbr.abs _section_cstart, $3  }
0xbf: {  	[dreg:$0x1] =	wrdreg $0xFFFFFFFF  }
0xc0: {  	_ =	task.clear_ibuf [dreg:s6], $0x2FFFF;
	_ =	strace $0x9FFFFFFF  }
0xc1: {  	(tm) =	ssettm $0x7FFFFFFF  }
tec
execute0_lowered:
.L_overlay_start_1:
0x0: {  	(tag) =	ssettag $0x1  }
0x1: {  	v7 =	vlaneseq.u32;
	s0 =	srdreg.scid  }
0x2: {  	s5 =	rddreg [dreg:$0x0];
	s2 =	simm.s32 $0x0;
	v0 =	vmul.u32 $0x500, v7;
	s4 =	sand.u32 $0x1, s0;
	v1 =	vmul.u32 $0x40, v7  }
0x3: {  	s0 =	stileid.u32;
	[smem:$0x7FF] =	sst s2;
	s1 =	sshll.u32 s4, $0x4  }
0x4: {  	s6 =	sor.u32 s0, s1;
	s1 =	rddreg [dreg:$0x1];
	_ =	strace $0x80000047;
	[tilespmem:$0x1FD60] =	vst v1;
	v40 =	vadd.s32 $0x58C0, v0  }
0x5: {  	v43 =	vadd.s32 $0x5900, v0;
	[tilespmem:$0x1FD70] =	vst v40  }
0x6: {  	v44 =	vadd.s32 $0x5940, v0;
	[tilespmem:$0x1FD80] =	vst v43  }
0x7: {  	v45 =	vadd.s32 $0x5980, v0;
	[tilespmem:$0x1FD90] =	vst v44  }
0x8: {  	v46 =	vadd.s32 $0x59C0, v0;
	[tilespmem:$0x1FDA0] =	vst v45  }
0x9: {  	v39 =	vadd.s32 $0x800, v0;
	v47 =	vadd.s32 $0x5A00, v0;
	[tilespmem:$0x1FDB0] =	vst v46  }
0xa: {  	v41 =	vadd.s32 $0x840, v0;
	v42 =	vadd.s32 $0x880, v0;
	v48 =	vadd.s32 $0x5A40, v0;
	[tilespmem:$0x1FDC0] =	vst v47  }
0xb: {  	v61 =	vadd.s32 $0x8C0, v0;
	v9 =	vadd.s32 $0x900, v0;
	v49 =	vadd.s32 $0x5A80, v0;
	[tilespmem:$0x1FDD0] =	vst v48  }
0xc: {  	v10 =	vadd.s32 $0x940, v0;
	v11 =	vadd.s32 $0x980, v0;
	v52 =	vadd.s32 $0x5AC0, v0;
	[tilespmem:$0x1FDE0] =	vst v49  }
0xd: {  	v12 =	vadd.s32 $0x9C0, v0;
	v13 =	vadd.s32 $0xA00, v0;
	v53 =	vadd.s32 $0x5B00, v0;
	[tilespmem:$0x1FDF0] =	vst v52  }
0xe: {  	v14 =	vadd.s32 $0xA40, v0;
	v15 =	vadd.s32 $0xA80, v0;
	v54 =	vadd.s32 $0x5B40, v0;
	[tilespmem:$0x1FE00] =	vst v53  }
0xf: {  	v55 =	vadd.s32 $0xAC0, v0;
	v17 =	vadd.s32 $0xB00, v0;
	v58 =	vadd.s32 $0x5B80, v0;
	[tilespmem:$0x1FE10] =	vst v54  }
0x10: {  	v18 =	vadd.s32 $0xB40, v0;
	v19 =	vadd.s32 $0xB80, v0;
	v59 =	vadd.s32 $0x5BC0, v0;
	[tilespmem:$0x1FE20] =	vst v58  }
0x11: {  	v20 =	vadd.s32 $0xBC0, v0;
	v33 =	vadd.s32 $0xC00, v0;
	v60 =	vadd.s32 $0x5C00, v0;
	[tilespmem:$0x1FE30] =	vst v59  }
0x12: {  	v34 =	vadd.s32 $0xC40, v0;
	v35 =	vadd.s32 $0xC80, v0;
	v62 =	vadd.s32 $0x5C40, v0;
	[tilespmem:$0x1FE40] =	vst v60  }
0x13: {  	v36 =	vadd.s32 $0xCC0, v0;
	v50 =	vadd.s32 $0x5800, v0;
	v63 =	vadd.s32 $0x5C80, v0;
	[tilespmem:$0x1FE50] =	vst v62  }
0x14: {  	v51 =	vadd.s32 $0x5840, v0;
	v57 =	vadd.s32 $0x5880, v0;
	v0 =	vadd.s32 $0x5CC0, v0;
	[tilespmem:$0x1FE60] =	vst v63  }
0x15: {  	[tilespmem:$0x1FE70] =	vst v0  }
0x16: {  	[tilespmem:$0x1FE80] =	vst v39  }
0x17: {  	[tilespmem:$0x1FE90] =	vst v41  }
0x18: {  	[tilespmem:$0x1FEA0] =	vst v42  }
0x19: {  	[tilespmem:$0x1FEB0] =	vst v61  }
0x1a: {  	[tilespmem:$0x1FEC0] =	vst v9  }
0x1b: {  	[tilespmem:$0x1FED0] =	vst v10  }
0x1c: {  	[tilespmem:$0x1FEE0] =	vst v11  }
0x1d: {  	[tilespmem:$0x1FEF0] =	vst v12  }
0x1e: {  	[tilespmem:$0x1FF00] =	vst v13  }
0x1f: {  	[tilespmem:$0x1FF10] =	vst v14  }
0x20: {  	[tilespmem:$0x1FF20] =	vst v15  }
0x21: {  	[tilespmem:$0x1FF30] =	vst v55  }
0x22: {  	[tilespmem:$0x1FF40] =	vst v17  }
0x23: {  	[tilespmem:$0x1FF50] =	vst v18  }
0x24: {  	s11 =	simm.s32 $0x200;
	s12 =	simm.s32 $0x20;
	[tilespmem:$0x1FF60] =	vst v19  }
0x25: {  	s13 =	simm.s32 $0x2C00;
	s14 =	simm.s32 $0x2A0;
	s15 =	simm.s32 $0x3400;
	[tilespmem:$0x1FF70] =	vst v20  }
0x26: {  	s16 =	simm.s32 $0xDC00;
	s17 =	simm.s32 $0xE400;
	s18 =	simm.s32 $0x1;
	[tilespmem:$0x1FF80] =	vst v33  }
0x27: {  	s19 =	simm.s32 $0x2;
	s20 =	simm.s32 $0x3;
	s21 =	simm.s32 $0x4;
	[tilespmem:$0x1FF90] =	vst v34  }
0x28: {  	s22 =	simm.s32 $0x18C00;
	s23 =	simm.s32 $0x18E00;
	s24 =	simm.s32 $0x0;
	[tilespmem:$0x1FFA0] =	vst v35  }
0x29: {  	s8 =	ssub.s32 $0x2, s4;
	v56 =	vor.u32 $0x400, v1;
	s3 =	smul.u32 $0x540, s6;
	s6 =	sshll.u32 s6, $0x6;
	[tilespmem:$0x1FFB0] =	vst v36  }
0x2a: {  	s4 =	sadd.s32 $0x7BBE00, s5;
	s31 =	sshrl.u32 s8, $0x1;
	[tilespmem:$0x1FFC0] =	vst v56;
	s9 =	sadd.s32 s6, s5  }
0x2b: {  	[tilespmem:$0x1FFD0] =	vst v50;
	s7 =	sadd.s32 s3, s5;
	s3 =	sadd.s32 $0xBE00, s5;
	s5 =	sadd.s32 $0xE00, s9  }
0x2c: {  	s10 =	ssub.s32 s8, s31;
	[tilespmem:$0x1FFE0] =	vst v51;
	s6 =	sadd.s32 $0xF6BE00, s9;
	s8 =	sadd.s32 $0xF6C600, s9  }
0x2d: {  	[tilespmem:$0x1FFF0] =	vst v57;
	s9 =	smax.u32 s10, $0x1;
	s10 =	simm.s32 $0x5;
	s7 =	sadd.s32 $0x1600, s7  }
.LBB2_1:
0x2e: {  	[tilespmem:s2], [sflag:$0x5] =	stream.linear.gather [hbm4b:s5+s2], $0x200, $0x38;
	[tilespmem:$0x19000] =	vst v63  }
0x2f: {  	_ =	swait.ge [sflag:s10], $0x200  }
0x30: {  	[sflag:s10] =	ssyncset.done $0x0  }
0x31: {  	[sflag:s10] =	ssyncadd.s32 $0xFFFFFE00  }
0x32: {  	[tilespmem:s11], [sflag:$0x5] =	stream.linear.gather [hbm4b:s7+s2], $0x2A00, $0x38;
	[tilespmem:$0x19000] =	vst v63  }
0x33: {  	_ =	swait.ge [sflag:s10], $0x2A00  }
0x34: {  	[sflag:s10] =	ssyncset.done $0x0  }
0x35: {  	[sflag:s10] =	ssyncadd.s32 $0xFFFFD600  }
0x36: {  	[tilespmem:s13], [sflag:$0x1] =	stream.indirect.gather [hbm4b:s3+s12], $0x40, s2, s12, $0xb8;
	[tilespmem:$0x19000] =	vst v63  }
0x37: {  	s25 =	simm.s32 $0x0  }
0x38: {  	[tilespmem:s15], [sflag:$0x2] =	stream.indirect.gather [hbm4b:s4+s14], $0x40, s11, s14, $0xb8;
	[tilespmem:$0x19000] =	vst v63  }
.LBB2_2:
0x39: {  	s28 =	sshllo.u32 s25, $0x1  }
0x3a: {  	s26 =	sshll.u32 s28, $0x5  }
0x3b: {  	s28 =	smul.u32 $0xA80, s28;
	s29 =	sand.u32 $0x3FFFFFE0, s26  }
0x3c: {  	[tilespmem:s16], [sflag:$0x3] =	stream.indirect.gather [hbm4b:s3+s12], $0x40, s29, s12, $0xb8;
	[tilespmem:$0x19000] =	vst v63  }
0x3d: {  	s28 =	sshra.s32 s28, $0x2  }
0x3e: {  	s29 =	simm.s32 $0x0;
	s28 =	sadd.s32 $0x200, s28  }
0x3f: {  	v0 =	vadd.s32 s29, v7;
	[tilespmem:s17], [sflag:$0x4] =	stream.indirect.gather [hbm4b:s4+s14], $0x40, s28, s14, $0xb8;
	[tilespmem:$0x19000] =	vst v63  }
0x40: {  	v46 =	vand.u32 $0x3F, v0;
	_ =	swait.ge [sflag:s18], $0x800  }
0x41: {  	v0 =	vor.u32 v33, v46;
	[sflag:s18] =	ssyncset.done $0x0  }
0x42: {  	[sflag:s18] =	ssyncadd.s32 $0xFFFFF800  }
0x43: {  	_ =	swait.ge [sflag:s19], $0xA800  }
0x44: {  	[sflag:s19] =	ssyncset.done $0x0  }
0x45: {  	[sflag:s19] =	ssyncadd.s32 $0xFFFF5800  }
0x46: {  	v8 =	vld.idx.msk [tilespmem:v0+s15+$0x0], $0xffff;
	v0 =	vor.u32 v42, v46;
	_ =	sdelay $0x4  }
0x47: {  	v56 =	vld.idx.msk [tilespmem:v0+s15+$0x0], $0xffff;
	v0 =	vor.u32 v12, v46;
	_ =	sdelay $0x2  }
0x48: {  	v3 =	vor.u32 v36, v46;
	_ =	sdelay $0x1  }
0x49: {  	v0 =	vld.idx.msk [tilespmem:v0+s15+$0x0], $0xffff;
	_ =	sdelay $0x1  }
0x4a: {  	v4 =	vor.u32 v39, v46  }
0x4b: {  	v48 =	vld.idx.msk [tilespmem:v3+s15+$0x0], $0xffff;
	v3 =	vor.u32 v10, v46;
	_ =	sdelay $0x1  }
0x4c: {  	[tilespmem:$0x1F580] =	vst v0;
	v0 =	vor.u32 v17, v46;
	_ =	sdelay $0x1  }
0x4d: {  	v5 =	vor.u32 v41, v46;
	v40 =	vld.idx.msk [tilespmem:v4+s15+$0x0], $0xffff  }
0x4e: {  	v4 =	vor.u32 v11, v46;
	v3 =	vld.idx.msk [tilespmem:v3+s15+$0x0], $0xffff;
	_ =	sdelay $0x1  }
0x4f: {  	v0 =	vld.idx.msk [tilespmem:v0+s15+$0x0], $0xffff;
	_ =	sdelay $0x1  }
0x50: {  	s28 =	simm.s32 $0x1;
	v52 =	vld.idx.msk [tilespmem:v5+s15+$0x0], $0xffff  }
0x51: {  	v5 =	vadd.s32 s28, v7;
	v4 =	vld.idx.msk [tilespmem:v4+s15+$0x0], $0xffff;
	[tilespmem:$0x1F560] =	vst v3;
	v3 =	vor.u32 v15, v46  }
0x52: {  	v49 =	vand.u32 $0x3F, v5  }
0x53: {  	[tilespmem:$0x1F5D0] =	vst v0;
	v0 =	vor.u32 v34, v49;
	_ =	sdelay $0x2  }
0x54: {  	[tilespmem:$0x1F570] =	vst v4;
	v4 =	vor.u32 v55, v46;
	v3 =	vld.idx.msk [tilespmem:v3+s15+$0x0], $0xffff;
	_ =	sdelay $0x1  }
0x55: {  	v0 =	vld.idx.msk [tilespmem:v0+s15+$0x0], $0xffff;
	_ =	sdelay $0x1  }
0x56: {  	s28 =	simm.s32 $0x2  }
0x57: {  	v2 =	vor.u32 v35, v46;
	[tilespmem:$0x1F5B0] =	vst v3;
	v3 =	vld.idx.msk [tilespmem:v4+s15+$0x0], $0xffff;
	v4 =	vadd.s32 s28, v7  }
0x58: {  	v50 =	vand.u32 $0x3F, v4  }
0x59: {  	[tilespmem:$0x1F610] =	vst v0;
	v0 =	vor.u32 v35, v50;
	_ =	sdelay $0x2  }
0x5a: {  	v38 =	vld.idx.msk [tilespmem:v2+s15+$0x0], $0xffff;
	v2 =	vor.u32 v9, v46  }
0x5b: {  	v6 =	vor.u32 v20, v46  }
0x5c: {  	v0 =	vld.idx.msk [tilespmem:v0+s15+$0x0], $0xffff;
	_ =	sdelay $0x1  }
0x5d: {  	s28 =	simm.s32 $0x3  }
0x5e: {  	v63 =	vld.idx.msk [tilespmem:v2+s15+$0x0], $0xffff;
	v2 =	vor.u32 v14, v46;
	v5 =	vadd.s32 s28, v7  }
0x5f: {  	v4 =	vld.idx.msk [tilespmem:v6+s15+$0x0], $0xffff;
	v51 =	vand.u32 $0x3F, v5  }
0x60: {  	[tilespmem:$0x1F660] =	vst v0;
	v0 =	vor.u32 v36, v51;
	_ =	sdelay $0x2  }
0x61: {  	v2 =	vld.idx.msk [tilespmem:v2+s15+$0x0], $0xffff;
	[tilespmem:$0x1F5C0] =	vst v3;
	v3 =	vor.u32 v33, v49  }
0x62: {  	[tilespmem:$0x1F600] =	vst v4;
	v4 =	vor.u32 v33, v50  }
0x63: {  	v0 =	vld.idx.msk [tilespmem:v0+s15+$0x0], $0xffff;
	_ =	sdelay $0x2  }
0x64: {  	[tilespmem:$0x1F5A0] =	vst v2;
	v2 =	vor.u32 v19, v46;
	v6 =	vld.idx.msk [tilespmem:v3+s15+$0x0], $0xffff  }
0x65: {  	v3 =	vor.u32 v34, v50;
	v4 =	vld.idx.msk [tilespmem:v4+s15+$0x0], $0xffff  }
0x66: {  	[tilespmem:$0x1F6B0] =	vst v0;
	v0 =	vor.u32 v10, v49;
	_ =	sdelay $0x2  }
0x67: {  	v2 =	vld.idx.msk [tilespmem:v2+s15+$0x0], $0xffff  }
0x68: {  	v3 =	vld.idx.msk [tilespmem:v3+s15+$0x0], $0xffff;
	[tilespmem:$0x1F640] =	vst v4;
	v4 =	vor.u32 v34, v51  }
0x69: {  	v0 =	vld.idx.msk [tilespmem:v0+s15+$0x0], $0xffff;
	_ =	sdelay $0x2  }
0x6a: {  	[tilespmem:$0x1F5F0] =	vst v2;
	v2 =	vor.u32 v36, v49  }
0x6b: {  	[tilespmem:$0x1F650] =	vst v3;
	v3 =	vor.u32 v35, v51;
	v4 =	vld.idx.msk [tilespmem:v4+s15+$0x0], $0xffff  }
0x6c: {  	[tilespmem:$0x1F700] =	vst v0;
	v0 =	vor.u32 v15, v49;
	_ =	sdelay $0x2  }
0x6d: {  	v2 =	vld.idx.msk [tilespmem:v2+s15+$0x0], $0xffff  }
0x6e: {  	v3 =	vld.idx.msk [tilespmem:v3+s15+$0x0], $0xffff;
	[tilespmem:$0x1F690] =	vst v4;
	v4 =	vor.u32 v61, v49  }
0x6f: {  	v0 =	vld.idx.msk [tilespmem:v0+s15+$0x0], $0xffff;
	_ =	sdelay $0x2  }
0x70: {  	[tilespmem:$0x1F630] =	vst v2;
	v2 =	vor.u32 v33, v51  }
0x71: {  	[tilespmem:$0x1F6A0] =	vst v3;
	v3 =	vor.u32 v9, v49;
	v4 =	vld.idx.msk [tilespmem:v4+s15+$0x0], $0xffff  }
0x72: {  	[tilespmem:$0x1F750] =	vst v0;
	v0 =	vor.u32 v20, v49;
	_ =	sdelay $0x2  }
0x73: {  	v2 =	vld.idx.msk [tilespmem:v2+s15+$0x0], $0xffff  }
0x74: {  	v3 =	vld.idx.msk [tilespmem:v3+s15+$0x0], $0xffff;
	[tilespmem:$0x1F6E0] =	vst v4;
	v4 =	vor.u32 v13, v49  }
0x75: {  	v0 =	vld.idx.msk [tilespmem:v0+s15+$0x0], $0xffff;
	_ =	sdelay $0x2  }
0x76: {  	[tilespmem:$0x1F680] =	vst v2;
	v2 =	vor.u32 v42, v49  }
0x77: {  	[tilespmem:$0x1F6F0] =	vst v3;
	v3 =	vor.u32 v14, v49;
	v4 =	vld.idx.msk [tilespmem:v4+s15+$0x0], $0xffff  }
0x78: {  	[tilespmem:$0x1F7A0] =	vst v0;
	v0 =	vor.u32 v9, v50;
	_ =	sdelay $0x2  }
0x79: {  	v2 =	vld.idx.msk [tilespmem:v2+s15+$0x0], $0xffff  }
0x7a: {  	v3 =	vld.idx.msk [tilespmem:v3+s15+$0x0], $0xffff;
	[tilespmem:$0x1F730] =	vst v4;
	v4 =	vor.u32 v18, v49  }
0x7b: {  	v0 =	vld.idx.msk [tilespmem:v0+s15+$0x0], $0xffff;
	_ =	sdelay $0x2  }
0x7c: {  	[tilespmem:$0x1F6D0] =	vst v2;
	v2 =	vor.u32 v12, v49  }
0x7d: {  	[tilespmem:$0x1F740] =	vst v3;
	v3 =	vor.u32 v19, v49;
	v4 =	vld.idx.msk [tilespmem:v4+s15+$0x0], $0xffff  }
0x7e: {  	[tilespmem:$0x1F7F0] =	vst v0;
	v0 =	vor.u32 v14, v50;
	_ =	sdelay $0x2  }
0x7f: {  	v2 =	vld.idx.msk [tilespmem:v2+s15+$0x0], $0xffff  }
0x80: {  	v3 =	vld.idx.msk [tilespmem:v3+s15+$0x0], $0xffff;
	[tilespmem:$0x1F780] =	vst v4;
	v4 =	vor.u32 v42, v50  }
0x81: {  	v0 =	vld.idx.msk [tilespmem:v0+s15+$0x0], $0xffff;
	_ =	sdelay $0x2  }
0x82: {  	[tilespmem:$0x1F720] =	vst v2;
	v2 =	vor.u32 v17, v49  }
0x83: {  	[tilespmem:$0x1F790] =	vst v3;
	v3 =	vor.u32 v61, v50;
	v4 =	vld.idx.msk [tilespmem:v4+s15+$0x0], $0xffff  }
0x84: {  	[tilespmem:$0x1F840] =	vst v0;
	v0 =	vor.u32 v19, v50;
	_ =	sdelay $0x2  }
0x85: {  	v2 =	vld.idx.msk [tilespmem:v2+s15+$0x0], $0xffff  }
0x86: {  	v3 =	vld.idx.msk [tilespmem:v3+s15+$0x0], $0xffff;
	[tilespmem:$0x1F7D0] =	vst v4;
	v4 =	vor.u32 v12, v50  }
0x87: {  	v0 =	vld.idx.msk [tilespmem:v0+s15+$0x0], $0xffff;
	_ =	sdelay $0x2  }
0x88: {  	[tilespmem:$0x1F770] =	vst v2;
	v2 =	vor.u32 v41, v50  }
0x89: {  	[tilespmem:$0x1F7E0] =	vst v3;
	v3 =	vor.u32 v13, v50;
	v4 =	vld.idx.msk [tilespmem:v4+s15+$0x0], $0xffff  }
0x8a: {  	[tilespmem:$0x1F890] =	vst v0;
	v0 =	vor.u32 v61, v51;
	_ =	sdelay $0x2  }
0x8b: {  	v2 =	vld.idx.msk [tilespmem:v2+s15+$0x0], $0xffff  }
0x8c: {  	v3 =	vld.idx.msk [tilespmem:v3+s15+$0x0], $0xffff;
	[tilespmem:$0x1F820] =	vst v4;
	v4 =	vor.u32 v17, v50  }
0x8d: {  	v60 =	vld.idx.msk [tilespmem:v0+s15+$0x0], $0xffff;
	v0 =	vor.u32 v13, v51;
	_ =	sdelay $0x2  }
0x8e: {  	[tilespmem:$0x1F7C0] =	vst v2;
	v2 =	vor.u32 v11, v50  }
0x8f: {  	[tilespmem:$0x1F830] =	vst v3;
	v3 =	vor.u32 v18, v50;
	v4 =	vld.idx.msk [tilespmem:v4+s15+$0x0], $0xffff  }
0x90: {  	v23 =	vor.u32 v15, v51;
	v0 =	vld.idx.msk [tilespmem:v0+s15+$0x0], $0xffff;
	_ =	sdelay $0x2  }
0x91: {  	v2 =	vld.idx.msk [tilespmem:v2+s15+$0x0], $0xffff  }
0x92: {  	v3 =	vld.idx.msk [tilespmem:v3+s15+$0x0], $0xffff;
	[tilespmem:$0x1F870] =	vst v4;
	v4 =	vmov v17  }
0x93: {  	v25 =	vor.u32 v4, v51;
	[tilespmem:$0x1F8E0] =	vst v0;
	v0 =	vld.idx.msk [tilespmem:v23+s15+$0x0], $0xffff;
	_ =	sdelay $0x1  }
0x94: {  	v22 =	vor.u32 v14, v51  }
0x95: {  	[tilespmem:$0x1F810] =	vst v2;
	v2 =	vor.u32 v55, v50  }
0x96: {  	[tilespmem:$0x1F880] =	vst v3;
	v3 =	vmov v19  }
0x97: {  	v27 =	vor.u32 v3, v51;
	[tilespmem:$0x1F8F0] =	vst v0;
	v0 =	vld.idx.msk [tilespmem:v25+s15+$0x0], $0xffff;
	_ =	sdelay $0x1  }
0x98: {  	s28 =	simm.s32 $0x4;
	v54 =	vld.idx.msk [tilespmem:v22+s15+$0x0], $0xffff  }
0x99: {  	v22 =	vadd.s32 s28, v7;
	v2 =	vld.idx.msk [tilespmem:v2+s15+$0x0], $0xffff  }
0x9a: {  	v43 =	vand.u32 $0x3F, v22  }
0x9b: {  	v29 =	vor.u32 v33, v43;
	[tilespmem:$0x1F900] =	vst v0;
	v0 =	vld.idx.msk [tilespmem:v27+s15+$0x0], $0xffff;
	_ =	sdelay $0x2  }
0x9c: {  	[tilespmem:$0x1F860] =	vst v2;
	v2 =	vor.u32 v39, v51;
	_ =	sdelay $0x1  }
0x9d: {  	v30 =	vor.u32 v34, v43;
	[tilespmem:$0x1F910] =	vst v0;
	v0 =	vld.idx.msk [tilespmem:v29+s15+$0x0], $0xffff;
	_ =	sdelay $0x2  }
0x9e: {  	v2 =	vld.idx.msk [tilespmem:v2+s15+$0x0], $0xffff;
	_ =	sdelay $0x1  }
0x9f: {  	v31 =	vor.u32 v35, v43;
	[tilespmem:$0x1F9C0] =	vst v0;
	v0 =	vld.idx.msk [tilespmem:v30+s15+$0x0], $0xffff;
	_ =	sdelay $0x2  }
0xa0: {  	[tilespmem:$0x1F8A0] =	vst v2;
	v2 =	vmov v20  }
0xa1: {  	v28 =	vor.u32 v2, v51  }
0xa2: {  	v27 =	vor.u32 v36, v43;
	[tilespmem:$0x1F9D0] =	vst v0;
	v0 =	vld.idx.msk [tilespmem:v31+s15+$0x0], $0xffff;
	_ =	sdelay $0x3  }
0xa3: {  	v25 =	vld.idx.msk [tilespmem:v28+s15+$0x0], $0xffff  }
0xa4: {  	v28 =	vor.u32 v39, v43;
	[tilespmem:$0x1F9E0] =	vst v0;
	v0 =	vld.idx.msk [tilespmem:v27+s15+$0x0], $0xffff;
	_ =	sdelay $0x4  }
0xa5: {  	v29 =	vor.u32 v41, v43;
	[tilespmem:$0x1F9F0] =	vst v0;
	v0 =	vld.idx.msk [tilespmem:v28+s15+$0x0], $0xffff;
	_ =	sdelay $0x4  }
0xa6: {  	v30 =	vor.u32 v42, v43;
	[tilespmem:$0x1FA00] =	vst v0;
	v0 =	vld.idx.msk [tilespmem:v29+s15+$0x0], $0xffff;
	_ =	sdelay $0x4  }
0xa7: {  	v31 =	vor.u32 v61, v43;
	[tilespmem:$0x1FA10] =	vst v0;
	v0 =	vld.idx.msk [tilespmem:v30+s15+$0x0], $0xffff;
	_ =	sdelay $0x4  }
0xa8: {  	v27 =	vor.u32 v9, v43;
	[tilespmem:$0x1FA20] =	vst v0;
	v0 =	vld.idx.msk [tilespmem:v31+s15+$0x0], $0xffff;
	_ =	sdelay $0x4  }
0xa9: {  	v28 =	vor.u32 v10, v43;
	[tilespmem:$0x1FA30] =	vst v0;
	v0 =	vld.idx.msk [tilespmem:v27+s15+$0x0], $0xffff;
	_ =	sdelay $0x4  }
0xaa: {  	v29 =	vor.u32 v11, v43;
	[tilespmem:$0x1FA40] =	vst v0;
	v0 =	vld.idx.msk [tilespmem:v28+s15+$0x0], $0xffff;
	_ =	sdelay $0x4  }
0xab: {  	v30 =	vor.u32 v12, v43;
	[tilespmem:$0x1FA50] =	vst v0;
	v0 =	vld.idx.msk [tilespmem:v29+s15+$0x0], $0xffff;
	_ =	sdelay $0x4  }
0xac: {  	v31 =	vor.u32 v13, v43;
	[tilespmem:$0x1FA60] =	vst v0;
	v0 =	vld.idx.msk [tilespmem:v30+s15+$0x0], $0xffff;
	_ =	sdelay $0x4  }
0xad: {  	v27 =	vor.u32 v14, v43;
	[tilespmem:$0x1FA70] =	vst v0;
	v0 =	vld.idx.msk [tilespmem:v31+s15+$0x0], $0xffff;
	_ =	sdelay $0x4  }
0xae: {  	v28 =	vor.u32 v15, v43;
	[tilespmem:$0x1FA80] =	vst v0;
	v0 =	vld.idx.msk [tilespmem:v27+s15+$0x0], $0xffff;
	_ =	sdelay $0x4  }
0xaf: {  	v29 =	vor.u32 v55, v43;
	[tilespmem:$0x1FA90] =	vst v0;
	v0 =	vld.idx.msk [tilespmem:v28+s15+$0x0], $0xffff;
	_ =	sdelay $0x4  }
0xb0: {  	v30 =	vor.u32 v4, v43;
	[tilespmem:$0x1FAA0] =	vst v0;
	v0 =	vld.idx.msk [tilespmem:v29+s15+$0x0], $0xffff;
	_ =	sdelay $0x3  }
0xb1: {  	v57 =	vmov v18  }
0xb2: {  	v31 =	vor.u32 v57, v43;
	[tilespmem:$0x1FAB0] =	vst v0;
	v0 =	vld.idx.msk [tilespmem:v30+s15+$0x0], $0xffff;
	_ =	sdelay $0x4  }
0xb3: {  	v27 =	vor.u32 v3, v43;
	[tilespmem:$0x1FAC0] =	vst v0;
	v0 =	vld.idx.msk [tilespmem:v31+s15+$0x0], $0xffff;
	_ =	sdelay $0x4  }
0xb4: {  	v28 =	vor.u32 v2, v43;
	[tilespmem:$0x1FAD0] =	vst v0;
	v0 =	vld.idx.msk [tilespmem:v27+s15+$0x0], $0xffff;
	_ =	sdelay $0x1  }
0xb5: {  	s28 =	simm.s32 $0x5  }
0xb6: {  	v32 =	vadd.s32 s28, v7  }
0xb7: {  	v44 =	vand.u32 $0x3F, v32  }
0xb8: {  	v29 =	vor.u32 v33, v44;
	[tilespmem:$0x1FAE0] =	vst v0;
	v0 =	vld.idx.msk [tilespmem:v28+s15+$0x0], $0xffff;
	_ =	sdelay $0x4  }
0xb9: {  	v30 =	vor.u32 v34, v44;
	[tilespmem:$0x1FAF0] =	vst v0;
	v0 =	vld.idx.msk [tilespmem:v29+s15+$0x0], $0xffff;
	_ =	sdelay $0x4  }
0xba: {  	v31 =	vor.u32 v35, v44;
	[tilespmem:$0x1FB00] =	vst v0;
	v0 =	vld.idx.msk [tilespmem:v30+s15+$0x0], $0xffff;
	_ =	sdelay $0x2  }
0xbb: {  	v1 =	vor.u32 v34, v46;
	_ =	sdelay $0x1  }
0xbc: {  	v27 =	vor.u32 v36, v44;
	[tilespmem:$0x1FB10] =	vst v0;
	v0 =	vld.idx.msk [tilespmem:v31+s15+$0x0], $0xffff;
	_ =	sdelay $0x1  }
0xbd: {  	s28 =	simm.s32 $0x6  }
0xbe: {  	v37 =	vld.idx.msk [tilespmem:v1+s15+$0x0], $0xffff;
	v1 =	vor.u32 v61, v46;
	v45 =	vadd.s32 s28, v7  }
0xbf: {  	v45 =	vand.u32 $0x3F, v45  }
0xc0: {  	v28 =	vor.u32 v33, v45;
	[tilespmem:$0x1FB20] =	vst v0;
	v0 =	vld.idx.msk [tilespmem:v27+s15+$0x0], $0xffff;
	_ =	sdelay $0x2  }
0xc1: {  	v1 =	vld.idx.msk [tilespmem:v1+s15+$0x0], $0xffff;
	_ =	sdelay $0x1  }
0xc2: {  	v29 =	vor.u32 v34, v45;
	[tilespmem:$0x1FB30] =	vst v0;
	v0 =	vld.idx.msk [tilespmem:v28+s15+$0x0], $0xffff;
	_ =	sdelay $0x2  }
0xc3: {  	[tilespmem:$0x1F550] =	vst v1;
	v1 =	vor.u32 v13, v46;
	_ =	sdelay $0x1  }
0xc4: {  	[tilespmem:$0x1FB40] =	vst v0;
	v0 =	vld.idx.msk [tilespmem:v29+s15+$0x0], $0xffff;
	_ =	sdelay $0x2  }
0xc5: {  	v1 =	vld.idx.msk [tilespmem:v1+s15+$0x0], $0xffff  }
0xc6: {  	v30 =	vor.u32 v35, v45  }
0xc7: {  	[tilespmem:$0x1FB50] =	vst v0;
	v0 =	vadd.f32 v37, v8;
	_ =	sdelay $0x1  }
0xc8: {  	[tilespmem:$0x1F920] =	vst v0;
	v0 =	vadd.f32 v48, v38  }
0xc9: {  	[tilespmem:$0x1F590] =	vst v1;
	v1 =	vor.u32 v18, v46  }
0xca: {  	[tilespmem:$0x1F930] =	vst v0;
	v0 =	vld.idx.msk [tilespmem:v30+s15+$0x0], $0xffff;
	_ =	sdelay $0x3  }
0xcb: {  	v1 =	vld.idx.msk [tilespmem:v1+s15+$0x0], $0xffff  }
0xcc: {  	v31 =	vor.u32 v36, v45;
	[tilespmem:$0x1FB60] =	vst v0;
	v0 =	vld [tilespmem:$0x1F550];
	_ =	sdelay $0x1  }
0xcd: {  	s28 =	simm.s32 $0x7  }
0xce: {  	v47 =	vadd.s32 s28, v7  }
0xcf: {  	[tilespmem:$0x1F5E0] =	vst v1;
	v47 =	vand.u32 $0x3F, v47  }
0xd0: {  	v1 =	vor.u32 v35, v49;
	v29 =	vor.u32 v35, v47;
	v35 =	vadd.f32 v0, v56;
	v0 =	vld.idx.msk [tilespmem:v31+s15+$0x0], $0xffff;
	_ =	sdelay $0x4  }
0xd1: {  	[tilespmem:$0x1FB70] =	vst v0;
	v0 =	vld [tilespmem:$0x1F560];
	_ =	sdelay $0x4  }
0xd2: {  	v0 =	vadd.f32 v0, v63  }
0xd3: {  	v23 =	vmov v2;
	v2 =	vld [tilespmem:$0x1F580]  }
0xd4: {  	[tilespmem:$0x1F940] =	vst v0;
	v0 =	vld [tilespmem:$0x1F570];
	_ =	sdelay $0x1  }
0xd5: {  	v27 =	vor.u32 v33, v47;
	_ =	sdelay $0x2  }
0xd6: {  	v0 =	vadd.f32 v2, v0  }
0xd7: {  	v1 =	vld.idx.msk [tilespmem:v1+s15+$0x0], $0xffff  }
0xd8: {  	[tilespmem:$0x1F950] =	vst v0;
	v0 =	vld.idx.msk [tilespmem:v27+s15+$0x0], $0xffff;
	_ =	sdelay $0x3  }
0xd9: {  	[tilespmem:$0x1F620] =	vst v1;
	v1 =	vor.u32 v36, v50;
	v2 =	vld [tilespmem:$0x1F5A0]  }
0xda: {  	[tilespmem:$0x1FB80] =	vst v0;
	v0 =	vld [tilespmem:$0x1F590];
	_ =	sdelay $0x3  }
0xdb: {  	v1 =	vld.idx.msk [tilespmem:v1+s15+$0x0], $0xffff  }
0xdc: {  	v37 =	vadd.f32 v2, v0;
	v0 =	vld [tilespmem:$0x1F5B0]  }
0xdd: {  	v28 =	vor.u32 v34, v47;
	v2 =	vld [tilespmem:$0x1F5C0];
	_ =	sdelay $0x2  }
0xde: {  	[tilespmem:$0x1F670] =	vst v1;
	v1 =	vor.u32 v41, v49;
	_ =	sdelay $0x1  }
0xdf: {  	v30 =	vor.u32 v36, v47;
	v36 =	vadd.f32 v2, v0;
	v0 =	vld.idx.msk [tilespmem:v28+s15+$0x0], $0xffff;
	_ =	sdelay $0x2  }
0xe0: {  	v1 =	vld.idx.msk [tilespmem:v1+s15+$0x0], $0xffff  }
0xe1: {  	v2 =	vld [tilespmem:$0x1F5E0]  }
0xe2: {  	[tilespmem:$0x1FB90] =	vst v0;
	v0 =	vld [tilespmem:$0x1F5D0];
	_ =	sdelay $0x4  }
0xe3: {  	[tilespmem:$0x1F6C0] =	vst v1;
	v1 =	vor.u32 v11, v49;
	v0 =	vadd.f32 v2, v0  }
0xe4: {  	v2 =	vld [tilespmem:$0x1F600]  }
0xe5: {  	[tilespmem:$0x1F960] =	vst v0;
	v0 =	vld [tilespmem:$0x1F5F0];
	_ =	sdelay $0x2  }
0xe6: {  	v1 =	vld.idx.msk [tilespmem:v1+s15+$0x0], $0xffff;
	_ =	sdelay $0x1  }
0xe7: {  	v38 =	vadd.f32 v2, v0;
	v0 =	vld.idx.msk [tilespmem:v29+s15+$0x0], $0xffff;
	_ =	sdelay $0x2  }
0xe8: {  	[tilespmem:$0x1F710] =	vst v1;
	v1 =	vor.u32 v55, v49;
	_ =	sdelay $0x1  }
0xe9: {  	[tilespmem:$0x1FBA0] =	vst v0;
	v0 =	vld [tilespmem:$0x1F610];
	_ =	sdelay $0x2  }
0xea: {  	v1 =	vld.idx.msk [tilespmem:v1+s15+$0x0], $0xffff  }
0xeb: {  	v2 =	vld [tilespmem:$0x1F630]  }
0xec: {  	v63 =	vadd.f32 v0, v6;
	v0 =	vld [tilespmem:$0x1F620];
	_ =	sdelay $0x2  }
0xed: {  	[tilespmem:$0x1F760] =	vst v1;
	v1 =	vor.u32 v39, v50;
	_ =	sdelay $0x1  }
0xee: {  	v32 =	vadd.f32 v2, v0;
	v0 =	vld.idx.msk [tilespmem:v30+s15+$0x0], $0xffff;
	_ =	sdelay $0x2  }
0xef: {  	v1 =	vld.idx.msk [tilespmem:v1+s15+$0x0], $0xffff  }
0xf0: {  	v2 =	vld [tilespmem:$0x1F650]  }
0xf1: {  	[tilespmem:$0x1FBB0] =	vst v0;
	v0 =	vld [tilespmem:$0x1F640];
	_ =	sdelay $0x3  }
0xf2: {  	[tilespmem:$0x1F7B0] =	vst v1;
	v1 =	vor.u32 v10, v50  }
0xf3: {  	v19 =	vor.u32 v10, v51;
	v56 =	vadd.f32 v2, v0;
	v0 =	vld [tilespmem:$0x1F660]  }
0xf4: {  	v31 =	vor.u32 v39, v44;
	v2 =	vld [tilespmem:$0x1F670];
	_ =	sdelay $0x2  }
0xf5: {  	v1 =	vld.idx.msk [tilespmem:v1+s15+$0x0], $0xffff  }
0xf6: {  	v59 =	vld.idx.msk [tilespmem:v19+s15+$0x0], $0xffff  }
0xf7: {  	v19 =	vadd.f32 v2, v0;
	v0 =	vld.idx.msk [tilespmem:v31+s15+$0x0], $0xffff;
	_ =	sdelay $0x1  }
0xf8: {  	v16 =	vor.u32 v41, v51  }
0xf9: {  	[tilespmem:$0x1F800] =	vst v1;
	v1 =	vor.u32 v15, v50  }
0xfa: {  	v17 =	vor.u32 v42, v51;
	v2 =	vld [tilespmem:$0x1F690]  }
0xfb: {  	[tilespmem:$0x1FBC0] =	vst v0;
	v0 =	vld [tilespmem:$0x1F680];
	_ =	sdelay $0x1  }
0xfc: {  	v62 =	vld.idx.msk [tilespmem:v16+s15+$0x0], $0xffff  }
0xfd: {  	v1 =	vld.idx.msk [tilespmem:v1+s15+$0x0], $0xffff  }
0xfe: {  	v18 =	vor.u32 v9, v51;
	v16 =	vld.idx.msk [tilespmem:v17+s15+$0x0], $0xffff  }
0xff: {  	v5 =	vor.u32 v39, v49;
	v48 =	vadd.f32 v2, v0;
	v0 =	vld [tilespmem:$0x1F6A0]  }
0x100: {  	v2 =	vld [tilespmem:$0x1F6B0]  }
0x101: {  	v24 =	vor.u32 v55, v51  }
0x102: {  	v26 =	vor.u32 v57, v51;
	[tilespmem:$0x1F850] =	vst v1  }
0x103: {  	v1 =	vor.u32 v20, v50;
	v20 =	vor.u32 v11, v51;
	[tilespmem:$0x1F8B0] =	vst v16;
	v16 =	vld.idx.msk [tilespmem:v18+s15+$0x0], $0xffff  }
0x104: {  	v5 =	vld.idx.msk [tilespmem:v5+s15+$0x0], $0xffff  }
0x105: {  	v18 =	vadd.f32 v2, v0;
	v2 =	vld [tilespmem:$0x1F6C0]  }
0x106: {  	v53 =	vld.idx.msk [tilespmem:v24+s15+$0x0], $0xffff  }
0x107: {  	v24 =	vld.idx.msk [tilespmem:v26+s15+$0x0], $0xffff  }
0x108: {  	[tilespmem:$0x1F8C0] =	vst v16;
	v16 =	vld.idx.msk [tilespmem:v20+s15+$0x0], $0xffff  }
0x109: {  	v26 =	vmov v3;
	v3 =	vld [tilespmem:$0x1F6E0]  }
0x10a: {  	v34 =	vadd.f32 v52, v40;
	v40 =	vor.u32 v42, v44;
	v52 =	vadd.f32 v2, v5;
	v2 =	vld [tilespmem:$0x1F6D0];
	_ =	sdelay $0x4  }
0x10b: {  	[tilespmem:$0x1F8D0] =	vst v16;
	v16 =	vmov v15;
	v15 =	vadd.f32 v3, v2;
	v2 =	vld.idx.msk [tilespmem:v40+s15+$0x0], $0xffff;
	_ =	sdelay $0x3  }
0x10c: {  	v3 =	vld [tilespmem:$0x1F700]  }
0x10d: {  	[tilespmem:$0x1FBE0] =	vst v2;
	v2 =	vld [tilespmem:$0x1F6F0];
	_ =	sdelay $0x4  }
0x10e: {  	v8 =	vmov v14;
	v14 =	vadd.f32 v3, v2;
	v2 =	vld [tilespmem:$0x1F710]  }
0x10f: {  	v29 =	vor.u32 v61, v44;
	v3 =	vld [tilespmem:$0x1F720];
	_ =	sdelay $0x4  }
0x110: {  	v6 =	vmov v13;
	v13 =	vadd.f32 v3, v2;
	v2 =	vld.idx.msk [tilespmem:v29+s15+$0x0], $0xffff;
	_ =	sdelay $0x3  }
0x111: {  	v27 =	vor.u32 v41, v44;
	v3 =	vld [tilespmem:$0x1F740]  }
0x112: {  	[tilespmem:$0x1FBF0] =	vst v2;
	v2 =	vld [tilespmem:$0x1F730];
	_ =	sdelay $0x3  }
0x113: {  	v0 =	vld.idx.msk [tilespmem:v27+s15+$0x0], $0xffff  }
0x114: {  	v21 =	vor.u32 v12, v51;
	v33 =	vadd.f32 v3, v2;
	v2 =	vld [tilespmem:$0x1F750]  }
0x115: {  	v30 =	vor.u32 v9, v44;
	v3 =	vld [tilespmem:$0x1F760];
	_ =	sdelay $0x3  }
0x116: {  	v58 =	vld.idx.msk [tilespmem:v21+s15+$0x0], $0xffff  }
0x117: {  	v21 =	vmov v11;
	[tilespmem:$0x1FBD0] =	vst v0;
	v0 =	vor.u32 v11, v44;
	v11 =	vadd.f32 v3, v2;
	v2 =	vld.idx.msk [tilespmem:v30+s15+$0x0], $0xffff;
	_ =	sdelay $0x3  }
0x118: {  	v3 =	vld [tilespmem:$0x1F780]  }
0x119: {  	[tilespmem:$0x1FC00] =	vst v2;
	v2 =	vld [tilespmem:$0x1F770];
	_ =	sdelay $0x4  }
0x11a: {  	v22 =	vmov v12;
	v27 =	vor.u32 v12, v44;
	v12 =	vadd.f32 v3, v2;
	v2 =	vld [tilespmem:$0x1F790]  }
0x11b: {  	v31 =	vor.u32 v10, v44;
	v3 =	vld [tilespmem:$0x1F7A0];
	_ =	sdelay $0x4  }
0x11c: {  	v17 =	vmov v9;
	v9 =	vadd.f32 v3, v2;
	v2 =	vld.idx.msk [tilespmem:v31+s15+$0x0], $0xffff;
	_ =	sdelay $0x3  }
0x11d: {  	v3 =	vld [tilespmem:$0x1F7C0]  }
0x11e: {  	[tilespmem:$0x1FC10] =	vst v2;
	v2 =	vld [tilespmem:$0x1F7B0];
	_ =	sdelay $0x4  }
0x11f: {  	v29 =	vadd.f32 v3, v2;
	v2 =	vld [tilespmem:$0x1F7D0]  }
0x120: {  	v3 =	vld [tilespmem:$0x1F7E0];
	_ =	sdelay $0x4  }
0x121: {  	v7 =	vadd.f32 v3, v2;
	v2 =	vld [tilespmem:$0x1F7F0]  }
0x122: {  	v3 =	vld [tilespmem:$0x1F800];
	_ =	sdelay $0x4  }
0x123: {  	v30 =	vadd.f32 v3, v2;
	v2 =	vld [tilespmem:$0x1F810]  }
0x124: {  	v3 =	vld [tilespmem:$0x1F820];
	_ =	sdelay $0x4  }
0x125: {  	v5 =	vadd.f32 v3, v2;
	v2 =	vld.idx.msk [tilespmem:v27+s15+$0x0], $0xffff;
	_ =	sdelay $0x3  }
0x126: {  	v3 =	vld [tilespmem:$0x1F840]  }
0x127: {  	[tilespmem:$0x1FC30] =	vst v2;
	v2 =	vld [tilespmem:$0x1F830];
	_ =	sdelay $0x4  }
0x128: {  	v20 =	vmov v10;
	v10 =	vadd.f32 v3, v2;
	v2 =	vld [tilespmem:$0x1F850]  }
0x129: {  	v28 =	vor.u32 v6, v44;
	v3 =	vld [tilespmem:$0x1F860];
	_ =	sdelay $0x4  }
0x12a: {  	v3 =	vadd.f32 v3, v2;
	v2 =	vld.idx.msk [tilespmem:v28+s15+$0x0], $0xffff;
	_ =	sdelay $0x3  }
0x12b: {  	v27 =	vor.u32 v4, v44;
	v4 =	vld [tilespmem:$0x1F880]  }
0x12c: {  	[tilespmem:$0x1FC40] =	vst v2;
	v2 =	vld [tilespmem:$0x1F870];
	_ =	sdelay $0x3  }
0x12d: {  	v1 =	vld.idx.msk [tilespmem:v1+s15+$0x0], $0xffff  }
0x12e: {  	v40 =	vor.u32 v8, v44;
	v4 =	vadd.f32 v4, v2;
	v2 =	vld [tilespmem:$0x1F890];
	_ =	sdelay $0x4  }
0x12f: {  	v2 =	vadd.f32 v1, v2;
	v1 =	vld.idx.msk [tilespmem:v40+s15+$0x0], $0xffff;
	_ =	sdelay $0x4  }
0x130: {  	[tilespmem:$0x1FC50] =	vst v1;
	v1 =	vor.u32 v26, v44;
	v26 =	vld [tilespmem:$0x1F8A0];
	_ =	sdelay $0x4  }
0x131: {  	v31 =	vor.u32 v16, v44;
	v62 =	vadd.f32 v62, v26;
	v26 =	vld [tilespmem:$0x1F8B0];
	_ =	sdelay $0x4  }
0x132: {  	v60 =	vadd.f32 v60, v26;
	v26 =	vld.idx.msk [tilespmem:v31+s15+$0x0], $0xffff;
	_ =	sdelay $0x1  }
0x133: {  	v27 =	vld.idx.msk [tilespmem:v27+s15+$0x0], $0xffff;
	_ =	sdelay $0x2  }
0x134: {  	v31 =	vor.u32 v23, v44;
	[tilespmem:$0x1FC60] =	vst v26;
	v26 =	vmov v23;
	v23 =	vld [tilespmem:$0x1F8C0];
	_ =	sdelay $0x1  }
0x135: {  	[tilespmem:$0x1FC80] =	vst v27;
	v27 =	vld [tilespmem:$0x1F900];
	_ =	sdelay $0x2  }
0x136: {  	v59 =	vadd.f32 v59, v23;
	v23 =	vld [tilespmem:$0x1F8D0]  }
0x137: {  	v0 =	vld.idx.msk [tilespmem:v0+s15+$0x0], $0xffff  }
0x138: {  	v28 =	vor.u32 v57, v44;
	v24 =	vadd.f32 v24, v27;
	v27 =	vld [tilespmem:$0x1F910];
	_ =	sdelay $0x2  }
0x139: {  	v58 =	vadd.f32 v58, v23;
	v23 =	vld [tilespmem:$0x1F8E0]  }
0x13a: {  	[tilespmem:$0x1FC20] =	vst v0;
	v0 =	vor.u32 v55, v44  }
0x13b: {  	v25 =	vadd.f32 v25, v27;
	v27 =	vld.idx.msk [tilespmem:v28+s15+$0x0], $0xffff;
	_ =	sdelay $0x2  }
0x13c: {  	v54 =	vadd.f32 v54, v23;
	v23 =	vld [tilespmem:$0x1F8F0]  }
0x13d: {  	v0 =	vld.idx.msk [tilespmem:v0+s15+$0x0], $0xffff  }
0x13e: {  	[tilespmem:$0x1FC90] =	vst v27;
	v27 =	vld [tilespmem:$0x1F920]  }
0x13f: {  	v40 =	vld [tilespmem:$0x1F930];
	_ =	sdelay $0x1  }
0x140: {  	v23 =	vadd.f32 v53, v23;
	v53 =	vor.u32 v41, v45;
	_ =	sdelay $0x1  }
0x141: {  	v34 =	vadd.f32 v35, v34;
	v35 =	vld [tilespmem:$0x1F940]  }
0x142: {  	[tilespmem:$0x1FC70] =	vst v0;
	v0 =	vor.u32 v39, v45;
	v27 =	vadd.f32 v40, v27;
	v40 =	vld [tilespmem:$0x1F950];
	_ =	sdelay $0x1  }
0x143: {  	v48 =	vadd.f32 v18, v48;
	v18 =	vld.idx.msk [tilespmem:v53+s15+$0x0], $0xffff  }
0x144: {  	v28 =	vor.u32 v42, v45  }
0x145: {  	v19 =	vadd.f32 v19, v56;
	v56 =	vld [tilespmem:$0x1FD60]  }
0x146: {  	v0 =	vld.idx.msk [tilespmem:v0+s15+$0x0], $0xffff;
	v35 =	vadd.f32 v40, v35;
	v40 =	vor.u32 v17, v45  }
0x147: {  	v31 =	vld.idx.msk [tilespmem:v31+s15+$0x0], $0xffff  }
0x148: {  	[tilespmem:$0x1FCD0] =	vst v18;
	v18 =	vor.u32 v21, v45  }
0x149: {  	v13 =	vadd.f32 v13, v14;
	v14 =	vld.idx.msk [tilespmem:v28+s15+$0x0], $0xffff  }
0x14a: {  	v36 =	vadd.f32 v36, v37;
	v15 =	vadd.f32 v15, v52;
	v52 =	vor.u32 v56, v46  }
0x14b: {  	v32 =	vadd.f32 v32, v63;
	[tilespmem:$0x1FCC0] =	vst v0;
	v9 =	vadd.f32 v9, v12;
	v12 =	vld.idx.msk [tilespmem:v40+s15+$0x0], $0xffff  }
0x14c: {  	v0 =	vor.u32 v20, v45;
	v11 =	vadd.f32 v11, v33;
	v7 =	vadd.f32 v7, v29;
	[tilespmem:$0x1FCB0] =	vst v31;
	v31 =	vld [tilespmem:$0x1F960]  }
0x14d: {  	v5 =	vadd.f32 v5, v30;
	v30 =	vor.u32 v56, v50;
	v3 =	vadd.f32 v3, v10;
	v10 =	vld.idx.msk [tilespmem:v18+s15+$0x0], $0xffff  }
0x14e: {  	v13 =	vadd.f32 v13, v15;
	[tilespmem:$0x1FCE0] =	vst v14;
	v14 =	vor.u32 v22, v45;
	v2 =	vadd.f32 v2, v4  }
0x14f: {  	v15 =	vld.idx.msk [tilespmem:v52+s13+$0x0], $0xffff;
	v9 =	vadd.f32 v9, v11;
	v5 =	vadd.f32 v5, v7;
	v53 =	vor.u32 v56, v49  }
0x150: {  	v2 =	vadd.f32 v2, v3;
	[tilespmem:$0x1FCF0] =	vst v12;
	v12 =	vadd.f32 v25, v24;
	v25 =	vor.u32 v56, v51  }
0x151: {  	v29 =	vld.idx.msk [tilespmem:v0+s15+$0x0], $0xffff;
	v0 =	vadd.f32 v60, v62;
	v4 =	vadd.f32 v58, v59  }
0x152: {  	v24 =	vld.idx.msk [tilespmem:v30+s13+$0x0], $0xffff;
	v38 =	vadd.f32 v38, v31;
	[tilespmem:$0x1FD00] =	vst v10;
	v10 =	vadd.f32 v23, v54  }
0x153: {  	v31 =	vld.idx.msk [tilespmem:v14+s15+$0x0], $0xffff;
	v14 =	vadd.f32 v35, v34;
	v0 =	vadd.f32 v4, v0  }
0x154: {  	v18 =	vadd.f32 v38, v36;
	v23 =	vld.idx.msk [tilespmem:v53+s13+$0x0], $0xffff;
	v4 =	vadd.f32 v12, v10  }
0x155: {  	v9 =	vadd.f32 v9, v13;
	v2 =	vadd.f32 v2, v5;
	v13 =	vld.idx.msk [tilespmem:v25+s13+$0x0], $0xffff  }
0x156: {  	v10 =	vadd.f32 v18, v14;
	v0 =	vadd.f32 v4, v0  }
0x157: {  	v5 =	vadd.f32 v32, v9;
	v2 =	vadd.f32 v19, v2  }
0x158: {  	v1 =	vld.idx.msk [tilespmem:v1+s15+$0x0], $0xffff;
	v4 =	vadd.f32 v27, v10;
	v0 =	vadd.f32 v48, v0  }
0x159: {  	v2 =	vmul.f32 v2, v24;
	v5 =	vmul.f32 v5, v23  }
0x15a: {  	v4 =	vmul.f32 v4, v15;
	v0 =	vmul.f32 v0, v13;
	_ =	sdelay $0x1  }
0x15b: {  	v4 =	vadd.f32 v5, v4;
	v0 =	vadd.f32 v0, v2  }
0x15c: {  	[tilespmem:$0x1FCA0] =	vst v1;
	v1 =	vor.u32 v61, v45;
	v2 =	vld [tilespmem:$0x1F9D0]  }
0x15d: {  	v50 =	vadd.f32 v0, v4;
	v0 =	vld [tilespmem:$0x1F9C0];
	_ =	sdelay $0x3  }
0x15e: {  	v28 =	vld.idx.msk [tilespmem:v1+s15+$0x0], $0xffff;
	v1 =	vor.u32 v6, v45  }
0x15f: {  	[tilespmem:$0x1FD20] =	vst v53;
	v53 =	vadd.f32 v2, v0;
	v0 =	vld [tilespmem:$0x1F9E0]  }
0x160: {  	v2 =	vld [tilespmem:$0x1F9F0];
	_ =	sdelay $0x2  }
0x161: {  	v46 =	vld.idx.msk [tilespmem:v1+s15+$0x0], $0xffff  }
0x162: {  	v38 =	vld [tilespmem:$0x1FF60]  }
0x163: {  	v1 =	vor.u32 v8, v45;
	v59 =	vadd.f32 v2, v0;
	v0 =	vld [tilespmem:$0x1FA00]  }
0x164: {  	v2 =	vld [tilespmem:$0x1FA10];
	_ =	sdelay $0x3  }
0x165: {  	[tilespmem:$0x1FD50] =	vst v30;
	v30 =	vld.idx.msk [tilespmem:v1+s15+$0x0], $0xffff  }
0x166: {  	v1 =	vor.u32 v38, v45;
	v60 =	vadd.f32 v2, v0;
	v0 =	vld [tilespmem:$0x1FA20]  }
0x167: {  	v2 =	vld [tilespmem:$0x1FA30];
	_ =	sdelay $0x3  }
0x168: {  	v54 =	vld.idx.msk [tilespmem:v1+s15+$0x0], $0xffff;
	v1 =	vor.u32 v61, v47  }
0x169: {  	v63 =	vadd.f32 v2, v0;
	v0 =	vld [tilespmem:$0x1FA40]  }
0x16a: {  	v2 =	vld [tilespmem:$0x1FA50];
	_ =	sdelay $0x2  }
0x16b: {  	v62 =	vld.idx.msk [tilespmem:v1+s15+$0x0], $0xffff  }
0x16c: {  	v1 =	vld [tilespmem:$0x1FA60]  }
0x16d: {  	v0 =	vadd.f32 v2, v0;
	v2 =	vld [tilespmem:$0x1FA70];
	_ =	sdelay $0x2  }
0x16e: {  	v11 =	vor.u32 v16, v45;
	_ =	sdelay $0x1  }
0x16f: {  	v49 =	vadd.f32 v2, v1;
	v1 =	vld [tilespmem:$0x1FA80]  }
0x170: {  	v2 =	vld [tilespmem:$0x1FA90];
	_ =	sdelay $0x1  }
0x171: {  	v9 =	vld.idx.msk [tilespmem:v11+s15+$0x0], $0xffff  }
0x172: {  	v35 =	vld [tilespmem:$0x1FF40];
	v5 =	vor.u32 v17, v47  }
0x173: {  	v4 =	vld [tilespmem:$0x1FAB0]  }
0x174: {  	v2 =	vadd.f32 v2, v1;
	v1 =	vld [tilespmem:$0x1FAA0];
	_ =	sdelay $0x2  }
0x175: {  	v7 =	vor.u32 v35, v45;
	v61 =	vld.idx.msk [tilespmem:v5+s15+$0x0], $0xffff  }
0x176: {  	[tilespmem:$0x1FD10] =	vst v9;
	v9 =	vor.u32 v26, v45;
	v5 =	vor.u32 v8, v47;
	v8 =	vld [tilespmem:$0x1FAD0]  }
0x177: {  	v4 =	vadd.f32 v4, v1;
	v1 =	vld [tilespmem:$0x1FAC0];
	_ =	sdelay $0x2  }
0x178: {  	v51 =	vld.idx.msk [tilespmem:v7+s15+$0x0], $0xffff  }
0x179: {  	v7 =	vor.u32 v41, v47;
	v36 =	vld.idx.msk [tilespmem:v9+s15+$0x0], $0xffff  }
0x17a: {  	v9 =	vadd.f32 v8, v1;
	v1 =	vld [tilespmem:$0x1FAE0]  }
0x17b: {  	v8 =	vld [tilespmem:$0x1FAF0];
	_ =	sdelay $0x2  }
0x17c: {  	[tilespmem:$0x1F970] =	vst v25;
	v25 =	vld.idx.msk [tilespmem:v7+s15+$0x0], $0xffff;
	v7 =	vor.u32 v21, v47;
	_ =	sdelay $0x1  }
0x17d: {  	v12 =	vor.u32 v57, v45;
	v11 =	vadd.f32 v8, v1;
	v1 =	vld [tilespmem:$0x1FB00]  }
0x17e: {  	v8 =	vld [tilespmem:$0x1FB10];
	_ =	sdelay $0x1  }
0x17f: {  	v34 =	vld.idx.msk [tilespmem:v7+s15+$0x0], $0xffff  }
0x180: {  	v7 =	vld [tilespmem:$0x1FB30]  }
0x181: {  	v33 =	vld.idx.msk [tilespmem:v12+s15+$0x0], $0xffff  }
0x182: {  	v12 =	vadd.f32 v8, v1;
	v1 =	vld [tilespmem:$0x1FB20];
	_ =	sdelay $0x4  }
0x183: {  	v14 =	vadd.f32 v7, v1;
	v1 =	vld [tilespmem:$0x1FB40]  }
0x184: {  	v7 =	vld [tilespmem:$0x1FB50];
	_ =	sdelay $0x3  }
0x185: {  	v3 =	vor.u32 v55, v45  }
0x186: {  	[tilespmem:$0x1F980] =	vst v15;
	v15 =	vadd.f32 v7, v1;
	v1 =	vld [tilespmem:$0x1FB60]  }
0x187: {  	v7 =	vld [tilespmem:$0x1FB70];
	_ =	sdelay $0x2  }
0x188: {  	v32 =	vld.idx.msk [tilespmem:v3+s15+$0x0], $0xffff;
	v3 =	vor.u32 v39, v47  }
0x189: {  	v6 =	vor.u32 v6, v47  }
0x18a: {  	v18 =	vadd.f32 v7, v1;
	v1 =	vld [tilespmem:$0x1FB80]  }
0x18b: {  	v7 =	vld [tilespmem:$0x1FB90];
	_ =	sdelay $0x1  }
0x18c: {  	v19 =	vld.idx.msk [tilespmem:v3+s15+$0x0], $0xffff  }
0x18d: {  	v17 =	vor.u32 v35, v47;
	v35 =	vld.idx.msk [tilespmem:v6+s15+$0x0], $0xffff  }
0x18e: {  	v6 =	vld [tilespmem:$0x1FBB0]  }
0x18f: {  	v3 =	vor.u32 v20, v47;
	v20 =	vadd.f32 v7, v1;
	v1 =	vld [tilespmem:$0x1FBA0];
	_ =	sdelay $0x4  }
0x190: {  	[tilespmem:$0x1F9B0] =	vst v13;
	v13 =	vor.u32 v22, v47;
	v22 =	vadd.f32 v6, v1;
	v1 =	vld [tilespmem:$0x1FBC0]  }
0x191: {  	v6 =	vld [tilespmem:$0x1FBD0];
	_ =	sdelay $0x2  }
0x192: {  	v10 =	vor.u32 v42, v47;
	v37 =	vld.idx.msk [tilespmem:v5+s15+$0x0], $0xffff  }
0x193: {  	v5 =	vld [tilespmem:$0x1FBF0]  }
0x194: {  	v21 =	vadd.f32 v6, v1;
	v1 =	vld [tilespmem:$0x1FBE0];
	_ =	sdelay $0x2  }
0x195: {  	v58 =	vld.idx.msk [tilespmem:v10+s15+$0x0], $0xffff  }
0x196: {  	v10 =	vld.idx.msk [tilespmem:v3+s15+$0x0], $0xffff;
	v3 =	vor.u32 v16, v47  }
0x197: {  	[tilespmem:$0x1F990] =	vst v23;
	v23 =	vadd.f32 v5, v1;
	v1 =	vld [tilespmem:$0x1FC00]  }
0x198: {  	v5 =	vld [tilespmem:$0x1FC10];
	_ =	sdelay $0x2  }
0x199: {  	v8 =	vor.u32 v38, v47;
	v38 =	vld.idx.msk [tilespmem:v3+s15+$0x0], $0xffff  }
0x19a: {  	v3 =	vld [tilespmem:$0x1FC30]  }
0x19b: {  	[tilespmem:$0x1F9A0] =	vst v24;
	v24 =	vadd.f32 v5, v1;
	v1 =	vld [tilespmem:$0x1FC20];
	_ =	sdelay $0x4  }
0x19c: {  	v7 =	vadd.f32 v3, v1;
	v1 =	vld [tilespmem:$0x1FC40]  }
0x19d: {  	v3 =	vld [tilespmem:$0x1FC50];
	_ =	sdelay $0x3  }
0x19e: {  	v5 =	vld [tilespmem:$0x1FC70]  }
0x19f: {  	v3 =	vadd.f32 v3, v1;
	v1 =	vld [tilespmem:$0x1FC60];
	_ =	sdelay $0x3  }
0x1a0: {  	v6 =	vor.u32 v26, v47;
	v26 =	vld [tilespmem:$0x1FC90]  }
0x1a1: {  	v5 =	vadd.f32 v5, v1;
	v1 =	vld [tilespmem:$0x1FC80];
	_ =	sdelay $0x2  }
0x1a2: {  	v40 =	vld.idx.msk [tilespmem:v17+s15+$0x0], $0xffff  }
0x1a3: {  	v17 =	vld [tilespmem:$0x1FCB0]  }
0x1a4: {  	v26 =	vadd.f32 v26, v1;
	v1 =	vld [tilespmem:$0x1FCA0];
	_ =	sdelay $0x4  }
0x1a5: {  	v27 =	vadd.f32 v17, v1;
	v1 =	vld [tilespmem:$0x1FCC0]  }
0x1a6: {  	v17 =	vld [tilespmem:$0x1FCD0];
	_ =	sdelay $0x4  }
0x1a7: {  	v17 =	vadd.f32 v17, v1;
	v1 =	vld [tilespmem:$0x1FCE0];
	_ =	sdelay $0x4  }
0x1a8: {  	v28 =	vadd.f32 v28, v1;
	v1 =	vld [tilespmem:$0x1FCF0];
	_ =	sdelay $0x4  }
0x1a9: {  	v29 =	vadd.f32 v29, v1;
	v1 =	vld [tilespmem:$0x1FD00];
	_ =	sdelay $0x4  }
0x1aa: {  	v31 =	vadd.f32 v31, v1;
	v1 =	vld [tilespmem:$0x1FD10];
	_ =	sdelay $0x4  }
0x1ab: {  	v32 =	vadd.f32 v32, v1;
	v1 =	vld [tilespmem:$0x1FD20];
	_ =	sdelay $0x6  }
0x1ac: {  	v30 =	vadd.f32 v30, v46;
	v46 =	vld.idx.msk [tilespmem:v6+s15+$0x0], $0xffff  }
0x1ad: {  	v6 =	vimm.f32 $0.0e+00;
	v48 =	vld.idx.msk [tilespmem:v1+s15+$0x0], $0xffff;
	v1 =	vimm.f32 $0.0e+00  }
0x1ae: {  	[tilespmem:$0x1FD30] =	vst v1;
	v1 =	vadd.f32 v50, v6  }
0x1af: {  	v55 =	vor.u32 v55, v47  }
0x1b0: {  	[tilespmem:$0x1FD40] =	vst v1;
	v1 =	vld [tilespmem:$0x1FD50]  }
0x1b1: {  	v16 =	vor.u32 v57, v47;
	_ =	sdelay $0x2  }
0x1b2: {  	v39 =	vld.idx.msk [tilespmem:v55+s15+$0x0], $0xffff  }
0x1b3: {  	v13 =	vld.idx.msk [tilespmem:v13+s15+$0x0], $0xffff  }
0x1b4: {  	v41 =	vld.idx.msk [tilespmem:v16+s15+$0x0], $0xffff  }
0x1b5: {  	v42 =	vld.idx.msk [tilespmem:v8+s15+$0x0], $0xffff  }
0x1b6: {  	s29 =	simm.s32 $0x8;
	s28 =	sshll.u32 s25, $0x1;
	v36 =	vadd.f32 v36, v54;
	v33 =	vadd.f32 v33, v51;
	v16 =	vld.idx.msk [tilespmem:v1+s15+$0x0], $0xffff  }
.LBB2_3:
0x1b7: {  	v1 =	vlaneseq.u32  }
0x1b8: {  	v55 =	vadd.s32 s29, v1;
	v1 =	vld [tilespmem:$0x1F970]  }
0x1b9: {  	v54 =	vand.u32 $0x3F, v55;
	v55 =	vld [tilespmem:$0x1FF80];
	_ =	sdelay $0x3  }
0x1ba: {  	v19 =	vadd.f32 v25, v19;
	v6 =	vor.u32 v56, v43;
	v43 =	vmov v54  }
0x1bb: {  	v25 =	vadd.f32 v62, v58;
	v34 =	vadd.f32 v13, v34;
	v13 =	vmovc v48;
	v48 =	vld [tilespmem:$0x1FF90];
	v62 =	vor.u32 v55, v43  }
0x1bc: {  	v10 =	vadd.f32 v10, v61;
	v61 =	vld.idx.msk [tilespmem:v52+s15+$0x0], $0xffff;
	v35 =	vadd.f32 v37, v35  }
0x1bd: {  	v37 =	vadd.f32 v39, v38;
	v52 =	vadd.f32 v59, v53;
	v53 =	vld [tilespmem:$0x1FFA0]  }
0x1be: {  	v39 =	vadd.f32 v41, v40;
	v58 =	vld.idx.msk [tilespmem:v1+s15+$0x0], $0xffff;
	v1 =	vadd.f32 v4, v2  }
0x1bf: {  	v4 =	vadd.f32 v11, v9;
	v9 =	vadd.f32 v14, v12;
	v12 =	vld.idx.msk [tilespmem:v6+s13+$0x0], $0xffff  }
0x1c0: {  	v40 =	vadd.f32 v46, v42;
	[tilespmem:$0x1F410] =	vst v6;
	v46 =	vor.u32 v48, v43;
	v6 =	vld.idx.msk [tilespmem:v62+s15+$0x0], $0xffff  }
0x1c1: {  	v57 =	vld [tilespmem:$0x1FEA0];
	_ =	sdelay $0x2  }
0x1c2: {  	v50 =	vld [tilespmem:$0x1FE80]  }
0x1c3: {  	v54 =	vor.u32 v53, v43;
	v14 =	vadd.f32 v18, v15;
	[tilespmem:$0x1F340] =	vst v6;
	v6 =	vld.idx.msk [tilespmem:v46+s15+$0x0], $0xffff  }
0x1c4: {  	v41 =	vld [tilespmem:$0x1FEC0];
	v15 =	vadd.f32 v22, v20;
	v20 =	vadd.f32 v23, v21;
	v21 =	vor.u32 v57, v43;
	_ =	sdelay $0x1  }
0x1c5: {  	v51 =	vld [tilespmem:$0x1FE90]  }
0x1c6: {  	v7 =	vadd.f32 v7, v24;
	v24 =	vadd.f32 v40, v39;
	v40 =	vld [tilespmem:$0x1FED0]  }
0x1c7: {  	v11 =	vor.u32 v50, v43;
	[tilespmem:$0x1F350] =	vst v6;
	v6 =	vld.idx.msk [tilespmem:v54+s15+$0x0], $0xffff  }
0x1c8: {  	v42 =	vadd.f32 v63, v60;
	v63 =	vld.idx.msk [tilespmem:v21+s15+$0x0], $0xffff;
	v21 =	vor.u32 v41, v43;
	_ =	sdelay $0x1  }
0x1c9: {  	v39 =	vld [tilespmem:$0x1FEE0]  }
0x1ca: {  	v0 =	vadd.f32 v49, v0;
	v46 =	vld [tilespmem:$0x1FEB0]  }
0x1cb: {  	v18 =	vor.u32 v51, v43;
	v1 =	vadd.f32 v4, v1;
	[tilespmem:$0x1F360] =	vst v6;
	v6 =	vld.idx.msk [tilespmem:v11+s15+$0x0], $0xffff  }
0x1cc: {  	v4 =	vor.u32 v40, v43;
	v11 =	vadd.f32 v25, v19;
	v25 =	vadd.f32 v0, v42;
	v0 =	vld.idx.msk [tilespmem:v21+s15+$0x0], $0xffff  }
0x1cd: {  	v8 =	vld [tilespmem:$0x1FFB0]  }
0x1ce: {  	v3 =	vadd.f32 v5, v3  }
0x1cf: {  	v5 =	vadd.f32 v27, v26;
	v22 =	vadd.f32 v31, v29;
	v31 =	vld [tilespmem:$0x1FF00]  }
0x1d0: {  	v60 =	vld.idx.msk [tilespmem:v18+s15+$0x0], $0xffff;
	v18 =	vor.u32 v46, v43  }
0x1d1: {  	v3 =	vadd.f32 v5, v3;
	v5 =	vor.u32 v39, v43;
	[tilespmem:$0x1F380] =	vst v0;
	v0 =	vld.idx.msk [tilespmem:v4+s15+$0x0], $0xffff  }
0x1d2: {  	v2 =	vor.u32 v8, v43;
	_ =	sdelay $0x1  }
0x1d3: {  	[tilespmem:$0x1F370] =	vst v6;
	v6 =	vor.u32 v56, v47  }
0x1d4: {  	v62 =	vld.idx.msk [tilespmem:v18+s15+$0x0], $0xffff  }
0x1d5: {  	v18 =	vor.u32 v31, v43;
	[tilespmem:$0x1F390] =	vst v0;
	v0 =	vld.idx.msk [tilespmem:v5+s15+$0x0], $0xffff  }
0x1d6: {  	v23 =	vadd.f32 v36, v33;
	v59 =	vld.idx.msk [tilespmem:v2+s15+$0x0], $0xffff;
	v2 =	vadd.f32 v32, v30  }
0x1d7: {  	v26 =	vor.u32 v56, v44  }
0x1d8: {  	v2 =	vadd.f32 v23, v2;
	v23 =	vld.idx.msk [tilespmem:v6+s13+$0x0], $0xffff  }
0x1d9: {  	v7 =	vadd.f32 v7, v20;
	[tilespmem:$0x1F970] =	vst v6;
	v6 =	vld [tilespmem:$0x1FF20]  }
0x1da: {  	v10 =	vadd.f32 v34, v10;
	v19 =	vadd.f32 v37, v35;
	[tilespmem:$0x1F3A0] =	vst v0;
	v0 =	vld.idx.msk [tilespmem:v18+s15+$0x0], $0xffff  }
0x1db: {  	v17 =	vadd.f32 v28, v17;
	v27 =	vor.u32 v56, v45;
	v3 =	vadd.f32 v3, v7  }
0x1dc: {  	[tilespmem:$0x1F530] =	vst v26;
	v26 =	vld.idx.msk [tilespmem:v26+s13+$0x0], $0xffff;
	v10 =	vadd.f32 v10, v11;
	v11 =	vadd.f32 v24, v19  }
0x1dd: {  	v17 =	vadd.f32 v22, v17;
	v9 =	vadd.f32 v9, v3;
	v3 =	vld [tilespmem:$0x1FF40]  }
0x1de: {  	v19 =	vadd.f32 v1, v25;
	v10 =	vadd.f32 v11, v10;
	v56 =	vld [tilespmem:$0x1FF30];
	v11 =	vor.u32 v6, v43  }
0x1df: {  	[tilespmem:$0x1F3B0] =	vst v0;
	v0 =	vld [tilespmem:$0x1F990]  }
0x1e0: {  	v17 =	vadd.f32 v2, v17;
	v19 =	vadd.f32 v52, v19  }
0x1e1: {  	v20 =	vld.idx.msk [tilespmem:v27+s13+$0x0], $0xffff  }
0x1e2: {  	v14 =	vadd.f32 v14, v17;
	v17 =	vmul.f32 v19, v12;
	v19 =	vmul.f32 v9, v26  }
0x1e3: {  	v10 =	vadd.f32 v15, v10;
	v21 =	vor.u32 v56, v43;
	v4 =	vld.idx.msk [tilespmem:v11+s15+$0x0], $0xffff  }
0x1e4: {  	v15 =	vor.u32 v3, v43;
	v11 =	vadd.f32 v19, v17;
	v19 =	vmul.f32 v13, v0;
	v0 =	vld [tilespmem:$0x1F9A0];
	_ =	sdelay $0x1  }
0x1e5: {  	v14 =	vmul.f32 v14, v20;
	v10 =	vmul.f32 v10, v23;
	_ =	sdelay $0x1  }
0x1e6: {  	v14 =	vadd.f32 v10, v14;
	v10 =	vld.idx.msk [tilespmem:v21+s15+$0x0], $0xffff  }
0x1e7: {  	v21 =	vmul.f32 v16, v0;
	v0 =	vld.idx.msk [tilespmem:v15+s15+$0x0], $0xffff  }
0x1e8: {  	v38 =	vld [tilespmem:$0x1FEF0];
	_ =	sdelay $0x3  }
0x1e9: {  	[tilespmem:$0x1F3C0] =	vst v0;
	v0 =	vld [tilespmem:$0x1F9B0]  }
0x1ea: {  	v22 =	vor.u32 v38, v43;
	v52 =	vld [tilespmem:$0x1FF60];
	_ =	sdelay $0x3  }
0x1eb: {  	v16 =	vmul.f32 v58, v0;
	v0 =	vld [tilespmem:$0x1F980]  }
0x1ec: {  	v49 =	vld.idx.msk [tilespmem:v22+s15+$0x0], $0xffff;
	v22 =	vor.u32 v52, v43;
	_ =	sdelay $0x2  }
0x1ed: {  	[tilespmem:$0x1F540] =	vst v27;
	v27 =	vld [tilespmem:$0x1FF10]  }
0x1ee: {  	v13 =	vmul.f32 v61, v0;
	v0 =	vmov v12  }
0x1ef: {  	[tilespmem:$0x1F980] =	vst v0;
	v0 =	vld.idx.msk [tilespmem:v22+s15+$0x0], $0xffff;
	_ =	sdelay $0x2  }
0x1f0: {  	s30 =	sadd.s32 $0x1, s29;
	v7 =	vor.u32 v27, v43;
	v1 =	vlaneseq.u32  }
0x1f1: {  	v25 =	vadd.s32 s30, v1  }
0x1f2: {  	v44 =	vand.u32 $0x3F, v25;
	[tilespmem:$0x1F3D0] =	vst v0;
	v0 =	vld [tilespmem:$0x1FD40]  }
0x1f3: {  	v17 =	vor.u32 v55, v44;
	_ =	sdelay $0x1  }
0x1f4: {  	v2 =	vld.idx.msk [tilespmem:v7+s15+$0x0], $0xffff;
	v14 =	vadd.f32 v14, v11  }
0x1f5: {  	v7 =	vld [tilespmem:$0x1FF70]  }
0x1f6: {  	v11 =	vadd.f32 v14, v0;
	v0 =	vmov v26  }
0x1f7: {  	[tilespmem:$0x1F990] =	vst v0;
	v0 =	vld.idx.msk [tilespmem:v17+s15+$0x0], $0xffff;
	_ =	sdelay $0x2  }
0x1f8: {  	v24 =	vor.u32 v7, v43;
	_ =	sdelay $0x1  }
0x1f9: {  	s31 =	sadd.s32 $0x2, s29;
	[tilespmem:$0x1F3E0] =	vst v0;
	v0 =	vmov v23  }
0x1fa: {  	v25 =	vadd.s32 s31, v1;
	[tilespmem:$0x1F9B0] =	vst v0;
	v0 =	vld [tilespmem:$0x1FD30]  }
0x1fb: {  	v45 =	vand.u32 $0x3F, v25;
	v16 =	vadd.f32 v16, v21;
	v19 =	vadd.f32 v19, v13  }
0x1fc: {  	[tilespmem:$0x1FD40] =	vst v11;
	v11 =	vld.idx.msk [tilespmem:v24+s15+$0x0], $0xffff;
	v24 =	vor.u32 v55, v45  }
0x1fd: {  	v19 =	vadd.f32 v16, v19;
	_ =	sdelay $0x1  }
0x1fe: {  	v0 =	vadd.f32 v19, v0;
	_ =	sdelay $0x1  }
0x1ff: {  	v12 =	vmov v20;
	v20 =	vor.u32 v53, v45;
	[tilespmem:$0x1FD30] =	vst v0;
	v0 =	vld.idx.msk [tilespmem:v24+s15+$0x0], $0xffff;
	_ =	sdelay $0x1  }
0x200: {  	v1 =	vlaneseq.u32;
	s31 =	sadd.s32 $0x3, s29  }
0x201: {  	v17 =	vadd.s32 s31, v1  }
0x202: {  	v47 =	vand.u32 $0x3F, v17  }
0x203: {  	v25 =	vor.u32 v55, v47;
	[tilespmem:$0x1F3F0] =	vst v0;
	v0 =	vld.idx.msk [tilespmem:v20+s15+$0x0], $0xffff;
	_ =	sdelay $0x4  }
0x204: {  	v24 =	vor.u32 v53, v47;
	[tilespmem:$0x1F400] =	vst v0;
	v0 =	vld.idx.msk [tilespmem:v25+s15+$0x0], $0xffff;
	_ =	sdelay $0x4  }
0x205: {  	v28 =	vor.u32 v50, v44;
	[tilespmem:$0x1F420] =	vst v0;
	v0 =	vld.idx.msk [tilespmem:v24+s15+$0x0], $0xffff;
	_ =	sdelay $0x3  }
0x206: {  	v5 =	vld [tilespmem:$0x1FF50]  }
0x207: {  	v25 =	vor.u32 v57, v44;
	[tilespmem:$0x1F430] =	vst v0;
	v0 =	vld.idx.msk [tilespmem:v28+s15+$0x0], $0xffff;
	_ =	sdelay $0x3  }
0x208: {  	v18 =	vor.u32 v5, v43  }
0x209: {  	v30 =	vor.u32 v41, v44;
	[tilespmem:$0x1F440] =	vst v0;
	v0 =	vld.idx.msk [tilespmem:v25+s15+$0x0], $0xffff;
	_ =	sdelay $0x3  }
0x20a: {  	v9 =	vld.idx.msk [tilespmem:v18+s15+$0x0], $0xffff;
	v19 =	vor.u32 v48, v47  }
0x20b: {  	v18 =	vor.u32 v53, v44;
	v53 =	vor.u32 v39, v44;
	[tilespmem:$0x1F450] =	vst v0;
	v0 =	vld.idx.msk [tilespmem:v30+s15+$0x0], $0xffff;
	_ =	sdelay $0x2  }
0x20c: {  	v23 =	vor.u32 v8, v45  }
0x20d: {  	v20 =	vld.idx.msk [tilespmem:v19+s15+$0x0], $0xffff;
	v19 =	vor.u32 v46, v44  }
0x20e: {  	v25 =	vor.u32 v38, v44;
	[tilespmem:$0x1F460] =	vst v0;
	v0 =	vld.idx.msk [tilespmem:v53+s15+$0x0], $0xffff;
	_ =	sdelay $0x1  }
0x20f: {  	v14 =	vld.idx.msk [tilespmem:v18+s15+$0x0], $0xffff  }
0x210: {  	v18 =	vld.idx.msk [tilespmem:v23+s15+$0x0], $0xffff  }
0x211: {  	v23 =	vld.idx.msk [tilespmem:v19+s15+$0x0], $0xffff  }
0x212: {  	v19 =	vor.u32 v31, v44;
	[tilespmem:$0x1F470] =	vst v0;
	v0 =	vld.idx.msk [tilespmem:v25+s15+$0x0], $0xffff;
	_ =	sdelay $0x4  }
0x213: {  	v54 =	vor.u32 v27, v44;
	[tilespmem:$0x1F480] =	vst v0;
	v0 =	vld.idx.msk [tilespmem:v19+s15+$0x0], $0xffff;
	_ =	sdelay $0x4  }
0x214: {  	v55 =	vor.u32 v6, v44;
	[tilespmem:$0x1F490] =	vst v0;
	v0 =	vld.idx.msk [tilespmem:v54+s15+$0x0], $0xffff;
	_ =	sdelay $0x4  }
0x215: {  	v58 =	vor.u32 v56, v44;
	[tilespmem:$0x1F4A0] =	vst v0;
	v0 =	vld.idx.msk [tilespmem:v55+s15+$0x0], $0xffff;
	_ =	sdelay $0x4  }
0x216: {  	v25 =	vor.u32 v3, v44;
	[tilespmem:$0x1F4B0] =	vst v0;
	v0 =	vld.idx.msk [tilespmem:v58+s15+$0x0], $0xffff;
	_ =	sdelay $0x4  }
0x217: {  	v61 =	vor.u32 v52, v44;
	[tilespmem:$0x1F4C0] =	vst v0;
	v0 =	vld.idx.msk [tilespmem:v25+s15+$0x0], $0xffff;
	_ =	sdelay $0x3  }
0x218: {  	v15 =	vor.u32 v48, v44;
	v21 =	vor.u32 v48, v45;
	v48 =	vor.u32 v40, v44  }
0x219: {  	v42 =	vor.u32 v7, v44;
	[tilespmem:$0x1F4D0] =	vst v0;
	v0 =	vld.idx.msk [tilespmem:v61+s15+$0x0], $0xffff;
	_ =	sdelay $0x3  }
0x21a: {  	v24 =	vld.idx.msk [tilespmem:v48+s15+$0x0], $0xffff  }
0x21b: {  	v48 =	vor.u32 v50, v45;
	[tilespmem:$0x1F4E0] =	vst v0;
	v0 =	vld.idx.msk [tilespmem:v42+s15+$0x0], $0xffff;
	_ =	sdelay $0x3  }
0x21c: {  	v25 =	vor.u32 v51, v45  }
0x21d: {  	v54 =	vor.u32 v41, v45;
	[tilespmem:$0x1F4F0] =	vst v0;
	v0 =	vld.idx.msk [tilespmem:v48+s15+$0x0], $0xffff;
	_ =	sdelay $0x3  }
0x21e: {  	v17 =	vld.idx.msk [tilespmem:v25+s15+$0x0], $0xffff  }
0x21f: {  	v25 =	vor.u32 v39, v45;
	[tilespmem:$0x1F500] =	vst v0;
	v0 =	vld.idx.msk [tilespmem:v54+s15+$0x0], $0xffff  }
0x220: {  	v22 =	vor.u32 v8, v44  }
0x221: {  	v26 =	vor.u32 v8, v47  }
0x222: {  	v19 =	vor.u32 v5, v44  }
0x223: {  	v58 =	vor.u32 v31, v45  }
0x224: {  	[tilespmem:$0x1F510] =	vst v0;
	v0 =	vld.idx.msk [tilespmem:v25+s15+$0x0], $0xffff;
	v25 =	vor.u32 v56, v45  }
0x225: {  	v13 =	vld.idx.msk [tilespmem:v22+s15+$0x0], $0xffff  }
0x226: {  	v22 =	vld.idx.msk [tilespmem:v26+s15+$0x0], $0xffff  }
0x227: {  	v26 =	vld.idx.msk [tilespmem:v19+s15+$0x0], $0xffff;
	v19 =	vor.u32 v57, v45  }
0x228: {  	v54 =	vld.idx.msk [tilespmem:v58+s15+$0x0], $0xffff;
	v58 =	vor.u32 v52, v45  }
0x229: {  	v32 =	vld.idx.msk [tilespmem:v25+s15+$0x0], $0xffff;
	v25 =	vor.u32 v50, v47;
	v50 =	vor.u32 v57, v47;
	_ =	sdelay $0x1  }
0x22a: {  	v29 =	vor.u32 v51, v44;
	[tilespmem:$0x1F9A0] =	vst v12;
	v12 =	vld.idx.msk [tilespmem:v15+s15+$0x0], $0xffff  }
0x22b: {  	v55 =	vor.u32 v40, v45;
	v42 =	vld.idx.msk [tilespmem:v19+s15+$0x0], $0xffff  }
0x22c: {  	v19 =	vor.u32 v38, v45;
	v16 =	vld.idx.msk [tilespmem:v58+s15+$0x0], $0xffff  }
0x22d: {  	v58 =	vld.idx.msk [tilespmem:v50+s15+$0x0], $0xffff;
	v50 =	vor.u32 v38, v47  }
0x22e: {  	v15 =	vld.idx.msk [tilespmem:v21+s15+$0x0], $0xffff  }
0x22f: {  	v21 =	vld.idx.msk [tilespmem:v29+s15+$0x0], $0xffff  }
0x230: {  	v29 =	vld.idx.msk [tilespmem:v55+s15+$0x0], $0xffff  }
0x231: {  	v55 =	vld.idx.msk [tilespmem:v19+s15+$0x0], $0xffff  }
0x232: {  	v14 =	vadd.f32 v13, v14;
	v13 =	vld.idx.msk [tilespmem:v50+s15+$0x0], $0xffff  }
0x233: {  	v19 =	vor.u32 v3, v45;
	v50 =	vor.u32 v3, v47;
	v3 =	vld [tilespmem:$0x1F3F0];
	_ =	sdelay $0x4  }
0x234: {  	v15 =	vadd.f32 v15, v3;
	v3 =	vld [tilespmem:$0x1F400];
	_ =	sdelay $0x4  }
0x235: {  	v18 =	vadd.f32 v18, v3;
	v3 =	vld [tilespmem:$0x1F420];
	_ =	sdelay $0x4  }
0x236: {  	v20 =	vadd.f32 v20, v3;
	v3 =	vld [tilespmem:$0x1F430];
	_ =	sdelay $0x4  }
0x237: {  	v22 =	vadd.f32 v22, v3;
	v3 =	vld [tilespmem:$0x1F440]  }
0x238: {  	v1 =	vor.u32 v40, v47  }
0x239: {  	v53 =	vor.u32 v46, v45;
	_ =	sdelay $0x2  }
0x23a: {  	v21 =	vadd.f32 v21, v3;
	v3 =	vld [tilespmem:$0x1F450]  }
0x23b: {  	v4 =	vadd.f32 v10, v4;
	v10 =	vld.idx.msk [tilespmem:v1+s15+$0x0], $0xffff;
	v46 =	vor.u32 v46, v47  }
0x23c: {  	v28 =	vld.idx.msk [tilespmem:v53+s15+$0x0], $0xffff;
	v53 =	vor.u32 v5, v45  }
0x23d: {  	v1 =	vor.u32 v6, v47;
	v48 =	vor.u32 v6, v45;
	v6 =	vld [tilespmem:$0x1F3C0];
	_ =	sdelay $0x1  }
0x23e: {  	v23 =	vadd.f32 v23, v3;
	v3 =	vld [tilespmem:$0x1F460]  }
0x23f: {  	v63 =	vadd.f32 v62, v63;
	v62 =	vld.idx.msk [tilespmem:v46+s15+$0x0], $0xffff;
	v46 =	vor.u32 v31, v47  }
0x240: {  	v33 =	vld.idx.msk [tilespmem:v53+s15+$0x0], $0xffff;
	v61 =	vor.u32 v27, v45  }
0x241: {  	v9 =	vadd.f32 v9, v6;
	v6 =	vld [tilespmem:$0x1F3D0]  }
0x242: {  	[tilespmem:$0x1F520] =	vst v0;
	v0 =	vor.u32 v51, v47;
	v51 =	vor.u32 v5, v47;
	v5 =	vld [tilespmem:$0x1F480]  }
0x243: {  	v24 =	vadd.f32 v24, v3;
	v3 =	vld [tilespmem:$0x1F470]  }
0x244: {  	v35 =	vld.idx.msk [tilespmem:v46+s15+$0x0], $0xffff  }
0x245: {  	v30 =	vld.idx.msk [tilespmem:v61+s15+$0x0], $0xffff  }
0x246: {  	v61 =	vor.u32 v7, v45;
	v11 =	vadd.f32 v11, v6;
	v6 =	vld [tilespmem:$0x1F3E0]  }
0x247: {  	v38 =	vld.idx.msk [tilespmem:v1+s15+$0x0], $0xffff  }
0x248: {  	v1 =	vor.u32 v7, v47;
	v7 =	vadd.f32 v5, v3;
	v3 =	vld [tilespmem:$0x1F490]  }
0x249: {  	v5 =	vld [tilespmem:$0x1F4A0]  }
0x24a: {  	v40 =	vor.u32 v27, v47;
	v27 =	vld [tilespmem:$0x1F3B0]  }
0x24b: {  	v8 =	vld.idx.msk [tilespmem:v61+s15+$0x0], $0xffff  }
0x24c: {  	v61 =	vld [tilespmem:$0x1F350]  }
0x24d: {  	v12 =	vadd.f32 v12, v6;
	v6 =	vld [tilespmem:$0x1F4C0]  }
0x24e: {  	v3 =	vadd.f32 v5, v3;
	v5 =	vld [tilespmem:$0x1F4B0]  }
0x24f: {  	v36 =	vld.idx.msk [tilespmem:v19+s15+$0x0], $0xffff  }
0x250: {  	v46 =	vor.u32 v52, v47;
	v19 =	vld.idx.msk [tilespmem:v25+s15+$0x0], $0xffff  }
0x251: {  	v25 =	vld.idx.msk [tilespmem:v0+s15+$0x0], $0xffff  }
0x252: {  	v0 =	vld [tilespmem:$0x1F340]  }
0x253: {  	v5 =	vadd.f32 v6, v5;
	v6 =	vld [tilespmem:$0x1F4D0]  }
0x254: {  	v31 =	vld [tilespmem:$0x1F390]  }
0x255: {  	v28 =	vadd.f32 v28, v42;
	v42 =	vld.idx.msk [tilespmem:v46+s15+$0x0], $0xffff  }
0x256: {  	v2 =	vadd.f32 v2, v27;
	v27 =	vld [tilespmem:$0x1F4F0]  }
0x257: {  	v53 =	vadd.f32 v61, v0;
	v0 =	vld [tilespmem:$0x1F360]  }
0x258: {  	v26 =	vadd.f32 v26, v6;
	v6 =	vld [tilespmem:$0x1F4E0]  }
0x259: {  	v48 =	vld.idx.msk [tilespmem:v48+s15+$0x0], $0xffff  }
0x25a: {  	v46 =	vld.idx.msk [tilespmem:v1+s15+$0x0], $0xffff  }
0x25b: {  	v37 =	vor.u32 v41, v47;
	v41 =	vor.u32 v56, v47;
	v1 =	vld [tilespmem:$0x1F530]  }
0x25c: {  	v59 =	vadd.f32 v59, v0;
	v0 =	vld [tilespmem:$0x1F370]  }
0x25d: {  	v27 =	vadd.f32 v27, v6;
	v6 =	vld [tilespmem:$0x1F500]  }
0x25e: {  	v52 =	vld [tilespmem:$0x1F410]  }
0x25f: {  	v56 =	vld [tilespmem:$0x1FD60]  }
0x260: {  	v57 =	vor.u32 v39, v47;
	v39 =	vld.idx.msk [tilespmem:v41+s15+$0x0], $0xffff  }
0x261: {  	v60 =	vadd.f32 v60, v0;
	v0 =	vld [tilespmem:$0x1F380]  }
0x262: {  	v17 =	vadd.f32 v17, v6;
	v6 =	vld [tilespmem:$0x1F510]  }
0x263: {  	v32 =	vadd.f32 v32, v48;
	v48 =	vld.idx.msk [tilespmem:v1+s15+$0x0], $0xffff  }
0x264: {  	v1 =	vld [tilespmem:$0x1F540]  }
0x265: {  	v34 =	vld.idx.msk [tilespmem:v57+s15+$0x0], $0xffff  }
0x266: {  	v0 =	vadd.f32 v31, v0;
	v31 =	vld [tilespmem:$0x1F3A0]  }
0x267: {  	p0 =	sne.s32 s29, $0x3C;
	v29 =	vadd.f32 v29, v6;
	v6 =	vld [tilespmem:$0x1F520]  }
.Ltmp0:
0x268: {  	v41 =	vld.idx.msk [tilespmem:v51+s15+$0x0], $0xffff;
	(pc) =	sbr.rel @p0 .LBB2_3-.Ltmp0, $4  }
0x269: {  	v61 =	vld.idx.msk [tilespmem:v37+s15+$0x0], $0xffff  }
0x26a: {  	v30 =	vadd.f32 v30, v54;
	v37 =	vld.idx.msk [tilespmem:v40+s15+$0x0], $0xffff  }
0x26b: {  	v33 =	vadd.f32 v33, v36;
	v36 =	vadd.f32 v8, v16;
	v40 =	vld.idx.msk [tilespmem:v50+s15+$0x0], $0xffff  }
0x26c: {  	s29 =	sadd.s32 $0x4, s29;
	v16 =	vld.idx.msk [tilespmem:v1+s15+$0x0], $0xffff;
	v49 =	vadd.f32 v49, v31;
	v31 =	vadd.f32 v55, v6  }
0x26d: {  	v1 =	vadd.f32 v25, v19  }
0x26e: {  	v6 =	vadd.f32 v62, v58;
	v13 =	vadd.f32 v13, v34  }
0x26f: {  	v19 =	vadd.f32 v39, v38;
	v2 =	vadd.f32 v4, v2  }
0x270: {  	v4 =	vadd.f32 v11, v9;
	v9 =	vadd.f32 v14, v12  }
0x271: {  	v11 =	vadd.f32 v18, v15;
	v12 =	vadd.f32 v22, v20  }
0x272: {  	v15 =	vadd.f32 v23, v21;
	v7 =	vadd.f32 v7, v24  }
0x273: {  	v3 =	vadd.f32 v5, v3;
	v5 =	vadd.f32 v27, v26  }
0x274: {  	v14 =	vor.u32 v56, v43;
	v17 =	vadd.f32 v28, v17;
	v23 =	vadd.f32 v32, v30  }
0x275: {  	v18 =	vor.u32 v56, v44;
	v24 =	vadd.f32 v36, v33;
	v10 =	vadd.f32 v10, v61  }
0x276: {  	v21 =	vor.u32 v56, v45;
	v0 =	vadd.f32 v49, v0;
	v20 =	vadd.f32 v31, v29  }
0x277: {  	v22 =	vld [tilespmem:$0x1F970];
	v26 =	vor.u32 v56, v47;
	v8 =	vadd.f32 v37, v35;
	v1 =	vadd.f32 v6, v1  }
0x278: {  	v27 =	vld.idx.msk [tilespmem:v52+s15+$0x0], $0xffff;
	v2 =	vadd.f32 v4, v2;
	v25 =	vadd.f32 v41, v40  }
0x279: {  	v40 =	vadd.f32 v46, v42;
	v6 =	vadd.f32 v13, v10;
	v10 =	vld.idx.msk [tilespmem:v14+s13+$0x0], $0xffff  }
0x27a: {  	v3 =	vadd.f32 v5, v3;
	v41 =	vadd.f32 v63, v60;
	v4 =	vld.idx.msk [tilespmem:v18+s13+$0x0], $0xffff  }
0x27b: {  	v13 =	vadd.f32 v19, v8;
	v8 =	vadd.f32 v40, v25;
	v5 =	vld.idx.msk [tilespmem:v21+s13+$0x0], $0xffff  }
0x27c: {  	v7 =	vadd.f32 v7, v15;
	v0 =	vadd.f32 v0, v41;
	v19 =	vld.idx.msk [tilespmem:v26+s13+$0x0], $0xffff  }
0x27d: {  	v1 =	vadd.f32 v6, v1;
	v6 =	vadd.f32 v8, v13;
	v8 =	vld [tilespmem:$0x1F990]  }
0x27e: {  	v15 =	vadd.f32 v20, v17;
	v17 =	vadd.f32 v24, v23;
	v13 =	vld.idx.msk [tilespmem:v18+s15+$0x0], $0xffff  }
0x27f: {  	v0 =	vadd.f32 v2, v0;
	v2 =	vadd.f32 v3, v7;
	v3 =	vld.idx.msk [tilespmem:v21+s15+$0x0], $0xffff  }
0x280: {  	v7 =	vadd.f32 v17, v15;
	v1 =	vadd.f32 v6, v1;
	v6 =	vld.idx.msk [tilespmem:v26+s15+$0x0], $0xffff  }
0x281: {  	v2 =	vadd.f32 v9, v2;
	v9 =	vld.idx.msk [tilespmem:v14+s15+$0x0], $0xffff  }
0x282: {  	v7 =	vadd.f32 v11, v7;
	v11 =	vmul.f32 v48, v8;
	v8 =	vld [tilespmem:$0x1F980]  }
0x283: {  	v42 =	vadd.f32 v59, v53;
	_ =	sdelay $0x1  }
0x284: {  	v22 =	vld.idx.msk [tilespmem:v22+s15+$0x0], $0xffff;
	v0 =	vadd.f32 v42, v0;
	v2 =	vmul.f32 v2, v4;
	v4 =	vmul.f32 v13, v4  }
0x285: {  	v1 =	vadd.f32 v12, v1;
	v12 =	vld [tilespmem:$0x1F9B0];
	v3 =	vmul.f32 v3, v5;
	v6 =	vmul.f32 v6, v19  }
0x286: {  	v9 =	vmul.f32 v9, v10;
	v14 =	vmul.f32 v27, v8;
	v8 =	vld [tilespmem:$0x1F9A0]  }
0x287: {  	v0 =	vmul.f32 v0, v10;
	v5 =	vmul.f32 v7, v5  }
0x288: {  	v1 =	vmul.f32 v1, v19;
	v4 =	vadd.f32 v4, v9;
	v3 =	vadd.f32 v6, v3  }
0x289: {  	v0 =	vadd.f32 v2, v0  }
0x28a: {  	v1 =	vadd.f32 v1, v5;
	v3 =	vadd.f32 v3, v4;
	v4 =	vld [tilespmem:$0x1FD40]  }
0x28b: {  	v41 =	vld [tilespmem:$0x1FFD0];
	v12 =	vmul.f32 v22, v12;
	v8 =	vmul.f32 v16, v8  }
0x28c: {  	v5 =	vld [tilespmem:$0x1FD30];
	v0 =	vadd.f32 v1, v0  }
0x28d: {  	v11 =	vadd.f32 v11, v14;
	v8 =	vadd.f32 v12, v8  }
0x28e: {  	s29 =	simm.s32 $0x0;
	v47 =	vlaneseq.u32  }
0x28f: {  	v2 =	vadd.s32 s29, v47;
	v0 =	vadd.f32 v0, v4;
	v7 =	vadd.f32 v8, v11  }
0x290: {  	s29 =	sshll.u32 s25, $0x6;
	v46 =	vand.u32 $0x3F, v2;
	v10 =	vld [tilespmem:$0x1FE60]  }
0x291: {  	v52 =	vld [tilespmem:$0x1FD90];
	[tilespmem:s29+$0x18E00] =	vst v0;
	v0 =	vor.u32 v41, v46;
	v5 =	vadd.f32 v7, v5;
	_ =	sdelay $0x1  }
0x292: {  	v2 =	vadd.f32 v3, v5;
	_ =	sdelay $0x1  }
0x293: {  	v53 =	vld [tilespmem:$0x1FDA0];
	v4 =	vor.u32 v10, v46;
	[tilespmem:s29+$0x18C00] =	vst v2  }
0x294: {  	v37 =	vld.idx.msk [tilespmem:v0+s15+$0x0], $0xffff;
	v0 =	vor.u32 v52, v46;
	_ =	sdelay $0x2  }
0x295: {  	v8 =	vld [tilespmem:$0x1FDE0]  }
0x296: {  	v36 =	vld.idx.msk [tilespmem:v4+s15+$0x0], $0xffff  }
0x297: {  	v4 =	vor.u32 v53, v46;
	v0 =	vld.idx.msk [tilespmem:v0+s15+$0x0], $0xffff;
	_ =	sdelay $0x3  }
0x298: {  	v18 =	vld [tilespmem:$0x1FDF0]  }
0x299: {  	v4 =	vld.idx.msk [tilespmem:v4+s15+$0x0], $0xffff;
	[tilespmem:$0x1EB40] =	vst v0;
	v0 =	vor.u32 v8, v46;
	_ =	sdelay $0x2  }
0x29a: {  	v33 =	vld [tilespmem:$0x1FFE0]  }
0x29b: {  	v11 =	vld [tilespmem:$0x1FE70]  }
0x29c: {  	[tilespmem:$0x1EB50] =	vst v4;
	v4 =	vor.u32 v18, v46;
	v0 =	vld.idx.msk [tilespmem:v0+s15+$0x0], $0xffff;
	_ =	sdelay $0x2  }
0x29d: {  	v42 =	vld [tilespmem:$0x1FD80];
	v5 =	vor.u32 v33, v46  }
0x29e: {  	v7 =	vld [tilespmem:$0x1FE40];
	v2 =	vor.u32 v11, v46  }
0x29f: {  	[tilespmem:$0x1EB90] =	vst v0;
	v0 =	vld.idx.msk [tilespmem:v4+s15+$0x0], $0xffff;
	_ =	sdelay $0x1  }
0x2a0: {  	s30 =	simm.s32 $0x1  }
0x2a1: {  	v54 =	vld.idx.msk [tilespmem:v5+s15+$0x0], $0xffff;
	v5 =	vadd.s32 s30, v47  }
0x2a2: {  	v49 =	vand.u32 $0x3F, v5;
	v40 =	vld.idx.msk [tilespmem:v2+s15+$0x0], $0xffff;
	v2 =	vor.u32 v42, v46  }
0x2a3: {  	[tilespmem:$0x1EBA0] =	vst v0;
	v0 =	vor.u32 v7, v49;
	_ =	sdelay $0x1  }
0x2a4: {  	v9 =	vld [tilespmem:$0x1FE50]  }
0x2a5: {  	v22 =	vld [tilespmem:$0x1FDD0]  }
0x2a6: {  	v2 =	vld.idx.msk [tilespmem:v2+s15+$0x0], $0xffff  }
0x2a7: {  	v0 =	vld.idx.msk [tilespmem:v0+s15+$0x0], $0xffff;
	_ =	sdelay $0x1  }
0x2a8: {  	s30 =	simm.s32 $0x2  }
0x2a9: {  	v39 =	vld [tilespmem:$0x1FFF0];
	v1 =	vor.u32 v7, v46;
	v4 =	vadd.s32 s30, v47  }
0x2aa: {  	[tilespmem:$0x1EB30] =	vst v2;
	v2 =	vor.u32 v22, v46;
	v50 =	vand.u32 $0x3F, v4  }
0x2ab: {  	[tilespmem:$0x1EBF0] =	vst v0;
	v0 =	vor.u32 v9, v50;
	_ =	sdelay $0x1  }
0x2ac: {  	v13 =	vld [tilespmem:$0x1FE20]  }
0x2ad: {  	v34 =	vld.idx.msk [tilespmem:v1+s15+$0x0], $0xffff;
	v1 =	vor.u32 v39, v46  }
0x2ae: {  	v2 =	vld.idx.msk [tilespmem:v2+s15+$0x0], $0xffff  }
0x2af: {  	v0 =	vld.idx.msk [tilespmem:v0+s15+$0x0], $0xffff;
	_ =	sdelay $0x1  }
0x2b0: {  	v15 =	vld [tilespmem:$0x1FDB0];
	s30 =	simm.s32 $0x3  }
0x2b1: {  	v1 =	vld.idx.msk [tilespmem:v1+s15+$0x0], $0xffff;
	v5 =	vadd.s32 s30, v47  }
0x2b2: {  	v51 =	vand.u32 $0x3F, v5;
	[tilespmem:$0x1EB80] =	vst v2;
	v2 =	vor.u32 v13, v46  }
0x2b3: {  	[tilespmem:$0x1EC40] =	vst v0;
	v0 =	vor.u32 v10, v51;
	_ =	sdelay $0x2  }
0x2b4: {  	[tilespmem:$0x1EB10] =	vst v1;
	v1 =	vor.u32 v15, v46  }
0x2b5: {  	v2 =	vld.idx.msk [tilespmem:v2+s15+$0x0], $0xffff  }
0x2b6: {  	v0 =	vld.idx.msk [tilespmem:v0+s15+$0x0], $0xffff;
	_ =	sdelay $0x1  }
0x2b7: {  	v17 =	vld [tilespmem:$0x1FE00]  }
0x2b8: {  	v1 =	vld.idx.msk [tilespmem:v1+s15+$0x0], $0xffff  }
0x2b9: {  	[tilespmem:$0x1EBD0] =	vst v2;
	v2 =	vor.u32 v11, v49  }
0x2ba: {  	[tilespmem:$0x1EC90] =	vst v0;
	v0 =	vor.u32 v42, v49;
	_ =	sdelay $0x2  }
0x2bb: {  	[tilespmem:$0x1EB60] =	vst v1;
	v1 =	vor.u32 v17, v46  }
0x2bc: {  	v2 =	vld.idx.msk [tilespmem:v2+s15+$0x0], $0xffff  }
0x2bd: {  	v0 =	vld.idx.msk [tilespmem:v0+s15+$0x0], $0xffff;
	_ =	sdelay $0x2  }
0x2be: {  	v1 =	vld.idx.msk [tilespmem:v1+s15+$0x0], $0xffff  }
0x2bf: {  	[tilespmem:$0x1EC20] =	vst v2;
	v2 =	vor.u32 v7, v51  }
0x2c0: {  	[tilespmem:$0x1ECF0] =	vst v0;
	v0 =	vor.u32 v22, v49;
	_ =	sdelay $0x2  }
0x2c1: {  	[tilespmem:$0x1EBB0] =	vst v1;
	v1 =	vor.u32 v9, v49  }
0x2c2: {  	v2 =	vld.idx.msk [tilespmem:v2+s15+$0x0], $0xffff  }
0x2c3: {  	v0 =	vld.idx.msk [tilespmem:v0+s15+$0x0], $0xffff;
	_ =	sdelay $0x2  }
0x2c4: {  	v1 =	vld.idx.msk [tilespmem:v1+s15+$0x0], $0xffff  }
0x2c5: {  	[tilespmem:$0x1EC70] =	vst v2;
	v2 =	vor.u32 v39, v49  }
0x2c6: {  	[tilespmem:$0x1ED40] =	vst v0;
	v0 =	vor.u32 v13, v49;
	_ =	sdelay $0x2  }
0x2c7: {  	v38 =	vld [tilespmem:$0x1FD70];
	[tilespmem:$0x1EC00] =	vst v1;
	v1 =	vor.u32 v10, v50  }
0x2c8: {  	v2 =	vld.idx.msk [tilespmem:v2+s15+$0x0], $0xffff  }
0x2c9: {  	v0 =	vld.idx.msk [tilespmem:v0+s15+$0x0], $0xffff;
	_ =	sdelay $0x2  }
0x2ca: {  	v1 =	vld.idx.msk [tilespmem:v1+s15+$0x0], $0xffff  }
0x2cb: {  	[tilespmem:$0x1ECD0] =	vst v2;
	v2 =	vor.u32 v15, v49  }
0x2cc: {  	[tilespmem:$0x1ED90] =	vst v0;
	v0 =	vor.u32 v38, v50;
	_ =	sdelay $0x2  }
0x2cd: {  	v14 =	vld [tilespmem:$0x1FDC0];
	[tilespmem:$0x1EC50] =	vst v1;
	v1 =	vor.u32 v11, v51  }
0x2ce: {  	v2 =	vld.idx.msk [tilespmem:v2+s15+$0x0], $0xffff  }
0x2cf: {  	v0 =	vld.idx.msk [tilespmem:v0+s15+$0x0], $0xffff;
	_ =	sdelay $0x2  }
0x2d0: {  	v5 =	vor.u32 v41, v49;
	v1 =	vld.idx.msk [tilespmem:v1+s15+$0x0], $0xffff  }
0x2d1: {  	[tilespmem:$0x1ED20] =	vst v2;
	v2 =	vor.u32 v17, v49  }
0x2d2: {  	[tilespmem:$0x1EDE0] =	vst v0;
	v0 =	vor.u32 v14, v50;
	_ =	sdelay $0x1  }
0x2d3: {  	v16 =	vld [tilespmem:$0x1FE10]  }
0x2d4: {  	[tilespmem:$0x1ECA0] =	vst v1;
	v1 =	vld.idx.msk [tilespmem:v5+s15+$0x0], $0xffff  }
0x2d5: {  	v2 =	vld.idx.msk [tilespmem:v2+s15+$0x0], $0xffff  }
0x2d6: {  	v0 =	vld.idx.msk [tilespmem:v0+s15+$0x0], $0xffff;
	_ =	sdelay $0x2  }
0x2d7: {  	[tilespmem:$0x1ECB0] =	vst v1;
	v1 =	vor.u32 v52, v49  }
0x2d8: {  	[tilespmem:$0x1ED70] =	vst v2;
	v2 =	vor.u32 v33, v50  }
0x2d9: {  	[tilespmem:$0x1EE30] =	vst v0;
	v0 =	vor.u32 v16, v50;
	_ =	sdelay $0x2  }
0x2da: {  	v1 =	vld.idx.msk [tilespmem:v1+s15+$0x0], $0xffff  }
0x2db: {  	v2 =	vld.idx.msk [tilespmem:v2+s15+$0x0], $0xffff  }
0x2dc: {  	v0 =	vld.idx.msk [tilespmem:v0+s15+$0x0], $0xffff;
	_ =	sdelay $0x2  }
0x2dd: {  	[tilespmem:$0x1ED00] =	vst v1;
	v1 =	vor.u32 v8, v49  }
0x2de: {  	[tilespmem:$0x1EDC0] =	vst v2;
	v2 =	vor.u32 v53, v50  }
0x2df: {  	[tilespmem:$0x1EE80] =	vst v0;
	v0 =	vor.u32 v39, v51;
	_ =	sdelay $0x1  }
0x2e0: {  	v12 =	vld [tilespmem:$0x1FE30]  }
0x2e1: {  	v1 =	vld.idx.msk [tilespmem:v1+s15+$0x0], $0xffff  }
0x2e2: {  	v2 =	vld.idx.msk [tilespmem:v2+s15+$0x0], $0xffff  }
0x2e3: {  	v0 =	vld.idx.msk [tilespmem:v0+s15+$0x0], $0xffff;
	_ =	sdelay $0x2  }
0x2e4: {  	[tilespmem:$0x1ED50] =	vst v1;
	v1 =	vor.u32 v12, v49  }
0x2e5: {  	[tilespmem:$0x1EE10] =	vst v2;
	v2 =	vor.u32 v18, v50  }
0x2e6: {  	[tilespmem:$0x1EEB0] =	vst v0;
	v0 =	vor.u32 v15, v51  }
0x2e7: {  	v21 =	vor.u32 v14, v51;
	_ =	sdelay $0x1  }
0x2e8: {  	v1 =	vld.idx.msk [tilespmem:v1+s15+$0x0], $0xffff  }
0x2e9: {  	v2 =	vld.idx.msk [tilespmem:v2+s15+$0x0], $0xffff  }
0x2ea: {  	v58 =	vld.idx.msk [tilespmem:v0+s15+$0x0], $0xffff  }
0x2eb: {  	v25 =	vor.u32 v17, v51;
	v0 =	vld.idx.msk [tilespmem:v21+s15+$0x0], $0xffff;
	_ =	sdelay $0x1  }
0x2ec: {  	[tilespmem:$0x1EDA0] =	vst v1;
	v1 =	vor.u32 v42, v50  }
0x2ed: {  	[tilespmem:$0x1EE60] =	vst v2;
	v2 =	vor.u32 v41, v51  }
0x2ee: {  	v5 =	vmov v16  }
0x2ef: {  	v26 =	vor.u32 v5, v51;
	[tilespmem:$0x1EEE0] =	vst v0;
	v0 =	vld.idx.msk [tilespmem:v25+s15+$0x0], $0xffff;
	_ =	sdelay $0x1  }
0x2f0: {  	v1 =	vld.idx.msk [tilespmem:v1+s15+$0x0], $0xffff  }
0x2f1: {  	v2 =	vld.idx.msk [tilespmem:v2+s15+$0x0], $0xffff;
	_ =	sdelay $0x1  }
0x2f2: {  	v27 =	vor.u32 v13, v51;
	[tilespmem:$0x1EEF0] =	vst v0;
	v0 =	vld.idx.msk [tilespmem:v26+s15+$0x0], $0xffff;
	_ =	sdelay $0x1  }
0x2f3: {  	[tilespmem:$0x1EDF0] =	vst v1  }
0x2f4: {  	v1 =	vor.u32 v22, v50;
	[tilespmem:$0x1EEA0] =	vst v2;
	v2 =	vmov v22;
	v22 =	vor.u32 v22, v51;
	_ =	sdelay $0x1  }
0x2f5: {  	v28 =	vor.u32 v12, v51;
	[tilespmem:$0x1EF00] =	vst v0;
	v0 =	vld.idx.msk [tilespmem:v27+s15+$0x0], $0xffff;
	_ =	sdelay $0x1  }
0x2f6: {  	s30 =	simm.s32 $0x4  }
0x2f7: {  	v55 =	vld.idx.msk [tilespmem:v22+s15+$0x0], $0xffff;
	v22 =	vadd.s32 s30, v47  }
0x2f8: {  	v43 =	vand.u32 $0x3F, v22  }
0x2f9: {  	v29 =	vor.u32 v7, v43;
	[tilespmem:$0x1EF10] =	vst v0;
	v0 =	vld.idx.msk [tilespmem:v28+s15+$0x0], $0xffff;
	_ =	sdelay $0x4  }
0x2fa: {  	v30 =	vor.u32 v9, v43;
	[tilespmem:$0x1EF20] =	vst v0;
	v0 =	vld.idx.msk [tilespmem:v29+s15+$0x0], $0xffff;
	_ =	sdelay $0x4  }
0x2fb: {  	v31 =	vor.u32 v10, v43;
	[tilespmem:$0x1EFC0] =	vst v0;
	v0 =	vld.idx.msk [tilespmem:v30+s15+$0x0], $0xffff;
	_ =	sdelay $0x4  }
0x2fc: {  	v27 =	vor.u32 v11, v43;
	[tilespmem:$0x1EFD0] =	vst v0;
	v0 =	vld.idx.msk [tilespmem:v31+s15+$0x0], $0xffff;
	_ =	sdelay $0x4  }
0x2fd: {  	v28 =	vor.u32 v41, v43;
	[tilespmem:$0x1EFE0] =	vst v0;
	v0 =	vld.idx.msk [tilespmem:v27+s15+$0x0], $0xffff;
	_ =	sdelay $0x4  }
0x2fe: {  	v29 =	vor.u32 v33, v43;
	[tilespmem:$0x1EFF0] =	vst v0;
	v0 =	vld.idx.msk [tilespmem:v28+s15+$0x0], $0xffff;
	_ =	sdelay $0x4  }
0x2ff: {  	v30 =	vor.u32 v39, v43;
	[tilespmem:$0x1F000] =	vst v0;
	v0 =	vld.idx.msk [tilespmem:v29+s15+$0x0], $0xffff;
	_ =	sdelay $0x4  }
0x300: {  	v31 =	vor.u32 v38, v43;
	[tilespmem:$0x1F010] =	vst v0;
	v0 =	vld.idx.msk [tilespmem:v30+s15+$0x0], $0xffff;
	_ =	sdelay $0x4  }
0x301: {  	v27 =	vor.u32 v42, v43;
	[tilespmem:$0x1F020] =	vst v0;
	v0 =	vld.idx.msk [tilespmem:v31+s15+$0x0], $0xffff;
	_ =	sdelay $0x4  }
0x302: {  	v28 =	vor.u32 v52, v43;
	[tilespmem:$0x1F030] =	vst v0;
	v0 =	vld.idx.msk [tilespmem:v27+s15+$0x0], $0xffff;
	_ =	sdelay $0x4  }
0x303: {  	v29 =	vor.u32 v53, v43;
	[tilespmem:$0x1F040] =	vst v0;
	v0 =	vld.idx.msk [tilespmem:v28+s15+$0x0], $0xffff;
	_ =	sdelay $0x4  }
0x304: {  	v30 =	vor.u32 v15, v43;
	[tilespmem:$0x1F050] =	vst v0;
	v0 =	vld.idx.msk [tilespmem:v29+s15+$0x0], $0xffff;
	_ =	sdelay $0x2  }
0x305: {  	v3 =	vor.u32 v9, v46;
	_ =	sdelay $0x1  }
0x306: {  	v31 =	vor.u32 v14, v43;
	[tilespmem:$0x1F060] =	vst v0;
	v0 =	vld.idx.msk [tilespmem:v30+s15+$0x0], $0xffff;
	_ =	sdelay $0x2  }
0x307: {  	v35 =	vld.idx.msk [tilespmem:v3+s15+$0x0], $0xffff;
	v3 =	vor.u32 v38, v46;
	_ =	sdelay $0x1  }
0x308: {  	v27 =	vor.u32 v2, v43;
	[tilespmem:$0x1F070] =	vst v0;
	v0 =	vld.idx.msk [tilespmem:v31+s15+$0x0], $0xffff;
	_ =	sdelay $0x2  }
0x309: {  	v3 =	vld.idx.msk [tilespmem:v3+s15+$0x0], $0xffff  }
0x30a: {  	v6 =	vor.u32 v12, v46  }
0x30b: {  	v28 =	vor.u32 v8, v43;
	[tilespmem:$0x1F080] =	vst v0;
	v0 =	vld.idx.msk [tilespmem:v27+s15+$0x0], $0xffff;
	_ =	sdelay $0x2  }
0x30c: {  	[tilespmem:$0x1EB20] =	vst v3;
	v3 =	vor.u32 v14, v46  }
0x30d: {  	v4 =	vld.idx.msk [tilespmem:v6+s15+$0x0], $0xffff;
	v6 =	vmov v18  }
0x30e: {  	v29 =	vor.u32 v6, v43;
	[tilespmem:$0x1F090] =	vst v0;
	v0 =	vld.idx.msk [tilespmem:v28+s15+$0x0], $0xffff;
	_ =	sdelay $0x2  }
0x30f: {  	v3 =	vld.idx.msk [tilespmem:v3+s15+$0x0], $0xffff;
	_ =	sdelay $0x1  }
0x310: {  	v30 =	vor.u32 v17, v43;
	[tilespmem:$0x1F0A0] =	vst v0;
	v0 =	vld.idx.msk [tilespmem:v29+s15+$0x0], $0xffff;
	_ =	sdelay $0x2  }
0x311: {  	[tilespmem:$0x1EB70] =	vst v3;
	v3 =	vor.u32 v16, v46;
	_ =	sdelay $0x1  }
0x312: {  	v31 =	vor.u32 v5, v43;
	[tilespmem:$0x1F0B0] =	vst v0;
	v0 =	vld.idx.msk [tilespmem:v30+s15+$0x0], $0xffff;
	_ =	sdelay $0x2  }
0x313: {  	v3 =	vld.idx.msk [tilespmem:v3+s15+$0x0], $0xffff;
	_ =	sdelay $0x1  }
0x314: {  	v27 =	vor.u32 v13, v43;
	[tilespmem:$0x1F0C0] =	vst v0;
	v0 =	vld.idx.msk [tilespmem:v31+s15+$0x0], $0xffff;
	_ =	sdelay $0x2  }
0x315: {  	[tilespmem:$0x1EBC0] =	vst v3;
	v3 =	vor.u32 v10, v49;
	_ =	sdelay $0x1  }
0x316: {  	v28 =	vor.u32 v12, v43;
	[tilespmem:$0x1F0D0] =	vst v0;
	v0 =	vld.idx.msk [tilespmem:v27+s15+$0x0], $0xffff;
	_ =	sdelay $0x1  }
0x317: {  	s30 =	simm.s32 $0x5  }
0x318: {  	v3 =	vld.idx.msk [tilespmem:v3+s15+$0x0], $0xffff;
	v45 =	vadd.s32 s30, v47  }
0x319: {  	v44 =	vand.u32 $0x3F, v45  }
0x31a: {  	v29 =	vor.u32 v7, v44;
	[tilespmem:$0x1F0E0] =	vst v0;
	v0 =	vld.idx.msk [tilespmem:v28+s15+$0x0], $0xffff;
	_ =	sdelay $0x2  }
0x31b: {  	[tilespmem:$0x1EC10] =	vst v3;
	v3 =	vor.u32 v11, v50;
	_ =	sdelay $0x1  }
0x31c: {  	v30 =	vor.u32 v9, v44;
	[tilespmem:$0x1F0F0] =	vst v0;
	v0 =	vld.idx.msk [tilespmem:v29+s15+$0x0], $0xffff;
	_ =	sdelay $0x2  }
0x31d: {  	v3 =	vld.idx.msk [tilespmem:v3+s15+$0x0], $0xffff;
	_ =	sdelay $0x1  }
0x31e: {  	v31 =	vor.u32 v10, v44;
	[tilespmem:$0x1F100] =	vst v0;
	v0 =	vld.idx.msk [tilespmem:v30+s15+$0x0], $0xffff;
	_ =	sdelay $0x2  }
0x31f: {  	[tilespmem:$0x1EC60] =	vst v3;
	v3 =	vor.u32 v33, v49;
	_ =	sdelay $0x1  }
0x320: {  	v27 =	vor.u32 v11, v44;
	[tilespmem:$0x1F110] =	vst v0;
	v0 =	vld.idx.msk [tilespmem:v31+s15+$0x0], $0xffff;
	_ =	sdelay $0x1  }
0x321: {  	v1 =	vld.idx.msk [tilespmem:v1+s15+$0x0], $0xffff;
	s30 =	simm.s32 $0x6  }
0x322: {  	v3 =	vld.idx.msk [tilespmem:v3+s15+$0x0], $0xffff;
	v56 =	vadd.s32 s30, v47  }
0x323: {  	v45 =	vand.u32 $0x3F, v56  }
0x324: {  	v28 =	vor.u32 v7, v45;
	[tilespmem:$0x1F120] =	vst v0;
	v0 =	vld.idx.msk [tilespmem:v27+s15+$0x0], $0xffff;
	_ =	sdelay $0x1  }
0x325: {  	[tilespmem:$0x1EE40] =	vst v1;
	v1 =	vor.u32 v13, v50  }
0x326: {  	[tilespmem:$0x1ECC0] =	vst v3;
	v3 =	vor.u32 v53, v49;
	_ =	sdelay $0x1  }
0x327: {  	v29 =	vor.u32 v9, v45;
	[tilespmem:$0x1F130] =	vst v0;
	v0 =	vld.idx.msk [tilespmem:v28+s15+$0x0], $0xffff;
	_ =	sdelay $0x1  }
0x328: {  	v1 =	vld.idx.msk [tilespmem:v1+s15+$0x0], $0xffff  }
0x329: {  	v3 =	vld.idx.msk [tilespmem:v3+s15+$0x0], $0xffff;
	_ =	sdelay $0x1  }
0x32a: {  	[tilespmem:$0x1F140] =	vst v0;
	v0 =	vld.idx.msk [tilespmem:v29+s15+$0x0], $0xffff;
	_ =	sdelay $0x1  }
0x32b: {  	[tilespmem:$0x1EE90] =	vst v1;
	v1 =	vor.u32 v38, v51  }
0x32c: {  	[tilespmem:$0x1ED10] =	vst v3;
	v3 =	vor.u32 v18, v49;
	v18 =	vor.u32 v42, v51  }
0x32d: {  	v30 =	vor.u32 v10, v45  }
0x32e: {  	[tilespmem:$0x1F150] =	vst v0;
	v0 =	vadd.f32 v35, v34;
	_ =	sdelay $0x1  }
0x32f: {  	v63 =	vld.idx.msk [tilespmem:v1+s15+$0x0], $0xffff;
	[tilespmem:$0x1EF30] =	vst v0;
	v0 =	vadd.f32 v40, v36  }
0x330: {  	v1 =	vld.idx.msk [tilespmem:v18+s15+$0x0], $0xffff  }
0x331: {  	[tilespmem:$0x1EF40] =	vst v0;
	v0 =	vld.idx.msk [tilespmem:v30+s15+$0x0], $0xffff;
	_ =	sdelay $0x3  }
0x332: {  	[tilespmem:$0x1EEC0] =	vst v1;
	v1 =	vld [tilespmem:$0x1EB20]  }
0x333: {  	v31 =	vor.u32 v11, v45;
	[tilespmem:$0x1F160] =	vst v0;
	v0 =	vld [tilespmem:$0x1EB10];
	_ =	sdelay $0x4  }
0x334: {  	v26 =	vadd.f32 v1, v0;
	v0 =	vld.idx.msk [tilespmem:v31+s15+$0x0], $0xffff;
	_ =	sdelay $0x3  }
0x335: {  	v1 =	vld [tilespmem:$0x1EB40]  }
0x336: {  	[tilespmem:$0x1F170] =	vst v0;
	v0 =	vld [tilespmem:$0x1EB30];
	_ =	sdelay $0x3  }
0x337: {  	s30 =	simm.s32 $0x7  }
0x338: {  	[tilespmem:$0x1EBE0] =	vst v4;
	v4 =	vor.u32 v7, v50;
	v60 =	vadd.s32 s30, v47;
	v0 =	vadd.f32 v1, v0  }
0x339: {  	v47 =	vand.u32 $0x3F, v60;
	v1 =	vld [tilespmem:$0x1EB60]  }
0x33a: {  	v27 =	vor.u32 v7, v47;
	[tilespmem:$0x1EF50] =	vst v0;
	v0 =	vld [tilespmem:$0x1EB50];
	_ =	sdelay $0x2  }
0x33b: {  	v4 =	vld.idx.msk [tilespmem:v4+s15+$0x0], $0xffff;
	_ =	sdelay $0x1  }
0x33c: {  	v34 =	vadd.f32 v1, v0;
	v0 =	vld.idx.msk [tilespmem:v27+s15+$0x0], $0xffff;
	_ =	sdelay $0x2  }
0x33d: {  	[tilespmem:$0x1EC30] =	vst v4;
	v4 =	vor.u32 v9, v51  }
0x33e: {  	v1 =	vld [tilespmem:$0x1EB80]  }
0x33f: {  	[tilespmem:$0x1F180] =	vst v0;
	v0 =	vld [tilespmem:$0x1EB70];
	_ =	sdelay $0x2  }
0x340: {  	v4 =	vld.idx.msk [tilespmem:v4+s15+$0x0], $0xffff;
	_ =	sdelay $0x1  }
0x341: {  	v36 =	vadd.f32 v1, v0;
	v0 =	vld [tilespmem:$0x1EB90]  }
0x342: {  	v28 =	vor.u32 v9, v47;
	v1 =	vld [tilespmem:$0x1EBA0];
	_ =	sdelay $0x1  }
0x343: {  	[tilespmem:$0x1EC80] =	vst v4;
	v4 =	vor.u32 v38, v49;
	_ =	sdelay $0x2  }
0x344: {  	v35 =	vadd.f32 v1, v0;
	v0 =	vld.idx.msk [tilespmem:v28+s15+$0x0], $0xffff;
	_ =	sdelay $0x1  }
0x345: {  	v4 =	vld.idx.msk [tilespmem:v4+s15+$0x0], $0xffff  }
0x346: {  	v3 =	vld.idx.msk [tilespmem:v3+s15+$0x0], $0xffff  }
0x347: {  	v1 =	vld [tilespmem:$0x1EBC0]  }
0x348: {  	[tilespmem:$0x1F190] =	vst v0;
	v0 =	vld [tilespmem:$0x1EBB0];
	_ =	sdelay $0x3  }
0x349: {  	[tilespmem:$0x1ECE0] =	vst v4;
	v4 =	vor.u32 v14, v49  }
0x34a: {  	[tilespmem:$0x1ED60] =	vst v3;
	v3 =	vor.u32 v41, v50;
	v56 =	vadd.f32 v1, v0;
	v0 =	vld [tilespmem:$0x1EBD0]  }
0x34b: {  	v29 =	vor.u32 v10, v47;
	v1 =	vld [tilespmem:$0x1EBE0];
	_ =	sdelay $0x2  }
0x34c: {  	v4 =	vld.idx.msk [tilespmem:v4+s15+$0x0], $0xffff  }
0x34d: {  	v3 =	vld.idx.msk [tilespmem:v3+s15+$0x0], $0xffff  }
0x34e: {  	v60 =	vadd.f32 v54, v37;
	v37 =	vadd.f32 v1, v0;
	v0 =	vld.idx.msk [tilespmem:v29+s15+$0x0], $0xffff;
	_ =	sdelay $0x2  }
0x34f: {  	[tilespmem:$0x1ED30] =	vst v4;
	v4 =	vor.u32 v16, v49  }
0x350: {  	[tilespmem:$0x1EDB0] =	vst v3;
	v3 =	vor.u32 v52, v50;
	v1 =	vld [tilespmem:$0x1EC00]  }
0x351: {  	[tilespmem:$0x1F1A0] =	vst v0;
	v0 =	vld [tilespmem:$0x1EBF0];
	_ =	sdelay $0x2  }
0x352: {  	v4 =	vld.idx.msk [tilespmem:v4+s15+$0x0], $0xffff  }
0x353: {  	v3 =	vld.idx.msk [tilespmem:v3+s15+$0x0], $0xffff  }
0x354: {  	v54 =	vadd.f32 v1, v0;
	v0 =	vld [tilespmem:$0x1EC10]  }
0x355: {  	v30 =	vor.u32 v11, v47;
	v1 =	vld [tilespmem:$0x1EC20];
	_ =	sdelay $0x1  }
0x356: {  	[tilespmem:$0x1ED80] =	vst v4;
	v4 =	vor.u32 v39, v50  }
0x357: {  	[tilespmem:$0x1EE00] =	vst v3;
	v3 =	vor.u32 v8, v50;
	_ =	sdelay $0x1  }
0x358: {  	v22 =	vadd.f32 v1, v0;
	v0 =	vld.idx.msk [tilespmem:v30+s15+$0x0], $0xffff;
	_ =	sdelay $0x1  }
0x359: {  	v4 =	vld.idx.msk [tilespmem:v4+s15+$0x0], $0xffff  }
0x35a: {  	v3 =	vld.idx.msk [tilespmem:v3+s15+$0x0], $0xffff  }
0x35b: {  	v1 =	vld [tilespmem:$0x1EC40]  }
0x35c: {  	[tilespmem:$0x1F1B0] =	vst v0;
	v0 =	vld [tilespmem:$0x1EC30];
	_ =	sdelay $0x2  }
0x35d: {  	[tilespmem:$0x1EDD0] =	vst v4;
	v4 =	vor.u32 v15, v50  }
0x35e: {  	[tilespmem:$0x1EE50] =	vst v3;
	v3 =	vor.u32 v12, v50  }
0x35f: {  	v20 =	vor.u32 v53, v51;
	v32 =	vadd.f32 v1, v0;
	v0 =	vld [tilespmem:$0x1EC50]  }
0x360: {  	v31 =	vor.u32 v41, v44;
	v1 =	vld [tilespmem:$0x1EC60];
	_ =	sdelay $0x1  }
0x361: {  	v4 =	vld.idx.msk [tilespmem:v4+s15+$0x0], $0xffff  }
0x362: {  	v62 =	vld.idx.msk [tilespmem:v3+s15+$0x0], $0xffff  }
0x363: {  	v3 =	vld.idx.msk [tilespmem:v20+s15+$0x0], $0xffff  }
0x364: {  	v20 =	vadd.f32 v1, v0;
	v0 =	vld.idx.msk [tilespmem:v31+s15+$0x0], $0xffff;
	_ =	sdelay $0x3  }
0x365: {  	[tilespmem:$0x1EE20] =	vst v4;
	v4 =	vor.u32 v17, v50;
	v1 =	vld [tilespmem:$0x1EC80]  }
0x366: {  	[tilespmem:$0x1F1C0] =	vst v0;
	v0 =	vld [tilespmem:$0x1EC70];
	_ =	sdelay $0x3  }
0x367: {  	v19 =	vor.u32 v52, v51;
	v4 =	vld.idx.msk [tilespmem:v4+s15+$0x0], $0xffff  }
0x368: {  	v28 =	vadd.f32 v1, v0;
	v0 =	vld [tilespmem:$0x1EC90]  }
0x369: {  	v1 =	vld [tilespmem:$0x1ECA0];
	_ =	sdelay $0x2  }
0x36a: {  	v59 =	vld.idx.msk [tilespmem:v19+s15+$0x0], $0xffff  }
0x36b: {  	[tilespmem:$0x1EE70] =	vst v4;
	v4 =	vld [tilespmem:$0x1ECC0]  }
0x36c: {  	v19 =	vadd.f32 v1, v0;
	v1 =	vld [tilespmem:$0x1ECB0];
	_ =	sdelay $0x4  }
0x36d: {  	v16 =	vor.u32 v33, v51;
	v21 =	vadd.f32 v4, v1;
	v1 =	vld [tilespmem:$0x1ECD0]  }
0x36e: {  	v40 =	vor.u32 v39, v44;
	v4 =	vld [tilespmem:$0x1ECE0];
	_ =	sdelay $0x3  }
0x36f: {  	v61 =	vld.idx.msk [tilespmem:v16+s15+$0x0], $0xffff  }
0x370: {  	v16 =	vadd.f32 v4, v1;
	v1 =	vld.idx.msk [tilespmem:v40+s15+$0x0], $0xffff;
	_ =	sdelay $0x3  }
0x371: {  	v4 =	vld [tilespmem:$0x1ED00]  }
0x372: {  	[tilespmem:$0x1F1E0] =	vst v1;
	v1 =	vld [tilespmem:$0x1ECF0];
	_ =	sdelay $0x4  }
0x373: {  	v18 =	vadd.f32 v4, v1;
	v1 =	vld [tilespmem:$0x1ED10]  }
0x374: {  	v29 =	vor.u32 v38, v44;
	v4 =	vld [tilespmem:$0x1ED20];
	_ =	sdelay $0x4  }
0x375: {  	v25 =	vmov v13;
	v13 =	vadd.f32 v4, v1;
	v1 =	vld.idx.msk [tilespmem:v29+s15+$0x0], $0xffff;
	_ =	sdelay $0x3  }
0x376: {  	v4 =	vld [tilespmem:$0x1ED40]  }
0x377: {  	[tilespmem:$0x1F1F0] =	vst v1;
	v1 =	vld [tilespmem:$0x1ED30];
	_ =	sdelay $0x4  }
0x378: {  	v24 =	vor.u32 v6, v51;
	v29 =	vadd.f32 v4, v1;
	v1 =	vld [tilespmem:$0x1ED50]  }
0x379: {  	v30 =	vor.u32 v42, v44;
	v4 =	vld [tilespmem:$0x1ED60];
	_ =	sdelay $0x3  }
0x37a: {  	v48 =	vld.idx.msk [tilespmem:v24+s15+$0x0], $0xffff  }
0x37b: {  	v24 =	vmov v12;
	v12 =	vadd.f32 v4, v1;
	v1 =	vld.idx.msk [tilespmem:v30+s15+$0x0], $0xffff;
	_ =	sdelay $0x3  }
0x37c: {  	[tilespmem:$0x1EED0] =	vst v3;
	v3 =	vmov v2;
	v4 =	vld [tilespmem:$0x1ED80]  }
0x37d: {  	[tilespmem:$0x1F200] =	vst v1;
	v1 =	vor.u32 v3, v44;
	v3 =	vld [tilespmem:$0x1ED70];
	_ =	sdelay $0x4  }
0x37e: {  	v11 =	vadd.f32 v4, v3;
	v3 =	vld [tilespmem:$0x1ED90]  }
0x37f: {  	v31 =	vor.u32 v52, v44;
	v4 =	vld [tilespmem:$0x1EDA0];
	_ =	sdelay $0x4  }
0x380: {  	v10 =	vadd.f32 v4, v3;
	v3 =	vld.idx.msk [tilespmem:v31+s15+$0x0], $0xffff;
	_ =	sdelay $0x3  }
0x381: {  	v27 =	vor.u32 v33, v44;
	v4 =	vld [tilespmem:$0x1EDC0]  }
0x382: {  	[tilespmem:$0x1F210] =	vst v3;
	v3 =	vld [tilespmem:$0x1EDB0];
	_ =	sdelay $0x3  }
0x383: {  	v0 =	vld.idx.msk [tilespmem:v27+s15+$0x0], $0xffff  }
0x384: {  	v9 =	vadd.f32 v4, v3;
	v3 =	vld [tilespmem:$0x1EDD0]  }
0x385: {  	v4 =	vld [tilespmem:$0x1EDE0];
	_ =	sdelay $0x3  }
0x386: {  	v23 =	vor.u32 v8, v51  }
0x387: {  	[tilespmem:$0x1F1D0] =	vst v0;
	v0 =	vor.u32 v53, v44;
	v31 =	vor.u32 v8, v44;
	v8 =	vadd.f32 v4, v3;
	v3 =	vld [tilespmem:$0x1EDF0]  }
0x388: {  	v4 =	vld [tilespmem:$0x1EE00];
	_ =	sdelay $0x3  }
0x389: {  	v0 =	vld.idx.msk [tilespmem:v0+s15+$0x0], $0xffff  }
0x38a: {  	v7 =	vadd.f32 v4, v3;
	v3 =	vld [tilespmem:$0x1EE10]  }
0x38b: {  	v27 =	vor.u32 v15, v44;
	v4 =	vld [tilespmem:$0x1EE20];
	_ =	sdelay $0x4  }
0x38c: {  	[tilespmem:$0x1F220] =	vst v0;
	v0 =	vor.u32 v6, v44;
	v6 =	vadd.f32 v4, v3;
	v3 =	vld.idx.msk [tilespmem:v27+s15+$0x0], $0xffff;
	_ =	sdelay $0x3  }
0x38d: {  	v4 =	vld [tilespmem:$0x1EE40]  }
0x38e: {  	[tilespmem:$0x1F230] =	vst v3;
	v3 =	vld [tilespmem:$0x1EE30];
	_ =	sdelay $0x4  }
0x38f: {  	v2 =	vmov v5;
	v5 =	vadd.f32 v4, v3;
	v3 =	vld [tilespmem:$0x1EE50]  }
0x390: {  	v40 =	vor.u32 v14, v44;
	v4 =	vld [tilespmem:$0x1EE60];
	_ =	sdelay $0x4  }
0x391: {  	v4 =	vadd.f32 v4, v3;
	v3 =	vld.idx.msk [tilespmem:v40+s15+$0x0], $0xffff;
	_ =	sdelay $0x2  }
0x392: {  	v57 =	vld.idx.msk [tilespmem:v23+s15+$0x0], $0xffff  }
0x393: {  	v23 =	vmov v15;
	v15 =	vld [tilespmem:$0x1EE80]  }
0x394: {  	[tilespmem:$0x1F240] =	vst v3;
	v3 =	vld [tilespmem:$0x1EE70];
	_ =	sdelay $0x4  }
0x395: {  	v3 =	vadd.f32 v15, v3;
	v15 =	vld [tilespmem:$0x1EE90];
	_ =	sdelay $0x4  }
0x396: {  	v62 =	vadd.f32 v62, v15;
	v15 =	vld [tilespmem:$0x1EEA0];
	_ =	sdelay $0x4  }
0x397: {  	v61 =	vadd.f32 v61, v15;
	v15 =	vld [tilespmem:$0x1EEB0];
	_ =	sdelay $0x4  }
0x398: {  	v63 =	vadd.f32 v63, v15;
	v15 =	vld.idx.msk [tilespmem:v31+s15+$0x0], $0xffff;
	_ =	sdelay $0x4  }
0x399: {  	v31 =	vor.u32 v24, v44;
	[tilespmem:$0x1F260] =	vst v15;
	v15 =	vmov v24;
	v24 =	vld [tilespmem:$0x1EEC0];
	_ =	sdelay $0x4  }
0x39a: {  	v59 =	vadd.f32 v59, v24;
	v24 =	vld [tilespmem:$0x1EED0];
	_ =	sdelay $0x4  }
0x39b: {  	v27 =	vor.u32 v17, v44;
	v58 =	vadd.f32 v58, v24;
	v24 =	vld [tilespmem:$0x1EEE0];
	_ =	sdelay $0x3  }
0x39c: {  	v1 =	vld.idx.msk [tilespmem:v1+s15+$0x0], $0xffff  }
0x39d: {  	v55 =	vadd.f32 v55, v24;
	v24 =	vld.idx.msk [tilespmem:v27+s15+$0x0], $0xffff;
	_ =	sdelay $0x2  }
0x39e: {  	v0 =	vld.idx.msk [tilespmem:v0+s15+$0x0], $0xffff  }
0x39f: {  	[tilespmem:$0x1F250] =	vst v1;
	v1 =	vor.u32 v25, v44;
	v17 =	vmov v25;
	v25 =	vld [tilespmem:$0x1EF00]  }
0x3a0: {  	[tilespmem:$0x1F280] =	vst v24;
	v24 =	vld [tilespmem:$0x1EEF0]  }
0x3a1: {  	v57 =	vadd.f32 v48, v57;
	v48 =	vor.u32 v33, v45  }
0x3a2: {  	v30 =	vmov v2;
	v2 =	vor.u32 v2, v44  }
0x3a3: {  	v26 =	vadd.f32 v26, v60;
	v60 =	vld [tilespmem:$0x1EF40]  }
0x3a4: {  	[tilespmem:$0x1F270] =	vst v0;
	v0 =	vor.u32 v41, v45;
	v27 =	vld [tilespmem:$0x1EF20]  }
0x3a5: {  	v35 =	vadd.f32 v35, v36;
	v24 =	vadd.f32 v25, v24;
	v25 =	vld [tilespmem:$0x1EF10]  }
0x3a6: {  	v36 =	vor.u32 v42, v45;
	v20 =	vadd.f32 v20, v32;
	v32 =	vadd.f32 v19, v28;
	v19 =	vld.idx.msk [tilespmem:v48+s15+$0x0], $0xffff  }
0x3a7: {  	v40 =	vld.idx.msk [tilespmem:v2+s15+$0x0], $0xffff;
	v2 =	vor.u32 v39, v45  }
0x3a8: {  	v37 =	vadd.f32 v37, v56;
	v56 =	vld [tilespmem:$0x1FFC0]  }
0x3a9: {  	v0 =	vld.idx.msk [tilespmem:v0+s15+$0x0], $0xffff  }
0x3aa: {  	v25 =	vadd.f32 v27, v25;
	v27 =	vld [tilespmem:$0x1EF30]  }
0x3ab: {  	[tilespmem:$0x1F2C0] =	vst v19;
	v19 =	vor.u32 v53, v45;
	v6 =	vadd.f32 v6, v7;
	v7 =	vld.idx.msk [tilespmem:v36+s15+$0x0], $0xffff  }
0x3ac: {  	v22 =	vadd.f32 v22, v54;
	v2 =	vld.idx.msk [tilespmem:v2+s15+$0x0], $0xffff  }
0x3ad: {  	v16 =	vadd.f32 v16, v21;
	v13 =	vadd.f32 v13, v18;
	v18 =	vor.u32 v56, v46  }
0x3ae: {  	[tilespmem:$0x1F2B0] =	vst v0;
	v0 =	vor.u32 v52, v45;
	v12 =	vadd.f32 v12, v29;
	v10 =	vadd.f32 v10, v11  }
0x3af: {  	v48 =	vor.u32 v56, v50;
	v8 =	vadd.f32 v8, v9;
	v60 =	vadd.f32 v60, v27;
	v27 =	vld [tilespmem:$0x1EF50]  }
0x3b0: {  	v13 =	vadd.f32 v13, v16;
	v10 =	vadd.f32 v10, v12;
	[tilespmem:$0x1F2E0] =	vst v7;
	v7 =	vld.idx.msk [tilespmem:v19+s15+$0x0], $0xffff  }
0x3b1: {  	v11 =	vadd.f32 v37, v35;
	v6 =	vadd.f32 v6, v8;
	[tilespmem:$0x1F2D0] =	vst v2;
	v2 =	vor.u32 v23, v45  }
0x3b2: {  	v16 =	vld.idx.msk [tilespmem:v18+s13+$0x0], $0xffff;
	v8 =	vadd.f32 v10, v13;
	v3 =	vadd.f32 v62, v3;
	v62 =	vor.u32 v56, v49  }
0x3b3: {  	v21 =	vor.u32 v56, v51;
	v29 =	vld.idx.msk [tilespmem:v0+s15+$0x0], $0xffff;
	v4 =	vadd.f32 v4, v5;
	v0 =	vadd.f32 v63, v61  }
0x3b4: {  	v19 =	vld.idx.msk [tilespmem:v48+s13+$0x0], $0xffff;
	v5 =	vadd.f32 v58, v59;
	v34 =	vadd.f32 v34, v27  }
0x3b5: {  	[tilespmem:$0x1F2F0] =	vst v7;
	v7 =	vadd.f32 v57, v55;
	v9 =	vadd.f32 v25, v24;
	v27 =	vld.idx.msk [tilespmem:v31+s15+$0x0], $0xffff  }
0x3b6: {  	v3 =	vadd.f32 v3, v4;
	v31 =	vld.idx.msk [tilespmem:v2+s15+$0x0], $0xffff;
	v2 =	vadd.f32 v34, v26  }
0x3b7: {  	[tilespmem:$0x1EF60] =	vst v18;
	v18 =	vld.idx.msk [tilespmem:v62+s13+$0x0], $0xffff;
	v0 =	vadd.f32 v5, v0;
	v5 =	vadd.f32 v9, v7  }
0x3b8: {  	v3 =	vadd.f32 v3, v6;
	v2 =	vadd.f32 v11, v2;
	v11 =	vld.idx.msk [tilespmem:v21+s13+$0x0], $0xffff  }
0x3b9: {  	v0 =	vadd.f32 v5, v0  }
0x3ba: {  	v3 =	vadd.f32 v20, v3;
	v5 =	vadd.f32 v22, v8  }
0x3bb: {  	v1 =	vld.idx.msk [tilespmem:v1+s15+$0x0], $0xffff;
	v0 =	vadd.f32 v32, v0;
	v2 =	vadd.f32 v60, v2  }
0x3bc: {  	v3 =	vmul.f32 v3, v19;
	v5 =	vmul.f32 v5, v18  }
0x3bd: {  	v2 =	vmul.f32 v2, v16;
	v0 =	vmul.f32 v0, v11;
	_ =	sdelay $0x1  }
0x3be: {  	v2 =	vadd.f32 v5, v2;
	v0 =	vadd.f32 v0, v3  }
0x3bf: {  	[tilespmem:$0x1F290] =	vst v1;
	v1 =	vor.u32 v38, v45  }
0x3c0: {  	v51 =	vadd.f32 v0, v2;
	v0 =	vld [tilespmem:$0x1EFC0]  }
0x3c1: {  	v2 =	vld [tilespmem:$0x1EFD0];
	_ =	sdelay $0x2  }
0x3c2: {  	v28 =	vld.idx.msk [tilespmem:v1+s15+$0x0], $0xffff  }
0x3c3: {  	v1 =	vor.u32 v14, v45;
	[tilespmem:$0x1F2A0] =	vst v27;
	v27 =	vmov v14;
	v14 =	vld [tilespmem:$0x1FDD0]  }
0x3c4: {  	v54 =	vadd.f32 v2, v0;
	v0 =	vld [tilespmem:$0x1EFE0]  }
0x3c5: {  	v2 =	vld [tilespmem:$0x1EFF0];
	_ =	sdelay $0x3  }
0x3c6: {  	v46 =	vld.idx.msk [tilespmem:v1+s15+$0x0], $0xffff  }
0x3c7: {  	v1 =	vor.u32 v14, v45;
	v58 =	vadd.f32 v2, v0;
	v0 =	vld [tilespmem:$0x1F000]  }
0x3c8: {  	v2 =	vld [tilespmem:$0x1F010];
	_ =	sdelay $0x3  }
0x3c9: {  	[tilespmem:$0x1EF70] =	vst v21;
	v9 =	vor.u32 v30, v45;
	v21 =	vmov v30;
	v30 =	vld.idx.msk [tilespmem:v1+s15+$0x0], $0xffff  }
0x3ca: {  	v1 =	vor.u32 v17, v45;
	v60 =	vadd.f32 v2, v0;
	v0 =	vld [tilespmem:$0x1F020]  }
0x3cb: {  	v2 =	vld [tilespmem:$0x1F030];
	_ =	sdelay $0x3  }
0x3cc: {  	v55 =	vld.idx.msk [tilespmem:v1+s15+$0x0], $0xffff;
	v1 =	vor.u32 v38, v47  }
0x3cd: {  	v63 =	vadd.f32 v2, v0;
	v0 =	vld [tilespmem:$0x1F040]  }
0x3ce: {  	v2 =	vld [tilespmem:$0x1F050];
	_ =	sdelay $0x1  }
0x3cf: {  	v35 =	vld [tilespmem:$0x1FE00]  }
0x3d0: {  	[tilespmem:$0x1F310] =	vst v62;
	v62 =	vld.idx.msk [tilespmem:v1+s15+$0x0], $0xffff  }
0x3d1: {  	v1 =	vld [tilespmem:$0x1F060]  }
0x3d2: {  	v0 =	vadd.f32 v2, v0;
	v2 =	vld [tilespmem:$0x1F070];
	_ =	sdelay $0x2  }
0x3d3: {  	v7 =	vor.u32 v35, v45  }
0x3d4: {  	v3 =	vor.u32 v42, v47  }
0x3d5: {  	v50 =	vadd.f32 v2, v1;
	v1 =	vld [tilespmem:$0x1F080]  }
0x3d6: {  	v2 =	vld [tilespmem:$0x1F090];
	_ =	sdelay $0x1  }
0x3d7: {  	v49 =	vld.idx.msk [tilespmem:v7+s15+$0x0], $0xffff  }
0x3d8: {  	v7 =	vor.u32 v33, v47;
	v61 =	vld.idx.msk [tilespmem:v3+s15+$0x0], $0xffff  }
0x3d9: {  	v3 =	vld [tilespmem:$0x1F0B0]  }
0x3da: {  	v2 =	vadd.f32 v2, v1;
	v1 =	vld [tilespmem:$0x1F0A0];
	_ =	sdelay $0x2  }
0x3db: {  	v25 =	vld.idx.msk [tilespmem:v7+s15+$0x0], $0xffff  }
0x3dc: {  	v7 =	vld [tilespmem:$0x1F0D0]  }
0x3dd: {  	v3 =	vadd.f32 v3, v1;
	v1 =	vld [tilespmem:$0x1F0C0];
	_ =	sdelay $0x3  }
0x3de: {  	v8 =	vld [tilespmem:$0x1F0F0]  }
0x3df: {  	v7 =	vadd.f32 v7, v1;
	v1 =	vld [tilespmem:$0x1F0E0];
	_ =	sdelay $0x4  }
0x3e0: {  	[tilespmem:$0x1EFB0] =	vst v11;
	v11 =	vadd.f32 v8, v1;
	v1 =	vld [tilespmem:$0x1F100]  }
0x3e1: {  	v8 =	vld [tilespmem:$0x1F110];
	_ =	sdelay $0x3  }
0x3e2: {  	v34 =	vld [tilespmem:$0x1FDE0]  }
0x3e3: {  	v13 =	vadd.f32 v8, v1;
	v1 =	vld [tilespmem:$0x1F120]  }
0x3e4: {  	v8 =	vld [tilespmem:$0x1F130];
	_ =	sdelay $0x4  }
0x3e5: {  	v10 =	vor.u32 v15, v45;
	v26 =	vmovc v15;
	v12 =	vor.u32 v34, v45;
	v15 =	vadd.f32 v8, v1;
	v1 =	vld [tilespmem:$0x1F140]  }
0x3e6: {  	v8 =	vld [tilespmem:$0x1F150];
	_ =	sdelay $0x3  }
0x3e7: {  	v6 =	vld.idx.msk [tilespmem:v12+s15+$0x0], $0xffff  }
0x3e8: {  	[tilespmem:$0x1EF80] =	vst v16;
	v16 =	vadd.f32 v8, v1;
	v1 =	vld [tilespmem:$0x1F160]  }
0x3e9: {  	v8 =	vld [tilespmem:$0x1F170];
	_ =	sdelay $0x3  }
0x3ea: {  	v37 =	vld [tilespmem:$0x1FDF0];
	[tilespmem:$0x1F300] =	vst v6;
	v6 =	vor.u32 v27, v47  }
0x3eb: {  	[tilespmem:$0x1EF90] =	vst v18;
	v18 =	vadd.f32 v8, v1;
	v1 =	vld [tilespmem:$0x1F180]  }
0x3ec: {  	v8 =	vld [tilespmem:$0x1F190];
	_ =	sdelay $0x2  }
0x3ed: {  	v4 =	vor.u32 v37, v45;
	v24 =	vmov v17;
	v17 =	vor.u32 v35, v47;
	v35 =	vld.idx.msk [tilespmem:v6+s15+$0x0], $0xffff  }
0x3ee: {  	v6 =	vld [tilespmem:$0x1F1B0]  }
0x3ef: {  	[tilespmem:$0x1EFA0] =	vst v19;
	v19 =	vadd.f32 v8, v1;
	v1 =	vld [tilespmem:$0x1F1A0];
	_ =	sdelay $0x2  }
0x3f0: {  	v32 =	vld.idx.msk [tilespmem:v4+s15+$0x0], $0xffff  }
0x3f1: {  	v4 =	vor.u32 v41, v47;
	v57 =	vld.idx.msk [tilespmem:v9+s15+$0x0], $0xffff  }
0x3f2: {  	v9 =	vor.u32 v39, v47;
	v22 =	vadd.f32 v6, v1;
	v1 =	vld [tilespmem:$0x1F1C0]  }
0x3f3: {  	v6 =	vld [tilespmem:$0x1F1D0];
	_ =	sdelay $0x2  }
0x3f4: {  	v20 =	vld.idx.msk [tilespmem:v4+s15+$0x0], $0xffff;
	v4 =	vor.u32 v52, v47  }
0x3f5: {  	v59 =	vld.idx.msk [tilespmem:v9+s15+$0x0], $0xffff;
	v9 =	vor.u32 v23, v47;
	v5 =	vor.u32 v53, v47  }
0x3f6: {  	v23 =	vor.u32 v14, v47;
	v14 =	vor.u32 v21, v47;
	v21 =	vadd.f32 v6, v1;
	v1 =	vld [tilespmem:$0x1F1E0]  }
0x3f7: {  	v6 =	vld [tilespmem:$0x1F1F0]  }
0x3f8: {  	v36 =	vld.idx.msk [tilespmem:v10+s15+$0x0], $0xffff  }
0x3f9: {  	v10 =	vld.idx.msk [tilespmem:v4+s15+$0x0], $0xffff  }
0x3fa: {  	v4 =	vor.u32 v34, v47;
	v34 =	vld.idx.msk [tilespmem:v5+s15+$0x0], $0xffff  }
0x3fb: {  	v5 =	vor.u32 v37, v47;
	v37 =	vld.idx.msk [tilespmem:v23+s15+$0x0], $0xffff  }
0x3fc: {  	v23 =	vadd.f32 v6, v1;
	v1 =	vld [tilespmem:$0x1F200]  }
0x3fd: {  	v6 =	vld [tilespmem:$0x1F210];
	_ =	sdelay $0x2  }
0x3fe: {  	v38 =	vld.idx.msk [tilespmem:v4+s15+$0x0], $0xffff  }
0x3ff: {  	v4 =	vld [tilespmem:$0x1F230]  }
0x400: {  	v8 =	vor.u32 v24, v47;
	v24 =	vadd.f32 v6, v1;
	v1 =	vld [tilespmem:$0x1F220];
	_ =	sdelay $0x4  }
0x401: {  	v6 =	vor.u32 v26, v47;
	v26 =	vadd.f32 v4, v1;
	v1 =	vld [tilespmem:$0x1F240]  }
0x402: {  	v4 =	vld [tilespmem:$0x1F250];
	_ =	sdelay $0x2  }
0x403: {  	v39 =	vld.idx.msk [tilespmem:v5+s15+$0x0], $0xffff  }
0x404: {  	v5 =	vld [tilespmem:$0x1F270]  }
0x405: {  	v4 =	vadd.f32 v4, v1;
	v1 =	vld [tilespmem:$0x1F260];
	_ =	sdelay $0x4  }
0x406: {  	v5 =	vadd.f32 v5, v1;
	v1 =	vld [tilespmem:$0x1F280];
	_ =	sdelay $0x3  }
0x407: {  	v12 =	vld.idx.msk [tilespmem:v9+s15+$0x0], $0xffff  }
0x408: {  	v9 =	vadd.f32 v40, v1;
	v40 =	vld.idx.msk [tilespmem:v17+s15+$0x0], $0xffff  }
0x409: {  	v1 =	vld [tilespmem:$0x1F290]  }
0x40a: {  	v17 =	vld [tilespmem:$0x1F2A0];
	_ =	sdelay $0x4  }
0x40b: {  	v27 =	vadd.f32 v17, v1;
	v1 =	vld [tilespmem:$0x1F2B0]  }
0x40c: {  	v17 =	vld [tilespmem:$0x1F2C0];
	_ =	sdelay $0x4  }
0x40d: {  	v17 =	vadd.f32 v17, v1;
	v1 =	vld [tilespmem:$0x1F2D0];
	_ =	sdelay $0x4  }
0x40e: {  	v28 =	vadd.f32 v28, v1;
	v1 =	vld [tilespmem:$0x1F2E0];
	_ =	sdelay $0x4  }
0x40f: {  	v29 =	vadd.f32 v29, v1;
	v1 =	vld [tilespmem:$0x1F2F0];
	_ =	sdelay $0x4  }
0x410: {  	v31 =	vadd.f32 v31, v1;
	v1 =	vld [tilespmem:$0x1F300];
	_ =	sdelay $0x4  }
0x411: {  	v32 =	vadd.f32 v32, v1;
	v1 =	vld [tilespmem:$0x1F310];
	_ =	sdelay $0x6  }
0x412: {  	v30 =	vadd.f32 v30, v46;
	v46 =	vld.idx.msk [tilespmem:v6+s15+$0x0], $0xffff  }
0x413: {  	v33 =	vadd.f32 v57, v49;
	v6 =	vimm.f32 $0.0e+00;
	v49 =	vld.idx.msk [tilespmem:v1+s15+$0x0], $0xffff;
	v1 =	vimm.f32 $0.0e+00  }
0x414: {  	v41 =	vld.idx.msk [tilespmem:v14+s15+$0x0], $0xffff;
	[tilespmem:$0x1F320] =	vst v1;
	v1 =	vadd.f32 v51, v6  }
0x415: {  	v14 =	vld.idx.msk [tilespmem:v48+s15+$0x0], $0xffff  }
0x416: {  	s30 =	simm.s32 $0x8;
	v36 =	vadd.f32 v36, v55;
	v42 =	vld.idx.msk [tilespmem:v8+s15+$0x0], $0xffff;
	[tilespmem:$0x1F330] =	vst v1  }
.LBB2_5:
0x417: {  	v1 =	vlaneseq.u32  }
0x418: {  	v55 =	vadd.s32 s30, v1;
	v1 =	vld [tilespmem:$0x1EF70];
	_ =	sdelay $0x6  }
0x419: {  	v48 =	vld [tilespmem:$0x1FE40]  }
0x41a: {  	v20 =	vadd.f32 v25, v20;
	v25 =	vadd.f32 v62, v59;
	v59 =	vld.idx.msk [tilespmem:v1+s15+$0x0], $0xffff  }
0x41b: {  	v1 =	vld [tilespmem:$0x1EF60];
	_ =	sdelay $0x2  }
0x41c: {  	v53 =	vand.u32 $0x3F, v55  }
0x41d: {  	v6 =	vor.u32 v56, v43;
	v43 =	vmov v53  }
0x41e: {  	v51 =	vld [tilespmem:$0x1FE50];
	v35 =	vadd.f32 v37, v35;
	v37 =	vadd.f32 v39, v38;
	v38 =	vor.u32 v48, v43;
	_ =	sdelay $0x1  }
0x41f: {  	v52 =	vld [tilespmem:$0x1FE60]  }
0x420: {  	v39 =	vadd.f32 v41, v40;
	v55 =	vld.idx.msk [tilespmem:v1+s15+$0x0], $0xffff;
	v1 =	vadd.f32 v3, v2  }
0x421: {  	v3 =	vadd.f32 v11, v7;
	v7 =	vadd.f32 v15, v13;
	v13 =	vld.idx.msk [tilespmem:v6+s13+$0x0], $0xffff  }
0x422: {  	v40 =	vadd.f32 v46, v42;
	v46 =	vor.u32 v51, v43;
	[tilespmem:$0x1EF60] =	vst v6;
	v6 =	vld.idx.msk [tilespmem:v38+s15+$0x0], $0xffff;
	_ =	sdelay $0x2  }
0x423: {  	v57 =	vld [tilespmem:$0x1FFD0]  }
0x424: {  	v0 =	vadd.f32 v50, v0;
	v50 =	vld [tilespmem:$0x1FFF0]  }
0x425: {  	v53 =	vor.u32 v52, v43;
	[tilespmem:$0x1E910] =	vst v6;
	v6 =	vld.idx.msk [tilespmem:v46+s15+$0x0], $0xffff;
	_ =	sdelay $0x2  }
0x426: {  	v42 =	vadd.f32 v63, v60;
	v60 =	vld [tilespmem:$0x1FFE0]  }
0x427: {  	v15 =	vadd.f32 v18, v16;
	v16 =	vadd.f32 v22, v19;
	v22 =	vor.u32 v50, v43;
	v46 =	vld [tilespmem:$0x1FD80]  }
0x428: {  	v11 =	vor.u32 v57, v43;
	[tilespmem:$0x1E920] =	vst v6;
	v6 =	vld.idx.msk [tilespmem:v53+s15+$0x0], $0xffff;
	_ =	sdelay $0x1  }
0x429: {  	v10 =	vadd.f32 v10, v61;
	v61 =	vadd.f32 v58, v54;
	v54 =	vld [tilespmem:$0x1FE70]  }
0x42a: {  	v41 =	vld [tilespmem:$0x1FD90]  }
0x42b: {  	v63 =	vld.idx.msk [tilespmem:v22+s15+$0x0], $0xffff;
	v22 =	vor.u32 v46, v43  }
0x42c: {  	v18 =	vor.u32 v60, v43;
	[tilespmem:$0x1E930] =	vst v6;
	v6 =	vld.idx.msk [tilespmem:v11+s15+$0x0], $0xffff;
	_ =	sdelay $0x1  }
0x42d: {  	v4 =	vadd.f32 v5, v4  }
0x42e: {  	v5 =	vadd.f32 v27, v9;
	v27 =	vmovc v49;
	v49 =	vld [tilespmem:$0x1FD70];
	v2 =	vor.u32 v54, v43;
	v1 =	vadd.f32 v3, v1  }
0x42f: {  	v3 =	vor.u32 v41, v43;
	v11 =	vadd.f32 v25, v20;
	v25 =	vadd.f32 v0, v42;
	v0 =	vld.idx.msk [tilespmem:v22+s15+$0x0], $0xffff  }
0x430: {  	v19 =	vadd.f32 v23, v21;
	v18 =	vld.idx.msk [tilespmem:v18+s15+$0x0], $0xffff;
	[tilespmem:$0x1E940] =	vst v6;
	v6 =	vor.u32 v56, v47  }
0x431: {  	v21 =	vadd.f32 v26, v24;
	v24 =	vadd.f32 v40, v39;
	v40 =	vld [tilespmem:$0x1FDA0];
	_ =	sdelay $0x1  }
0x432: {  	v23 =	vadd.f32 v36, v33;
	v58 =	vld.idx.msk [tilespmem:v2+s15+$0x0], $0xffff;
	v2 =	vadd.f32 v32, v30  }
0x433: {  	[tilespmem:$0x1E960] =	vst v0;
	v0 =	vld.idx.msk [tilespmem:v3+s15+$0x0], $0xffff  }
0x434: {  	v2 =	vadd.f32 v23, v2;
	[tilespmem:$0x1E950] =	vst v18;
	v18 =	vor.u32 v49, v43;
	v23 =	vld.idx.msk [tilespmem:v6+s13+$0x0], $0xffff  }
0x435: {  	v4 =	vadd.f32 v5, v4;
	v5 =	vor.u32 v40, v43;
	[tilespmem:$0x1EF70] =	vst v6;
	v6 =	vld [tilespmem:$0x1FDC0];
	_ =	sdelay $0x2  }
0x436: {  	v34 =	vadd.f32 v12, v34;
	v12 =	vor.u32 v56, v45  }
0x437: {  	v62 =	vld.idx.msk [tilespmem:v18+s15+$0x0], $0xffff  }
0x438: {  	[tilespmem:$0x1E970] =	vst v0;
	v0 =	vld.idx.msk [tilespmem:v5+s15+$0x0], $0xffff;
	v18 =	vor.u32 v6, v43;
	_ =	sdelay $0x1  }
0x439: {  	v8 =	vor.u32 v56, v44;
	v39 =	vld [tilespmem:$0x1FDB0]  }
0x43a: {  	v19 =	vadd.f32 v21, v19;
	v21 =	vld.idx.msk [tilespmem:v12+s13+$0x0], $0xffff  }
0x43b: {  	v9 =	vadd.f32 v28, v17;
	v17 =	vadd.f32 v31, v29;
	[tilespmem:$0x1EB00] =	vst v12;
	v12 =	vld [tilespmem:$0x1FDE0]  }
0x43c: {  	v10 =	vadd.f32 v34, v10;
	v20 =	vadd.f32 v37, v35;
	[tilespmem:$0x1E980] =	vst v0;
	v0 =	vld.idx.msk [tilespmem:v18+s15+$0x0], $0xffff  }
0x43d: {  	v9 =	vadd.f32 v17, v9  }
0x43e: {  	v26 =	vld.idx.msk [tilespmem:v8+s13+$0x0], $0xffff;
	v17 =	vor.u32 v39, v43;
	v10 =	vadd.f32 v10, v11;
	v11 =	vadd.f32 v24, v20  }
0x43f: {  	v38 =	vld [tilespmem:$0x1FDF0];
	v4 =	vadd.f32 v4, v19;
	v20 =	vadd.f32 v1, v25  }
0x440: {  	v9 =	vadd.f32 v2, v9;
	v10 =	vadd.f32 v11, v10;
	v11 =	vor.u32 v12, v43;
	v5 =	vld [tilespmem:$0x1FE00]  }
0x441: {  	v7 =	vadd.f32 v7, v4;
	v20 =	vadd.f32 v61, v20;
	[tilespmem:$0x1E990] =	vst v0;
	v0 =	vld [tilespmem:$0x1EF90]  }
0x442: {  	v9 =	vadd.f32 v15, v9;
	v10 =	vadd.f32 v16, v10  }
0x443: {  	v61 =	vld.idx.msk [tilespmem:v17+s15+$0x0], $0xffff;
	v17 =	vmul.f32 v7, v26;
	v16 =	vmul.f32 v20, v13  }
0x444: {  	v20 =	vmul.f32 v9, v21;
	v10 =	vmul.f32 v10, v23  }
0x445: {  	v22 =	vor.u32 v38, v43;
	v3 =	vld.idx.msk [tilespmem:v11+s15+$0x0], $0xffff;
	v11 =	vadd.f32 v17, v16  }
0x446: {  	v15 =	vor.u32 v5, v43;
	v16 =	vadd.f32 v10, v20;
	v20 =	vmul.f32 v27, v0;
	v0 =	vld [tilespmem:$0x1EFA0];
	_ =	sdelay $0x3  }
0x447: {  	v10 =	vld.idx.msk [tilespmem:v22+s15+$0x0], $0xffff  }
0x448: {  	v22 =	vmul.f32 v14, v0;
	v0 =	vld.idx.msk [tilespmem:v15+s15+$0x0], $0xffff  }
0x449: {  	[tilespmem:$0x1EAF0] =	vst v8;
	v8 =	vld [tilespmem:$0x1FDD0];
	_ =	sdelay $0x3  }
0x44a: {  	[tilespmem:$0x1E9A0] =	vst v0;
	v0 =	vld [tilespmem:$0x1EFB0]  }
0x44b: {  	v19 =	vor.u32 v8, v43;
	v4 =	vld [tilespmem:$0x1FE20];
	_ =	sdelay $0x3  }
0x44c: {  	v14 =	vmul.f32 v59, v0;
	v0 =	vld [tilespmem:$0x1EF80]  }
0x44d: {  	v2 =	vld.idx.msk [tilespmem:v19+s15+$0x0], $0xffff;
	v19 =	vor.u32 v4, v43;
	_ =	sdelay $0x3  }
0x44e: {  	v27 =	vmul.f32 v55, v0;
	v0 =	vmov v13  }
0x44f: {  	[tilespmem:$0x1EF80] =	vst v0;
	v0 =	vld.idx.msk [tilespmem:v19+s15+$0x0], $0xffff;
	_ =	sdelay $0x2  }
0x450: {  	s31 =	sadd.s32 $0x1, s30;
	v1 =	vlaneseq.u32  }
0x451: {  	v25 =	vadd.s32 s31, v1  }
0x452: {  	v44 =	vand.u32 $0x3F, v25;
	[tilespmem:$0x1E9B0] =	vst v0;
	v0 =	vld [tilespmem:$0x1F330]  }
0x453: {  	v17 =	vor.u32 v48, v44;
	_ =	sdelay $0x1  }
0x454: {  	v16 =	vadd.f32 v16, v11  }
0x455: {  	v9 =	vld [tilespmem:$0x1FE30]  }
0x456: {  	v11 =	vadd.f32 v16, v0;
	v0 =	vmov v26  }
0x457: {  	[tilespmem:$0x1EF90] =	vst v0;
	v0 =	vld.idx.msk [tilespmem:v17+s15+$0x0], $0xffff;
	_ =	sdelay $0x2  }
0x458: {  	v24 =	vor.u32 v9, v43;
	_ =	sdelay $0x1  }
0x459: {  	s31 =	sadd.s32 $0x2, s30;
	[tilespmem:$0x1E9C0] =	vst v0;
	v0 =	vmov v23  }
0x45a: {  	v25 =	vadd.s32 s31, v1;
	[tilespmem:$0x1EFB0] =	vst v0;
	v0 =	vld [tilespmem:$0x1F320]  }
0x45b: {  	v45 =	vand.u32 $0x3F, v25;
	v16 =	vadd.f32 v20, v27;
	v20 =	vadd.f32 v14, v22  }
0x45c: {  	[tilespmem:$0x1F330] =	vst v11;
	v11 =	vld.idx.msk [tilespmem:v24+s15+$0x0], $0xffff;
	v24 =	vor.u32 v48, v45  }
0x45d: {  	v20 =	vadd.f32 v20, v16  }
0x45e: {  	v1 =	vlaneseq.u32;
	s31 =	sadd.s32 $0x3, s30  }
0x45f: {  	v17 =	vadd.s32 s31, v1;
	v0 =	vadd.f32 v20, v0  }
0x460: {  	v47 =	vand.u32 $0x3F, v17  }
0x461: {  	v25 =	vor.u32 v48, v47;
	[tilespmem:$0x1F320] =	vst v0;
	v0 =	vld.idx.msk [tilespmem:v24+s15+$0x0], $0xffff;
	_ =	sdelay $0x4  }
0x462: {  	v24 =	vor.u32 v52, v47;
	[tilespmem:$0x1E9D0] =	vst v0;
	v0 =	vld.idx.msk [tilespmem:v25+s15+$0x0], $0xffff;
	_ =	sdelay $0x4  }
0x463: {  	v28 =	vor.u32 v57, v44;
	[tilespmem:$0x1E9E0] =	vst v0;
	v0 =	vld.idx.msk [tilespmem:v24+s15+$0x0], $0xffff  }
0x464: {  	v31 =	vld [tilespmem:$0x1FE10];
	_ =	sdelay $0x3  }
0x465: {  	v25 =	vor.u32 v50, v44;
	[tilespmem:$0x1E9F0] =	vst v0;
	v0 =	vld.idx.msk [tilespmem:v28+s15+$0x0], $0xffff  }
0x466: {  	v18 =	vor.u32 v31, v43  }
0x467: {  	v15 =	vor.u32 v51, v44  }
0x468: {  	v19 =	vor.u32 v54, v44  }
0x469: {  	v20 =	vor.u32 v51, v47  }
0x46a: {  	v30 =	vor.u32 v46, v44;
	[tilespmem:$0x1EA00] =	vst v0;
	v0 =	vld.idx.msk [tilespmem:v25+s15+$0x0], $0xffff  }
0x46b: {  	v7 =	vld.idx.msk [tilespmem:v18+s15+$0x0], $0xffff;
	v13 =	vmov v21  }
0x46c: {  	v18 =	vor.u32 v52, v44;
	[tilespmem:$0x1EFA0] =	vst v13;
	v13 =	vld.idx.msk [tilespmem:v15+s15+$0x0], $0xffff  }
0x46d: {  	v15 =	vld.idx.msk [tilespmem:v19+s15+$0x0], $0xffff;
	v23 =	vor.u32 v54, v45  }
0x46e: {  	v19 =	vld.idx.msk [tilespmem:v20+s15+$0x0], $0xffff;
	v20 =	vor.u32 v49, v44  }
0x46f: {  	v53 =	vor.u32 v40, v44;
	[tilespmem:$0x1EA10] =	vst v0;
	v0 =	vld.idx.msk [tilespmem:v30+s15+$0x0], $0xffff;
	_ =	sdelay $0x1  }
0x470: {  	v56 =	vld.idx.msk [tilespmem:v18+s15+$0x0], $0xffff  }
0x471: {  	v18 =	vld.idx.msk [tilespmem:v23+s15+$0x0], $0xffff  }
0x472: {  	v23 =	vld.idx.msk [tilespmem:v20+s15+$0x0], $0xffff  }
0x473: {  	v20 =	vor.u32 v6, v44;
	[tilespmem:$0x1EA20] =	vst v0;
	v0 =	vld.idx.msk [tilespmem:v53+s15+$0x0], $0xffff;
	_ =	sdelay $0x4  }
0x474: {  	v26 =	vor.u32 v54, v47;
	v54 =	vor.u32 v8, v44;
	[tilespmem:$0x1EA30] =	vst v0;
	v0 =	vld.idx.msk [tilespmem:v20+s15+$0x0], $0xffff;
	_ =	sdelay $0x4  }
0x475: {  	v55 =	vor.u32 v12, v44;
	[tilespmem:$0x1EA40] =	vst v0;
	v0 =	vld.idx.msk [tilespmem:v54+s15+$0x0], $0xffff;
	_ =	sdelay $0x1  }
0x476: {  	v22 =	vor.u32 v51, v45;
	_ =	sdelay $0x1  }
0x477: {  	v25 =	vor.u32 v39, v44  }
0x478: {  	v59 =	vor.u32 v38, v44;
	[tilespmem:$0x1EA50] =	vst v0;
	v0 =	vld.idx.msk [tilespmem:v55+s15+$0x0], $0xffff;
	_ =	sdelay $0x1  }
0x479: {  	v16 =	vld.idx.msk [tilespmem:v22+s15+$0x0], $0xffff  }
0x47a: {  	v22 =	vld.idx.msk [tilespmem:v26+s15+$0x0], $0xffff  }
0x47b: {  	v26 =	vld.idx.msk [tilespmem:v25+s15+$0x0], $0xffff  }
0x47c: {  	v25 =	vor.u32 v5, v44;
	[tilespmem:$0x1EA60] =	vst v0;
	v0 =	vld.idx.msk [tilespmem:v59+s15+$0x0], $0xffff;
	_ =	sdelay $0x4  }
0x47d: {  	v20 =	vor.u32 v31, v44;
	[tilespmem:$0x1EA70] =	vst v0;
	v0 =	vld.idx.msk [tilespmem:v25+s15+$0x0], $0xffff;
	_ =	sdelay $0x3  }
0x47e: {  	v51 =	vor.u32 v41, v44  }
0x47f: {  	v42 =	vor.u32 v4, v44;
	[tilespmem:$0x1EA80] =	vst v0;
	v0 =	vld.idx.msk [tilespmem:v20+s15+$0x0], $0xffff;
	_ =	sdelay $0x3  }
0x480: {  	v24 =	vld.idx.msk [tilespmem:v51+s15+$0x0], $0xffff  }
0x481: {  	v51 =	vor.u32 v57, v45;
	[tilespmem:$0x1EA90] =	vst v0;
	v0 =	vld.idx.msk [tilespmem:v42+s15+$0x0], $0xffff;
	_ =	sdelay $0x3  }
0x482: {  	v25 =	vor.u32 v60, v45  }
0x483: {  	v54 =	vor.u32 v46, v45;
	[tilespmem:$0x1EAA0] =	vst v0;
	v0 =	vld.idx.msk [tilespmem:v51+s15+$0x0], $0xffff;
	_ =	sdelay $0x3  }
0x484: {  	v20 =	vor.u32 v50, v45;
	v17 =	vld.idx.msk [tilespmem:v25+s15+$0x0], $0xffff  }
0x485: {  	v25 =	vor.u32 v40, v45;
	[tilespmem:$0x1EAB0] =	vst v0;
	v0 =	vld.idx.msk [tilespmem:v54+s15+$0x0], $0xffff;
	_ =	sdelay $0x3  }
0x486: {  	v42 =	vld.idx.msk [tilespmem:v20+s15+$0x0], $0xffff  }
0x487: {  	v20 =	vor.u32 v39, v45;
	[tilespmem:$0x1EAC0] =	vst v0;
	v0 =	vld.idx.msk [tilespmem:v25+s15+$0x0], $0xffff  }
0x488: {  	v48 =	vor.u32 v9, v44;
	_ =	sdelay $0x1  }
0x489: {  	v25 =	vor.u32 v38, v45;
	_ =	sdelay $0x1  }
0x48a: {  	[tilespmem:$0x1EAD0] =	vst v0;
	v0 =	vld.idx.msk [tilespmem:v20+s15+$0x0], $0xffff  }
0x48b: {  	v27 =	vld.idx.msk [tilespmem:v48+s15+$0x0], $0xffff;
	v48 =	vor.u32 v8, v45  }
0x48c: {  	v20 =	vor.u32 v5, v45  }
0x48d: {  	v32 =	vld.idx.msk [tilespmem:v25+s15+$0x0], $0xffff;
	v25 =	vor.u32 v57, v47;
	_ =	sdelay $0x1  }
0x48e: {  	[tilespmem:$0x1EAE0] =	vst v0;
	v0 =	vor.u32 v60, v47  }
0x48f: {  	v30 =	vld.idx.msk [tilespmem:v48+s15+$0x0], $0xffff  }
0x490: {  	v48 =	vld.idx.msk [tilespmem:v20+s15+$0x0], $0xffff  }
0x491: {  	v35 =	vor.u32 v4, v45;
	v20 =	vld.idx.msk [tilespmem:v25+s15+$0x0], $0xffff  }
0x492: {  	v29 =	vor.u32 v60, v44;
	v60 =	vld [tilespmem:$0x1E920]  }
0x493: {  	v25 =	vld.idx.msk [tilespmem:v0+s15+$0x0], $0xffff  }
0x494: {  	v0 =	vld [tilespmem:$0x1E910];
	_ =	sdelay $0x1  }
0x495: {  	v36 =	vld.idx.msk [tilespmem:v35+s15+$0x0], $0xffff  }
0x496: {  	v35 =	vor.u32 v49, v47;
	v53 =	vor.u32 v49, v45;
	v49 =	vor.u32 v4, v47;
	v4 =	vld [tilespmem:$0x1E9E0];
	_ =	sdelay $0x1  }
0x497: {  	v54 =	vadd.f32 v60, v0;
	v0 =	vld [tilespmem:$0x1E930]  }
0x498: {  	v21 =	vor.u32 v52, v45;
	_ =	sdelay $0x1  }
0x499: {  	v19 =	vadd.f32 v19, v4;
	v4 =	vld [tilespmem:$0x1E9F0]  }
0x49a: {  	v1 =	vor.u32 v41, v47;
	v55 =	vor.u32 v41, v45;
	v41 =	vld [tilespmem:$0x1E950]  }
0x49b: {  	v58 =	vadd.f32 v58, v0;
	v0 =	vld [tilespmem:$0x1E940]  }
0x49c: {  	v52 =	vld.idx.msk [tilespmem:v21+s15+$0x0], $0xffff  }
0x49d: {  	v21 =	vld.idx.msk [tilespmem:v29+s15+$0x0], $0xffff  }
0x49e: {  	v22 =	vadd.f32 v22, v4;
	v4 =	vld [tilespmem:$0x1EA00]  }
0x49f: {  	v37 =	vor.u32 v46, v47;
	v46 =	vor.u32 v6, v47;
	v59 =	vor.u32 v6, v45;
	v6 =	vld [tilespmem:$0x1E970]  }
0x4a0: {  	v60 =	vadd.f32 v41, v0;
	v0 =	vld [tilespmem:$0x1E960];
	_ =	sdelay $0x2  }
0x4a1: {  	v28 =	vld.idx.msk [tilespmem:v53+s15+$0x0], $0xffff;
	v51 =	vor.u32 v12, v45  }
0x4a2: {  	v21 =	vadd.f32 v21, v4;
	v4 =	vld [tilespmem:$0x1EA10]  }
0x4a3: {  	v0 =	vadd.f32 v6, v0;
	v6 =	vld [tilespmem:$0x1E980]  }
0x4a4: {  	v29 =	vld.idx.msk [tilespmem:v55+s15+$0x0], $0xffff  }
0x4a5: {  	v55 =	vld.idx.msk [tilespmem:v59+s15+$0x0], $0xffff;
	v59 =	vor.u32 v9, v45  }
0x4a6: {  	v53 =	vld.idx.msk [tilespmem:v51+s15+$0x0], $0xffff;
	v51 =	vor.u32 v50, v47;
	_ =	sdelay $0x1  }
0x4a7: {  	v50 =	vadd.f32 v61, v6;
	v6 =	vld [tilespmem:$0x1E990]  }
0x4a8: {  	v23 =	vadd.f32 v23, v4;
	v4 =	vld [tilespmem:$0x1EA20]  }
0x4a9: {  	v14 =	vld.idx.msk [tilespmem:v59+s15+$0x0], $0xffff  }
0x4aa: {  	v59 =	vld.idx.msk [tilespmem:v51+s15+$0x0], $0xffff;
	v51 =	vor.u32 v39, v47;
	_ =	sdelay $0x1  }
0x4ab: {  	v2 =	vadd.f32 v2, v6;
	v6 =	vld [tilespmem:$0x1E9A0]  }
0x4ac: {  	v3 =	vadd.f32 v10, v3;
	v10 =	vld.idx.msk [tilespmem:v1+s15+$0x0], $0xffff  }
0x4ad: {  	v24 =	vadd.f32 v24, v4;
	v4 =	vld [tilespmem:$0x1EA30]  }
0x4ae: {  	v1 =	vor.u32 v12, v47;
	v12 =	vld.idx.msk [tilespmem:v51+s15+$0x0], $0xffff  }
0x4af: {  	v51 =	vor.u32 v5, v47;
	v5 =	vld [tilespmem:$0x1E9D0]  }
0x4b0: {  	v7 =	vadd.f32 v7, v6;
	v6 =	vld [tilespmem:$0x1E9B0];
	_ =	sdelay $0x2  }
0x4b1: {  	v26 =	vadd.f32 v26, v4;
	v4 =	vld [tilespmem:$0x1EA40]  }
0x4b2: {  	v16 =	vadd.f32 v16, v5;
	v5 =	vld [tilespmem:$0x1EA50]  }
0x4b3: {  	v11 =	vadd.f32 v11, v6;
	v6 =	vld [tilespmem:$0x1E9C0];
	_ =	sdelay $0x3  }
0x4b4: {  	v4 =	vadd.f32 v5, v4;
	v5 =	vld [tilespmem:$0x1EA60]  }
0x4b5: {  	v13 =	vadd.f32 v13, v6;
	v6 =	vld [tilespmem:$0x1EA70];
	_ =	sdelay $0x2  }
0x4b6: {  	v63 =	vadd.f32 v62, v63;
	v62 =	vld.idx.msk [tilespmem:v35+s15+$0x0], $0xffff  }
0x4b7: {  	v57 =	vor.u32 v40, v47;
	v40 =	vor.u32 v8, v47;
	v8 =	vld [tilespmem:$0x1EA90];
	v41 =	vor.u32 v38, v47  }
0x4b8: {  	v5 =	vadd.f32 v6, v5;
	v6 =	vld [tilespmem:$0x1EA80]  }
0x4b9: {  	v35 =	vld.idx.msk [tilespmem:v46+s15+$0x0], $0xffff;
	v46 =	vor.u32 v31, v47  }
0x4ba: {  	v38 =	vld.idx.msk [tilespmem:v1+s15+$0x0], $0xffff;
	v1 =	vor.u32 v9, v47;
	_ =	sdelay $0x1  }
0x4bb: {  	v39 =	vld.idx.msk [tilespmem:v41+s15+$0x0], $0xffff  }
0x4bc: {  	v9 =	vadd.f32 v8, v6;
	v6 =	vld [tilespmem:$0x1EAA0]  }
0x4bd: {  	v41 =	vld.idx.msk [tilespmem:v46+s15+$0x0], $0xffff  }
0x4be: {  	v46 =	vld.idx.msk [tilespmem:v1+s15+$0x0], $0xffff  }
0x4bf: {  	v34 =	vor.u32 v31, v45;
	v1 =	vld [tilespmem:$0x1EAF0];
	_ =	sdelay $0x1  }
0x4c0: {  	v27 =	vadd.f32 v27, v6;
	v6 =	vld [tilespmem:$0x1EAB0];
	_ =	sdelay $0x2  }
0x4c1: {  	v33 =	vld.idx.msk [tilespmem:v34+s15+$0x0], $0xffff  }
0x4c2: {  	v28 =	vadd.f32 v28, v42;
	v42 =	vld.idx.msk [tilespmem:v49+s15+$0x0], $0xffff  }
0x4c3: {  	v17 =	vadd.f32 v17, v6;
	v6 =	vld [tilespmem:$0x1EAC0]  }
0x4c4: {  	v49 =	vld.idx.msk [tilespmem:v1+s15+$0x0], $0xffff  }
0x4c5: {  	v1 =	vld [tilespmem:$0x1EB00]  }
0x4c6: {  	v15 =	vadd.f32 v15, v56;
	v56 =	vld [tilespmem:$0x1FFC0]  }
0x4c7: {  	v8 =	vld [tilespmem:$0x1EAE0]  }
0x4c8: {  	p0 =	sne.s32 s30, $0x3C;
	v29 =	vadd.f32 v29, v6;
	v6 =	vld [tilespmem:$0x1EAD0]  }
.Ltmp1:
0x4c9: {  	v34 =	vld.idx.msk [tilespmem:v57+s15+$0x0], $0xffff;
	(pc) =	sbr.rel @p0 .LBB2_5-.Ltmp1, $4  }
0x4ca: {  	v61 =	vld.idx.msk [tilespmem:v37+s15+$0x0], $0xffff  }
0x4cb: {  	v18 =	vadd.f32 v18, v52;
	v30 =	vadd.f32 v30, v55;
	v37 =	vld.idx.msk [tilespmem:v40+s15+$0x0], $0xffff  }
0x4cc: {  	v36 =	vadd.f32 v14, v36;
	v32 =	vadd.f32 v32, v53;
	v40 =	vld.idx.msk [tilespmem:v51+s15+$0x0], $0xffff  }
0x4cd: {  	s30 =	sadd.s32 $0x4, s30;
	v33 =	vadd.f32 v33, v48;
	v14 =	vld.idx.msk [tilespmem:v1+s15+$0x0], $0xffff;
	v31 =	vadd.f32 v8, v6  }
0x4ce: {  	v1 =	vadd.f32 v25, v20;
	v6 =	vadd.f32 v62, v59  }
0x4cf: {  	v12 =	vadd.f32 v12, v34;
	v20 =	vadd.f32 v39, v38  }
0x4d0: {  	v0 =	vadd.f32 v50, v0;
	v2 =	vadd.f32 v3, v2  }
0x4d1: {  	v3 =	vadd.f32 v11, v7;
	v7 =	vadd.f32 v15, v13  }
0x4d2: {  	v11 =	vadd.f32 v18, v16;
	v13 =	vadd.f32 v22, v19  }
0x4d3: {  	v16 =	vadd.f32 v23, v21;
	v18 =	vadd.f32 v26, v24  }
0x4d4: {  	v4 =	vadd.f32 v5, v4;
	v5 =	vadd.f32 v27, v9  }
0x4d5: {  	v17 =	vadd.f32 v28, v17;
	v23 =	vadd.f32 v32, v30  }
0x4d6: {  	v15 =	vor.u32 v56, v43;
	v10 =	vadd.f32 v10, v61;
	v19 =	vadd.f32 v31, v29  }
0x4d7: {  	v24 =	vadd.f32 v36, v33;
	v8 =	vadd.f32 v37, v35  }
0x4d8: {  	v9 =	vor.u32 v56, v44;
	v27 =	vld [tilespmem:$0x1EF60];
	v25 =	vadd.f32 v41, v40;
	v40 =	vadd.f32 v46, v42  }
0x4d9: {  	v21 =	vor.u32 v56, v45;
	v1 =	vadd.f32 v6, v1;
	v6 =	vadd.f32 v12, v10  }
0x4da: {  	v22 =	vld [tilespmem:$0x1EF70];
	v26 =	vor.u32 v56, v47;
	v12 =	vadd.f32 v20, v8;
	v8 =	vadd.f32 v40, v25  }
0x4db: {  	v2 =	vadd.f32 v3, v2;
	v16 =	vadd.f32 v18, v16;
	v10 =	vld.idx.msk [tilespmem:v15+s13+$0x0], $0xffff  }
0x4dc: {  	v1 =	vadd.f32 v6, v1;
	v6 =	vadd.f32 v8, v12;
	v8 =	vld [tilespmem:$0x1EF90]  }
0x4dd: {  	v17 =	vadd.f32 v19, v17;
	v18 =	vadd.f32 v24, v23;
	v3 =	vld.idx.msk [tilespmem:v9+s13+$0x0], $0xffff  }
0x4de: {  	v4 =	vadd.f32 v5, v4;
	v41 =	vadd.f32 v63, v60;
	v5 =	vld.idx.msk [tilespmem:v21+s13+$0x0], $0xffff  }
0x4df: {  	v19 =	vld.idx.msk [tilespmem:v26+s13+$0x0], $0xffff;
	v12 =	vadd.f32 v18, v17  }
0x4e0: {  	v0 =	vadd.f32 v0, v41;
	v27 =	vld.idx.msk [tilespmem:v27+s15+$0x0], $0xffff  }
0x4e1: {  	v11 =	vadd.f32 v11, v12;
	v12 =	vmul.f32 v49, v8;
	v8 =	vld [tilespmem:$0x1EF80]  }
0x4e2: {  	v9 =	vld.idx.msk [tilespmem:v9+s15+$0x0], $0xffff;
	v0 =	vadd.f32 v2, v0;
	v2 =	vadd.f32 v4, v16  }
0x4e3: {  	v22 =	vld.idx.msk [tilespmem:v22+s15+$0x0], $0xffff;
	v1 =	vadd.f32 v6, v1  }
0x4e4: {  	v2 =	vadd.f32 v7, v2;
	v7 =	vld.idx.msk [tilespmem:v15+s15+$0x0], $0xffff  }
0x4e5: {  	v42 =	vadd.f32 v58, v54;
	v1 =	vadd.f32 v13, v1;
	v13 =	vld [tilespmem:$0x1EFB0]  }
0x4e6: {  	v15 =	vmul.f32 v27, v8;
	v8 =	vld [tilespmem:$0x1EFA0]  }
0x4e7: {  	v4 =	vld.idx.msk [tilespmem:v21+s15+$0x0], $0xffff;
	v0 =	vadd.f32 v42, v0  }
0x4e8: {  	v6 =	vld.idx.msk [tilespmem:v26+s15+$0x0], $0xffff  }
0x4e9: {  	v0 =	vmul.f32 v0, v10  }
0x4ea: {  	v2 =	vmul.f32 v2, v3;
	v3 =	vmul.f32 v9, v3  }
0x4eb: {  	v13 =	vmul.f32 v22, v13;
	v8 =	vmul.f32 v14, v8  }
0x4ec: {  	v4 =	vmul.f32 v4, v5;
	v0 =	vadd.f32 v2, v0;
	v2 =	vld [tilespmem:$0x1F320];
	v7 =	vmul.f32 v7, v10  }
0x4ed: {  	v6 =	vmul.f32 v6, v19;
	v12 =	vadd.f32 v12, v15;
	v8 =	vadd.f32 v13, v8  }
0x4ee: {  	v5 =	vmul.f32 v11, v5;
	v1 =	vmul.f32 v1, v19;
	v3 =	vadd.f32 v3, v7  }
0x4ef: {  	v4 =	vadd.f32 v6, v4;
	v8 =	vadd.f32 v8, v12  }
0x4f0: {  	v1 =	vadd.f32 v1, v5  }
0x4f1: {  	v3 =	vadd.f32 v4, v3;
	v2 =	vadd.f32 v8, v2;
	_ =	sdelay $0x1  }
0x4f2: {  	v0 =	vadd.f32 v1, v0;
	v1 =	vadd.f32 v3, v2;
	v2 =	vld [tilespmem:$0x1F330];
	_ =	sdelay $0x2  }
0x4f3: {  	p0 =	seq.s32 s25, $0x7  }
0x4f4: {  	s28 =	sadd.s32 @!p0 $0x2, s28  }
0x4f5: {  	s30 =	sshll.u32 @!p0 s28, $0x5;
	s28 =	smul.u32 @!p0 $0xA80, s28;
	v0 =	vadd.f32 v0, v2  }
0x4f6: {  	s31 =	simm.s32 @!p0 $0x2C00;
	[tilespmem:s29+$0x18C10] =	vst v1  }
0x4f7: {  	s30 =	sand.u32 @!p0 $0x3FFFFFE0, s30;
	s28 =	sshra.s32 @!p0 s28, $0x2;
	[tilespmem:s29+$0x18E10] =	vst v0;
	s29 =	simm.s32 @!p0 $0x20  }
0x4f8: {  	[tilespmem:s31], [sflag:$0x1] =	stream.indirect.gather @!p0 [hbm4b:s3+s29], $0x40, s30, s29, $0xb8;
	[tilespmem:$0x19000] =	vst v63  }
0x4f9: {  	s28 =	sadd.s32 @!p0 $0x200, s28;
	s29 =	simm.s32 @!p0 $0x2A0;
	s30 =	simm.s32 @!p0 $0x3400  }
0x4fa: {  	[tilespmem:s30], [sflag:$0x2] =	stream.indirect.gather @!p0 [hbm4b:s4+s29], $0x40, s28, s29, $0xb8;
	[tilespmem:$0x19000] =	vst v63  }
0x4fb: {  	_ =	swait.ge [sflag:s20], $0x800  }
0x4fc: {  	v8 =	vld [tilespmem:$0x1FF80];
	_ =	sdelay $0x1  }
0x4fd: {  	v7 =	vlaneseq.u32;
	s31 =	simm.s32 $0x0;
	[sflag:s20] =	ssyncset.done $0x0  }
0x4fe: {  	v0 =	vadd.s32 s31, v7;
	[sflag:s20] =	ssyncadd.s32 $0xFFFFF800  }
0x4ff: {  	v46 =	vand.u32 $0x3F, v0;
	v9 =	vld [tilespmem:$0x1FF90];
	_ =	swait.ge [sflag:s21], $0xA800  }
0x500: {  	v39 =	vld [tilespmem:$0x1FEA0];
	v0 =	vor.u32 v8, v46;
	_ =	sdelay $0x2  }
0x501: {  	[sflag:s21] =	ssyncset.done $0x0  }
0x502: {  	v54 =	vld [tilespmem:$0x1FEF0];
	[sflag:s21] =	ssyncadd.s32 $0xFFFF5800  }
0x503: {  	v34 =	vld.idx.msk [tilespmem:v0+s17+$0x0], $0xffff;
	v0 =	vor.u32 v39, v46;
	_ =	sdelay $0x2  }
0x504: {  	v11 =	vld [tilespmem:$0x1FFB0];
	_ =	sdelay $0x1  }
0x505: {  	v56 =	vld.idx.msk [tilespmem:v0+s17+$0x0], $0xffff;
	v0 =	vor.u32 v54, v46;
	_ =	sdelay $0x1  }
0x506: {  	v41 =	vld [tilespmem:$0x1FE80]  }
0x507: {  	v48 =	vld [tilespmem:$0x1FED0];
	v3 =	vor.u32 v11, v46  }
0x508: {  	v17 =	vld [tilespmem:$0x1FF40]  }
0x509: {  	v0 =	vld.idx.msk [tilespmem:v0+s17+$0x0], $0xffff  }
0x50a: {  	v33 =	vld [tilespmem:$0x1FE90]  }
0x50b: {  	v53 =	vld [tilespmem:$0x1FEE0];
	v4 =	vor.u32 v41, v46  }
0x50c: {  	v40 =	vld.idx.msk [tilespmem:v3+s17+$0x0], $0xffff;
	v3 =	vor.u32 v48, v46;
	_ =	sdelay $0x1  }
0x50d: {  	[tilespmem:$0x1E110] =	vst v0;
	v0 =	vor.u32 v17, v46  }
0x50e: {  	v14 =	vld [tilespmem:$0x1FF20]  }
0x50f: {  	v5 =	vor.u32 v33, v46;
	v37 =	vld.idx.msk [tilespmem:v4+s17+$0x0], $0xffff  }
0x510: {  	v4 =	vor.u32 v53, v46;
	v3 =	vld.idx.msk [tilespmem:v3+s17+$0x0], $0xffff;
	_ =	sdelay $0x1  }
0x511: {  	v0 =	vld.idx.msk [tilespmem:v0+s17+$0x0], $0xffff  }
0x512: {  	v18 =	vld [tilespmem:$0x1FF30]  }
0x513: {  	s28 =	simm.s32 $0x1;
	v52 =	vld.idx.msk [tilespmem:v5+s17+$0x0], $0xffff  }
0x514: {  	v5 =	vadd.s32 s28, v7;
	v4 =	vld.idx.msk [tilespmem:v4+s17+$0x0], $0xffff;
	[tilespmem:$0x1E0F0] =	vst v3;
	v3 =	vor.u32 v14, v46  }
0x515: {  	v49 =	vand.u32 $0x3F, v5  }
0x516: {  	[tilespmem:$0x1E160] =	vst v0;
	v0 =	vor.u32 v9, v49;
	_ =	sdelay $0x2  }
0x517: {  	[tilespmem:$0x1E100] =	vst v4;
	v4 =	vor.u32 v18, v46;
	v3 =	vld.idx.msk [tilespmem:v3+s17+$0x0], $0xffff  }
0x518: {  	v10 =	vld [tilespmem:$0x1FFA0]  }
0x519: {  	v0 =	vld.idx.msk [tilespmem:v0+s17+$0x0], $0xffff;
	_ =	sdelay $0x1  }
0x51a: {  	s28 =	simm.s32 $0x2  }
0x51b: {  	[tilespmem:$0x1E140] =	vst v3;
	v3 =	vld.idx.msk [tilespmem:v4+s17+$0x0], $0xffff;
	v4 =	vadd.s32 s28, v7  }
0x51c: {  	v50 =	vand.u32 $0x3F, v4  }
0x51d: {  	[tilespmem:$0x1E1B0] =	vst v0;
	v0 =	vor.u32 v10, v50;
	_ =	sdelay $0x4  }
0x51e: {  	v0 =	vld.idx.msk [tilespmem:v0+s17+$0x0], $0xffff;
	_ =	sdelay $0x1  }
0x51f: {  	s28 =	simm.s32 $0x3  }
0x520: {  	v5 =	vadd.s32 s28, v7  }
0x521: {  	v51 =	vand.u32 $0x3F, v5  }
0x522: {  	[tilespmem:$0x1E200] =	vst v0;
	v0 =	vor.u32 v11, v51;
	_ =	sdelay $0x4  }
0x523: {  	v5 =	vor.u32 v41, v49;
	v0 =	vld.idx.msk [tilespmem:v0+s17+$0x0], $0xffff;
	_ =	sdelay $0x4  }
0x524: {  	[tilespmem:$0x1E250] =	vst v0;
	v0 =	vld.idx.msk [tilespmem:v5+s17+$0x0], $0xffff;
	_ =	sdelay $0x4  }
0x525: {  	[tilespmem:$0x1E260] =	vst v0;
	v0 =	vor.u32 v48, v49;
	_ =	sdelay $0x4  }
0x526: {  	v0 =	vld.idx.msk [tilespmem:v0+s17+$0x0], $0xffff;
	_ =	sdelay $0x4  }
0x527: {  	[tilespmem:$0x1E2B0] =	vst v0;
	v0 =	vor.u32 v14, v49;
	_ =	sdelay $0x3  }
0x528: {  	v12 =	vld [tilespmem:$0x1FF70]  }
0x529: {  	v0 =	vld.idx.msk [tilespmem:v0+s17+$0x0], $0xffff;
	_ =	sdelay $0x4  }
0x52a: {  	[tilespmem:$0x1E300] =	vst v0;
	v0 =	vor.u32 v12, v49;
	_ =	sdelay $0x3  }
0x52b: {  	v42 =	vld [tilespmem:$0x1FEC0]  }
0x52c: {  	v0 =	vld.idx.msk [tilespmem:v0+s17+$0x0], $0xffff;
	_ =	sdelay $0x4  }
0x52d: {  	[tilespmem:$0x1E350] =	vst v0;
	v0 =	vor.u32 v42, v50;
	_ =	sdelay $0x3  }
0x52e: {  	v15 =	vld [tilespmem:$0x1FF10]  }
0x52f: {  	v0 =	vld.idx.msk [tilespmem:v0+s17+$0x0], $0xffff;
	_ =	sdelay $0x4  }
0x530: {  	[tilespmem:$0x1E3A0] =	vst v0;
	v0 =	vor.u32 v15, v50;
	_ =	sdelay $0x3  }
0x531: {  	v13 =	vld [tilespmem:$0x1FF60]  }
0x532: {  	v0 =	vld.idx.msk [tilespmem:v0+s17+$0x0], $0xffff;
	_ =	sdelay $0x4  }
0x533: {  	[tilespmem:$0x1E3F0] =	vst v0;
	v0 =	vor.u32 v13, v50;
	_ =	sdelay $0x3  }
0x534: {  	v38 =	vld [tilespmem:$0x1FEB0]  }
0x535: {  	v0 =	vld.idx.msk [tilespmem:v0+s17+$0x0], $0xffff;
	_ =	sdelay $0x4  }
0x536: {  	v55 =	vld [tilespmem:$0x1FF00];
	[tilespmem:$0x1E440] =	vst v0;
	v0 =	vor.u32 v38, v51;
	_ =	sdelay $0x4  }
0x537: {  	v63 =	vld.idx.msk [tilespmem:v0+s17+$0x0], $0xffff;
	v0 =	vor.u32 v55, v51;
	_ =	sdelay $0x4  }
0x538: {  	v23 =	vor.u32 v14, v51;
	v0 =	vld.idx.msk [tilespmem:v0+s17+$0x0], $0xffff;
	_ =	sdelay $0x3  }
0x539: {  	v16 =	vld [tilespmem:$0x1FF50]  }
0x53a: {  	v25 =	vor.u32 v17, v51;
	[tilespmem:$0x1E490] =	vst v0;
	v0 =	vld.idx.msk [tilespmem:v23+s17+$0x0], $0xffff;
	_ =	sdelay $0x3  }
0x53b: {  	v5 =	vmov v16  }
0x53c: {  	v26 =	vor.u32 v5, v51;
	[tilespmem:$0x1E4A0] =	vst v0;
	v0 =	vld.idx.msk [tilespmem:v25+s17+$0x0], $0xffff;
	_ =	sdelay $0x2  }
0x53d: {  	v22 =	vor.u32 v15, v51;
	_ =	sdelay $0x1  }
0x53e: {  	v27 =	vor.u32 v13, v51;
	[tilespmem:$0x1E4B0] =	vst v0;
	v0 =	vld.idx.msk [tilespmem:v26+s17+$0x0], $0xffff;
	_ =	sdelay $0x1  }
0x53f: {  	s28 =	simm.s32 $0x4  }
0x540: {  	v57 =	vld.idx.msk [tilespmem:v22+s17+$0x0], $0xffff;
	v22 =	vadd.s32 s28, v7  }
0x541: {  	v43 =	vand.u32 $0x3F, v22  }
0x542: {  	v29 =	vor.u32 v8, v43;
	[tilespmem:$0x1E4C0] =	vst v0;
	v0 =	vld.idx.msk [tilespmem:v27+s17+$0x0], $0xffff;
	_ =	sdelay $0x4  }
0x543: {  	v30 =	vor.u32 v9, v43;
	[tilespmem:$0x1E4D0] =	vst v0;
	v0 =	vld.idx.msk [tilespmem:v29+s17+$0x0], $0xffff;
	_ =	sdelay $0x4  }
0x544: {  	v31 =	vor.u32 v10, v43;
	[tilespmem:$0x1E570] =	vst v0;
	v0 =	vld.idx.msk [tilespmem:v30+s17+$0x0], $0xffff;
	_ =	sdelay $0x3  }
0x545: {  	v28 =	vor.u32 v12, v51  }
0x546: {  	v27 =	vor.u32 v11, v43;
	[tilespmem:$0x1E580] =	vst v0;
	v0 =	vld.idx.msk [tilespmem:v31+s17+$0x0], $0xffff;
	_ =	sdelay $0x2  }
0x547: {  	v1 =	vor.u32 v9, v46  }
0x548: {  	v25 =	vld.idx.msk [tilespmem:v28+s17+$0x0], $0xffff  }
0x549: {  	v28 =	vor.u32 v41, v43;
	[tilespmem:$0x1E590] =	vst v0;
	v0 =	vld.idx.msk [tilespmem:v27+s17+$0x0], $0xffff;
	_ =	sdelay $0x2  }
0x54a: {  	v35 =	vld.idx.msk [tilespmem:v1+s17+$0x0], $0xffff;
	v1 =	vor.u32 v38, v46;
	_ =	sdelay $0x1  }
0x54b: {  	v29 =	vor.u32 v33, v43;
	[tilespmem:$0x1E5A0] =	vst v0;
	v0 =	vld.idx.msk [tilespmem:v28+s17+$0x0], $0xffff;
	_ =	sdelay $0x2  }
0x54c: {  	v1 =	vld.idx.msk [tilespmem:v1+s17+$0x0], $0xffff;
	_ =	sdelay $0x1  }
0x54d: {  	v30 =	vor.u32 v39, v43;
	[tilespmem:$0x1E5B0] =	vst v0;
	v0 =	vld.idx.msk [tilespmem:v29+s17+$0x0], $0xffff;
	_ =	sdelay $0x2  }
0x54e: {  	[tilespmem:$0x1E0D0] =	vst v1;
	v1 =	vor.u32 v55, v46;
	_ =	sdelay $0x1  }
0x54f: {  	v31 =	vor.u32 v38, v43;
	[tilespmem:$0x1E5C0] =	vst v0;
	v0 =	vld.idx.msk [tilespmem:v30+s17+$0x0], $0xffff;
	_ =	sdelay $0x2  }
0x550: {  	v1 =	vld.idx.msk [tilespmem:v1+s17+$0x0], $0xffff;
	_ =	sdelay $0x1  }
0x551: {  	v27 =	vor.u32 v42, v43;
	[tilespmem:$0x1E5D0] =	vst v0;
	v0 =	vld.idx.msk [tilespmem:v31+s17+$0x0], $0xffff;
	_ =	sdelay $0x2  }
0x552: {  	[tilespmem:$0x1E120] =	vst v1;
	v1 =	vor.u32 v16, v46;
	_ =	sdelay $0x1  }
0x553: {  	v28 =	vor.u32 v48, v43;
	[tilespmem:$0x1E5E0] =	vst v0;
	v0 =	vld.idx.msk [tilespmem:v27+s17+$0x0], $0xffff;
	_ =	sdelay $0x2  }
0x554: {  	v1 =	vld.idx.msk [tilespmem:v1+s17+$0x0], $0xffff;
	_ =	sdelay $0x1  }
0x555: {  	v29 =	vor.u32 v53, v43;
	[tilespmem:$0x1E5F0] =	vst v0;
	v0 =	vld.idx.msk [tilespmem:v28+s17+$0x0], $0xffff;
	_ =	sdelay $0x2  }
0x556: {  	[tilespmem:$0x1E170] =	vst v1;
	v1 =	vor.u32 v10, v49;
	_ =	sdelay $0x1  }
0x557: {  	v30 =	vor.u32 v54, v43;
	[tilespmem:$0x1E600] =	vst v0;
	v0 =	vld.idx.msk [tilespmem:v29+s17+$0x0], $0xffff;
	_ =	sdelay $0x2  }
0x558: {  	v1 =	vld.idx.msk [tilespmem:v1+s17+$0x0], $0xffff;
	_ =	sdelay $0x1  }
0x559: {  	v31 =	vor.u32 v55, v43;
	[tilespmem:$0x1E610] =	vst v0;
	v0 =	vld.idx.msk [tilespmem:v30+s17+$0x0], $0xffff;
	_ =	sdelay $0x2  }
0x55a: {  	[tilespmem:$0x1E1C0] =	vst v1;
	v1 =	vor.u32 v11, v50;
	_ =	sdelay $0x1  }
0x55b: {  	v27 =	vor.u32 v15, v43;
	[tilespmem:$0x1E620] =	vst v0;
	v0 =	vld.idx.msk [tilespmem:v31+s17+$0x0], $0xffff;
	_ =	sdelay $0x2  }
0x55c: {  	v1 =	vld.idx.msk [tilespmem:v1+s17+$0x0], $0xffff  }
0x55d: {  	v6 =	vor.u32 v12, v46  }
0x55e: {  	v28 =	vor.u32 v14, v43;
	[tilespmem:$0x1E630] =	vst v0;
	v0 =	vld.idx.msk [tilespmem:v27+s17+$0x0], $0xffff;
	_ =	sdelay $0x2  }
0x55f: {  	[tilespmem:$0x1E210] =	vst v1;
	v1 =	vor.u32 v33, v49  }
0x560: {  	v4 =	vld.idx.msk [tilespmem:v6+s17+$0x0], $0xffff;
	v6 =	vmov v18  }
0x561: {  	v29 =	vor.u32 v6, v43;
	[tilespmem:$0x1E640] =	vst v0;
	v0 =	vld.idx.msk [tilespmem:v28+s17+$0x0], $0xffff;
	_ =	sdelay $0x2  }
0x562: {  	v1 =	vld.idx.msk [tilespmem:v1+s17+$0x0], $0xffff;
	_ =	sdelay $0x1  }
0x563: {  	v30 =	vor.u32 v17, v43;
	[tilespmem:$0x1E650] =	vst v0;
	v0 =	vld.idx.msk [tilespmem:v29+s17+$0x0], $0xffff;
	_ =	sdelay $0x2  }
0x564: {  	[tilespmem:$0x1E270] =	vst v1;
	v1 =	vor.u32 v53, v49;
	_ =	sdelay $0x1  }
0x565: {  	v31 =	vor.u32 v5, v43;
	[tilespmem:$0x1E660] =	vst v0;
	v0 =	vld.idx.msk [tilespmem:v30+s17+$0x0], $0xffff;
	_ =	sdelay $0x2  }
0x566: {  	v1 =	vld.idx.msk [tilespmem:v1+s17+$0x0], $0xffff;
	_ =	sdelay $0x1  }
0x567: {  	v27 =	vor.u32 v13, v43;
	[tilespmem:$0x1E670] =	vst v0;
	v0 =	vld.idx.msk [tilespmem:v31+s17+$0x0], $0xffff;
	_ =	sdelay $0x2  }
0x568: {  	[tilespmem:$0x1E2C0] =	vst v1;
	v1 =	vor.u32 v18, v49;
	_ =	sdelay $0x1  }
0x569: {  	v28 =	vor.u32 v12, v43;
	[tilespmem:$0x1E680] =	vst v0;
	v0 =	vld.idx.msk [tilespmem:v27+s17+$0x0], $0xffff;
	_ =	sdelay $0x1  }
0x56a: {  	s28 =	simm.s32 $0x5  }
0x56b: {  	v44 =	vadd.s32 s28, v7;
	v1 =	vld.idx.msk [tilespmem:v1+s17+$0x0], $0xffff  }
0x56c: {  	v44 =	vand.u32 $0x3F, v44  }
0x56d: {  	v29 =	vor.u32 v8, v44;
	[tilespmem:$0x1E690] =	vst v0;
	v0 =	vld.idx.msk [tilespmem:v28+s17+$0x0], $0xffff;
	_ =	sdelay $0x2  }
0x56e: {  	[tilespmem:$0x1E310] =	vst v1;
	v1 =	vor.u32 v41, v50;
	_ =	sdelay $0x1  }
0x56f: {  	v30 =	vor.u32 v9, v44;
	[tilespmem:$0x1E6A0] =	vst v0;
	v0 =	vld.idx.msk [tilespmem:v29+s17+$0x0], $0xffff;
	_ =	sdelay $0x1  }
0x570: {  	v2 =	vor.u32 v10, v46  }
0x571: {  	v1 =	vld.idx.msk [tilespmem:v1+s17+$0x0], $0xffff;
	_ =	sdelay $0x1  }
0x572: {  	v31 =	vor.u32 v10, v44;
	[tilespmem:$0x1E6B0] =	vst v0;
	v0 =	vld.idx.msk [tilespmem:v30+s17+$0x0], $0xffff;
	_ =	sdelay $0x1  }
0x573: {  	v36 =	vld.idx.msk [tilespmem:v2+s17+$0x0], $0xffff;
	v2 =	vor.u32 v42, v46  }
0x574: {  	[tilespmem:$0x1E360] =	vst v1;
	v1 =	vor.u32 v48, v50;
	_ =	sdelay $0x1  }
0x575: {  	v27 =	vor.u32 v11, v44;
	[tilespmem:$0x1E6C0] =	vst v0;
	v0 =	vld.idx.msk [tilespmem:v31+s17+$0x0], $0xffff;
	_ =	sdelay $0x1  }
0x576: {  	v2 =	vld.idx.msk [tilespmem:v2+s17+$0x0], $0xffff;
	s28 =	simm.s32 $0x6  }
0x577: {  	v45 =	vadd.s32 s28, v7;
	v1 =	vld.idx.msk [tilespmem:v1+s17+$0x0], $0xffff  }
0x578: {  	v45 =	vand.u32 $0x3F, v45  }
0x579: {  	v28 =	vor.u32 v8, v45;
	[tilespmem:$0x1E6D0] =	vst v0;
	v0 =	vld.idx.msk [tilespmem:v27+s17+$0x0], $0xffff;
	_ =	sdelay $0x1  }
0x57a: {  	[tilespmem:$0x1E0E0] =	vst v2;
	v2 =	vor.u32 v15, v46  }
0x57b: {  	[tilespmem:$0x1E3B0] =	vst v1;
	v1 =	vor.u32 v14, v50;
	_ =	sdelay $0x1  }
0x57c: {  	v29 =	vor.u32 v9, v45;
	[tilespmem:$0x1E6E0] =	vst v0;
	v0 =	vld.idx.msk [tilespmem:v28+s17+$0x0], $0xffff;
	_ =	sdelay $0x1  }
0x57d: {  	v2 =	vld.idx.msk [tilespmem:v2+s17+$0x0], $0xffff  }
0x57e: {  	v1 =	vld.idx.msk [tilespmem:v1+s17+$0x0], $0xffff;
	_ =	sdelay $0x1  }
0x57f: {  	[tilespmem:$0x1E6F0] =	vst v0;
	v0 =	vld.idx.msk [tilespmem:v29+s17+$0x0], $0xffff;
	_ =	sdelay $0x1  }
0x580: {  	[tilespmem:$0x1E130] =	vst v2;
	v2 =	vor.u32 v13, v46  }
0x581: {  	[tilespmem:$0x1E400] =	vst v1;
	v1 =	vor.u32 v12, v50  }
0x582: {  	v30 =	vor.u32 v10, v45  }
0x583: {  	[tilespmem:$0x1E700] =	vst v0;
	v0 =	vadd.f32 v35, v34;
	_ =	sdelay $0x1  }
0x584: {  	v2 =	vld.idx.msk [tilespmem:v2+s17+$0x0], $0xffff;
	[tilespmem:$0x1E4E0] =	vst v0;
	v0 =	vadd.f32 v40, v36  }
0x585: {  	v62 =	vld.idx.msk [tilespmem:v1+s17+$0x0], $0xffff;
	v1 =	vor.u32 v42, v51  }
0x586: {  	[tilespmem:$0x1E4F0] =	vst v0;
	v0 =	vld.idx.msk [tilespmem:v30+s17+$0x0], $0xffff;
	_ =	sdelay $0x2  }
0x587: {  	[tilespmem:$0x1E180] =	vst v2;
	v2 =	vor.u32 v11, v49  }
0x588: {  	v20 =	vor.u32 v53, v51;
	v1 =	vld.idx.msk [tilespmem:v1+s17+$0x0], $0xffff  }
0x589: {  	v31 =	vor.u32 v11, v45;
	[tilespmem:$0x1E710] =	vst v0;
	v0 =	vld [tilespmem:$0x1E0D0];
	_ =	sdelay $0x2  }
0x58a: {  	v2 =	vld.idx.msk [tilespmem:v2+s17+$0x0], $0xffff  }
0x58b: {  	[tilespmem:$0x1E470] =	vst v1;
	v1 =	vld.idx.msk [tilespmem:v20+s17+$0x0], $0xffff  }
0x58c: {  	v26 =	vadd.f32 v0, v56;
	v0 =	vld.idx.msk [tilespmem:v31+s17+$0x0], $0xffff;
	_ =	sdelay $0x2  }
0x58d: {  	[tilespmem:$0x1E1D0] =	vst v2  }
0x58e: {  	[tilespmem:$0x1E480] =	vst v1;
	v1 =	vld [tilespmem:$0x1E0F0]  }
0x58f: {  	v2 =	vor.u32 v8, v51;
	[tilespmem:$0x1E720] =	vst v0;
	v0 =	vld [tilespmem:$0x1E0E0];
	_ =	sdelay $0x3  }
0x590: {  	s28 =	simm.s32 $0x7  }
0x591: {  	v47 =	vadd.s32 s28, v7;
	v2 =	vld.idx.msk [tilespmem:v2+s17+$0x0], $0xffff;
	v0 =	vadd.f32 v1, v0  }
0x592: {  	v47 =	vand.u32 $0x3F, v47;
	v1 =	vld [tilespmem:$0x1E110]  }
0x593: {  	v27 =	vor.u32 v8, v47;
	[tilespmem:$0x1E500] =	vst v0;
	v0 =	vld [tilespmem:$0x1E100];
	_ =	sdelay $0x1  }
0x594: {  	[tilespmem:$0x1E150] =	vst v3;
	v3 =	vor.u32 v8, v49  }
0x595: {  	[tilespmem:$0x1E220] =	vst v2;
	v2 =	vor.u32 v39, v49;
	_ =	sdelay $0x1  }
0x596: {  	v34 =	vadd.f32 v1, v0;
	v0 =	vld.idx.msk [tilespmem:v27+s17+$0x0], $0xffff;
	_ =	sdelay $0x1  }
0x597: {  	v3 =	vld.idx.msk [tilespmem:v3+s17+$0x0], $0xffff  }
0x598: {  	v2 =	vld.idx.msk [tilespmem:v2+s17+$0x0], $0xffff  }
0x599: {  	v1 =	vld [tilespmem:$0x1E130]  }
0x59a: {  	[tilespmem:$0x1E730] =	vst v0;
	v0 =	vld [tilespmem:$0x1E120];
	_ =	sdelay $0x3  }
0x59b: {  	[tilespmem:$0x1E1A0] =	vst v3;
	v3 =	vor.u32 v9, v50  }
0x59c: {  	[tilespmem:$0x1E280] =	vst v2;
	v2 =	vor.u32 v54, v49;
	v36 =	vadd.f32 v1, v0;
	v0 =	vld [tilespmem:$0x1E140]  }
0x59d: {  	v28 =	vor.u32 v9, v47;
	v1 =	vld [tilespmem:$0x1E150];
	_ =	sdelay $0x2  }
0x59e: {  	v3 =	vld.idx.msk [tilespmem:v3+s17+$0x0], $0xffff  }
0x59f: {  	v2 =	vld.idx.msk [tilespmem:v2+s17+$0x0], $0xffff  }
0x5a0: {  	v35 =	vadd.f32 v1, v0;
	v0 =	vld.idx.msk [tilespmem:v28+s17+$0x0], $0xffff;
	_ =	sdelay $0x1  }
0x5a1: {  	[tilespmem:$0x1E190] =	vst v4;
	v4 =	vor.u32 v8, v50  }
0x5a2: {  	[tilespmem:$0x1E1F0] =	vst v3;
	v3 =	vor.u32 v10, v51  }
0x5a3: {  	[tilespmem:$0x1E2D0] =	vst v2;
	v2 =	vor.u32 v17, v49;
	v1 =	vld [tilespmem:$0x1E170]  }
0x5a4: {  	[tilespmem:$0x1E740] =	vst v0;
	v0 =	vld [tilespmem:$0x1E160];
	_ =	sdelay $0x1  }
0x5a5: {  	v4 =	vld.idx.msk [tilespmem:v4+s17+$0x0], $0xffff  }
0x5a6: {  	v3 =	vld.idx.msk [tilespmem:v3+s17+$0x0], $0xffff  }
0x5a7: {  	v2 =	vld.idx.msk [tilespmem:v2+s17+$0x0], $0xffff  }
0x5a8: {  	v56 =	vadd.f32 v1, v0;
	v0 =	vld [tilespmem:$0x1E180]  }
0x5a9: {  	v29 =	vor.u32 v10, v47;
	v1 =	vld [tilespmem:$0x1E190]  }
0x5aa: {  	[tilespmem:$0x1E1E0] =	vst v4;
	v4 =	vor.u32 v9, v51  }
0x5ab: {  	[tilespmem:$0x1E240] =	vst v3;
	v3 =	vor.u32 v42, v49  }
0x5ac: {  	[tilespmem:$0x1E320] =	vst v2;
	v2 =	vor.u32 v33, v50;
	_ =	sdelay $0x1  }
0x5ad: {  	v52 =	vadd.f32 v52, v37;
	v37 =	vadd.f32 v1, v0;
	v0 =	vld.idx.msk [tilespmem:v29+s17+$0x0], $0xffff  }
0x5ae: {  	v4 =	vld.idx.msk [tilespmem:v4+s17+$0x0], $0xffff  }
0x5af: {  	v3 =	vld.idx.msk [tilespmem:v3+s17+$0x0], $0xffff  }
0x5b0: {  	v2 =	vld.idx.msk [tilespmem:v2+s17+$0x0], $0xffff  }
0x5b1: {  	v1 =	vld [tilespmem:$0x1E1B0]  }
0x5b2: {  	[tilespmem:$0x1E750] =	vst v0;
	v0 =	vld [tilespmem:$0x1E1A0];
	_ =	sdelay $0x2  }
0x5b3: {  	[tilespmem:$0x1E230] =	vst v4;
	v4 =	vor.u32 v38, v49  }
0x5b4: {  	[tilespmem:$0x1E2A0] =	vst v3;
	v3 =	vor.u32 v15, v49  }
0x5b5: {  	[tilespmem:$0x1E370] =	vst v2;
	v2 =	vor.u32 v53, v50;
	v32 =	vadd.f32 v1, v0;
	v0 =	vld [tilespmem:$0x1E1C0]  }
0x5b6: {  	v30 =	vor.u32 v11, v47;
	v1 =	vld [tilespmem:$0x1E1D0];
	_ =	sdelay $0x1  }
0x5b7: {  	v4 =	vld.idx.msk [tilespmem:v4+s17+$0x0], $0xffff  }
0x5b8: {  	v3 =	vld.idx.msk [tilespmem:v3+s17+$0x0], $0xffff  }
0x5b9: {  	v2 =	vld.idx.msk [tilespmem:v2+s17+$0x0], $0xffff  }
0x5ba: {  	v22 =	vadd.f32 v1, v0;
	v0 =	vld.idx.msk [tilespmem:v30+s17+$0x0], $0xffff;
	_ =	sdelay $0x1  }
0x5bb: {  	[tilespmem:$0x1E290] =	vst v4;
	v4 =	vor.u32 v55, v49  }
0x5bc: {  	[tilespmem:$0x1E2F0] =	vst v3;
	v3 =	vor.u32 v13, v49  }
0x5bd: {  	[tilespmem:$0x1E3C0] =	vst v2;
	v2 =	vor.u32 v18, v50;
	v1 =	vld [tilespmem:$0x1E1F0]  }
0x5be: {  	[tilespmem:$0x1E760] =	vst v0;
	v0 =	vld [tilespmem:$0x1E1E0];
	_ =	sdelay $0x1  }
0x5bf: {  	v4 =	vld.idx.msk [tilespmem:v4+s17+$0x0], $0xffff  }
0x5c0: {  	v3 =	vld.idx.msk [tilespmem:v3+s17+$0x0], $0xffff  }
0x5c1: {  	v2 =	vld.idx.msk [tilespmem:v2+s17+$0x0], $0xffff  }
0x5c2: {  	v28 =	vadd.f32 v1, v0;
	v0 =	vld [tilespmem:$0x1E200]  }
0x5c3: {  	v31 =	vor.u32 v41, v44;
	v1 =	vld [tilespmem:$0x1E210]  }
0x5c4: {  	[tilespmem:$0x1E2E0] =	vst v4;
	v4 =	vor.u32 v16, v49  }
0x5c5: {  	[tilespmem:$0x1E340] =	vst v3;
	v3 =	vor.u32 v38, v50  }
0x5c6: {  	[tilespmem:$0x1E410] =	vst v2;
	v2 =	vor.u32 v41, v51;
	_ =	sdelay $0x1  }
0x5c7: {  	v20 =	vadd.f32 v1, v0;
	v0 =	vld.idx.msk [tilespmem:v31+s17+$0x0], $0xffff  }
0x5c8: {  	v4 =	vld.idx.msk [tilespmem:v4+s17+$0x0], $0xffff  }
0x5c9: {  	v3 =	vld.idx.msk [tilespmem:v3+s17+$0x0], $0xffff  }
0x5ca: {  	v2 =	vld.idx.msk [tilespmem:v2+s17+$0x0], $0xffff  }
0x5cb: {  	v18 =	vor.u32 v39, v51;
	v1 =	vld [tilespmem:$0x1E230]  }
0x5cc: {  	[tilespmem:$0x1E770] =	vst v0;
	v0 =	vld [tilespmem:$0x1E220];
	_ =	sdelay $0x1  }
0x5cd: {  	v21 =	vor.u32 v54, v51;
	[tilespmem:$0x1E330] =	vst v4  }
0x5ce: {  	v4 =	vor.u32 v39, v50;
	[tilespmem:$0x1E390] =	vst v3  }
0x5cf: {  	v3 =	vor.u32 v55, v50;
	[tilespmem:$0x1E450] =	vst v2;
	v2 =	vld.idx.msk [tilespmem:v18+s17+$0x0], $0xffff  }
0x5d0: {  	v23 =	vadd.f32 v1, v0;
	v0 =	vld [tilespmem:$0x1E240]  }
0x5d1: {  	v1 =	vld [tilespmem:$0x1E250]  }
0x5d2: {  	v58 =	vld.idx.msk [tilespmem:v21+s17+$0x0], $0xffff  }
0x5d3: {  	v4 =	vld.idx.msk [tilespmem:v4+s17+$0x0], $0xffff  }
0x5d4: {  	v3 =	vld.idx.msk [tilespmem:v3+s17+$0x0], $0xffff  }
0x5d5: {  	v19 =	vor.u32 v48, v51;
	[tilespmem:$0x1E460] =	vst v2;
	v2 =	vld [tilespmem:$0x1E270]  }
0x5d6: {  	v21 =	vadd.f32 v1, v0;
	v1 =	vld [tilespmem:$0x1E260];
	_ =	sdelay $0x3  }
0x5d7: {  	v59 =	vld.idx.msk [tilespmem:v19+s17+$0x0], $0xffff;
	[tilespmem:$0x1E380] =	vst v4;
	v4 =	vor.u32 v54, v50  }
0x5d8: {  	[tilespmem:$0x1E3E0] =	vst v3;
	v3 =	vor.u32 v16, v50;
	v16 =	vor.u32 v33, v51;
	v19 =	vadd.f32 v2, v1;
	v1 =	vld [tilespmem:$0x1E280]  }
0x5d9: {  	v40 =	vor.u32 v39, v44;
	v2 =	vld [tilespmem:$0x1E290];
	_ =	sdelay $0x2  }
0x5da: {  	v4 =	vld.idx.msk [tilespmem:v4+s17+$0x0], $0xffff  }
0x5db: {  	v61 =	vld.idx.msk [tilespmem:v16+s17+$0x0], $0xffff  }
0x5dc: {  	v16 =	vadd.f32 v2, v1;
	v1 =	vld.idx.msk [tilespmem:v40+s17+$0x0], $0xffff;
	_ =	sdelay $0x3  }
0x5dd: {  	[tilespmem:$0x1E3D0] =	vst v4;
	v4 =	vor.u32 v17, v50;
	v2 =	vld [tilespmem:$0x1E2B0]  }
0x5de: {  	[tilespmem:$0x1E790] =	vst v1;
	v1 =	vld [tilespmem:$0x1E2A0];
	_ =	sdelay $0x3  }
0x5df: {  	v4 =	vld.idx.msk [tilespmem:v4+s17+$0x0], $0xffff  }
0x5e0: {  	v18 =	vadd.f32 v2, v1;
	v1 =	vld [tilespmem:$0x1E2C0]  }
0x5e1: {  	v29 =	vor.u32 v38, v44;
	v2 =	vld [tilespmem:$0x1E2D0];
	_ =	sdelay $0x4  }
0x5e2: {  	[tilespmem:$0x1E420] =	vst v4;
	v4 =	vmov v15;
	v15 =	vmov v13;
	v13 =	vadd.f32 v2, v1;
	v1 =	vld.idx.msk [tilespmem:v29+s17+$0x0], $0xffff;
	_ =	sdelay $0x3  }
0x5e3: {  	v2 =	vld [tilespmem:$0x1E2F0]  }
0x5e4: {  	[tilespmem:$0x1E7A0] =	vst v1;
	v1 =	vld [tilespmem:$0x1E2E0];
	_ =	sdelay $0x4  }
0x5e5: {  	v24 =	vor.u32 v6, v51;
	v29 =	vadd.f32 v2, v1;
	v1 =	vld [tilespmem:$0x1E300]  }
0x5e6: {  	v30 =	vor.u32 v42, v44;
	v2 =	vld [tilespmem:$0x1E310];
	_ =	sdelay $0x3  }
0x5e7: {  	v60 =	vld.idx.msk [tilespmem:v24+s17+$0x0], $0xffff  }
0x5e8: {  	v24 =	vmov v12;
	v12 =	vadd.f32 v2, v1;
	v1 =	vld.idx.msk [tilespmem:v30+s17+$0x0], $0xffff;
	_ =	sdelay $0x3  }
0x5e9: {  	v2 =	vld [tilespmem:$0x1E320]  }
0x5ea: {  	[tilespmem:$0x1E7B0] =	vst v1;
	v1 =	vor.u32 v4, v44;
	v4 =	vld [tilespmem:$0x1E330];
	_ =	sdelay $0x4  }
0x5eb: {  	v11 =	vadd.f32 v4, v2;
	v2 =	vld [tilespmem:$0x1E340]  }
0x5ec: {  	v31 =	vor.u32 v48, v44;
	v4 =	vld [tilespmem:$0x1E350];
	_ =	sdelay $0x4  }
0x5ed: {  	v10 =	vadd.f32 v4, v2;
	v2 =	vld.idx.msk [tilespmem:v31+s17+$0x0], $0xffff;
	_ =	sdelay $0x3  }
0x5ee: {  	v27 =	vor.u32 v33, v44;
	v4 =	vld [tilespmem:$0x1E370]  }
0x5ef: {  	[tilespmem:$0x1E7C0] =	vst v2;
	v2 =	vld [tilespmem:$0x1E360];
	_ =	sdelay $0x3  }
0x5f0: {  	v0 =	vld.idx.msk [tilespmem:v27+s17+$0x0], $0xffff  }
0x5f1: {  	v9 =	vadd.f32 v4, v2;
	v2 =	vld [tilespmem:$0x1E380]  }
0x5f2: {  	v4 =	vld [tilespmem:$0x1E390];
	_ =	sdelay $0x4  }
0x5f3: {  	[tilespmem:$0x1E780] =	vst v0;
	v0 =	vor.u32 v53, v44;
	v8 =	vadd.f32 v4, v2;
	v2 =	vld [tilespmem:$0x1E3A0]  }
0x5f4: {  	v4 =	vld [tilespmem:$0x1E3B0];
	_ =	sdelay $0x2  }
0x5f5: {  	v3 =	vld.idx.msk [tilespmem:v3+s17+$0x0], $0xffff  }
0x5f6: {  	v0 =	vld.idx.msk [tilespmem:v0+s17+$0x0], $0xffff  }
0x5f7: {  	v7 =	vadd.f32 v4, v2;
	v2 =	vld [tilespmem:$0x1E3C0]  }
0x5f8: {  	v4 =	vld [tilespmem:$0x1E3D0];
	_ =	sdelay $0x3  }
0x5f9: {  	[tilespmem:$0x1E430] =	vst v3;
	v3 =	vmov v5;
	v5 =	vld [tilespmem:$0x1E3F0];
	v27 =	vor.u32 v54, v44  }
0x5fa: {  	[tilespmem:$0x1E7D0] =	vst v0;
	v0 =	vor.u32 v6, v44;
	v6 =	vadd.f32 v4, v2;
	v4 =	vld [tilespmem:$0x1E3E0];
	_ =	sdelay $0x3  }
0x5fb: {  	v2 =	vld.idx.msk [tilespmem:v27+s17+$0x0], $0xffff  }
0x5fc: {  	v27 =	vadd.f32 v5, v4;
	v4 =	vld [tilespmem:$0x1E400]  }
0x5fd: {  	v40 =	vor.u32 v55, v44;
	v5 =	vld [tilespmem:$0x1E410];
	_ =	sdelay $0x4  }
0x5fe: {  	v5 =	vadd.f32 v5, v4;
	v4 =	vld.idx.msk [tilespmem:v40+s17+$0x0], $0xffff;
	_ =	sdelay $0x3  }
0x5ff: {  	v31 =	vor.u32 v14, v44;
	v14 =	vld [tilespmem:$0x1E430]  }
0x600: {  	[tilespmem:$0x1E7F0] =	vst v4;
	v4 =	vld [tilespmem:$0x1E420];
	_ =	sdelay $0x3  }
0x601: {  	[tilespmem:$0x1E7E0] =	vst v2;
	v2 =	vor.u32 v17, v44;
	v17 =	vld [tilespmem:$0x1E470]  }
0x602: {  	v4 =	vadd.f32 v14, v4;
	v14 =	vld [tilespmem:$0x1E440];
	_ =	sdelay $0x3  }
0x603: {  	v59 =	vadd.f32 v59, v17;
	v17 =	vld [tilespmem:$0x1E480]  }
0x604: {  	v62 =	vadd.f32 v62, v14;
	v14 =	vld [tilespmem:$0x1E450];
	_ =	sdelay $0x3  }
0x605: {  	v58 =	vadd.f32 v58, v17;
	v17 =	vld [tilespmem:$0x1E490]  }
0x606: {  	v61 =	vadd.f32 v61, v14;
	v14 =	vld [tilespmem:$0x1E460];
	_ =	sdelay $0x3  }
0x607: {  	v57 =	vadd.f32 v57, v17;
	v17 =	vld [tilespmem:$0x1E4A0]  }
0x608: {  	v63 =	vadd.f32 v63, v14;
	v14 =	vld.idx.msk [tilespmem:v31+s17+$0x0], $0xffff;
	_ =	sdelay $0x1  }
0x609: {  	v0 =	vld.idx.msk [tilespmem:v0+s17+$0x0], $0xffff;
	_ =	sdelay $0x1  }
0x60a: {  	v60 =	vadd.f32 v60, v17;
	v17 =	vld [tilespmem:$0x1E4B0]  }
0x60b: {  	v31 =	vor.u32 v24, v44;
	[tilespmem:$0x1E810] =	vst v14;
	v14 =	vmov v24;
	v24 =	vld [tilespmem:$0x1E4C0];
	_ =	sdelay $0x1  }
0x60c: {  	[tilespmem:$0x1E820] =	vst v0;
	v0 =	vor.u32 v41, v45;
	v2 =	vld.idx.msk [tilespmem:v2+s17+$0x0], $0xffff;
	_ =	sdelay $0x2  }
0x60d: {  	v24 =	vadd.f32 v24, v17;
	v17 =	vld [tilespmem:$0x1E4D0];
	_ =	sdelay $0x1  }
0x60e: {  	v0 =	vld.idx.msk [tilespmem:v0+s17+$0x0], $0xffff;
	[tilespmem:$0x1E830] =	vst v2;
	v2 =	vor.u32 v33, v45  }
0x60f: {  	v30 =	vmov v3;
	v3 =	vor.u32 v3, v44  }
0x610: {  	v26 =	vadd.f32 v26, v52;
	v52 =	vld [tilespmem:$0x1E4F0]  }
0x611: {  	v25 =	vadd.f32 v25, v17;
	v17 =	vld [tilespmem:$0x1E4E0];
	_ =	sdelay $0x1  }
0x612: {  	[tilespmem:$0x1E860] =	vst v0;
	v0 =	vor.u32 v48, v45;
	v2 =	vld.idx.msk [tilespmem:v2+s17+$0x0], $0xffff  }
0x613: {  	v40 =	vld.idx.msk [tilespmem:v3+s17+$0x0], $0xffff;
	v3 =	vor.u32 v39, v45  }
0x614: {  	v37 =	vadd.f32 v37, v56;
	v56 =	vld [tilespmem:$0x1FD60]  }
0x615: {  	v52 =	vadd.f32 v52, v17;
	v17 =	vld [tilespmem:$0x1E500]  }
0x616: {  	v35 =	vadd.f32 v35, v36;
	v36 =	vor.u32 v42, v45  }
0x617: {  	v12 =	vadd.f32 v12, v29;
	v29 =	vld.idx.msk [tilespmem:v0+s17+$0x0], $0xffff;
	[tilespmem:$0x1E870] =	vst v2;
	v2 =	vor.u32 v53, v45  }
0x618: {  	v22 =	vadd.f32 v22, v32;
	v3 =	vld.idx.msk [tilespmem:v3+s17+$0x0], $0xffff  }
0x619: {  	v20 =	vadd.f32 v20, v28;
	v16 =	vadd.f32 v16, v19;
	v1 =	vld.idx.msk [tilespmem:v1+s17+$0x0], $0xffff  }
0x61a: {  	v19 =	vor.u32 v56, v49;
	v13 =	vadd.f32 v13, v18;
	v34 =	vadd.f32 v34, v17;
	v17 =	vld.idx.msk [tilespmem:v31+s17+$0x0], $0xffff  }
0x61b: {  	v18 =	vor.u32 v56, v46;
	v10 =	vadd.f32 v10, v11;
	v6 =	vadd.f32 v6, v7;
	v7 =	vld.idx.msk [tilespmem:v36+s17+$0x0], $0xffff  }
0x61c: {  	[tilespmem:$0x1E510] =	vst v18;
	v13 =	vadd.f32 v13, v16;
	v8 =	vadd.f32 v8, v9;
	v2 =	vld.idx.msk [tilespmem:v2+s17+$0x0], $0xffff  }
0x61d: {  	v11 =	vadd.f32 v37, v35;
	v10 =	vadd.f32 v10, v12;
	[tilespmem:$0x1E880] =	vst v3;
	v3 =	vor.u32 v54, v45  }
0x61e: {  	[tilespmem:$0x1E800] =	vst v1;
	v6 =	vadd.f32 v6, v8;
	v0 =	vadd.f32 v63, v61;
	v63 =	vor.u32 v56, v50  }
0x61f: {  	v5 =	vadd.f32 v5, v27;
	[tilespmem:$0x1E850] =	vst v17;
	v17 =	vadd.f32 v21, v23;
	v21 =	vor.u32 v56, v51  }
0x620: {  	v16 =	vld.idx.msk [tilespmem:v18+s16+$0x0], $0xffff;
	[tilespmem:$0x1E890] =	vst v7;
	v7 =	vadd.f32 v58, v59;
	v4 =	vadd.f32 v62, v4  }
0x621: {  	v18 =	vld.idx.msk [tilespmem:v19+s16+$0x0], $0xffff;
	[tilespmem:$0x1E8A0] =	vst v2;
	v2 =	vadd.f32 v60, v57;
	v9 =	vadd.f32 v25, v24  }
0x622: {  	v1 =	vor.u32 v15, v44;
	v4 =	vadd.f32 v4, v5;
	v31 =	vld.idx.msk [tilespmem:v3+s17+$0x0], $0xffff;
	v3 =	vadd.f32 v34, v26  }
0x623: {  	[tilespmem:$0x1E8D0] =	vst v19;
	v0 =	vadd.f32 v7, v0;
	v19 =	vld.idx.msk [tilespmem:v63+s16+$0x0], $0xffff;
	v2 =	vadd.f32 v9, v2  }
0x624: {  	v4 =	vadd.f32 v4, v6;
	v3 =	vadd.f32 v11, v3;
	v11 =	vld.idx.msk [tilespmem:v21+s16+$0x0], $0xffff  }
0x625: {  	v8 =	vadd.f32 v10, v13;
	v0 =	vadd.f32 v2, v0  }
0x626: {  	v4 =	vadd.f32 v20, v4;
	v2 =	vadd.f32 v52, v3  }
0x627: {  	v1 =	vld.idx.msk [tilespmem:v1+s17+$0x0], $0xffff;
	v3 =	vadd.f32 v22, v8;
	v0 =	vadd.f32 v17, v0  }
0x628: {  	v4 =	vmul.f32 v4, v19;
	v2 =	vmul.f32 v2, v16  }
0x629: {  	v3 =	vmul.f32 v3, v18;
	v0 =	vmul.f32 v0, v11;
	_ =	sdelay $0x1  }
0x62a: {  	v2 =	vadd.f32 v3, v2;
	v0 =	vadd.f32 v0, v4  }
0x62b: {  	[tilespmem:$0x1E840] =	vst v1;
	v1 =	vor.u32 v38, v45  }
0x62c: {  	v50 =	vadd.f32 v0, v2;
	v0 =	vld [tilespmem:$0x1E570]  }
0x62d: {  	v2 =	vld [tilespmem:$0x1E580];
	_ =	sdelay $0x2  }
0x62e: {  	v28 =	vld.idx.msk [tilespmem:v1+s17+$0x0], $0xffff  }
0x62f: {  	v23 =	vld [tilespmem:$0x1FF10]  }
0x630: {  	v1 =	vor.u32 v55, v45;
	v52 =	vadd.f32 v2, v0;
	v0 =	vld [tilespmem:$0x1E590]  }
0x631: {  	v2 =	vld [tilespmem:$0x1E5A0];
	_ =	sdelay $0x3  }
0x632: {  	v46 =	vld.idx.msk [tilespmem:v1+s17+$0x0], $0xffff  }
0x633: {  	v1 =	vor.u32 v23, v45;
	v59 =	vadd.f32 v2, v0;
	v0 =	vld [tilespmem:$0x1E5B0]  }
0x634: {  	v2 =	vld [tilespmem:$0x1E5C0];
	_ =	sdelay $0x3  }
0x635: {  	v9 =	vor.u32 v30, v45;
	[tilespmem:$0x1E520] =	vst v21;
	v21 =	vmov v30;
	v30 =	vld.idx.msk [tilespmem:v1+s17+$0x0], $0xffff  }
0x636: {  	v1 =	vor.u32 v15, v45;
	v60 =	vadd.f32 v2, v0;
	v0 =	vld [tilespmem:$0x1E5D0]  }
0x637: {  	v2 =	vld [tilespmem:$0x1E5E0];
	_ =	sdelay $0x2  }
0x638: {  	v26 =	vld [tilespmem:$0x1FF40]  }
0x639: {  	v57 =	vld.idx.msk [tilespmem:v1+s17+$0x0], $0xffff;
	v1 =	vor.u32 v38, v47  }
0x63a: {  	[tilespmem:$0x1E900] =	vst v63;
	v63 =	vadd.f32 v2, v0;
	v0 =	vld [tilespmem:$0x1E5F0]  }
0x63b: {  	v2 =	vld [tilespmem:$0x1E600];
	_ =	sdelay $0x2  }
0x63c: {  	v62 =	vld.idx.msk [tilespmem:v1+s17+$0x0], $0xffff  }
0x63d: {  	v7 =	vor.u32 v26, v45;
	v1 =	vld [tilespmem:$0x1E610]  }
0x63e: {  	v0 =	vadd.f32 v2, v0;
	v2 =	vld [tilespmem:$0x1E620];
	_ =	sdelay $0x3  }
0x63f: {  	v3 =	vor.u32 v42, v47;
	v7 =	vld.idx.msk [tilespmem:v7+s17+$0x0], $0xffff  }
0x640: {  	v49 =	vadd.f32 v2, v1;
	v1 =	vld [tilespmem:$0x1E630]  }
0x641: {  	v2 =	vld [tilespmem:$0x1E640];
	_ =	sdelay $0x2  }
0x642: {  	v61 =	vld.idx.msk [tilespmem:v3+s17+$0x0], $0xffff;
	[tilespmem:$0x1E8C0] =	vst v7;
	v7 =	vor.u32 v33, v47  }
0x643: {  	v3 =	vld [tilespmem:$0x1E660]  }
0x644: {  	v2 =	vadd.f32 v2, v1;
	v1 =	vld [tilespmem:$0x1E650];
	_ =	sdelay $0x2  }
0x645: {  	v25 =	vld.idx.msk [tilespmem:v7+s17+$0x0], $0xffff  }
0x646: {  	v7 =	vld [tilespmem:$0x1E680]  }
0x647: {  	v3 =	vadd.f32 v3, v1;
	v1 =	vld [tilespmem:$0x1E670];
	_ =	sdelay $0x3  }
0x648: {  	v8 =	vld [tilespmem:$0x1E6A0]  }
0x649: {  	v7 =	vadd.f32 v7, v1;
	v1 =	vld [tilespmem:$0x1E690];
	_ =	sdelay $0x4  }
0x64a: {  	[tilespmem:$0x1E560] =	vst v11;
	v11 =	vadd.f32 v8, v1;
	v1 =	vld [tilespmem:$0x1E6B0]  }
0x64b: {  	v8 =	vld [tilespmem:$0x1E6C0];
	_ =	sdelay $0x4  }
0x64c: {  	v13 =	vadd.f32 v8, v1;
	v1 =	vld [tilespmem:$0x1E6D0]  }
0x64d: {  	v8 =	vld [tilespmem:$0x1E6E0];
	_ =	sdelay $0x4  }
0x64e: {  	v24 =	vmov v15;
	v15 =	vadd.f32 v8, v1;
	v1 =	vld [tilespmem:$0x1E6F0]  }
0x64f: {  	v8 =	vld [tilespmem:$0x1E700];
	_ =	sdelay $0x4  }
0x650: {  	[tilespmem:$0x1E530] =	vst v16;
	v16 =	vadd.f32 v8, v1;
	v1 =	vld [tilespmem:$0x1E710]  }
0x651: {  	v8 =	vld [tilespmem:$0x1E720];
	_ =	sdelay $0x3  }
0x652: {  	v34 =	vld [tilespmem:$0x1FF20]  }
0x653: {  	[tilespmem:$0x1E540] =	vst v18;
	v18 =	vadd.f32 v8, v1;
	v1 =	vld [tilespmem:$0x1E730]  }
0x654: {  	v8 =	vld [tilespmem:$0x1E740];
	_ =	sdelay $0x3  }
0x655: {  	v51 =	vld.idx.msk [tilespmem:v9+s17+$0x0], $0xffff;
	v9 =	vor.u32 v39, v47  }
0x656: {  	[tilespmem:$0x1E550] =	vst v19;
	v12 =	vor.u32 v34, v45;
	v19 =	vadd.f32 v8, v1;
	v1 =	vld [tilespmem:$0x1E750]  }
0x657: {  	v8 =	vld [tilespmem:$0x1E760];
	_ =	sdelay $0x1  }
0x658: {  	v27 =	vld [tilespmem:$0x1FF30]  }
0x659: {  	v58 =	vld.idx.msk [tilespmem:v9+s17+$0x0], $0xffff  }
0x65a: {  	v9 =	vor.u32 v54, v47;
	v6 =	vld.idx.msk [tilespmem:v12+s17+$0x0], $0xffff  }
0x65b: {  	v22 =	vadd.f32 v8, v1;
	v1 =	vld [tilespmem:$0x1E770]  }
0x65c: {  	v8 =	vld [tilespmem:$0x1E780]  }
0x65d: {  	v5 =	vor.u32 v27, v45  }
0x65e: {  	v10 =	vor.u32 v14, v45  }
0x65f: {  	v23 =	vor.u32 v23, v47;
	v12 =	vld.idx.msk [tilespmem:v9+s17+$0x0], $0xffff  }
0x660: {  	v9 =	vld [tilespmem:$0x1E7A0];
	v4 =	vor.u32 v48, v47  }
0x661: {  	[tilespmem:$0x1E8B0] =	vst v6;
	v6 =	vmov v14;
	v14 =	vor.u32 v21, v47;
	v21 =	vadd.f32 v8, v1;
	v1 =	vld [tilespmem:$0x1E790]  }
0x662: {  	v32 =	vld.idx.msk [tilespmem:v5+s17+$0x0], $0xffff  }
0x663: {  	v36 =	vld.idx.msk [tilespmem:v10+s17+$0x0], $0xffff  }
0x664: {  	v5 =	vor.u32 v41, v47;
	v37 =	vld.idx.msk [tilespmem:v23+s17+$0x0], $0xffff  }
0x665: {  	v10 =	vld.idx.msk [tilespmem:v4+s17+$0x0], $0xffff;
	v4 =	vor.u32 v34, v47  }
0x666: {  	v23 =	vadd.f32 v9, v1;
	v1 =	vld [tilespmem:$0x1E7B0]  }
0x667: {  	v9 =	vld [tilespmem:$0x1E7C0];
	_ =	sdelay $0x1  }
0x668: {  	v20 =	vld.idx.msk [tilespmem:v5+s17+$0x0], $0xffff  }
0x669: {  	v38 =	vld.idx.msk [tilespmem:v4+s17+$0x0], $0xffff  }
0x66a: {  	v5 =	vor.u32 v53, v47;
	v4 =	vld [tilespmem:$0x1E7E0]  }
0x66b: {  	v8 =	vor.u32 v24, v47;
	v24 =	vadd.f32 v9, v1;
	v1 =	vld [tilespmem:$0x1E7D0];
	_ =	sdelay $0x3  }
0x66c: {  	v34 =	vld.idx.msk [tilespmem:v5+s17+$0x0], $0xffff;
	v5 =	vor.u32 v27, v47  }
0x66d: {  	v27 =	vor.u32 v26, v47;
	v26 =	vadd.f32 v4, v1;
	v1 =	vld [tilespmem:$0x1E7F0]  }
0x66e: {  	v4 =	vld [tilespmem:$0x1E800];
	_ =	sdelay $0x2  }
0x66f: {  	v39 =	vld.idx.msk [tilespmem:v5+s17+$0x0], $0xffff  }
0x670: {  	v5 =	vld [tilespmem:$0x1E820]  }
0x671: {  	v4 =	vadd.f32 v4, v1;
	v1 =	vld [tilespmem:$0x1E810];
	_ =	sdelay $0x2  }
0x672: {  	v17 =	vor.u32 v55, v47;
	_ =	sdelay $0x1  }
0x673: {  	v5 =	vadd.f32 v5, v1;
	v1 =	vld [tilespmem:$0x1E830];
	_ =	sdelay $0x2  }
0x674: {  	v35 =	vld.idx.msk [tilespmem:v17+s17+$0x0], $0xffff  }
0x675: {  	v17 =	vld [tilespmem:$0x1E850]  }
0x676: {  	v9 =	vadd.f32 v40, v1;
	v1 =	vld [tilespmem:$0x1E840];
	_ =	sdelay $0x3  }
0x677: {  	v40 =	vld.idx.msk [tilespmem:v27+s17+$0x0], $0xffff  }
0x678: {  	v27 =	vadd.f32 v17, v1;
	v1 =	vld [tilespmem:$0x1E860]  }
0x679: {  	v17 =	vld [tilespmem:$0x1E870];
	_ =	sdelay $0x4  }
0x67a: {  	v17 =	vadd.f32 v17, v1;
	v1 =	vld [tilespmem:$0x1E880];
	_ =	sdelay $0x4  }
0x67b: {  	v28 =	vadd.f32 v28, v1;
	v1 =	vld [tilespmem:$0x1E890];
	_ =	sdelay $0x4  }
0x67c: {  	v29 =	vadd.f32 v29, v1;
	v1 =	vld [tilespmem:$0x1E8A0];
	_ =	sdelay $0x4  }
0x67d: {  	v31 =	vadd.f32 v31, v1;
	v1 =	vld [tilespmem:$0x1E8B0];
	_ =	sdelay $0x4  }
0x67e: {  	v32 =	vadd.f32 v32, v1;
	v1 =	vld [tilespmem:$0x1E8C0];
	_ =	sdelay $0x4  }
0x67f: {  	v33 =	vadd.f32 v51, v1;
	v1 =	vld [tilespmem:$0x1E8D0];
	_ =	sdelay $0x1  }
0x680: {  	v6 =	vor.u32 v6, v47;
	_ =	sdelay $0x4  }
0x681: {  	v30 =	vadd.f32 v30, v46;
	v46 =	vld.idx.msk [tilespmem:v6+s17+$0x0], $0xffff  }
0x682: {  	v6 =	vimm.f32 $0.0e+00;
	v48 =	vld.idx.msk [tilespmem:v1+s17+$0x0], $0xffff;
	v1 =	vimm.f32 $0.0e+00  }
0x683: {  	[tilespmem:$0x1E8E0] =	vst v1;
	v1 =	vadd.f32 v50, v6;
	_ =	sdelay $0x1  }
0x684: {  	[tilespmem:$0x1E8F0] =	vst v1;
	v1 =	vld [tilespmem:$0x1E900];
	_ =	sdelay $0x5  }
0x685: {  	v41 =	vld.idx.msk [tilespmem:v14+s17+$0x0], $0xffff  }
0x686: {  	v42 =	vld.idx.msk [tilespmem:v8+s17+$0x0], $0xffff  }
0x687: {  	s28 =	simm.s32 $0x8;
	v36 =	vadd.f32 v36, v57;
	v14 =	vld.idx.msk [tilespmem:v1+s17+$0x0], $0xffff  }
.LBB2_7:
0x688: {  	v1 =	vlaneseq.u32  }
0x689: {  	v55 =	vadd.s32 s28, v1;
	v1 =	vld [tilespmem:$0x1E520];
	_ =	sdelay $0x6  }
0x68a: {  	v50 =	vld [tilespmem:$0x1FF80]  }
0x68b: {  	v20 =	vadd.f32 v25, v20;
	v25 =	vadd.f32 v62, v58;
	v62 =	vld.idx.msk [tilespmem:v1+s17+$0x0], $0xffff  }
0x68c: {  	v1 =	vld [tilespmem:$0x1E510];
	_ =	sdelay $0x2  }
0x68d: {  	v54 =	vand.u32 $0x3F, v55  }
0x68e: {  	v6 =	vor.u32 v56, v43;
	v43 =	vmov v54  }
0x68f: {  	v51 =	vld [tilespmem:$0x1FF90];
	v35 =	vadd.f32 v37, v35;
	v37 =	vadd.f32 v39, v38;
	v38 =	vor.u32 v50, v43  }
0x690: {  	v0 =	vadd.f32 v49, v0;
	v49 =	vmov v48;
	v48 =	vld [tilespmem:$0x1FEA0]  }
0x691: {  	v10 =	vadd.f32 v10, v61;
	v61 =	vadd.f32 v59, v52;
	v52 =	vld [tilespmem:$0x1FFA0]  }
0x692: {  	v39 =	vadd.f32 v41, v40;
	v55 =	vld.idx.msk [tilespmem:v1+s17+$0x0], $0xffff;
	v1 =	vadd.f32 v3, v2  }
0x693: {  	v3 =	vadd.f32 v11, v7;
	v7 =	vadd.f32 v15, v13;
	v13 =	vld.idx.msk [tilespmem:v6+s16+$0x0], $0xffff  }
0x694: {  	v40 =	vadd.f32 v46, v42;
	v46 =	vor.u32 v51, v43;
	[tilespmem:$0x1E510] =	vst v6;
	v6 =	vld.idx.msk [tilespmem:v38+s17+$0x0], $0xffff;
	_ =	sdelay $0x3  }
0x695: {  	v57 =	vld [tilespmem:$0x1FE80];
	v15 =	vadd.f32 v18, v16;
	v16 =	vadd.f32 v22, v19;
	v22 =	vor.u32 v48, v43  }
0x696: {  	v54 =	vor.u32 v52, v43;
	[tilespmem:$0x1DEC0] =	vst v6;
	v6 =	vld.idx.msk [tilespmem:v46+s17+$0x0], $0xffff;
	_ =	sdelay $0x1  }
0x697: {  	v42 =	vadd.f32 v63, v60;
	v60 =	vld [tilespmem:$0x1FE90]  }
0x698: {  	v41 =	vld [tilespmem:$0x1FEC0]  }
0x699: {  	v22 =	vld.idx.msk [tilespmem:v22+s17+$0x0], $0xffff  }
0x69a: {  	v11 =	vor.u32 v57, v43;
	[tilespmem:$0x1DED0] =	vst v6;
	v6 =	vld.idx.msk [tilespmem:v54+s17+$0x0], $0xffff;
	_ =	sdelay $0x2  }
0x69b: {  	v53 =	vld [tilespmem:$0x1FFB0];
	v18 =	vor.u32 v60, v43;
	v19 =	vadd.f32 v23, v21  }
0x69c: {  	v21 =	vadd.f32 v26, v24;
	v24 =	vadd.f32 v40, v39;
	v40 =	vld [tilespmem:$0x1FED0];
	[tilespmem:$0x1DF10] =	vst v22;
	v22 =	vor.u32 v41, v43  }
0x69d: {  	[tilespmem:$0x1DEE0] =	vst v6;
	v6 =	vld.idx.msk [tilespmem:v11+s17+$0x0], $0xffff;
	_ =	sdelay $0x2  }
0x69e: {  	v2 =	vor.u32 v53, v43;
	v1 =	vadd.f32 v3, v1;
	v18 =	vld.idx.msk [tilespmem:v18+s17+$0x0], $0xffff  }
0x69f: {  	v3 =	vor.u32 v40, v43;
	v11 =	vadd.f32 v25, v20;
	v25 =	vadd.f32 v0, v42;
	v0 =	vld.idx.msk [tilespmem:v22+s17+$0x0], $0xffff  }
0x6a0: {  	v46 =	vld [tilespmem:$0x1FEB0];
	[tilespmem:$0x1DEF0] =	vst v6;
	v6 =	vor.u32 v56, v47  }
0x6a1: {  	v58 =	vld [tilespmem:$0x1FEE0];
	_ =	sdelay $0x1  }
0x6a2: {  	v23 =	vadd.f32 v36, v33;
	v59 =	vld.idx.msk [tilespmem:v2+s17+$0x0], $0xffff;
	v2 =	vadd.f32 v32, v30  }
0x6a3: {  	v4 =	vadd.f32 v5, v4;
	v5 =	vadd.f32 v27, v9;
	[tilespmem:$0x1DF20] =	vst v0;
	v0 =	vld.idx.msk [tilespmem:v3+s17+$0x0], $0xffff  }
0x6a4: {  	v2 =	vadd.f32 v23, v2;
	[tilespmem:$0x1DF00] =	vst v18;
	v18 =	vor.u32 v46, v43;
	v23 =	vld.idx.msk [tilespmem:v6+s16+$0x0], $0xffff  }
0x6a5: {  	v4 =	vadd.f32 v5, v4;
	v5 =	vor.u32 v58, v43;
	[tilespmem:$0x1E520] =	vst v6;
	v6 =	vld [tilespmem:$0x1FF00];
	_ =	sdelay $0x2  }
0x6a6: {  	v34 =	vadd.f32 v12, v34;
	v12 =	vor.u32 v56, v45  }
0x6a7: {  	v63 =	vld.idx.msk [tilespmem:v18+s17+$0x0], $0xffff  }
0x6a8: {  	[tilespmem:$0x1DF30] =	vst v0;
	v0 =	vld.idx.msk [tilespmem:v5+s17+$0x0], $0xffff;
	v18 =	vor.u32 v6, v43;
	_ =	sdelay $0x1  }
0x6a9: {  	v8 =	vor.u32 v56, v44;
	v39 =	vld [tilespmem:$0x1FEF0]  }
0x6aa: {  	v19 =	vadd.f32 v21, v19;
	v21 =	vld.idx.msk [tilespmem:v12+s16+$0x0], $0xffff  }
0x6ab: {  	v9 =	vadd.f32 v28, v17;
	v17 =	vadd.f32 v31, v29;
	[tilespmem:$0x1E0C0] =	vst v12;
	v12 =	vld [tilespmem:$0x1FF20]  }
0x6ac: {  	v10 =	vadd.f32 v34, v10;
	v20 =	vadd.f32 v37, v35;
	[tilespmem:$0x1DF40] =	vst v0;
	v0 =	vld.idx.msk [tilespmem:v18+s17+$0x0], $0xffff  }
0x6ad: {  	v9 =	vadd.f32 v17, v9  }
0x6ae: {  	v26 =	vld.idx.msk [tilespmem:v8+s16+$0x0], $0xffff;
	v17 =	vor.u32 v39, v43;
	v10 =	vadd.f32 v10, v11;
	v11 =	vadd.f32 v24, v20  }
0x6af: {  	v38 =	vld [tilespmem:$0x1FF30];
	v4 =	vadd.f32 v4, v19;
	v20 =	vadd.f32 v1, v25  }
0x6b0: {  	v9 =	vadd.f32 v2, v9;
	v10 =	vadd.f32 v11, v10;
	v11 =	vor.u32 v12, v43;
	v5 =	vld [tilespmem:$0x1FF40]  }
0x6b1: {  	v7 =	vadd.f32 v7, v4;
	v20 =	vadd.f32 v61, v20;
	[tilespmem:$0x1DF50] =	vst v0;
	v0 =	vld [tilespmem:$0x1E540]  }
0x6b2: {  	v9 =	vadd.f32 v15, v9;
	v10 =	vadd.f32 v16, v10  }
0x6b3: {  	v61 =	vld.idx.msk [tilespmem:v17+s17+$0x0], $0xffff;
	v17 =	vmul.f32 v7, v26;
	v16 =	vmul.f32 v20, v13  }
0x6b4: {  	v20 =	vmul.f32 v9, v21;
	v10 =	vmul.f32 v10, v23  }
0x6b5: {  	v22 =	vor.u32 v38, v43;
	v3 =	vld.idx.msk [tilespmem:v11+s17+$0x0], $0xffff;
	v11 =	vadd.f32 v17, v16  }
0x6b6: {  	v15 =	vor.u32 v5, v43;
	v16 =	vadd.f32 v10, v20;
	v20 =	vmul.f32 v49, v0;
	v0 =	vld [tilespmem:$0x1E550];
	_ =	sdelay $0x3  }
0x6b7: {  	v10 =	vld.idx.msk [tilespmem:v22+s17+$0x0], $0xffff  }
0x6b8: {  	v22 =	vmul.f32 v14, v0;
	v0 =	vld.idx.msk [tilespmem:v15+s17+$0x0], $0xffff  }
0x6b9: {  	[tilespmem:$0x1E0B0] =	vst v8;
	v8 =	vld [tilespmem:$0x1FF10];
	_ =	sdelay $0x3  }
0x6ba: {  	[tilespmem:$0x1DF60] =	vst v0;
	v0 =	vld [tilespmem:$0x1E560]  }
0x6bb: {  	v19 =	vor.u32 v8, v43;
	v4 =	vld [tilespmem:$0x1FF60];
	_ =	sdelay $0x3  }
0x6bc: {  	v14 =	vmul.f32 v62, v0;
	v0 =	vld [tilespmem:$0x1E530]  }
0x6bd: {  	v2 =	vld.idx.msk [tilespmem:v19+s17+$0x0], $0xffff;
	v19 =	vor.u32 v4, v43;
	_ =	sdelay $0x3  }
0x6be: {  	v27 =	vmul.f32 v55, v0;
	v0 =	vmov v13  }
0x6bf: {  	[tilespmem:$0x1E530] =	vst v0;
	v0 =	vld.idx.msk [tilespmem:v19+s17+$0x0], $0xffff;
	_ =	sdelay $0x2  }
0x6c0: {  	s29 =	sadd.s32 $0x1, s28;
	v1 =	vlaneseq.u32  }
0x6c1: {  	v25 =	vadd.s32 s29, v1  }
0x6c2: {  	v44 =	vand.u32 $0x3F, v25;
	[tilespmem:$0x1DF70] =	vst v0;
	v0 =	vld [tilespmem:$0x1E8F0]  }
0x6c3: {  	v17 =	vor.u32 v50, v44;
	_ =	sdelay $0x1  }
0x6c4: {  	v16 =	vadd.f32 v16, v11  }
0x6c5: {  	v9 =	vld [tilespmem:$0x1FF70]  }
0x6c6: {  	v11 =	vadd.f32 v16, v0;
	v0 =	vmov v26  }
0x6c7: {  	[tilespmem:$0x1E540] =	vst v0;
	v0 =	vld.idx.msk [tilespmem:v17+s17+$0x0], $0xffff;
	_ =	sdelay $0x2  }
0x6c8: {  	v24 =	vor.u32 v9, v43;
	_ =	sdelay $0x1  }
0x6c9: {  	s30 =	sadd.s32 $0x2, s28;
	[tilespmem:$0x1DF80] =	vst v0;
	v0 =	vmov v23  }
0x6ca: {  	v25 =	vadd.s32 s30, v1;
	[tilespmem:$0x1E560] =	vst v0;
	v0 =	vld [tilespmem:$0x1E8E0]  }
0x6cb: {  	v45 =	vand.u32 $0x3F, v25;
	v16 =	vadd.f32 v20, v27;
	v20 =	vadd.f32 v14, v22  }
0x6cc: {  	[tilespmem:$0x1E8F0] =	vst v11;
	v11 =	vld.idx.msk [tilespmem:v24+s17+$0x0], $0xffff;
	v24 =	vor.u32 v50, v45  }
0x6cd: {  	v20 =	vadd.f32 v20, v16  }
0x6ce: {  	s31 =	sadd.s32 $0x3, s28;
	v1 =	vlaneseq.u32  }
0x6cf: {  	v17 =	vadd.s32 s31, v1;
	v0 =	vadd.f32 v20, v0  }
0x6d0: {  	v47 =	vand.u32 $0x3F, v17  }
0x6d1: {  	v25 =	vor.u32 v50, v47;
	[tilespmem:$0x1E8E0] =	vst v0;
	v0 =	vld.idx.msk [tilespmem:v24+s17+$0x0], $0xffff;
	_ =	sdelay $0x4  }
0x6d2: {  	v24 =	vor.u32 v52, v47;
	[tilespmem:$0x1DF90] =	vst v0;
	v0 =	vld.idx.msk [tilespmem:v25+s17+$0x0], $0xffff;
	_ =	sdelay $0x4  }
0x6d3: {  	v28 =	vor.u32 v57, v44;
	[tilespmem:$0x1DFA0] =	vst v0;
	v0 =	vld.idx.msk [tilespmem:v24+s17+$0x0], $0xffff  }
0x6d4: {  	v31 =	vld [tilespmem:$0x1FF50];
	_ =	sdelay $0x3  }
0x6d5: {  	v25 =	vor.u32 v48, v44;
	[tilespmem:$0x1DFB0] =	vst v0;
	v0 =	vld.idx.msk [tilespmem:v28+s17+$0x0], $0xffff  }
0x6d6: {  	v18 =	vor.u32 v31, v43  }
0x6d7: {  	v15 =	vor.u32 v51, v44  }
0x6d8: {  	v19 =	vor.u32 v53, v44  }
0x6d9: {  	v20 =	vor.u32 v51, v47  }
0x6da: {  	v30 =	vor.u32 v41, v44;
	[tilespmem:$0x1DFC0] =	vst v0;
	v0 =	vld.idx.msk [tilespmem:v25+s17+$0x0], $0xffff  }
0x6db: {  	v7 =	vld.idx.msk [tilespmem:v18+s17+$0x0], $0xffff;
	v13 =	vmov v21  }
0x6dc: {  	v18 =	vor.u32 v52, v44;
	[tilespmem:$0x1E550] =	vst v13;
	v13 =	vld.idx.msk [tilespmem:v15+s17+$0x0], $0xffff  }
0x6dd: {  	v15 =	vld.idx.msk [tilespmem:v19+s17+$0x0], $0xffff;
	v23 =	vor.u32 v53, v45  }
0x6de: {  	v19 =	vld.idx.msk [tilespmem:v20+s17+$0x0], $0xffff;
	v20 =	vor.u32 v46, v44  }
0x6df: {  	v54 =	vor.u32 v58, v44;
	[tilespmem:$0x1DFD0] =	vst v0;
	v0 =	vld.idx.msk [tilespmem:v30+s17+$0x0], $0xffff;
	_ =	sdelay $0x1  }
0x6e0: {  	v56 =	vld.idx.msk [tilespmem:v18+s17+$0x0], $0xffff  }
0x6e1: {  	v18 =	vld.idx.msk [tilespmem:v23+s17+$0x0], $0xffff  }
0x6e2: {  	v23 =	vld.idx.msk [tilespmem:v20+s17+$0x0], $0xffff  }
0x6e3: {  	v20 =	vor.u32 v6, v44;
	[tilespmem:$0x1DFE0] =	vst v0;
	v0 =	vld.idx.msk [tilespmem:v54+s17+$0x0], $0xffff;
	_ =	sdelay $0x4  }
0x6e4: {  	v55 =	vor.u32 v8, v44;
	[tilespmem:$0x1DFF0] =	vst v0;
	v0 =	vld.idx.msk [tilespmem:v20+s17+$0x0], $0xffff;
	_ =	sdelay $0x4  }
0x6e5: {  	v62 =	vor.u32 v12, v44;
	[tilespmem:$0x1E000] =	vst v0;
	v0 =	vld.idx.msk [tilespmem:v55+s17+$0x0], $0xffff;
	_ =	sdelay $0x1  }
0x6e6: {  	v22 =	vor.u32 v51, v45  }
0x6e7: {  	v26 =	vor.u32 v53, v47  }
0x6e8: {  	v25 =	vor.u32 v39, v44  }
0x6e9: {  	v42 =	vor.u32 v38, v44;
	[tilespmem:$0x1E010] =	vst v0;
	v0 =	vld.idx.msk [tilespmem:v62+s17+$0x0], $0xffff;
	_ =	sdelay $0x1  }
0x6ea: {  	v16 =	vld.idx.msk [tilespmem:v22+s17+$0x0], $0xffff  }
0x6eb: {  	v22 =	vld.idx.msk [tilespmem:v26+s17+$0x0], $0xffff  }
0x6ec: {  	v26 =	vld.idx.msk [tilespmem:v25+s17+$0x0], $0xffff  }
0x6ed: {  	v25 =	vor.u32 v5, v44;
	[tilespmem:$0x1E020] =	vst v0;
	v0 =	vld.idx.msk [tilespmem:v42+s17+$0x0], $0xffff;
	_ =	sdelay $0x4  }
0x6ee: {  	v20 =	vor.u32 v31, v44;
	[tilespmem:$0x1E030] =	vst v0;
	v0 =	vld.idx.msk [tilespmem:v25+s17+$0x0], $0xffff;
	_ =	sdelay $0x4  }
0x6ef: {  	v49 =	vor.u32 v4, v44;
	[tilespmem:$0x1E040] =	vst v0;
	v0 =	vld.idx.msk [tilespmem:v20+s17+$0x0], $0xffff;
	_ =	sdelay $0x4  }
0x6f0: {  	v21 =	vor.u32 v52, v45;
	v52 =	vor.u32 v57, v45;
	[tilespmem:$0x1E050] =	vst v0;
	v0 =	vld.idx.msk [tilespmem:v49+s17+$0x0], $0xffff;
	_ =	sdelay $0x3  }
0x6f1: {  	v25 =	vor.u32 v60, v45  }
0x6f2: {  	v54 =	vor.u32 v41, v45;
	[tilespmem:$0x1E060] =	vst v0;
	v0 =	vld.idx.msk [tilespmem:v52+s17+$0x0], $0xffff;
	_ =	sdelay $0x3  }
0x6f3: {  	v20 =	vor.u32 v48, v45;
	v17 =	vld.idx.msk [tilespmem:v25+s17+$0x0], $0xffff  }
0x6f4: {  	v25 =	vor.u32 v58, v45;
	[tilespmem:$0x1E070] =	vst v0;
	v0 =	vld.idx.msk [tilespmem:v54+s17+$0x0], $0xffff;
	_ =	sdelay $0x1  }
0x6f5: {  	v29 =	vor.u32 v60, v44  }
0x6f6: {  	v53 =	vor.u32 v40, v44  }
0x6f7: {  	v55 =	vor.u32 v40, v45;
	v42 =	vld.idx.msk [tilespmem:v20+s17+$0x0], $0xffff  }
0x6f8: {  	v20 =	vor.u32 v39, v45;
	[tilespmem:$0x1E080] =	vst v0;
	v0 =	vld.idx.msk [tilespmem:v25+s17+$0x0], $0xffff  }
0x6f9: {  	v51 =	vld.idx.msk [tilespmem:v21+s17+$0x0], $0xffff;
	v62 =	vor.u32 v6, v45  }
0x6fa: {  	v21 =	vld.idx.msk [tilespmem:v29+s17+$0x0], $0xffff  }
0x6fb: {  	v24 =	vld.idx.msk [tilespmem:v53+s17+$0x0], $0xffff  }
0x6fc: {  	v29 =	vld.idx.msk [tilespmem:v55+s17+$0x0], $0xffff;
	v25 =	vor.u32 v38, v45  }
0x6fd: {  	v53 =	vor.u32 v46, v45;
	[tilespmem:$0x1E090] =	vst v0;
	v0 =	vld.idx.msk [tilespmem:v20+s17+$0x0], $0xffff  }
0x6fe: {  	v55 =	vld.idx.msk [tilespmem:v62+s17+$0x0], $0xffff;
	v62 =	vor.u32 v31, v45;
	_ =	sdelay $0x1  }
0x6ff: {  	v20 =	vor.u32 v5, v45  }
0x700: {  	v32 =	vld.idx.msk [tilespmem:v25+s17+$0x0], $0xffff;
	v25 =	vor.u32 v57, v47  }
0x701: {  	v28 =	vld.idx.msk [tilespmem:v53+s17+$0x0], $0xffff;
	[tilespmem:$0x1E0A0] =	vst v0;
	v0 =	vor.u32 v60, v47  }
0x702: {  	v33 =	vld.idx.msk [tilespmem:v62+s17+$0x0], $0xffff  }
0x703: {  	v62 =	vld [tilespmem:$0x1DED0]  }
0x704: {  	v53 =	vld.idx.msk [tilespmem:v20+s17+$0x0], $0xffff  }
0x705: {  	v20 =	vld.idx.msk [tilespmem:v25+s17+$0x0], $0xffff  }
0x706: {  	v25 =	vld.idx.msk [tilespmem:v0+s17+$0x0], $0xffff  }
0x707: {  	v0 =	vld [tilespmem:$0x1DEC0];
	_ =	sdelay $0x4  }
0x708: {  	v52 =	vadd.f32 v62, v0;
	v0 =	vld [tilespmem:$0x1DEE0]  }
0x709: {  	v49 =	vor.u32 v8, v45;
	_ =	sdelay $0x2  }
0x70a: {  	v37 =	vor.u32 v41, v47;
	v41 =	vld [tilespmem:$0x1DF00];
	v60 =	vor.u32 v48, v47  }
0x70b: {  	v59 =	vadd.f32 v59, v0;
	v0 =	vld [tilespmem:$0x1DEF0]  }
0x70c: {  	v30 =	vld.idx.msk [tilespmem:v49+s17+$0x0], $0xffff  }
0x70d: {  	v49 =	vor.u32 v4, v45;
	v48 =	vor.u32 v4, v47;
	v4 =	vld [tilespmem:$0x1DFA0]  }
0x70e: {  	v46 =	vor.u32 v46, v47  }
0x70f: {  	v57 =	vor.u32 v58, v47;
	v58 =	vld.idx.msk [tilespmem:v60+s17+$0x0], $0xffff  }
0x710: {  	v60 =	vadd.f32 v41, v0;
	v0 =	vld [tilespmem:$0x1DF10];
	_ =	sdelay $0x1  }
0x711: {  	v50 =	vor.u32 v9, v44;
	v19 =	vadd.f32 v19, v4;
	v4 =	vld [tilespmem:$0x1DFB0]  }
0x712: {  	v62 =	vld.idx.msk [tilespmem:v46+s17+$0x0], $0xffff  }
0x713: {  	v46 =	vor.u32 v6, v47;
	v6 =	vld [tilespmem:$0x1DF30]  }
0x714: {  	v63 =	vadd.f32 v63, v0;
	v0 =	vld [tilespmem:$0x1DF20];
	_ =	sdelay $0x1  }
0x715: {  	v27 =	vld.idx.msk [tilespmem:v50+s17+$0x0], $0xffff;
	v50 =	vor.u32 v12, v45;
	_ =	sdelay $0x1  }
0x716: {  	v22 =	vadd.f32 v22, v4;
	v4 =	vld [tilespmem:$0x1DFC0]  }
0x717: {  	v0 =	vadd.f32 v6, v0;
	v6 =	vld [tilespmem:$0x1DF40];
	_ =	sdelay $0x1  }
0x718: {  	v54 =	vld.idx.msk [tilespmem:v50+s17+$0x0], $0xffff;
	v50 =	vor.u32 v9, v45  }
0x719: {  	v36 =	vld.idx.msk [tilespmem:v49+s17+$0x0], $0xffff  }
0x71a: {  	v21 =	vadd.f32 v21, v4;
	v4 =	vld [tilespmem:$0x1DFD0]  }
0x71b: {  	v49 =	vadd.f32 v61, v6;
	v6 =	vld [tilespmem:$0x1DF50]  }
0x71c: {  	v1 =	vor.u32 v40, v47  }
0x71d: {  	v14 =	vld.idx.msk [tilespmem:v50+s17+$0x0], $0xffff;
	v50 =	vor.u32 v39, v47;
	_ =	sdelay $0x1  }
0x71e: {  	v23 =	vadd.f32 v23, v4;
	v4 =	vld [tilespmem:$0x1DFE0]  }
0x71f: {  	v2 =	vadd.f32 v2, v6;
	v6 =	vld [tilespmem:$0x1DF60]  }
0x720: {  	v3 =	vadd.f32 v10, v3;
	v10 =	vld.idx.msk [tilespmem:v1+s17+$0x0], $0xffff  }
0x721: {  	v1 =	vor.u32 v12, v47;
	v12 =	vld.idx.msk [tilespmem:v50+s17+$0x0], $0xffff  }
0x722: {  	v50 =	vor.u32 v5, v47;
	v5 =	vld [tilespmem:$0x1DF90]  }
0x723: {  	v24 =	vadd.f32 v24, v4;
	v4 =	vld [tilespmem:$0x1DFF0]  }
0x724: {  	v7 =	vadd.f32 v7, v6;
	v6 =	vld [tilespmem:$0x1DF70];
	_ =	sdelay $0x2  }
0x725: {  	v16 =	vadd.f32 v16, v5;
	v5 =	vld [tilespmem:$0x1E010]  }
0x726: {  	v26 =	vadd.f32 v26, v4;
	v4 =	vld [tilespmem:$0x1E000]  }
0x727: {  	v11 =	vadd.f32 v11, v6;
	v6 =	vld [tilespmem:$0x1DF80];
	_ =	sdelay $0x3  }
0x728: {  	v4 =	vadd.f32 v5, v4;
	v5 =	vld [tilespmem:$0x1E020]  }
0x729: {  	v13 =	vadd.f32 v13, v6;
	v6 =	vld [tilespmem:$0x1E030];
	_ =	sdelay $0x3  }
0x72a: {  	v40 =	vor.u32 v8, v47;
	v8 =	vld [tilespmem:$0x1E050];
	v41 =	vor.u32 v38, v47  }
0x72b: {  	v5 =	vadd.f32 v6, v5;
	v6 =	vld [tilespmem:$0x1E040]  }
0x72c: {  	v35 =	vld.idx.msk [tilespmem:v46+s17+$0x0], $0xffff;
	v46 =	vor.u32 v31, v47  }
0x72d: {  	v38 =	vld.idx.msk [tilespmem:v1+s17+$0x0], $0xffff;
	v1 =	vor.u32 v9, v47;
	_ =	sdelay $0x1  }
0x72e: {  	v39 =	vld.idx.msk [tilespmem:v41+s17+$0x0], $0xffff  }
0x72f: {  	v9 =	vadd.f32 v8, v6;
	v6 =	vld [tilespmem:$0x1E060]  }
0x730: {  	v41 =	vld.idx.msk [tilespmem:v46+s17+$0x0], $0xffff  }
0x731: {  	v46 =	vld.idx.msk [tilespmem:v1+s17+$0x0], $0xffff  }
0x732: {  	v1 =	vld [tilespmem:$0x1E0B0];
	_ =	sdelay $0x1  }
0x733: {  	v27 =	vadd.f32 v27, v6;
	v6 =	vld [tilespmem:$0x1E070];
	_ =	sdelay $0x3  }
0x734: {  	v28 =	vadd.f32 v28, v42;
	v42 =	vld.idx.msk [tilespmem:v48+s17+$0x0], $0xffff  }
0x735: {  	v17 =	vadd.f32 v17, v6;
	v6 =	vld [tilespmem:$0x1E080]  }
0x736: {  	v48 =	vld.idx.msk [tilespmem:v1+s17+$0x0], $0xffff  }
0x737: {  	v1 =	vld [tilespmem:$0x1E0C0]  }
0x738: {  	v15 =	vadd.f32 v15, v56;
	v56 =	vld [tilespmem:$0x1FD60]  }
0x739: {  	v8 =	vld [tilespmem:$0x1E0A0]  }
0x73a: {  	p0 =	sne.s32 s28, $0x3C;
	v29 =	vadd.f32 v29, v6;
	v6 =	vld [tilespmem:$0x1E090]  }
.Ltmp2:
0x73b: {  	v34 =	vld.idx.msk [tilespmem:v57+s17+$0x0], $0xffff;
	(pc) =	sbr.rel @p0 .LBB2_7-.Ltmp2, $4  }
0x73c: {  	v61 =	vld.idx.msk [tilespmem:v37+s17+$0x0], $0xffff  }
0x73d: {  	v18 =	vadd.f32 v18, v51;
	v30 =	vadd.f32 v30, v55;
	v37 =	vld.idx.msk [tilespmem:v40+s17+$0x0], $0xffff  }
0x73e: {  	v36 =	vadd.f32 v14, v36;
	v32 =	vadd.f32 v32, v54;
	v40 =	vld.idx.msk [tilespmem:v50+s17+$0x0], $0xffff  }
0x73f: {  	s28 =	sadd.s32 $0x4, s28;
	v33 =	vadd.f32 v33, v53;
	v14 =	vld.idx.msk [tilespmem:v1+s17+$0x0], $0xffff;
	v31 =	vadd.f32 v8, v6  }
0x740: {  	v1 =	vadd.f32 v25, v20  }
0x741: {  	v6 =	vadd.f32 v62, v58;
	v12 =	vadd.f32 v12, v34  }
0x742: {  	v20 =	vadd.f32 v39, v38;
	v0 =	vadd.f32 v49, v0  }
0x743: {  	v2 =	vadd.f32 v3, v2;
	v3 =	vadd.f32 v11, v7  }
0x744: {  	v7 =	vadd.f32 v15, v13;
	v11 =	vadd.f32 v18, v16  }
0x745: {  	v13 =	vadd.f32 v22, v19;
	v16 =	vadd.f32 v23, v21  }
0x746: {  	v18 =	vadd.f32 v26, v24;
	v4 =	vadd.f32 v5, v4  }
0x747: {  	v15 =	vor.u32 v56, v43;
	v5 =	vadd.f32 v27, v9;
	v17 =	vadd.f32 v28, v17  }
0x748: {  	v9 =	vor.u32 v56, v44;
	v23 =	vadd.f32 v32, v30;
	v10 =	vadd.f32 v10, v61  }
0x749: {  	v21 =	vor.u32 v56, v45;
	v19 =	vadd.f32 v31, v29;
	v24 =	vadd.f32 v36, v33  }
0x74a: {  	v22 =	vld [tilespmem:$0x1E520];
	v26 =	vor.u32 v56, v47;
	v8 =	vadd.f32 v37, v35;
	v1 =	vadd.f32 v6, v1  }
0x74b: {  	v27 =	vld [tilespmem:$0x1E510];
	v2 =	vadd.f32 v3, v2;
	v16 =	vadd.f32 v18, v16  }
0x74c: {  	v4 =	vadd.f32 v5, v4;
	v6 =	vadd.f32 v12, v10;
	v10 =	vld.idx.msk [tilespmem:v15+s16+$0x0], $0xffff  }
0x74d: {  	v25 =	vadd.f32 v41, v40;
	v40 =	vadd.f32 v46, v42;
	v3 =	vld.idx.msk [tilespmem:v9+s16+$0x0], $0xffff  }
0x74e: {  	v41 =	vadd.f32 v63, v60;
	v17 =	vadd.f32 v19, v17;
	v5 =	vld.idx.msk [tilespmem:v21+s16+$0x0], $0xffff  }
0x74f: {  	v12 =	vadd.f32 v20, v8;
	v8 =	vadd.f32 v40, v25;
	v19 =	vld.idx.msk [tilespmem:v26+s16+$0x0], $0xffff  }
0x750: {  	v18 =	vadd.f32 v24, v23;
	v0 =	vadd.f32 v0, v41;
	v9 =	vld.idx.msk [tilespmem:v9+s17+$0x0], $0xffff  }
0x751: {  	v1 =	vadd.f32 v6, v1;
	v6 =	vadd.f32 v8, v12;
	v8 =	vld [tilespmem:$0x1E540]  }
0x752: {  	v0 =	vadd.f32 v2, v0;
	v2 =	vadd.f32 v4, v16;
	v4 =	vld.idx.msk [tilespmem:v21+s17+$0x0], $0xffff  }
0x753: {  	v27 =	vld.idx.msk [tilespmem:v27+s17+$0x0], $0xffff  }
0x754: {  	v12 =	vadd.f32 v18, v17;
	v1 =	vadd.f32 v6, v1;
	v6 =	vld.idx.msk [tilespmem:v26+s17+$0x0], $0xffff  }
0x755: {  	v2 =	vadd.f32 v7, v2;
	v7 =	vld.idx.msk [tilespmem:v15+s17+$0x0], $0xffff  }
0x756: {  	v11 =	vadd.f32 v11, v12;
	v12 =	vmul.f32 v48, v8;
	v8 =	vld [tilespmem:$0x1E530]  }
0x757: {  	v42 =	vadd.f32 v59, v52;
	_ =	sdelay $0x1  }
0x758: {  	v22 =	vld.idx.msk [tilespmem:v22+s17+$0x0], $0xffff;
	v0 =	vadd.f32 v42, v0;
	v2 =	vmul.f32 v2, v3;
	v3 =	vmul.f32 v9, v3  }
0x759: {  	v1 =	vadd.f32 v13, v1;
	v13 =	vld [tilespmem:$0x1E560];
	v4 =	vmul.f32 v4, v5;
	v6 =	vmul.f32 v6, v19  }
0x75a: {  	v7 =	vmul.f32 v7, v10;
	v15 =	vmul.f32 v27, v8;
	v8 =	vld [tilespmem:$0x1E550]  }
0x75b: {  	v0 =	vmul.f32 v0, v10;
	v5 =	vmul.f32 v11, v5  }
0x75c: {  	v1 =	vmul.f32 v1, v19;
	v3 =	vadd.f32 v3, v7;
	v4 =	vadd.f32 v6, v4  }
0x75d: {  	v0 =	vadd.f32 v2, v0  }
0x75e: {  	v1 =	vadd.f32 v1, v5;
	v3 =	vadd.f32 v4, v3;
	v4 =	vld [tilespmem:$0x1E8F0]  }
0x75f: {  	v36 =	vld [tilespmem:$0x1FFD0];
	v13 =	vmul.f32 v22, v13;
	v8 =	vmul.f32 v14, v8  }
0x760: {  	v5 =	vld [tilespmem:$0x1E8E0];
	v0 =	vadd.f32 v1, v0  }
0x761: {  	v12 =	vadd.f32 v12, v15;
	v8 =	vadd.f32 v13, v8  }
0x762: {  	s28 =	simm.s32 $0x0;
	v7 =	vlaneseq.u32  }
0x763: {  	v2 =	vadd.s32 s28, v7;
	v0 =	vadd.f32 v0, v4;
	v8 =	vadd.f32 v8, v12  }
0x764: {  	v10 =	vld [tilespmem:$0x1FE60];
	v46 =	vand.u32 $0x3F, v2  }
0x765: {  	v39 =	vld [tilespmem:$0x1FD90];
	[tilespmem:s26+$0x18E00] =	vst v0;
	v0 =	vor.u32 v36, v46;
	v5 =	vadd.f32 v8, v5;
	_ =	sdelay $0x1  }
0x766: {  	v2 =	vadd.f32 v3, v5;
	_ =	sdelay $0x1  }
0x767: {  	v41 =	vld [tilespmem:$0x1FDA0];
	v4 =	vor.u32 v10, v46;
	[tilespmem:s26+$0x18C00] =	vst v2  }
0x768: {  	v40 =	vld.idx.msk [tilespmem:v0+s17+$0x0], $0xffff;
	v0 =	vor.u32 v39, v46;
	_ =	sdelay $0x2  }
0x769: {  	v23 =	vld [tilespmem:$0x1FDE0]  }
0x76a: {  	v37 =	vld.idx.msk [tilespmem:v4+s17+$0x0], $0xffff  }
0x76b: {  	v4 =	vor.u32 v41, v46;
	v0 =	vld.idx.msk [tilespmem:v0+s17+$0x0], $0xffff;
	_ =	sdelay $0x3  }
0x76c: {  	v16 =	vld [tilespmem:$0x1FDF0]  }
0x76d: {  	v4 =	vld.idx.msk [tilespmem:v4+s17+$0x0], $0xffff;
	[tilespmem:$0x1D640] =	vst v0;
	v0 =	vor.u32 v23, v46;
	_ =	sdelay $0x2  }
0x76e: {  	v42 =	vld [tilespmem:$0x1FFE0];
	_ =	sdelay $0x1  }
0x76f: {  	[tilespmem:$0x1D650] =	vst v4;
	v4 =	vor.u32 v16, v46;
	v0 =	vld.idx.msk [tilespmem:v0+s17+$0x0], $0xffff;
	_ =	sdelay $0x2  }
0x770: {  	v5 =	vor.u32 v42, v46  }
0x771: {  	v8 =	vld [tilespmem:$0x1FE40]  }
0x772: {  	[tilespmem:$0x1D690] =	vst v0;
	v0 =	vld.idx.msk [tilespmem:v4+s17+$0x0], $0xffff;
	_ =	sdelay $0x1  }
0x773: {  	s28 =	simm.s32 $0x1  }
0x774: {  	v61 =	vld.idx.msk [tilespmem:v5+s17+$0x0], $0xffff;
	v5 =	vadd.s32 s28, v7  }
0x775: {  	v49 =	vand.u32 $0x3F, v5  }
0x776: {  	[tilespmem:$0x1D6A0] =	vst v0;
	v0 =	vor.u32 v8, v49;
	_ =	sdelay $0x3  }
0x777: {  	v9 =	vld [tilespmem:$0x1FE50]  }
0x778: {  	v0 =	vld.idx.msk [tilespmem:v0+s17+$0x0], $0xffff;
	_ =	sdelay $0x1  }
0x779: {  	s28 =	simm.s32 $0x2  }
0x77a: {  	v4 =	vadd.s32 s28, v7  }
0x77b: {  	v50 =	vand.u32 $0x3F, v4  }
0x77c: {  	[tilespmem:$0x1D6F0] =	vst v0;
	v0 =	vor.u32 v9, v50;
	_ =	sdelay $0x4  }
0x77d: {  	v0 =	vld.idx.msk [tilespmem:v0+s17+$0x0], $0xffff;
	_ =	sdelay $0x1  }
0x77e: {  	s28 =	simm.s32 $0x3  }
0x77f: {  	v5 =	vadd.s32 s28, v7  }
0x780: {  	v51 =	vand.u32 $0x3F, v5  }
0x781: {  	[tilespmem:$0x1D740] =	vst v0;
	v0 =	vor.u32 v10, v51;
	_ =	sdelay $0x3  }
0x782: {  	v38 =	vld [tilespmem:$0x1FD80]  }
0x783: {  	v0 =	vld.idx.msk [tilespmem:v0+s17+$0x0], $0xffff;
	_ =	sdelay $0x4  }
0x784: {  	[tilespmem:$0x1D790] =	vst v0;
	v0 =	vor.u32 v38, v49;
	_ =	sdelay $0x3  }
0x785: {  	v55 =	vld [tilespmem:$0x1FDD0]  }
0x786: {  	v0 =	vld.idx.msk [tilespmem:v0+s17+$0x0], $0xffff;
	_ =	sdelay $0x4  }
0x787: {  	[tilespmem:$0x1D7F0] =	vst v0;
	v0 =	vor.u32 v55, v49;
	_ =	sdelay $0x3  }
0x788: {  	v13 =	vld [tilespmem:$0x1FE20]  }
0x789: {  	v0 =	vld.idx.msk [tilespmem:v0+s17+$0x0], $0xffff;
	_ =	sdelay $0x4  }
0x78a: {  	[tilespmem:$0x1D840] =	vst v0;
	v0 =	vor.u32 v13, v49;
	_ =	sdelay $0x2  }
0x78b: {  	v33 =	vld [tilespmem:$0x1FD70]  }
0x78c: {  	v17 =	vld [tilespmem:$0x1FFF0];
	v1 =	vor.u32 v8, v46  }
0x78d: {  	v0 =	vld.idx.msk [tilespmem:v0+s17+$0x0], $0xffff;
	_ =	sdelay $0x3  }
0x78e: {  	v34 =	vld.idx.msk [tilespmem:v1+s17+$0x0], $0xffff;
	v1 =	vor.u32 v17, v46  }
0x78f: {  	[tilespmem:$0x1D890] =	vst v0;
	v0 =	vor.u32 v33, v50;
	_ =	sdelay $0x1  }
0x790: {  	v54 =	vld [tilespmem:$0x1FDC0]  }
0x791: {  	v48 =	vld [tilespmem:$0x1FDB0]  }
0x792: {  	v1 =	vld.idx.msk [tilespmem:v1+s17+$0x0], $0xffff  }
0x793: {  	v0 =	vld.idx.msk [tilespmem:v0+s17+$0x0], $0xffff;
	_ =	sdelay $0x3  }
0x794: {  	[tilespmem:$0x1D610] =	vst v1;
	v1 =	vor.u32 v48, v46  }
0x795: {  	[tilespmem:$0x1D8D0] =	vst v0;
	v0 =	vor.u32 v54, v50;
	_ =	sdelay $0x1  }
0x796: {  	v15 =	vld [tilespmem:$0x1FE00]  }
0x797: {  	v14 =	vld [tilespmem:$0x1FE10]  }
0x798: {  	v1 =	vld.idx.msk [tilespmem:v1+s17+$0x0], $0xffff  }
0x799: {  	v0 =	vld.idx.msk [tilespmem:v0+s17+$0x0], $0xffff;
	_ =	sdelay $0x3  }
0x79a: {  	[tilespmem:$0x1D660] =	vst v1;
	v1 =	vor.u32 v15, v46  }
0x79b: {  	[tilespmem:$0x1D920] =	vst v0;
	v0 =	vor.u32 v14, v50;
	_ =	sdelay $0x3  }
0x79c: {  	v1 =	vld.idx.msk [tilespmem:v1+s17+$0x0], $0xffff  }
0x79d: {  	v0 =	vld.idx.msk [tilespmem:v0+s17+$0x0], $0xffff;
	_ =	sdelay $0x3  }
0x79e: {  	[tilespmem:$0x1D6B0] =	vst v1;
	v1 =	vor.u32 v9, v49  }
0x79f: {  	[tilespmem:$0x1D970] =	vst v0;
	v0 =	vor.u32 v17, v51;
	_ =	sdelay $0x3  }
0x7a0: {  	v1 =	vld.idx.msk [tilespmem:v1+s17+$0x0], $0xffff  }
0x7a1: {  	v0 =	vld.idx.msk [tilespmem:v0+s17+$0x0], $0xffff;
	_ =	sdelay $0x3  }
0x7a2: {  	[tilespmem:$0x1D700] =	vst v1;
	v1 =	vor.u32 v10, v50  }
0x7a3: {  	[tilespmem:$0x1D9B0] =	vst v0;
	v0 =	vor.u32 v48, v51  }
0x7a4: {  	v21 =	vor.u32 v54, v51;
	_ =	sdelay $0x1  }
0x7a5: {  	v11 =	vld [tilespmem:$0x1FE70]  }
0x7a6: {  	v1 =	vld.idx.msk [tilespmem:v1+s17+$0x0], $0xffff  }
0x7a7: {  	v59 =	vld.idx.msk [tilespmem:v0+s17+$0x0], $0xffff  }
0x7a8: {  	v25 =	vor.u32 v15, v51;
	v0 =	vld.idx.msk [tilespmem:v21+s17+$0x0], $0xffff;
	_ =	sdelay $0x2  }
0x7a9: {  	[tilespmem:$0x1D750] =	vst v1;
	v1 =	vor.u32 v11, v51  }
0x7aa: {  	v12 =	vld [tilespmem:$0x1FE30]  }
0x7ab: {  	v27 =	vor.u32 v13, v51;
	[tilespmem:$0x1D9E0] =	vst v0;
	v0 =	vld.idx.msk [tilespmem:v25+s17+$0x0], $0xffff;
	_ =	sdelay $0x1  }
0x7ac: {  	v22 =	vor.u32 v55, v51  }
0x7ad: {  	v5 =	vor.u32 v36, v49;
	v1 =	vld.idx.msk [tilespmem:v1+s17+$0x0], $0xffff;
	_ =	sdelay $0x1  }
0x7ae: {  	v28 =	vor.u32 v12, v51;
	[tilespmem:$0x1D9F0] =	vst v0;
	v0 =	vld.idx.msk [tilespmem:v27+s17+$0x0], $0xffff;
	_ =	sdelay $0x1  }
0x7af: {  	s28 =	simm.s32 $0x4;
	v57 =	vld.idx.msk [tilespmem:v22+s17+$0x0], $0xffff  }
0x7b0: {  	v22 =	vadd.s32 s28, v7;
	[tilespmem:$0x1D7A0] =	vst v1;
	v1 =	vld.idx.msk [tilespmem:v5+s17+$0x0], $0xffff  }
0x7b1: {  	v43 =	vand.u32 $0x3F, v22  }
0x7b2: {  	v29 =	vor.u32 v8, v43;
	[tilespmem:$0x1DA00] =	vst v0;
	v0 =	vld.idx.msk [tilespmem:v28+s17+$0x0], $0xffff;
	_ =	sdelay $0x2  }
0x7b3: {  	[tilespmem:$0x1D7B0] =	vst v1;
	v1 =	vor.u32 v39, v49;
	_ =	sdelay $0x1  }
0x7b4: {  	v30 =	vor.u32 v9, v43;
	[tilespmem:$0x1DA10] =	vst v0;
	v0 =	vld.idx.msk [tilespmem:v29+s17+$0x0], $0xffff;
	_ =	sdelay $0x1  }
0x7b5: {  	v2 =	vor.u32 v11, v46  }
0x7b6: {  	v1 =	vld.idx.msk [tilespmem:v1+s17+$0x0], $0xffff;
	_ =	sdelay $0x1  }
0x7b7: {  	v31 =	vor.u32 v10, v43;
	[tilespmem:$0x1DAF0] =	vst v0;
	v0 =	vld.idx.msk [tilespmem:v30+s17+$0x0], $0xffff;
	_ =	sdelay $0x1  }
0x7b8: {  	v53 =	vld.idx.msk [tilespmem:v2+s17+$0x0], $0xffff;
	v2 =	vor.u32 v38, v46  }
0x7b9: {  	[tilespmem:$0x1D800] =	vst v1;
	v1 =	vor.u32 v23, v49;
	_ =	sdelay $0x1  }
0x7ba: {  	v27 =	vor.u32 v11, v43;
	[tilespmem:$0x1DB00] =	vst v0;
	v0 =	vld.idx.msk [tilespmem:v31+s17+$0x0], $0xffff;
	_ =	sdelay $0x1  }
0x7bb: {  	v2 =	vld.idx.msk [tilespmem:v2+s17+$0x0], $0xffff  }
0x7bc: {  	v1 =	vld.idx.msk [tilespmem:v1+s17+$0x0], $0xffff;
	_ =	sdelay $0x1  }
0x7bd: {  	v28 =	vor.u32 v36, v43;
	[tilespmem:$0x1DB10] =	vst v0;
	v0 =	vld.idx.msk [tilespmem:v27+s17+$0x0], $0xffff;
	_ =	sdelay $0x1  }
0x7be: {  	[tilespmem:$0x1D630] =	vst v2;
	v2 =	vor.u32 v55, v46  }
0x7bf: {  	[tilespmem:$0x1D850] =	vst v1;
	v1 =	vor.u32 v12, v49;
	_ =	sdelay $0x1  }
0x7c0: {  	v29 =	vor.u32 v42, v43;
	[tilespmem:$0x1DB20] =	vst v0;
	v0 =	vld.idx.msk [tilespmem:v28+s17+$0x0], $0xffff;
	_ =	sdelay $0x1  }
0x7c1: {  	v2 =	vld.idx.msk [tilespmem:v2+s17+$0x0], $0xffff  }
0x7c2: {  	v5 =	vld.idx.msk [tilespmem:v1+s17+$0x0], $0xffff;
	v1 =	vor.u32 v38, v50;
	_ =	sdelay $0x1  }
0x7c3: {  	v30 =	vor.u32 v17, v43;
	[tilespmem:$0x1DB30] =	vst v0;
	v0 =	vld.idx.msk [tilespmem:v29+s17+$0x0], $0xffff;
	_ =	sdelay $0x2  }
0x7c4: {  	[tilespmem:$0x1D680] =	vst v2;
	v2 =	vor.u32 v13, v46;
	v1 =	vld.idx.msk [tilespmem:v1+s17+$0x0], $0xffff;
	_ =	sdelay $0x1  }
0x7c5: {  	v31 =	vor.u32 v33, v43;
	[tilespmem:$0x1DB40] =	vst v0;
	v0 =	vld.idx.msk [tilespmem:v30+s17+$0x0], $0xffff;
	_ =	sdelay $0x2  }
0x7c6: {  	v2 =	vld.idx.msk [tilespmem:v2+s17+$0x0], $0xffff;
	[tilespmem:$0x1D8E0] =	vst v1;
	v1 =	vor.u32 v55, v50;
	_ =	sdelay $0x1  }
0x7c7: {  	v27 =	vor.u32 v38, v43;
	[tilespmem:$0x1DB50] =	vst v0;
	v0 =	vld.idx.msk [tilespmem:v31+s17+$0x0], $0xffff;
	_ =	sdelay $0x2  }
0x7c8: {  	[tilespmem:$0x1D6D0] =	vst v2;
	v2 =	vor.u32 v11, v49;
	v1 =	vld.idx.msk [tilespmem:v1+s17+$0x0], $0xffff;
	_ =	sdelay $0x1  }
0x7c9: {  	v28 =	vor.u32 v39, v43;
	[tilespmem:$0x1DB60] =	vst v0;
	v0 =	vld.idx.msk [tilespmem:v27+s17+$0x0], $0xffff;
	_ =	sdelay $0x2  }
0x7ca: {  	v2 =	vld.idx.msk [tilespmem:v2+s17+$0x0], $0xffff;
	[tilespmem:$0x1D930] =	vst v1;
	v1 =	vor.u32 v13, v50;
	_ =	sdelay $0x1  }
0x7cb: {  	v29 =	vor.u32 v41, v43;
	[tilespmem:$0x1DB70] =	vst v0;
	v0 =	vld.idx.msk [tilespmem:v28+s17+$0x0], $0xffff;
	_ =	sdelay $0x1  }
0x7cc: {  	v3 =	vor.u32 v9, v46  }
0x7cd: {  	[tilespmem:$0x1D720] =	vst v2;
	v2 =	vor.u32 v8, v51;
	v1 =	vld.idx.msk [tilespmem:v1+s17+$0x0], $0xffff;
	_ =	sdelay $0x1  }
0x7ce: {  	v30 =	vor.u32 v48, v43;
	[tilespmem:$0x1DB80] =	vst v0;
	v0 =	vld.idx.msk [tilespmem:v29+s17+$0x0], $0xffff;
	_ =	sdelay $0x1  }
0x7cf: {  	v35 =	vld.idx.msk [tilespmem:v3+s17+$0x0], $0xffff;
	v3 =	vor.u32 v33, v46  }
0x7d0: {  	v2 =	vld.idx.msk [tilespmem:v2+s17+$0x0], $0xffff;
	[tilespmem:$0x1D980] =	vst v1;
	v1 =	vor.u32 v33, v51  }
0x7d1: {  	v18 =	vor.u32 v38, v51  }
0x7d2: {  	v31 =	vor.u32 v54, v43;
	[tilespmem:$0x1DB90] =	vst v0;
	v0 =	vld.idx.msk [tilespmem:v30+s17+$0x0], $0xffff;
	_ =	sdelay $0x1  }
0x7d3: {  	v3 =	vld.idx.msk [tilespmem:v3+s17+$0x0], $0xffff  }
0x7d4: {  	[tilespmem:$0x1D770] =	vst v2;
	v2 =	vor.u32 v17, v49;
	v63 =	vld.idx.msk [tilespmem:v1+s17+$0x0], $0xffff  }
0x7d5: {  	v1 =	vld.idx.msk [tilespmem:v18+s17+$0x0], $0xffff  }
0x7d6: {  	v27 =	vor.u32 v55, v43;
	[tilespmem:$0x1DBA0] =	vst v0;
	v0 =	vld.idx.msk [tilespmem:v31+s17+$0x0], $0xffff;
	_ =	sdelay $0x2  }
0x7d7: {  	[tilespmem:$0x1D620] =	vst v3;
	v3 =	vor.u32 v54, v46;
	v2 =	vld.idx.msk [tilespmem:v2+s17+$0x0], $0xffff  }
0x7d8: {  	v6 =	vor.u32 v12, v46;
	[tilespmem:$0x1D9C0] =	vst v1;
	v1 =	vmov v23  }
0x7d9: {  	v28 =	vor.u32 v1, v43;
	[tilespmem:$0x1DBB0] =	vst v0;
	v0 =	vld.idx.msk [tilespmem:v27+s17+$0x0], $0xffff;
	_ =	sdelay $0x2  }
0x7da: {  	v3 =	vld.idx.msk [tilespmem:v3+s17+$0x0], $0xffff;
	[tilespmem:$0x1D7D0] =	vst v2;
	v2 =	vor.u32 v48, v49  }
0x7db: {  	v4 =	vld.idx.msk [tilespmem:v6+s17+$0x0], $0xffff;
	v6 =	vmov v16  }
0x7dc: {  	v29 =	vor.u32 v6, v43;
	[tilespmem:$0x1DBC0] =	vst v0;
	v0 =	vld.idx.msk [tilespmem:v28+s17+$0x0], $0xffff;
	_ =	sdelay $0x2  }
0x7dd: {  	[tilespmem:$0x1D670] =	vst v3;
	v3 =	vor.u32 v14, v46;
	v2 =	vld.idx.msk [tilespmem:v2+s17+$0x0], $0xffff;
	_ =	sdelay $0x1  }
0x7de: {  	v30 =	vor.u32 v15, v43;
	[tilespmem:$0x1DBD0] =	vst v0;
	v0 =	vld.idx.msk [tilespmem:v29+s17+$0x0], $0xffff;
	_ =	sdelay $0x2  }
0x7df: {  	v3 =	vld.idx.msk [tilespmem:v3+s17+$0x0], $0xffff;
	[tilespmem:$0x1D820] =	vst v2;
	v2 =	vor.u32 v15, v49;
	_ =	sdelay $0x1  }
0x7e0: {  	v31 =	vor.u32 v14, v43;
	[tilespmem:$0x1DBE0] =	vst v0;
	v0 =	vld.idx.msk [tilespmem:v30+s17+$0x0], $0xffff;
	_ =	sdelay $0x2  }
0x7e1: {  	[tilespmem:$0x1D6C0] =	vst v3;
	v3 =	vor.u32 v10, v49;
	v2 =	vld.idx.msk [tilespmem:v2+s17+$0x0], $0xffff;
	_ =	sdelay $0x1  }
0x7e2: {  	v27 =	vor.u32 v13, v43;
	[tilespmem:$0x1DBF0] =	vst v0;
	v0 =	vld.idx.msk [tilespmem:v31+s17+$0x0], $0xffff;
	_ =	sdelay $0x2  }
0x7e3: {  	v3 =	vld.idx.msk [tilespmem:v3+s17+$0x0], $0xffff;
	[tilespmem:$0x1D870] =	vst v2;
	v2 =	vor.u32 v42, v50;
	_ =	sdelay $0x1  }
0x7e4: {  	v28 =	vor.u32 v12, v43;
	[tilespmem:$0x1DC00] =	vst v0;
	v0 =	vld.idx.msk [tilespmem:v27+s17+$0x0], $0xffff;
	_ =	sdelay $0x1  }
0x7e5: {  	s28 =	simm.s32 $0x5  }
0x7e6: {  	v44 =	vadd.s32 s28, v7;
	[tilespmem:$0x1D710] =	vst v3;
	v3 =	vor.u32 v11, v50;
	v2 =	vld.idx.msk [tilespmem:v2+s17+$0x0], $0xffff  }
0x7e7: {  	v44 =	vand.u32 $0x3F, v44  }
0x7e8: {  	v29 =	vor.u32 v8, v44;
	[tilespmem:$0x1DC10] =	vst v0;
	v0 =	vld.idx.msk [tilespmem:v28+s17+$0x0], $0xffff;
	_ =	sdelay $0x2  }
0x7e9: {  	v3 =	vld.idx.msk [tilespmem:v3+s17+$0x0], $0xffff;
	[tilespmem:$0x1D8B0] =	vst v2;
	v2 =	vor.u32 v41, v50;
	_ =	sdelay $0x1  }
0x7ea: {  	v30 =	vor.u32 v9, v44;
	[tilespmem:$0x1DC20] =	vst v0;
	v0 =	vld.idx.msk [tilespmem:v29+s17+$0x0], $0xffff;
	_ =	sdelay $0x2  }
0x7eb: {  	[tilespmem:$0x1D760] =	vst v3;
	v3 =	vor.u32 v42, v49;
	v2 =	vld.idx.msk [tilespmem:v2+s17+$0x0], $0xffff;
	_ =	sdelay $0x1  }
0x7ec: {  	v31 =	vor.u32 v10, v44;
	[tilespmem:$0x1DC30] =	vst v0;
	v0 =	vld.idx.msk [tilespmem:v30+s17+$0x0], $0xffff;
	_ =	sdelay $0x2  }
0x7ed: {  	v3 =	vld.idx.msk [tilespmem:v3+s17+$0x0], $0xffff;
	[tilespmem:$0x1D900] =	vst v2;
	v2 =	vor.u32 v16, v50;
	_ =	sdelay $0x1  }
0x7ee: {  	v27 =	vor.u32 v11, v44;
	[tilespmem:$0x1DC40] =	vst v0;
	v0 =	vld.idx.msk [tilespmem:v31+s17+$0x0], $0xffff;
	_ =	sdelay $0x1  }
0x7ef: {  	s28 =	simm.s32 $0x6  }
0x7f0: {  	v45 =	vadd.s32 s28, v7;
	[tilespmem:$0x1D7C0] =	vst v3;
	v3 =	vor.u32 v41, v49;
	v2 =	vld.idx.msk [tilespmem:v2+s17+$0x0], $0xffff  }
0x7f1: {  	v45 =	vand.u32 $0x3F, v45  }
0x7f2: {  	v28 =	vor.u32 v8, v45;
	[tilespmem:$0x1DC50] =	vst v0;
	v0 =	vld.idx.msk [tilespmem:v27+s17+$0x0], $0xffff;
	_ =	sdelay $0x2  }
0x7f3: {  	v3 =	vld.idx.msk [tilespmem:v3+s17+$0x0], $0xffff;
	[tilespmem:$0x1D950] =	vst v2;
	v2 =	vor.u32 v36, v51;
	_ =	sdelay $0x1  }
0x7f4: {  	v29 =	vor.u32 v9, v45;
	[tilespmem:$0x1DC60] =	vst v0;
	v0 =	vld.idx.msk [tilespmem:v28+s17+$0x0], $0xffff;
	_ =	sdelay $0x2  }
0x7f5: {  	[tilespmem:$0x1D810] =	vst v3;
	v3 =	vor.u32 v16, v49;
	v16 =	vor.u32 v42, v51;
	v2 =	vld.idx.msk [tilespmem:v2+s17+$0x0], $0xffff;
	_ =	sdelay $0x1  }
0x7f6: {  	[tilespmem:$0x1DC70] =	vst v0;
	v0 =	vld.idx.msk [tilespmem:v29+s17+$0x0], $0xffff;
	_ =	sdelay $0x2  }
0x7f7: {  	v20 =	vor.u32 v41, v51;
	[tilespmem:$0x1D990] =	vst v2;
	v2 =	vld.idx.msk [tilespmem:v16+s17+$0x0], $0xffff  }
0x7f8: {  	v30 =	vor.u32 v10, v45  }
0x7f9: {  	[tilespmem:$0x1DC80] =	vst v0;
	v0 =	vadd.f32 v35, v34;
	_ =	sdelay $0x1  }
0x7fa: {  	[tilespmem:$0x1DA20] =	vst v0;
	v0 =	vadd.f32 v53, v37  }
0x7fb: {  	[tilespmem:$0x1D9A0] =	vst v2;
	v2 =	vld.idx.msk [tilespmem:v20+s17+$0x0], $0xffff  }
0x7fc: {  	[tilespmem:$0x1DA30] =	vst v0;
	v0 =	vld.idx.msk [tilespmem:v30+s17+$0x0], $0xffff;
	_ =	sdelay $0x3  }
0x7fd: {  	v26 =	vor.u32 v14, v51;
	[tilespmem:$0x1D9D0] =	vst v2;
	v2 =	vmov v1;
	v1 =	vld [tilespmem:$0x1D620]  }
0x7fe: {  	v31 =	vor.u32 v11, v45;
	[tilespmem:$0x1DC90] =	vst v0;
	v0 =	vld [tilespmem:$0x1D610];
	_ =	sdelay $0x3  }
0x7ff: {  	v58 =	vld.idx.msk [tilespmem:v26+s17+$0x0], $0xffff  }
0x800: {  	v26 =	vadd.f32 v1, v0;
	v0 =	vld.idx.msk [tilespmem:v31+s17+$0x0], $0xffff;
	_ =	sdelay $0x3  }
0x801: {  	v1 =	vld [tilespmem:$0x1D640]  }
0x802: {  	[tilespmem:$0x1DCA0] =	vst v0;
	v0 =	vld [tilespmem:$0x1D630];
	_ =	sdelay $0x3  }
0x803: {  	s28 =	simm.s32 $0x7  }
0x804: {  	v47 =	vadd.s32 s28, v7;
	v0 =	vadd.f32 v1, v0  }
0x805: {  	v47 =	vand.u32 $0x3F, v47;
	v1 =	vld [tilespmem:$0x1D660]  }
0x806: {  	v27 =	vor.u32 v8, v47;
	[tilespmem:$0x1DA40] =	vst v0;
	v0 =	vld [tilespmem:$0x1D650];
	_ =	sdelay $0x4  }
0x807: {  	v34 =	vadd.f32 v1, v0;
	v0 =	vld.idx.msk [tilespmem:v27+s17+$0x0], $0xffff;
	_ =	sdelay $0x3  }
0x808: {  	v1 =	vld [tilespmem:$0x1D680]  }
0x809: {  	[tilespmem:$0x1DCB0] =	vst v0;
	v0 =	vld [tilespmem:$0x1D670];
	_ =	sdelay $0x4  }
0x80a: {  	v0 =	vadd.f32 v1, v0  }
0x80b: {  	v1 =	vld [tilespmem:$0x1D6A0]  }
0x80c: {  	v28 =	vor.u32 v9, v47;
	[tilespmem:$0x1DA50] =	vst v0;
	v0 =	vld [tilespmem:$0x1D690];
	_ =	sdelay $0x4  }
0x80d: {  	v35 =	vadd.f32 v1, v0;
	v0 =	vld.idx.msk [tilespmem:v28+s17+$0x0], $0xffff;
	_ =	sdelay $0x3  }
0x80e: {  	v1 =	vld [tilespmem:$0x1D6C0]  }
0x80f: {  	[tilespmem:$0x1DCC0] =	vst v0;
	v0 =	vld [tilespmem:$0x1D6B0];
	_ =	sdelay $0x4  }
0x810: {  	[tilespmem:$0x1D6E0] =	vst v4;
	v0 =	vadd.f32 v1, v0  }
0x811: {  	v1 =	vld [tilespmem:$0x1D6E0]  }
0x812: {  	v29 =	vor.u32 v10, v47;
	[tilespmem:$0x1DA60] =	vst v0;
	v0 =	vld [tilespmem:$0x1D6D0];
	_ =	sdelay $0x4  }
0x813: {  	v37 =	vadd.f32 v1, v0;
	v0 =	vld.idx.msk [tilespmem:v29+s17+$0x0], $0xffff;
	_ =	sdelay $0x3  }
0x814: {  	v1 =	vld [tilespmem:$0x1D700]  }
0x815: {  	[tilespmem:$0x1DCD0] =	vst v0;
	v0 =	vld [tilespmem:$0x1D6F0]  }
0x816: {  	v3 =	vld.idx.msk [tilespmem:v3+s17+$0x0], $0xffff;
	_ =	sdelay $0x2  }
0x817: {  	v24 =	vor.u32 v6, v51  }
0x818: {  	v4 =	vor.u32 v8, v50;
	v0 =	vadd.f32 v1, v0  }
0x819: {  	[tilespmem:$0x1D860] =	vst v3;
	v3 =	vor.u32 v36, v50;
	v1 =	vld [tilespmem:$0x1D720]  }
0x81a: {  	v30 =	vor.u32 v11, v47;
	[tilespmem:$0x1DA70] =	vst v0;
	v0 =	vld [tilespmem:$0x1D710];
	_ =	sdelay $0x1  }
0x81b: {  	v52 =	vld.idx.msk [tilespmem:v24+s17+$0x0], $0xffff  }
0x81c: {  	v4 =	vld.idx.msk [tilespmem:v4+s17+$0x0], $0xffff  }
0x81d: {  	v3 =	vld.idx.msk [tilespmem:v3+s17+$0x0], $0xffff  }
0x81e: {  	v24 =	vadd.f32 v1, v0;
	v0 =	vld.idx.msk [tilespmem:v30+s17+$0x0], $0xffff;
	_ =	sdelay $0x2  }
0x81f: {  	[tilespmem:$0x1D730] =	vst v4  }
0x820: {  	[tilespmem:$0x1D8A0] =	vst v3;
	v1 =	vld [tilespmem:$0x1D740]  }
0x821: {  	v3 =	vor.u32 v39, v50;
	[tilespmem:$0x1DCE0] =	vst v0;
	v0 =	vld [tilespmem:$0x1D730];
	_ =	sdelay $0x4  }
0x822: {  	v4 =	vor.u32 v9, v51;
	v3 =	vld.idx.msk [tilespmem:v3+s17+$0x0], $0xffff;
	v0 =	vadd.f32 v1, v0  }
0x823: {  	v1 =	vld [tilespmem:$0x1D760]  }
0x824: {  	v31 =	vor.u32 v36, v44;
	[tilespmem:$0x1DA80] =	vst v0;
	v0 =	vld [tilespmem:$0x1D750];
	_ =	sdelay $0x2  }
0x825: {  	v4 =	vld.idx.msk [tilespmem:v4+s17+$0x0], $0xffff;
	[tilespmem:$0x1D8F0] =	vst v3;
	v3 =	vor.u32 v23, v50;
	_ =	sdelay $0x1  }
0x826: {  	v22 =	vadd.f32 v1, v0;
	v0 =	vld.idx.msk [tilespmem:v31+s17+$0x0], $0xffff;
	_ =	sdelay $0x2  }
0x827: {  	[tilespmem:$0x1D780] =	vst v4;
	v3 =	vld.idx.msk [tilespmem:v3+s17+$0x0], $0xffff  }
0x828: {  	v4 =	vor.u32 v33, v49;
	v1 =	vld [tilespmem:$0x1D780]  }
0x829: {  	[tilespmem:$0x1DCF0] =	vst v0;
	v0 =	vld [tilespmem:$0x1D770];
	_ =	sdelay $0x3  }
0x82a: {  	v4 =	vld.idx.msk [tilespmem:v4+s17+$0x0], $0xffff;
	[tilespmem:$0x1D940] =	vst v3;
	v3 =	vor.u32 v12, v50  }
0x82b: {  	v32 =	vadd.f32 v1, v0;
	v0 =	vld [tilespmem:$0x1D790]  }
0x82c: {  	v1 =	vld [tilespmem:$0x1D7A0];
	_ =	sdelay $0x2  }
0x82d: {  	v62 =	vld.idx.msk [tilespmem:v3+s17+$0x0], $0xffff  }
0x82e: {  	[tilespmem:$0x1D7E0] =	vst v4;
	v4 =	vor.u32 v54, v49;
	v3 =	vld [tilespmem:$0x1D7C0]  }
0x82f: {  	v21 =	vadd.f32 v1, v0;
	v1 =	vld [tilespmem:$0x1D7B0];
	_ =	sdelay $0x3  }
0x830: {  	v4 =	vld.idx.msk [tilespmem:v4+s17+$0x0], $0xffff  }
0x831: {  	v53 =	vadd.f32 v61, v40;
	v61 =	vadd.f32 v3, v1;
	v1 =	vld [tilespmem:$0x1D7D0]  }
0x832: {  	v40 =	vor.u32 v17, v44;
	v3 =	vld [tilespmem:$0x1D7E0];
	_ =	sdelay $0x2  }
0x833: {  	[tilespmem:$0x1D830] =	vst v4;
	v4 =	vor.u32 v14, v49;
	_ =	sdelay $0x1  }
0x834: {  	v18 =	vadd.f32 v3, v1;
	v1 =	vld.idx.msk [tilespmem:v40+s17+$0x0], $0xffff;
	_ =	sdelay $0x2  }
0x835: {  	v4 =	vld.idx.msk [tilespmem:v4+s17+$0x0], $0xffff  }
0x836: {  	v23 =	vor.u32 v23, v51;
	v3 =	vld [tilespmem:$0x1D800]  }
0x837: {  	[tilespmem:$0x1DD10] =	vst v1;
	v1 =	vld [tilespmem:$0x1D7F0];
	_ =	sdelay $0x3  }
0x838: {  	v56 =	vld.idx.msk [tilespmem:v23+s17+$0x0], $0xffff  }
0x839: {  	[tilespmem:$0x1D880] =	vst v4;
	v4 =	vor.u32 v17, v50;
	v23 =	vadd.f32 v3, v1;
	v1 =	vld [tilespmem:$0x1D810]  }
0x83a: {  	v29 =	vor.u32 v33, v44;
	v3 =	vld [tilespmem:$0x1D820];
	_ =	sdelay $0x3  }
0x83b: {  	v4 =	vld.idx.msk [tilespmem:v4+s17+$0x0], $0xffff  }
0x83c: {  	v20 =	vadd.f32 v3, v1;
	v1 =	vld.idx.msk [tilespmem:v29+s17+$0x0], $0xffff;
	_ =	sdelay $0x3  }
0x83d: {  	[tilespmem:$0x1D8C0] =	vst v4;
	v4 =	vor.u32 v48, v50;
	v3 =	vld [tilespmem:$0x1D840]  }
0x83e: {  	[tilespmem:$0x1DD20] =	vst v1;
	v1 =	vld [tilespmem:$0x1D830];
	_ =	sdelay $0x3  }
0x83f: {  	v4 =	vld.idx.msk [tilespmem:v4+s17+$0x0], $0xffff  }
0x840: {  	v19 =	vor.u32 v39, v51;
	v16 =	vadd.f32 v3, v1;
	v1 =	vld [tilespmem:$0x1D850]  }
0x841: {  	v30 =	vor.u32 v38, v44;
	v3 =	vld [tilespmem:$0x1D860];
	_ =	sdelay $0x2  }
0x842: {  	[tilespmem:$0x1D910] =	vst v4;
	v4 =	vor.u32 v15, v50  }
0x843: {  	v60 =	vld.idx.msk [tilespmem:v19+s17+$0x0], $0xffff  }
0x844: {  	v19 =	vmov v14;
	v14 =	vadd.f32 v3, v1;
	v1 =	vld.idx.msk [tilespmem:v30+s17+$0x0], $0xffff;
	_ =	sdelay $0x2  }
0x845: {  	v4 =	vld.idx.msk [tilespmem:v4+s17+$0x0], $0xffff  }
0x846: {  	v3 =	vld [tilespmem:$0x1D880]  }
0x847: {  	[tilespmem:$0x1DD30] =	vst v1;
	v1 =	vld [tilespmem:$0x1D870];
	_ =	sdelay $0x4  }
0x848: {  	[tilespmem:$0x1D960] =	vst v4;
	v4 =	vmov v13;
	v13 =	vadd.f32 v3, v1;
	v1 =	vld [tilespmem:$0x1D890];
	_ =	sdelay $0x3  }
0x849: {  	v3 =	vld [tilespmem:$0x1D8A0]  }
0x84a: {  	v25 =	vmov v12;
	v12 =	vadd.f32 v5, v1;
	v5 =	vld [tilespmem:$0x1D8B0];
	_ =	sdelay $0x4  }
0x84b: {  	v31 =	vor.u32 v39, v44;
	v11 =	vadd.f32 v5, v3;
	v3 =	vld [tilespmem:$0x1D8C0]  }
0x84c: {  	v5 =	vld [tilespmem:$0x1D8D0];
	_ =	sdelay $0x3  }
0x84d: {  	v27 =	vor.u32 v42, v44;
	v1 =	vld.idx.msk [tilespmem:v31+s17+$0x0], $0xffff  }
0x84e: {  	v10 =	vadd.f32 v5, v3;
	v3 =	vld [tilespmem:$0x1D8E0]  }
0x84f: {  	v5 =	vld [tilespmem:$0x1D8F0];
	_ =	sdelay $0x2  }
0x850: {  	v0 =	vld.idx.msk [tilespmem:v27+s17+$0x0], $0xffff  }
0x851: {  	[tilespmem:$0x1DD40] =	vst v1;
	v1 =	vor.u32 v2, v44;
	v2 =	vld [tilespmem:$0x1D910]  }
0x852: {  	v27 =	vor.u32 v48, v44;
	v9 =	vadd.f32 v5, v3;
	v3 =	vld [tilespmem:$0x1D900];
	_ =	sdelay $0x4  }
0x853: {  	v8 =	vadd.f32 v2, v3;
	v2 =	vld.idx.msk [tilespmem:v27+s17+$0x0], $0xffff;
	_ =	sdelay $0x3  }
0x854: {  	[tilespmem:$0x1DD00] =	vst v0;
	v0 =	vor.u32 v41, v44;
	v3 =	vld [tilespmem:$0x1D920]  }
0x855: {  	[tilespmem:$0x1DD60] =	vst v2;
	v2 =	vld [tilespmem:$0x1D930];
	_ =	sdelay $0x3  }
0x856: {  	v0 =	vld.idx.msk [tilespmem:v0+s17+$0x0], $0xffff  }
0x857: {  	v7 =	vadd.f32 v2, v3;
	v2 =	vld [tilespmem:$0x1D940]  }
0x858: {  	v3 =	vld [tilespmem:$0x1D950];
	_ =	sdelay $0x3  }
0x859: {  	v5 =	vld [tilespmem:$0x1D970]  }
0x85a: {  	[tilespmem:$0x1DD50] =	vst v0;
	v0 =	vor.u32 v6, v44;
	v31 =	vmov v6;
	v6 =	vadd.f32 v3, v2;
	v3 =	vld [tilespmem:$0x1D960];
	_ =	sdelay $0x4  }
0x85b: {  	v40 =	vor.u32 v55, v44;
	v5 =	vadd.f32 v5, v3;
	v3 =	vld [tilespmem:$0x1D980];
	_ =	sdelay $0x3  }
0x85c: {  	v28 =	vor.u32 v54, v44  }
0x85d: {  	v62 =	vadd.f32 v62, v3;
	v3 =	vld.idx.msk [tilespmem:v40+s17+$0x0], $0xffff;
	_ =	sdelay $0x2  }
0x85e: {  	v29 =	vmov v15;
	v27 =	vor.u32 v15, v44;
	v15 =	vld [tilespmem:$0x1D9A0]  }
0x85f: {  	v2 =	vld.idx.msk [tilespmem:v28+s17+$0x0], $0xffff  }
0x860: {  	v28 =	vmov v4;
	[tilespmem:$0x1DD80] =	vst v3;
	v3 =	vor.u32 v4, v44;
	v4 =	vld [tilespmem:$0x1D990];
	_ =	sdelay $0x4  }
0x861: {  	v4 =	vadd.f32 v15, v4;
	v15 =	vld [tilespmem:$0x1D9B0];
	_ =	sdelay $0x4  }
0x862: {  	v63 =	vadd.f32 v63, v15;
	v15 =	vld [tilespmem:$0x1D9C0];
	_ =	sdelay $0x4  }
0x863: {  	v60 =	vadd.f32 v60, v15;
	v15 =	vld [tilespmem:$0x1D9D0];
	_ =	sdelay $0x4  }
0x864: {  	v59 =	vadd.f32 v59, v15;
	v15 =	vld [tilespmem:$0x1D9E0];
	_ =	sdelay $0x4  }
0x865: {  	v57 =	vadd.f32 v57, v15;
	v15 =	vld.idx.msk [tilespmem:v27+s17+$0x0], $0xffff;
	_ =	sdelay $0x2  }
0x866: {  	v1 =	vld.idx.msk [tilespmem:v1+s17+$0x0], $0xffff;
	_ =	sdelay $0x1  }
0x867: {  	[tilespmem:$0x1DDB0] =	vst v15;
	v15 =	vld [tilespmem:$0x1D9F0];
	_ =	sdelay $0x2  }
0x868: {  	[tilespmem:$0x1DD90] =	vst v1  }
0x869: {  	v30 =	vmovc v19;
	v1 =	vor.u32 v25, v44;
	[tilespmem:$0x1DD70] =	vst v2;
	v2 =	vor.u32 v19, v44;
	v19 =	vmov v25;
	v25 =	vld [tilespmem:$0x1DA10]  }
0x86a: {  	v58 =	vadd.f32 v58, v15;
	v15 =	vld [tilespmem:$0x1DA00];
	_ =	sdelay $0x3  }
0x86b: {  	v27 =	vld [tilespmem:$0x1DA30]  }
0x86c: {  	v25 =	vadd.f32 v25, v15;
	v15 =	vld [tilespmem:$0x1DA20];
	_ =	sdelay $0x4  }
0x86d: {  	v26 =	vadd.f32 v26, v53;
	v53 =	vadd.f32 v27, v15;
	v15 =	vld [tilespmem:$0x1DA40];
	_ =	sdelay $0x4  }
0x86e: {  	v34 =	vadd.f32 v34, v15;
	v15 =	vld [tilespmem:$0x1DA50];
	_ =	sdelay $0x1  }
0x86f: {  	v0 =	vld.idx.msk [tilespmem:v0+s17+$0x0], $0xffff;
	_ =	sdelay $0x2  }
0x870: {  	v35 =	vadd.f32 v35, v15;
	v15 =	vld [tilespmem:$0x1DA60];
	_ =	sdelay $0x1  }
0x871: {  	[tilespmem:$0x1DDA0] =	vst v0;
	v0 =	vor.u32 v36, v45  }
0x872: {  	v40 =	vld.idx.msk [tilespmem:v2+s17+$0x0], $0xffff;
	v2 =	vor.u32 v17, v45;
	_ =	sdelay $0x1  }
0x873: {  	v37 =	vadd.f32 v37, v15;
	v15 =	vld [tilespmem:$0x1DA70];
	_ =	sdelay $0x1  }
0x874: {  	v0 =	vld.idx.msk [tilespmem:v0+s17+$0x0], $0xffff  }
0x875: {  	v2 =	vld.idx.msk [tilespmem:v2+s17+$0x0], $0xffff  }
0x876: {  	v27 =	vld.idx.msk [tilespmem:v1+s17+$0x0], $0xffff;
	v1 =	vor.u32 v38, v45  }
0x877: {  	v52 =	vadd.f32 v52, v56;
	v56 =	vor.u32 v42, v45;
	v24 =	vadd.f32 v24, v15;
	v15 =	vld [tilespmem:$0x1DA80];
	_ =	sdelay $0x2  }
0x878: {  	[tilespmem:$0x1DDD0] =	vst v0;
	v0 =	vor.u32 v39, v45  }
0x879: {  	v1 =	vld.idx.msk [tilespmem:v1+s17+$0x0], $0xffff  }
0x87a: {  	[tilespmem:$0x1DDF0] =	vst v2;
	v2 =	vor.u32 v48, v45;
	v22 =	vadd.f32 v22, v15;
	v15 =	vld.idx.msk [tilespmem:v56+s17+$0x0], $0xffff  }
0x87b: {  	v32 =	vadd.f32 v21, v32;
	v21 =	vor.u32 v41, v45;
	v56 =	vld [tilespmem:$0x1FFC0]  }
0x87c: {  	v14 =	vadd.f32 v14, v16;
	v12 =	vadd.f32 v12, v13  }
0x87d: {  	v0 =	vld.idx.msk [tilespmem:v0+s17+$0x0], $0xffff  }
0x87e: {  	v18 =	vadd.f32 v18, v61;
	v12 =	vadd.f32 v12, v14;
	v3 =	vld.idx.msk [tilespmem:v3+s17+$0x0], $0xffff  }
0x87f: {  	v10 =	vadd.f32 v10, v11;
	v8 =	vadd.f32 v8, v9;
	v2 =	vld.idx.msk [tilespmem:v2+s17+$0x0], $0xffff  }
0x880: {  	[tilespmem:$0x1DE10] =	vst v1;
	v1 =	vadd.f32 v6, v7;
	v6 =	vld.idx.msk [tilespmem:v21+s17+$0x0], $0xffff;
	v16 =	vor.u32 v56, v46  }
0x881: {  	v8 =	vadd.f32 v8, v10;
	[tilespmem:$0x1DDE0] =	vst v15;
	v15 =	vadd.f32 v20, v23;
	v20 =	vor.u32 v56, v49  }
0x882: {  	[tilespmem:$0x1DE20] =	vst v0;
	v0 =	vadd.f32 v63, v4;
	v4 =	vadd.f32 v59, v60;
	v23 =	vor.u32 v56, v50  }
0x883: {  	[tilespmem:$0x1DDC0] =	vst v3;
	v7 =	vadd.f32 v52, v57;
	v57 =	vmov v17;
	v17 =	vor.u32 v56, v51  }
0x884: {  	v5 =	vadd.f32 v62, v5;
	[tilespmem:$0x1DE40] =	vst v2;
	v0 =	vadd.f32 v4, v0  }
0x885: {  	v9 =	vadd.f32 v25, v58;
	v2 =	vadd.f32 v34, v26;
	[tilespmem:$0x1DE30] =	vst v6;
	v6 =	vld.idx.msk [tilespmem:v16+s16+$0x0], $0xffff  }
0x886: {  	v3 =	vor.u32 v33, v45;
	v11 =	vadd.f32 v37, v35;
	v13 =	vadd.f32 v15, v18;
	v15 =	vld.idx.msk [tilespmem:v20+s16+$0x0], $0xffff  }
0x887: {  	v1 =	vadd.f32 v5, v1;
	v4 =	vadd.f32 v9, v7;
	[tilespmem:$0x1DA90] =	vst v16;
	v16 =	vld.idx.msk [tilespmem:v23+s16+$0x0], $0xffff  }
0x888: {  	v2 =	vadd.f32 v11, v2;
	v9 =	vadd.f32 v12, v13;
	v11 =	vld.idx.msk [tilespmem:v17+s16+$0x0], $0xffff  }
0x889: {  	v1 =	vadd.f32 v1, v8;
	v0 =	vadd.f32 v4, v0  }
0x88a: {  	v2 =	vadd.f32 v53, v2;
	v4 =	vadd.f32 v24, v9  }
0x88b: {  	v0 =	vadd.f32 v32, v0;
	v1 =	vadd.f32 v22, v1  }
0x88c: {  	v3 =	vld.idx.msk [tilespmem:v3+s17+$0x0], $0xffff;
	v2 =	vmul.f32 v2, v6;
	v4 =	vmul.f32 v4, v15  }
0x88d: {  	v1 =	vmul.f32 v1, v16;
	v0 =	vmul.f32 v0, v11;
	_ =	sdelay $0x1  }
0x88e: {  	v2 =	vadd.f32 v4, v2;
	v0 =	vadd.f32 v0, v1;
	_ =	sdelay $0x1  }
0x88f: {  	[tilespmem:$0x1DE00] =	vst v3;
	v3 =	vor.u32 v54, v45;
	v1 =	vadd.f32 v0, v2;
	v0 =	vld [tilespmem:$0x1DAF0]  }
0x890: {  	v2 =	vld [tilespmem:$0x1DB00];
	_ =	sdelay $0x3  }
0x891: {  	v46 =	vld.idx.msk [tilespmem:v3+s17+$0x0], $0xffff  }
0x892: {  	v3 =	vor.u32 v55, v45;
	v53 =	vadd.f32 v2, v0;
	v0 =	vld [tilespmem:$0x1DB10]  }
0x893: {  	v2 =	vld [tilespmem:$0x1DB20];
	_ =	sdelay $0x3  }
0x894: {  	v10 =	vor.u32 v30, v45;
	v21 =	vmov v30;
	v30 =	vld.idx.msk [tilespmem:v3+s17+$0x0], $0xffff  }
0x895: {  	v3 =	vor.u32 v28, v45;
	v59 =	vadd.f32 v2, v0;
	v0 =	vld [tilespmem:$0x1DB30]  }
0x896: {  	v2 =	vld [tilespmem:$0x1DB40];
	_ =	sdelay $0x3  }
0x897: {  	v3 =	vld.idx.msk [tilespmem:v3+s17+$0x0], $0xffff  }
0x898: {  	v58 =	vadd.f32 v2, v0;
	v0 =	vld [tilespmem:$0x1DB50]  }
0x899: {  	v2 =	vld [tilespmem:$0x1DB60];
	_ =	sdelay $0x3  }
0x89a: {  	v34 =	vld [tilespmem:$0x1FDE0];
	[tilespmem:$0x1DE80] =	vst v3;
	v3 =	vor.u32 v33, v47  }
0x89b: {  	v63 =	vadd.f32 v2, v0;
	v0 =	vld [tilespmem:$0x1DB70]  }
0x89c: {  	v2 =	vld [tilespmem:$0x1DB80];
	_ =	sdelay $0x2  }
0x89d: {  	v61 =	vld.idx.msk [tilespmem:v3+s17+$0x0], $0xffff  }
0x89e: {  	v14 =	vor.u32 v34, v45;
	v3 =	vld [tilespmem:$0x1DBA0]  }
0x89f: {  	v0 =	vadd.f32 v2, v0;
	v2 =	vld [tilespmem:$0x1DB90];
	_ =	sdelay $0x3  }
0x8a0: {  	v8 =	vld.idx.msk [tilespmem:v14+s17+$0x0], $0xffff  }
0x8a1: {  	v49 =	vadd.f32 v3, v2;
	v2 =	vld [tilespmem:$0x1DBB0]  }
0x8a2: {  	v3 =	vld [tilespmem:$0x1DBC0];
	_ =	sdelay $0x1  }
0x8a3: {  	v5 =	vor.u32 v31, v45  }
0x8a4: {  	v9 =	vor.u32 v19, v45  }
0x8a5: {  	[tilespmem:$0x1DE50] =	vst v8;
	v8 =	vld [tilespmem:$0x1DBE0]  }
0x8a6: {  	v2 =	vadd.f32 v3, v2;
	v3 =	vld [tilespmem:$0x1DBD0]  }
0x8a7: {  	v52 =	vld.idx.msk [tilespmem:v10+s17+$0x0], $0xffff  }
0x8a8: {  	v32 =	vld.idx.msk [tilespmem:v5+s17+$0x0], $0xffff  }
0x8a9: {  	v10 =	vor.u32 v57, v47;
	v5 =	vor.u32 v36, v47;
	v50 =	vmov v36;
	v36 =	vld.idx.msk [tilespmem:v9+s17+$0x0], $0xffff  }
0x8aa: {  	v9 =	vld [tilespmem:$0x1DC00]  }
0x8ab: {  	v3 =	vadd.f32 v8, v3;
	v8 =	vld [tilespmem:$0x1DBF0];
	_ =	sdelay $0x2  }
0x8ac: {  	v60 =	vld.idx.msk [tilespmem:v10+s17+$0x0], $0xffff  }
0x8ad: {  	[tilespmem:$0x1DAE0] =	vst v11;
	v11 =	vld [tilespmem:$0x1DC20]  }
0x8ae: {  	v10 =	vadd.f32 v9, v8;
	v8 =	vld [tilespmem:$0x1DC10];
	_ =	sdelay $0x3  }
0x8af: {  	v13 =	vld [tilespmem:$0x1DC40]  }
0x8b0: {  	v11 =	vadd.f32 v11, v8;
	v8 =	vld [tilespmem:$0x1DC30];
	_ =	sdelay $0x3  }
0x8b1: {  	v14 =	vld [tilespmem:$0x1DC60]  }
0x8b2: {  	v13 =	vadd.f32 v13, v8;
	v8 =	vld [tilespmem:$0x1DC50];
	_ =	sdelay $0x4  }
0x8b3: {  	v7 =	vor.u32 v29, v45;
	[tilespmem:$0x1DAC0] =	vst v15;
	v15 =	vadd.f32 v14, v8;
	v8 =	vld [tilespmem:$0x1DC70]  }
0x8b4: {  	v14 =	vld [tilespmem:$0x1DC80];
	_ =	sdelay $0x3  }
0x8b5: {  	[tilespmem:$0x1DAB0] =	vst v6;
	v6 =	vld.idx.msk [tilespmem:v7+s17+$0x0], $0xffff  }
0x8b6: {  	[tilespmem:$0x1DAD0] =	vst v16;
	v16 =	vadd.f32 v14, v8;
	v8 =	vld [tilespmem:$0x1DC90]  }
0x8b7: {  	v14 =	vld [tilespmem:$0x1DCA0];
	_ =	sdelay $0x3  }
0x8b8: {  	[tilespmem:$0x1DE60] =	vst v6;
	v6 =	vor.u32 v54, v47  }
0x8b9: {  	v18 =	vadd.f32 v14, v8;
	v8 =	vld [tilespmem:$0x1DCB0]  }
0x8ba: {  	v14 =	vld [tilespmem:$0x1DCC0];
	_ =	sdelay $0x2  }
0x8bb: {  	v35 =	vld.idx.msk [tilespmem:v6+s17+$0x0], $0xffff  }
0x8bc: {  	v4 =	vor.u32 v38, v47;
	v6 =	vld [tilespmem:$0x1DCD0]  }
0x8bd: {  	v26 =	vmov v19;
	v19 =	vadd.f32 v14, v8;
	v8 =	vld [tilespmem:$0x1DCE0];
	_ =	sdelay $0x3  }
0x8be: {  	v62 =	vld.idx.msk [tilespmem:v4+s17+$0x0], $0xffff;
	v4 =	vor.u32 v55, v47  }
0x8bf: {  	v22 =	vadd.f32 v8, v6;
	v6 =	vld [tilespmem:$0x1DCF0]  }
0x8c0: {  	v8 =	vld [tilespmem:$0x1DD00];
	_ =	sdelay $0x1  }
0x8c1: {  	[tilespmem:$0x1DE70] =	vst v20;
	v20 =	vld.idx.msk [tilespmem:v5+s17+$0x0], $0xffff  }
0x8c2: {  	v37 =	vld.idx.msk [tilespmem:v4+s17+$0x0], $0xffff  }
0x8c3: {  	v5 =	vor.u32 v39, v47;
	v4 =	vld [tilespmem:$0x1DD10]  }
0x8c4: {  	v14 =	vor.u32 v21, v47;
	v21 =	vadd.f32 v8, v6;
	v6 =	vld [tilespmem:$0x1DD20];
	_ =	sdelay $0x2  }
0x8c5: {  	v7 =	vor.u32 v42, v47  }
0x8c6: {  	v9 =	vld.idx.msk [tilespmem:v5+s17+$0x0], $0xffff;
	v5 =	vor.u32 v34, v47  }
0x8c7: {  	[tilespmem:$0x1DEB0] =	vst v23;
	v23 =	vadd.f32 v6, v4;
	v4 =	vld [tilespmem:$0x1DD30]  }
0x8c8: {  	v6 =	vld [tilespmem:$0x1DD40];
	_ =	sdelay $0x1  }
0x8c9: {  	v25 =	vld.idx.msk [tilespmem:v7+s17+$0x0], $0xffff  }
0x8ca: {  	v38 =	vld.idx.msk [tilespmem:v5+s17+$0x0], $0xffff  }
0x8cb: {  	v7 =	vor.u32 v41, v47;
	v5 =	vld [tilespmem:$0x1DD60]  }
0x8cc: {  	v24 =	vadd.f32 v6, v4;
	v4 =	vld [tilespmem:$0x1DD50];
	_ =	sdelay $0x3  }
0x8cd: {  	v34 =	vld.idx.msk [tilespmem:v7+s17+$0x0], $0xffff;
	v7 =	vor.u32 v31, v47  }
0x8ce: {  	v6 =	vor.u32 v26, v47;
	v26 =	vadd.f32 v5, v4;
	v4 =	vld [tilespmem:$0x1DD70]  }
0x8cf: {  	v5 =	vld [tilespmem:$0x1DD80];
	_ =	sdelay $0x2  }
0x8d0: {  	v39 =	vld.idx.msk [tilespmem:v7+s17+$0x0], $0xffff  }
0x8d1: {  	v7 =	vld [tilespmem:$0x1DDA0]  }
0x8d2: {  	v4 =	vadd.f32 v5, v4;
	v5 =	vld [tilespmem:$0x1DD90];
	_ =	sdelay $0x4  }
0x8d3: {  	[tilespmem:$0x1DAA0] =	vst v17;
	v17 =	vor.u32 v29, v47;
	v5 =	vadd.f32 v7, v5;
	v7 =	vld [tilespmem:$0x1DDB0];
	_ =	sdelay $0x4  }
0x8d4: {  	v7 =	vadd.f32 v40, v7;
	v40 =	vld.idx.msk [tilespmem:v17+s17+$0x0], $0xffff  }
0x8d5: {  	v17 =	vld [tilespmem:$0x1DDC0];
	_ =	sdelay $0x3  }
0x8d6: {  	v8 =	vor.u32 v28, v47;
	v28 =	vld [tilespmem:$0x1DDE0]  }
0x8d7: {  	v27 =	vadd.f32 v27, v17;
	v17 =	vld [tilespmem:$0x1DDD0];
	_ =	sdelay $0x1  }
0x8d8: {  	v41 =	vld.idx.msk [tilespmem:v14+s17+$0x0], $0xffff  }
0x8d9: {  	v14 =	vld [tilespmem:$0x1DDF0]  }
0x8da: {  	v30 =	vadd.f32 v30, v46;
	v46 =	vld.idx.msk [tilespmem:v6+s17+$0x0], $0xffff  }
0x8db: {  	v17 =	vadd.f32 v28, v17;
	v28 =	vld [tilespmem:$0x1DE00]  }
0x8dc: {  	v6 =	vld [tilespmem:$0x1DE50];
	_ =	sdelay $0x2  }
0x8dd: {  	v29 =	vld [tilespmem:$0x1DE20]  }
0x8de: {  	v28 =	vadd.f32 v28, v14;
	v14 =	vld [tilespmem:$0x1DE10]  }
0x8df: {  	v32 =	vadd.f32 v32, v6;
	v6 =	vld [tilespmem:$0x1DE60];
	_ =	sdelay $0x1  }
0x8e0: {  	v51 =	vmov v42;
	v42 =	vld.idx.msk [tilespmem:v8+s17+$0x0], $0xffff  }
0x8e1: {  	v8 =	vld [tilespmem:$0x1DE30]  }
0x8e2: {  	v29 =	vadd.f32 v29, v14;
	v14 =	vld [tilespmem:$0x1DE40]  }
0x8e3: {  	v33 =	vadd.f32 v52, v6;
	v6 =	vld [tilespmem:$0x1DE70];
	_ =	sdelay $0x3  }
0x8e4: {  	v31 =	vadd.f32 v14, v8;
	v8 =	vimm.f32 $0.0e+00  }
0x8e5: {  	v1 =	vadd.f32 v1, v8;
	_ =	sdelay $0x1  }
0x8e6: {  	[tilespmem:$0x1DEA0] =	vst v1;
	v1 =	vld [tilespmem:$0x1DEB0]  }
0x8e7: {  	v52 =	vld.idx.msk [tilespmem:v6+s17+$0x0], $0xffff  }
0x8e8: {  	v12 =	vor.u32 v48, v47;
	v6 =	vld [tilespmem:$0x1DE80];
	_ =	sdelay $0x4  }
0x8e9: {  	v12 =	vld.idx.msk [tilespmem:v12+s17+$0x0], $0xffff;
	v36 =	vadd.f32 v36, v6;
	v6 =	vimm.f32 $0.0e+00  }
0x8ea: {  	s28 =	simm.s32 $0x8;
	[tilespmem:$0x1DE90] =	vst v6;
	v14 =	vld.idx.msk [tilespmem:v1+s17+$0x0], $0xffff  }
.LBB2_9:
0x8eb: {  	v1 =	vlaneseq.u32  }
0x8ec: {  	v55 =	vadd.s32 s28, v1;
	v1 =	vld [tilespmem:$0x1DAA0];
	_ =	sdelay $0x6  }
0x8ed: {  	v54 =	vld [tilespmem:$0x1FE40]  }
0x8ee: {  	v20 =	vadd.f32 v25, v20;
	v25 =	vadd.f32 v61, v60;
	v60 =	vld.idx.msk [tilespmem:v1+s17+$0x0], $0xffff  }
0x8ef: {  	v1 =	vld [tilespmem:$0x1DA90];
	_ =	sdelay $0x2  }
0x8f0: {  	v48 =	vmov v52;
	v52 =	vand.u32 $0x3F, v55  }
0x8f1: {  	v6 =	vor.u32 v56, v43;
	v43 =	vmov v52  }
0x8f2: {  	v55 =	vld [tilespmem:$0x1FE50];
	v35 =	vadd.f32 v37, v35;
	v37 =	vadd.f32 v39, v38;
	v38 =	vor.u32 v54, v43  }
0x8f3: {  	v39 =	vadd.f32 v41, v40  }
0x8f4: {  	v40 =	vadd.f32 v46, v42;
	v46 =	vadd.f32 v59, v53;
	v53 =	vld [tilespmem:$0x1FE60]  }
0x8f5: {  	v61 =	vld.idx.msk [tilespmem:v1+s17+$0x0], $0xffff;
	v1 =	vadd.f32 v3, v2  }
0x8f6: {  	v3 =	vadd.f32 v11, v10;
	v10 =	vadd.f32 v15, v13;
	v13 =	vld.idx.msk [tilespmem:v6+s16+$0x0], $0xffff  }
0x8f7: {  	v9 =	vadd.f32 v9, v62;
	v62 =	vor.u32 v55, v43;
	[tilespmem:$0x1DA90] =	vst v6;
	v6 =	vld.idx.msk [tilespmem:v38+s17+$0x0], $0xffff;
	_ =	sdelay $0x4  }
0x8f8: {  	v52 =	vor.u32 v53, v43;
	[tilespmem:$0x1D410] =	vst v6;
	v6 =	vld.idx.msk [tilespmem:v62+s17+$0x0], $0xffff  }
0x8f9: {  	v15 =	vadd.f32 v18, v16;
	v16 =	vadd.f32 v22, v19;
	v22 =	vor.u32 v57, v43;
	_ =	sdelay $0x3  }
0x8fa: {  	v11 =	vor.u32 v50, v43;
	[tilespmem:$0x1D420] =	vst v6;
	v6 =	vld.idx.msk [tilespmem:v52+s17+$0x0], $0xffff  }
0x8fb: {  	v22 =	vld.idx.msk [tilespmem:v22+s17+$0x0], $0xffff  }
0x8fc: {  	v41 =	vmov v50;
	v50 =	vld [tilespmem:$0x1FD80]  }
0x8fd: {  	v63 =	vadd.f32 v63, v58;
	v0 =	vadd.f32 v49, v0;
	v58 =	vld [tilespmem:$0x1FE70]  }
0x8fe: {  	v34 =	vadd.f32 v12, v34  }
0x8ff: {  	v18 =	vor.u32 v51, v43;
	[tilespmem:$0x1D430] =	vst v6;
	v6 =	vld.idx.msk [tilespmem:v11+s17+$0x0], $0xffff  }
0x900: {  	v9 =	vadd.f32 v34, v9;
	[tilespmem:$0x1D460] =	vst v22  }
0x901: {  	v22 =	vor.u32 v50, v43;
	v11 =	vadd.f32 v25, v20;
	v25 =	vadd.f32 v0, v63;
	v0 =	vmovc v51;
	v51 =	vld [tilespmem:$0x1FD90]  }
0x902: {  	v2 =	vor.u32 v58, v43;
	v19 =	vadd.f32 v23, v21;
	v21 =	vadd.f32 v26, v24  }
0x903: {  	v49 =	vmov v57;
	v57 =	vld [tilespmem:$0x1FD70];
	v24 =	vadd.f32 v40, v39;
	v1 =	vadd.f32 v3, v1  }
0x904: {  	v18 =	vld.idx.msk [tilespmem:v18+s17+$0x0], $0xffff;
	v20 =	vadd.f32 v37, v35;
	[tilespmem:$0x1D440] =	vst v6;
	v6 =	vor.u32 v56, v47  }
0x905: {  	v40 =	vld [tilespmem:$0x1FDA0];
	v9 =	vadd.f32 v9, v11  }
0x906: {  	v11 =	vadd.f32 v24, v20;
	v20 =	vadd.f32 v1, v25;
	v1 =	vld.idx.msk [tilespmem:v22+s17+$0x0], $0xffff;
	v3 =	vor.u32 v51, v43  }
0x907: {  	v23 =	vadd.f32 v36, v33;
	v59 =	vld.idx.msk [tilespmem:v2+s17+$0x0], $0xffff;
	v2 =	vadd.f32 v32, v30  }
0x908: {  	v4 =	vadd.f32 v5, v4  }
0x909: {  	v5 =	vadd.f32 v27, v7;
	v2 =	vadd.f32 v23, v2;
	[tilespmem:$0x1D450] =	vst v18;
	v23 =	vld.idx.msk [tilespmem:v6+s16+$0x0], $0xffff  }
0x90a: {  	v18 =	vor.u32 v57, v43;
	[tilespmem:$0x1DAA0] =	vst v6;
	v6 =	vld [tilespmem:$0x1FDC0]  }
0x90b: {  	v4 =	vadd.f32 v5, v4;
	v5 =	vor.u32 v40, v43;
	[tilespmem:$0x1D470] =	vst v1;
	v1 =	vld.idx.msk [tilespmem:v3+s17+$0x0], $0xffff;
	_ =	sdelay $0x2  }
0x90c: {  	v12 =	vor.u32 v56, v45  }
0x90d: {  	v63 =	vld.idx.msk [tilespmem:v18+s17+$0x0], $0xffff  }
0x90e: {  	v18 =	vor.u32 v6, v43;
	[tilespmem:$0x1D480] =	vst v1;
	v1 =	vld.idx.msk [tilespmem:v5+s17+$0x0], $0xffff;
	_ =	sdelay $0x1  }
0x90f: {  	v8 =	vor.u32 v56, v44  }
0x910: {  	v19 =	vadd.f32 v21, v19;
	v21 =	vld.idx.msk [tilespmem:v12+s16+$0x0], $0xffff  }
0x911: {  	[tilespmem:$0x1D600] =	vst v12;
	v12 =	vld [tilespmem:$0x1FDE0]  }
0x912: {  	v7 =	vadd.f32 v28, v17;
	v17 =	vadd.f32 v31, v29;
	[tilespmem:$0x1D490] =	vst v1;
	v1 =	vld.idx.msk [tilespmem:v18+s17+$0x0], $0xffff;
	_ =	sdelay $0x1  }
0x913: {  	v7 =	vadd.f32 v17, v7;
	v26 =	vld.idx.msk [tilespmem:v8+s16+$0x0], $0xffff  }
0x914: {  	v38 =	vld [tilespmem:$0x1FDF0];
	v4 =	vadd.f32 v4, v19  }
0x915: {  	v7 =	vadd.f32 v2, v7;
	v9 =	vadd.f32 v11, v9;
	v11 =	vor.u32 v12, v43;
	v5 =	vld [tilespmem:$0x1FE00]  }
0x916: {  	v10 =	vadd.f32 v10, v4;
	v20 =	vadd.f32 v46, v20;
	[tilespmem:$0x1D4A0] =	vst v1;
	v1 =	vld [tilespmem:$0x1DAC0]  }
0x917: {  	v7 =	vadd.f32 v15, v7;
	v9 =	vadd.f32 v16, v9  }
0x918: {  	v10 =	vmul.f32 v10, v26;
	v16 =	vmul.f32 v20, v13  }
0x919: {  	v20 =	vmul.f32 v9, v23;
	v18 =	vmul.f32 v7, v21  }
0x91a: {  	v22 =	vor.u32 v38, v43;
	v9 =	vld.idx.msk [tilespmem:v11+s17+$0x0], $0xffff;
	v11 =	vadd.f32 v10, v16  }
0x91b: {  	v15 =	vor.u32 v5, v43;
	v16 =	vadd.f32 v20, v18;
	v20 =	vmul.f32 v48, v1;
	v1 =	vld [tilespmem:$0x1DAD0];
	_ =	sdelay $0x3  }
0x91c: {  	v3 =	vld.idx.msk [tilespmem:v22+s17+$0x0], $0xffff  }
0x91d: {  	v22 =	vmul.f32 v14, v1;
	v1 =	vld.idx.msk [tilespmem:v15+s17+$0x0], $0xffff  }
0x91e: {  	[tilespmem:$0x1D5F0] =	vst v8;
	v8 =	vld [tilespmem:$0x1FDD0];
	_ =	sdelay $0x3  }
0x91f: {  	[tilespmem:$0x1D4B0] =	vst v1;
	v1 =	vld [tilespmem:$0x1DAE0]  }
0x920: {  	v19 =	vor.u32 v8, v43;
	v4 =	vld [tilespmem:$0x1FE20];
	_ =	sdelay $0x3  }
0x921: {  	v14 =	vmul.f32 v60, v1;
	v1 =	vld [tilespmem:$0x1DAB0]  }
0x922: {  	v2 =	vld.idx.msk [tilespmem:v19+s17+$0x0], $0xffff;
	v19 =	vor.u32 v4, v43;
	_ =	sdelay $0x1  }
0x923: {  	s29 =	sadd.s32 $0x1, s28;
	v27 =	vlaneseq.u32  }
0x924: {  	s30 =	sadd.s32 $0x2, s28;
	v25 =	vadd.s32 s29, v27  }
0x925: {  	v44 =	vand.u32 $0x3F, v25;
	v25 =	vadd.s32 s30, v27;
	v27 =	vmul.f32 v61, v1;
	v1 =	vmovc v13  }
0x926: {  	[tilespmem:$0x1DAB0] =	vst v1;
	v1 =	vld.idx.msk [tilespmem:v19+s17+$0x0], $0xffff;
	_ =	sdelay $0x4  }
0x927: {  	[tilespmem:$0x1D4C0] =	vst v1;
	v1 =	vld [tilespmem:$0x1DEA0]  }
0x928: {  	v18 =	vor.u32 v54, v44;
	_ =	sdelay $0x1  }
0x929: {  	v16 =	vadd.f32 v16, v11  }
0x92a: {  	v7 =	vld [tilespmem:$0x1FE30]  }
0x92b: {  	v11 =	vadd.f32 v16, v1;
	v1 =	vmov v26  }
0x92c: {  	[tilespmem:$0x1DAC0] =	vst v1;
	v1 =	vld.idx.msk [tilespmem:v18+s17+$0x0], $0xffff;
	_ =	sdelay $0x2  }
0x92d: {  	v24 =	vor.u32 v7, v43;
	_ =	sdelay $0x1  }
0x92e: {  	[tilespmem:$0x1D4D0] =	vst v1;
	v1 =	vmov v23  }
0x92f: {  	[tilespmem:$0x1DAE0] =	vst v1;
	v1 =	vld [tilespmem:$0x1DE90]  }
0x930: {  	v45 =	vand.u32 $0x3F, v25;
	v16 =	vadd.f32 v20, v27;
	v20 =	vadd.f32 v14, v22  }
0x931: {  	[tilespmem:$0x1DEA0] =	vst v11;
	v11 =	vld.idx.msk [tilespmem:v24+s17+$0x0], $0xffff;
	v24 =	vor.u32 v54, v45  }
0x932: {  	v20 =	vadd.f32 v20, v16;
	_ =	sdelay $0x1  }
0x933: {  	v1 =	vadd.f32 v20, v1;
	_ =	sdelay $0x1  }
0x934: {  	v13 =	vmov v21;
	v21 =	vor.u32 v53, v45;
	[tilespmem:$0x1DE90] =	vst v1;
	v1 =	vld.idx.msk [tilespmem:v24+s17+$0x0], $0xffff;
	_ =	sdelay $0x1  }
0x935: {  	s31 =	sadd.s32 $0x3, s28;
	v28 =	vlaneseq.u32  }
0x936: {  	v22 =	vadd.s32 s31, v28  }
0x937: {  	v47 =	vand.u32 $0x3F, v22  }
0x938: {  	v25 =	vor.u32 v54, v47;
	[tilespmem:$0x1D4E0] =	vst v1;
	v1 =	vld.idx.msk [tilespmem:v21+s17+$0x0], $0xffff;
	_ =	sdelay $0x4  }
0x939: {  	v24 =	vor.u32 v53, v47;
	[tilespmem:$0x1D4F0] =	vst v1;
	v1 =	vld.idx.msk [tilespmem:v25+s17+$0x0], $0xffff;
	_ =	sdelay $0x4  }
0x93a: {  	v28 =	vor.u32 v41, v44;
	[tilespmem:$0x1D500] =	vst v1;
	v1 =	vld.idx.msk [tilespmem:v24+s17+$0x0], $0xffff;
	_ =	sdelay $0x4  }
0x93b: {  	v25 =	vor.u32 v49, v44;
	[tilespmem:$0x1D510] =	vst v1;
	v1 =	vld.idx.msk [tilespmem:v28+s17+$0x0], $0xffff;
	_ =	sdelay $0x1  }
0x93c: {  	v15 =	vor.u32 v55, v44  }
0x93d: {  	v19 =	vor.u32 v58, v44  }
0x93e: {  	v20 =	vor.u32 v55, v47  }
0x93f: {  	v30 =	vor.u32 v50, v44;
	[tilespmem:$0x1D520] =	vst v1;
	v1 =	vld.idx.msk [tilespmem:v25+s17+$0x0], $0xffff;
	_ =	sdelay $0x1  }
0x940: {  	[tilespmem:$0x1DAD0] =	vst v13;
	v13 =	vld.idx.msk [tilespmem:v15+s17+$0x0], $0xffff;
	v18 =	vor.u32 v55, v45  }
0x941: {  	v15 =	vld.idx.msk [tilespmem:v19+s17+$0x0], $0xffff;
	v23 =	vor.u32 v58, v45  }
0x942: {  	v19 =	vld.idx.msk [tilespmem:v20+s17+$0x0], $0xffff;
	v20 =	vor.u32 v57, v44  }
0x943: {  	v37 =	vor.u32 v40, v44;
	[tilespmem:$0x1D530] =	vst v1;
	v1 =	vld.idx.msk [tilespmem:v30+s17+$0x0], $0xffff;
	_ =	sdelay $0x1  }
0x944: {  	v16 =	vld.idx.msk [tilespmem:v18+s17+$0x0], $0xffff  }
0x945: {  	v18 =	vld.idx.msk [tilespmem:v23+s17+$0x0], $0xffff  }
0x946: {  	v23 =	vld.idx.msk [tilespmem:v20+s17+$0x0], $0xffff  }
0x947: {  	v20 =	vor.u32 v6, v44;
	[tilespmem:$0x1D540] =	vst v1;
	v1 =	vld.idx.msk [tilespmem:v37+s17+$0x0], $0xffff;
	_ =	sdelay $0x4  }
0x948: {  	v42 =	vor.u32 v8, v44;
	[tilespmem:$0x1D550] =	vst v1;
	v1 =	vld.idx.msk [tilespmem:v20+s17+$0x0], $0xffff;
	_ =	sdelay $0x3  }
0x949: {  	v39 =	vld [tilespmem:$0x1FDB0]  }
0x94a: {  	v46 =	vor.u32 v12, v44;
	[tilespmem:$0x1D560] =	vst v1;
	v1 =	vld.idx.msk [tilespmem:v42+s17+$0x0], $0xffff;
	_ =	sdelay $0x2  }
0x94b: {  	v26 =	vor.u32 v58, v47  }
0x94c: {  	v25 =	vor.u32 v39, v44  }
0x94d: {  	v48 =	vor.u32 v38, v44;
	[tilespmem:$0x1D570] =	vst v1;
	v1 =	vld.idx.msk [tilespmem:v46+s17+$0x0], $0xffff;
	_ =	sdelay $0x1  }
0x94e: {  	v31 =	vld [tilespmem:$0x1FE10];
	v17 =	vor.u32 v39, v43  }
0x94f: {  	v22 =	vld.idx.msk [tilespmem:v26+s17+$0x0], $0xffff  }
0x950: {  	v26 =	vld.idx.msk [tilespmem:v25+s17+$0x0], $0xffff  }
0x951: {  	v25 =	vor.u32 v5, v44;
	[tilespmem:$0x1D580] =	vst v1;
	v1 =	vld.idx.msk [tilespmem:v48+s17+$0x0], $0xffff;
	_ =	sdelay $0x1  }
0x952: {  	v62 =	vld.idx.msk [tilespmem:v17+s17+$0x0], $0xffff;
	v17 =	vor.u32 v31, v43;
	_ =	sdelay $0x2  }
0x953: {  	v20 =	vor.u32 v31, v44;
	[tilespmem:$0x1D590] =	vst v1;
	v1 =	vld.idx.msk [tilespmem:v25+s17+$0x0], $0xffff;
	_ =	sdelay $0x1  }
0x954: {  	v10 =	vld.idx.msk [tilespmem:v17+s17+$0x0], $0xffff;
	v17 =	vor.u32 v53, v44  }
0x955: {  	v25 =	vor.u32 v0, v45;
	_ =	sdelay $0x1  }
0x956: {  	v52 =	vor.u32 v4, v44;
	[tilespmem:$0x1D5A0] =	vst v1;
	v1 =	vld.idx.msk [tilespmem:v20+s17+$0x0], $0xffff  }
0x957: {  	v20 =	vor.u32 v49, v45  }
0x958: {  	v56 =	vld.idx.msk [tilespmem:v17+s17+$0x0], $0xffff;
	v55 =	vor.u32 v57, v45  }
0x959: {  	v17 =	vld.idx.msk [tilespmem:v25+s17+$0x0], $0xffff;
	v25 =	vor.u32 v40, v45;
	_ =	sdelay $0x1  }
0x95a: {  	v54 =	vor.u32 v41, v45;
	[tilespmem:$0x1D5B0] =	vst v1;
	v1 =	vld.idx.msk [tilespmem:v52+s17+$0x0], $0xffff  }
0x95b: {  	v42 =	vld.idx.msk [tilespmem:v20+s17+$0x0], $0xffff;
	v20 =	vor.u32 v39, v45  }
0x95c: {  	v61 =	vor.u32 v6, v45;
	v28 =	vld.idx.msk [tilespmem:v55+s17+$0x0], $0xffff  }
0x95d: {  	v55 =	vld.idx.msk [tilespmem:v25+s17+$0x0], $0xffff;
	v25 =	vor.u32 v38, v45  }
0x95e: {  	v36 =	vor.u32 v51, v44  }
0x95f: {  	v48 =	vor.u32 v8, v45;
	[tilespmem:$0x1D5C0] =	vst v1;
	v1 =	vld.idx.msk [tilespmem:v54+s17+$0x0], $0xffff  }
0x960: {  	v46 =	vld.idx.msk [tilespmem:v20+s17+$0x0], $0xffff;
	v20 =	vor.u32 v5, v45  }
0x961: {  	v54 =	vld.idx.msk [tilespmem:v61+s17+$0x0], $0xffff;
	v61 =	vor.u32 v4, v45  }
0x962: {  	v32 =	vld.idx.msk [tilespmem:v25+s17+$0x0], $0xffff;
	v25 =	vor.u32 v41, v47  }
0x963: {  	v29 =	vor.u32 v0, v44;
	v24 =	vld.idx.msk [tilespmem:v36+s17+$0x0], $0xffff;
	v0 =	vor.u32 v0, v47  }
0x964: {  	v30 =	vld.idx.msk [tilespmem:v48+s17+$0x0], $0xffff  }
0x965: {  	v48 =	vld.idx.msk [tilespmem:v20+s17+$0x0], $0xffff  }
0x966: {  	v36 =	vld.idx.msk [tilespmem:v61+s17+$0x0], $0xffff  }
0x967: {  	v20 =	vld.idx.msk [tilespmem:v25+s17+$0x0], $0xffff  }
0x968: {  	v53 =	vor.u32 v7, v44;
	v25 =	vld.idx.msk [tilespmem:v0+s17+$0x0], $0xffff  }
0x969: {  	v58 =	vor.u32 v50, v45;
	v0 =	vld [tilespmem:$0x1D410]  }
0x96a: {  	v61 =	vld [tilespmem:$0x1D420];
	_ =	sdelay $0x2  }
0x96b: {  	v27 =	vld.idx.msk [tilespmem:v53+s17+$0x0], $0xffff  }
0x96c: {  	[tilespmem:$0x1D5D0] =	vst v1;
	v1 =	vld.idx.msk [tilespmem:v58+s17+$0x0], $0xffff;
	v58 =	vor.u32 v12, v45  }
0x96d: {  	v53 =	vadd.f32 v61, v0;
	v0 =	vld [tilespmem:$0x1D430];
	_ =	sdelay $0x2  }
0x96e: {  	v37 =	vor.u32 v50, v47;
	v50 =	vor.u32 v39, v47;
	v39 =	vld [tilespmem:$0x1D450]  }
0x96f: {  	v52 =	vld.idx.msk [tilespmem:v58+s17+$0x0], $0xffff;
	v58 =	vor.u32 v7, v45  }
0x970: {  	v59 =	vadd.f32 v59, v0;
	v0 =	vld [tilespmem:$0x1D440];
	_ =	sdelay $0x1  }
0x971: {  	v15 =	vadd.f32 v15, v56;
	v56 =	vor.u32 v4, v47;
	v4 =	vld [tilespmem:$0x1D500]  }
0x972: {  	v35 =	vor.u32 v57, v47  }
0x973: {  	v14 =	vld.idx.msk [tilespmem:v58+s17+$0x0], $0xffff  }
0x974: {  	v58 =	vadd.f32 v39, v0;
	v0 =	vld [tilespmem:$0x1D460];
	_ =	sdelay $0x1  }
0x975: {  	v19 =	vadd.f32 v19, v4;
	v4 =	vld [tilespmem:$0x1D510]  }
0x976: {  	v60 =	vor.u32 v51, v45;
	v61 =	vld.idx.msk [tilespmem:v35+s17+$0x0], $0xffff  }
0x977: {  	v35 =	vor.u32 v6, v47;
	v6 =	vld [tilespmem:$0x1D480]  }
0x978: {  	v63 =	vadd.f32 v63, v0;
	v0 =	vld [tilespmem:$0x1D470];
	_ =	sdelay $0x1  }
0x979: {  	v21 =	vld.idx.msk [tilespmem:v29+s17+$0x0], $0xffff  }
0x97a: {  	v29 =	vld.idx.msk [tilespmem:v60+s17+$0x0], $0xffff;
	v60 =	vor.u32 v31, v45  }
0x97b: {  	v22 =	vadd.f32 v22, v4;
	v4 =	vld [tilespmem:$0x1D520]  }
0x97c: {  	v0 =	vadd.f32 v6, v0;
	v6 =	vld [tilespmem:$0x1D490]  }
0x97d: {  	[tilespmem:$0x1D5E0] =	vst v1;
	v1 =	vor.u32 v51, v47;
	_ =	sdelay $0x1  }
0x97e: {  	v33 =	vld.idx.msk [tilespmem:v60+s17+$0x0], $0xffff  }
0x97f: {  	v21 =	vadd.f32 v21, v4;
	v4 =	vld [tilespmem:$0x1D530]  }
0x980: {  	v60 =	vor.u32 v49, v47;
	v49 =	vadd.f32 v62, v6;
	v6 =	vld [tilespmem:$0x1D4A0]  }
0x981: {  	v3 =	vadd.f32 v3, v9;
	v9 =	vld.idx.msk [tilespmem:v1+s17+$0x0], $0xffff  }
0x982: {  	v1 =	vor.u32 v12, v47;
	v12 =	vld.idx.msk [tilespmem:v50+s17+$0x0], $0xffff  }
0x983: {  	v50 =	vor.u32 v5, v47;
	v5 =	vld [tilespmem:$0x1D4E0]  }
0x984: {  	v23 =	vadd.f32 v23, v4;
	v4 =	vld [tilespmem:$0x1D540]  }
0x985: {  	v2 =	vadd.f32 v2, v6;
	v6 =	vld [tilespmem:$0x1D4B0];
	_ =	sdelay $0x2  }
0x986: {  	v16 =	vadd.f32 v16, v5;
	v5 =	vld [tilespmem:$0x1D4F0]  }
0x987: {  	v24 =	vadd.f32 v24, v4;
	v4 =	vld [tilespmem:$0x1D550]  }
0x988: {  	v10 =	vadd.f32 v10, v6;
	v6 =	vld [tilespmem:$0x1D4C0];
	_ =	sdelay $0x2  }
0x989: {  	v18 =	vadd.f32 v18, v5;
	v5 =	vld [tilespmem:$0x1D570]  }
0x98a: {  	v26 =	vadd.f32 v26, v4;
	v4 =	vld [tilespmem:$0x1D560]  }
0x98b: {  	v11 =	vadd.f32 v11, v6;
	v6 =	vld [tilespmem:$0x1D4D0];
	_ =	sdelay $0x2  }
0x98c: {  	v57 =	vor.u32 v40, v47  }
0x98d: {  	v4 =	vadd.f32 v5, v4;
	v5 =	vld [tilespmem:$0x1D580]  }
0x98e: {  	v13 =	vadd.f32 v13, v6;
	v6 =	vld [tilespmem:$0x1D590];
	_ =	sdelay $0x1  }
0x98f: {  	v41 =	vor.u32 v38, v47;
	v38 =	vld.idx.msk [tilespmem:v1+s17+$0x0], $0xffff;
	v1 =	vor.u32 v7, v47  }
0x990: {  	v34 =	vld.idx.msk [tilespmem:v57+s17+$0x0], $0xffff  }
0x991: {  	v7 =	vld [tilespmem:$0x1D5B0]  }
0x992: {  	v5 =	vadd.f32 v6, v5;
	v6 =	vld [tilespmem:$0x1D5A0]  }
0x993: {  	v57 =	vld [tilespmem:$0x1FFF0]  }
0x994: {  	v51 =	vor.u32 v31, v47;
	v31 =	vadd.f32 v46, v55;
	v46 =	vld.idx.msk [tilespmem:v1+s17+$0x0], $0xffff  }
0x995: {  	v1 =	vld [tilespmem:$0x1D5F0]  }
0x996: {  	v60 =	vld.idx.msk [tilespmem:v60+s17+$0x0], $0xffff  }
0x997: {  	v7 =	vadd.f32 v7, v6;
	v6 =	vld [tilespmem:$0x1D5C0]  }
0x998: {  	v28 =	vadd.f32 v28, v42;
	v42 =	vld.idx.msk [tilespmem:v56+s17+$0x0], $0xffff  }
0x999: {  	v56 =	vld [tilespmem:$0x1FFC0]  }
0x99a: {  	v35 =	vld.idx.msk [tilespmem:v35+s17+$0x0], $0xffff  }
0x99b: {  	v39 =	vld.idx.msk [tilespmem:v41+s17+$0x0], $0xffff  }
0x99c: {  	v27 =	vadd.f32 v27, v6;
	v6 =	vld [tilespmem:$0x1D5D0]  }
0x99d: {  	v32 =	vadd.f32 v32, v52;
	v52 =	vld.idx.msk [tilespmem:v1+s17+$0x0], $0xffff  }
0x99e: {  	v40 =	vor.u32 v8, v47;
	v1 =	vld [tilespmem:$0x1D600]  }
0x99f: {  	v41 =	vld.idx.msk [tilespmem:v51+s17+$0x0], $0xffff  }
0x9a0: {  	v51 =	vld [tilespmem:$0x1FFE0]  }
0x9a1: {  	p0 =	sne.s32 s28, $0x3C;
	v17 =	vadd.f32 v17, v6;
	v6 =	vld [tilespmem:$0x1D5E0]  }
.Ltmp3:
0x9a2: {  	v62 =	vld.idx.msk [tilespmem:v37+s17+$0x0], $0xffff;
	(pc) =	sbr.rel @p0 .LBB2_9-.Ltmp3, $4  }
0x9a3: {  	v37 =	vld.idx.msk [tilespmem:v40+s17+$0x0], $0xffff  }
0x9a4: {  	v40 =	vld.idx.msk [tilespmem:v50+s17+$0x0], $0xffff  }
0x9a5: {  	v30 =	vadd.f32 v30, v54;
	v33 =	vadd.f32 v33, v48;
	v50 =	vld [tilespmem:$0x1FFD0]  }
0x9a6: {  	s28 =	sadd.s32 $0x4, s28;
	v36 =	vadd.f32 v14, v36;
	v14 =	vld.idx.msk [tilespmem:v1+s17+$0x0], $0xffff;
	v29 =	vadd.f32 v29, v6  }
0x9a7: {  	v1 =	vadd.f32 v25, v20;
	v6 =	vadd.f32 v61, v60  }
0x9a8: {  	v9 =	vadd.f32 v9, v62;
	v54 =	vadd.f32 v11, v10  }
0x9a9: {  	v10 =	vadd.f32 v15, v13;
	v13 =	vadd.f32 v22, v19;
	v22 =	vld [tilespmem:$0x1DAA0]  }
0x9aa: {  	v12 =	vadd.f32 v12, v34;
	v51 =	vadd.f32 v63, v58;
	v58 =	vld [tilespmem:$0x1DA90]  }
0x9ab: {  	v20 =	vadd.f32 v39, v38;
	v50 =	vadd.f32 v46, v42;
	v61 =	vld [tilespmem:$0x1DE90]  }
0x9ac: {  	v53 =	vadd.f32 v59, v53;
	v0 =	vadd.f32 v49, v0;
	v63 =	vld [tilespmem:$0x1DEA0]  }
0x9ad: {  	v11 =	vadd.f32 v18, v16;
	v16 =	vadd.f32 v23, v21;
	v39 =	vld [tilespmem:$0x1FE80]  }
0x9ae: {  	v18 =	vadd.f32 v26, v24;
	v4 =	vadd.f32 v5, v4;
	v42 =	vld [tilespmem:$0x1FEA0]  }
0x9af: {  	v15 =	vor.u32 v56, v43;
	v5 =	vadd.f32 v27, v7;
	v17 =	vadd.f32 v28, v17;
	v34 =	vld [tilespmem:$0x1FF90]  }
0x9b0: {  	v23 =	vadd.f32 v32, v30;
	v55 =	vadd.f32 v36, v33;
	v33 =	vld [tilespmem:$0x1FF80]  }
0x9b1: {  	v7 =	vor.u32 v56, v44;
	v8 =	vadd.f32 v37, v35;
	v35 =	vld [tilespmem:$0x1FFA0];
	v48 =	vadd.f32 v41, v40  }
0x9b2: {  	v21 =	vor.u32 v56, v45;
	v36 =	vld [tilespmem:$0x1FFB0];
	v1 =	vadd.f32 v6, v1;
	v6 =	vadd.f32 v12, v9  }
0x9b3: {  	v41 =	vld [tilespmem:$0x1FE90];
	v12 =	vadd.f32 v20, v8;
	v8 =	vadd.f32 v50, v48  }
0x9b4: {  	v19 =	vadd.f32 v31, v29;
	v16 =	vadd.f32 v18, v16;
	v9 =	vld.idx.msk [tilespmem:v15+s16+$0x0], $0xffff  }
0x9b5: {  	v1 =	vadd.f32 v6, v1;
	v6 =	vadd.f32 v8, v12;
	v8 =	vld [tilespmem:$0x1DAC0]  }
0x9b6: {  	v17 =	vadd.f32 v19, v17;
	v18 =	vadd.f32 v55, v23;
	v59 =	vld.idx.msk [tilespmem:v7+s16+$0x0], $0xffff  }
0x9b7: {  	v2 =	vadd.f32 v3, v2;
	v4 =	vadd.f32 v5, v4;
	v5 =	vld.idx.msk [tilespmem:v21+s16+$0x0], $0xffff  }
0x9b8: {  	v7 =	vld.idx.msk [tilespmem:v7+s17+$0x0], $0xffff;
	v12 =	vadd.f32 v18, v17  }
0x9b9: {  	v0 =	vadd.f32 v0, v51;
	v2 =	vadd.f32 v54, v2;
	v27 =	vld.idx.msk [tilespmem:v58+s17+$0x0], $0xffff  }
0x9ba: {  	v60 =	vadd.f32 v4, v16;
	v11 =	vadd.f32 v11, v12;
	v12 =	vmul.f32 v52, v8;
	v8 =	vld [tilespmem:$0x1DAB0]  }
0x9bb: {  	v57 =	vor.u32 v56, v47;
	v0 =	vadd.f32 v2, v0;
	v4 =	vld.idx.msk [tilespmem:v21+s17+$0x0], $0xffff  }
0x9bc: {  	v2 =	vadd.f32 v10, v60;
	v10 =	vld.idx.msk [tilespmem:v15+s17+$0x0], $0xffff;
	v1 =	vadd.f32 v6, v1  }
0x9bd: {  	v22 =	vld.idx.msk [tilespmem:v22+s17+$0x0], $0xffff  }
0x9be: {  	v1 =	vadd.f32 v13, v1;
	v13 =	vld [tilespmem:$0x1DAE0]  }
0x9bf: {  	v0 =	vadd.f32 v53, v0;
	v15 =	vmul.f32 v27, v8;
	v8 =	vld [tilespmem:$0x1DAD0]  }
0x9c0: {  	v19 =	vld.idx.msk [tilespmem:v57+s16+$0x0], $0xffff  }
0x9c1: {  	v6 =	vld.idx.msk [tilespmem:v57+s17+$0x0], $0xffff;
	v0 =	vmul.f32 v0, v9  }
0x9c2: {  	v55 =	vld [tilespmem:$0x1FF30];
	v2 =	vmul.f32 v2, v59;
	v3 =	vmul.f32 v7, v59  }
0x9c3: {  	v20 =	vld [tilespmem:$0x1FF70];
	v4 =	vmul.f32 v4, v5;
	v5 =	vmul.f32 v11, v5  }
0x9c4: {  	v17 =	vld [tilespmem:$0x1FF40];
	v13 =	vmul.f32 v22, v13;
	v8 =	vmul.f32 v14, v8  }
0x9c5: {  	v18 =	vld [tilespmem:$0x1FF50];
	v7 =	vmul.f32 v10, v9;
	v1 =	vmul.f32 v1, v19;
	v0 =	vadd.f32 v2, v0  }
0x9c6: {  	v11 =	vld [tilespmem:$0x1FEE0];
	v6 =	vmul.f32 v6, v19;
	v12 =	vadd.f32 v12, v15;
	v8 =	vadd.f32 v13, v8  }
0x9c7: {  	v9 =	vld [tilespmem:$0x1FEC0];
	v3 =	vadd.f32 v3, v7;
	v1 =	vadd.f32 v1, v5  }
0x9c8: {  	s25 =	sadd.s32 $0x1, s25;
	v10 =	vld [tilespmem:$0x1FED0];
	v4 =	vadd.f32 v6, v4;
	v8 =	vadd.f32 v8, v12  }
0x9c9: {  	p0 =	sne.s32 s25, $0x8;
	v19 =	vld [tilespmem:$0x1FF60];
	v0 =	vadd.f32 v1, v0  }
.Ltmp4:
0x9ca: {  	v3 =	vadd.f32 v4, v3;
	v15 =	vld [tilespmem:$0x1FF20];
	v2 =	vadd.f32 v8, v61;
	(pc) =	sbr.rel @p0 .LBB2_2-.Ltmp4, $4  }
0x9cb: {  	v0 =	vadd.f32 v0, v63;
	v14 =	vld [tilespmem:$0x1FF10]  }
0x9cc: {  	v13 =	vld [tilespmem:$0x1FF00];
	v62 =	vadd.f32 v3, v2  }
0x9cd: {  	[tilespmem:s26+$0x18E10] =	vst v0;
	v12 =	vld [tilespmem:$0x1FEF0]  }
0x9ce: {  	v7 =	vlaneseq.u32;
	v61 =	vld [tilespmem:$0x1FEB0];
	[tilespmem:s26+$0x18C10] =	vst v62  }
0x9cf: {  	[hbm4b:s6+s2] =	stream.linear.scatter [tilespmem:s22], [sflag:$0x5], $0x200, $0x38;
	[tilespmem:$0x19000] =	vst v63  }
0x9d0: {  	s24 =	sadd.s32 $0x1, s24;
	_ =	swait.ge [sflag:s10], $0x200  }
0x9d1: {  	p0 =	sne.s32 s24, s9;
	[sflag:s10] =	ssyncset.done $0x0  }
.Ltmp5:
0x9d2: {  	[sflag:s10] =	ssyncadd.s32 $0xFFFFFE00;
	(pc) =	sbr.rel @p0 .LBB2_1-.Ltmp5, $4  }
0x9d3: {  	[hbm4b:s8+s2] =	stream.linear.scatter [tilespmem:s23], [sflag:$0x5], $0x200, $0x38;
	[tilespmem:$0x19000] =	vst v63  }
0x9d4: {  	_ =	swait.ge [sflag:s10], $0x200  }
0x9d5: {  	[sflag:s10] =	ssyncset.done $0x0  }
0x9d6: {  	[sflag:s10] =	ssyncadd.s32 $0xFFFFFE00  }
0x9d7: {  	_ =	sfence.sel $0x180000  }
0x9d8: {  	[bflag:$0x0] =	sbarrier.arrive $0xFFFF  }
0x9d9: {  	p0 =	sne.s32 s0, $0x0;
	_ =	strace $0x90000047  }
0x9da: {  	s0 =	sadd.s32 @!p0 $0x100000, s1;
	[bflag:$0x2] =	sbarrier.arrive $0xFFFF  }
0x9db: {  	[sflag:s0] =	ssyncadd.tile.s32 @!p0 $0x1;
	_ =	shalt  }
.Lfunc_end2:
_tile_overlayer_lowered:
.L_overlay_start_2:
0x9dc: {  	(tag) =	ssettag $0x2  }
0x9dd: {  	s0 =	rddreg [dreg:$0x0];
	s2 =	stileid.u32  }
0x9de: {  	s1 =	rddreg [dreg:$0x1];
	p0 =	sne.s32 s2, $0x0  }
0x9df: {  	s3 =	rddreg [dreg:$0x2];
	[bflag:$0x3] =	sbarrier.arrive $0xFFFF;
	s2 =	simm.s32 @!p0 $0x1C05  }
0x9e0: {  	[timem:s3], [sflag:s2] =	dma.local @!p0 [hbm:s0], s1  }
0x9e1: {  	s0 =	simm.s32 @!p0 $0x5  }
0x9e2: {  	_ =	swait.ge @!p0 [sflag:s0], s1  }
0x9e3: {  	s1 =	ssub.s32 @!p0 $0x0, s1;
	[sflag:s0] =	ssyncset.done @!p0 $0x0  }
0x9e4: {  	[sflag:s0] =	ssyncadd.s32 @!p0 s1  }
0x9e5: {  	[bflag:$0x3] =	sbarrier.arrive $0xFFFF  }
0x9e6: {  	_ =	shalt  }

</sc_bundles>
